<compile_context>
chip_gen: v7x
topology: tpu7x:2x2x1
jax: 0.10.2.dev20260603
libtpu: 0.0.44.dev20260713+nightly
codegen_flags: <defaults>
</compile_context>

<pallas_src>
import jax
import jax.numpy as jnp
from jax import lax
from jax.experimental import pallas as pl
from jax.experimental.pallas import tpu as pltpu
from jax.experimental.pallas import tpu_sc as plsc

_SIZE = 220000
_EMB = 256
_BATCH = 16384
_MOM = 0.5

_NC, _NS, _L = 2, 16, 16
_NW = _NC * _NS
_RPW = 6880
_CPA = 6720
_PPAD = 6960
_CH = 32
_NIV = _BATCH // _L
_NWV = _RPW // _L


def _body(mem_in, k_in, idx_in, out_st,
          idx_v, win_v, rows_v, pos_v,
          kbuf0, kbuf1, kbuf2, oldbuf0, oldbuf1, oldbuf2,
          sbuf0, sbuf1, sbuf2,
          sem_g0, sem_g1, sem_g2, sem_s0, sem_s1, sem_s2):
    cid = lax.axis_index("c")
    sid = lax.axis_index("s")
    wid = cid * _NS + sid
    base = wid * _RPW

    pltpu.sync_copy(idx_in, idx_v)

    iota = lax.iota(jnp.int32, _L)
    neg1 = jnp.full((_L,), -1, jnp.int32)

    @pl.loop(0, _NWV, unroll=5)
    def _init(g):
        win_v[pl.ds(g * _L, _L)] = neg1

    @pl.loop(0, _NIV, unroll=8)
    def _scan(g):
        vi = idx_v[pl.ds(g * _L, _L)]
        m = (vi >= base) & (vi < base + _RPW)
        local = jnp.clip(vi - base, 0, _RPW - 1)
        pos = g * _L + iota
        plsc.store_scatter(win_v, [local], pos, mask=m)

    @pl.loop(0, _NIV, unroll=8)
    def _fix(g):
        vi = idx_v[pl.ds(g * _L, _L)]
        m = (vi >= base) & (vi < base + _RPW)
        local = jnp.clip(vi - base, 0, _RPW - 1)
        pos = g * _L + iota
        cur = plsc.load_gather(win_v, [local], mask=m)
        plsc.store_scatter(win_v, [local], pos, mask=m & (pos > cur))

    def _collect(g, n):
        w = win_v[pl.ds(g * _L, _L)]
        keep = w >= 0
        rows = base + g * _L + iota
        plsc.store_compressed(rows_v.at[pl.ds(n, _L)], rows, mask=keep)
        plsc.store_compressed(pos_v.at[pl.ds(n, _L)],
                              jnp.clip(w, 0, _BATCH - 1), mask=keep)
        return n + jnp.max(plsc.all_reduce_population_count(keep))

    n = pl.loop(0, _NWV, init_carry=jnp.int32(0), unroll=5)(_collect)

    def _g_start(c, kb, ob, sem):
        off = pl.multiple_of(c * _CH, _CH)
        for q in range(_CH // _L):
            sl = pl.ds(q * _L, _L)
            rv = rows_v[pl.ds(off + q * _L, _L)]
            pv = pos_v[pl.ds(off + q * _L, _L)]
            pltpu.async_copy(k_in.at[pv], kb.at[sl, :], sem)
            pltpu.async_copy(mem_in.at[rv], ob.at[sl, :], sem)

    def _g_wait(c, kb, ob, sem):
        off = pl.multiple_of(c * _CH, _CH)
        for q in range(_CH // _L):
            sl = pl.ds(q * _L, _L)
            rv = rows_v[pl.ds(off + q * _L, _L)]
            pv = pos_v[pl.ds(off + q * _L, _L)]
            pltpu.make_async_copy(k_in.at[pv], kb.at[sl, :], sem).wait()
            pltpu.make_async_copy(mem_in.at[rv], ob.at[sl, :], sem).wait()

    def _blend(kb, ob, sb):
        @pl.loop(0, _CH)
        def _rows(r):
            for t in range(_EMB // _L):
                sl = pl.ds(t * _L, _L)
                sb[r, sl] = (kb[r, sl] + ob[r, sl]) * _MOM

    def _s_start(c, sb, sem):
        off = pl.multiple_of(c * _CH, _CH)
        for q in range(_CH // _L):
            sl = pl.ds(q * _L, _L)
            rv = rows_v[pl.ds(off + q * _L, _L)]
            pltpu.async_copy(sb.at[sl, :], out_st.at[rv], sem)

    def _s_wait(sb, sem):
        for q in range(_CH // _L):
            sl = pl.ds(q * _L, _L)
            rv = rows_v[pl.ds(q * _L, _L)]
            pltpu.make_async_copy(sb.at[sl, :], out_st.at[rv], sem).wait()

    @pl.when(n > 0)
    def _update():
        zero16 = jnp.zeros((_L,), jnp.int32)
        r0 = plsc.load_gather(rows_v, [zero16])
        p0 = plsc.load_gather(pos_v, [zero16])
        for t in range(_CH // _L):
            rows_v[pl.ds(n + t * _L, _L)] = r0
            pos_v[pl.ds(n + t * _L, _L)] = p0

        nch = (n + _CH - 1) // _CH

        sets = ((kbuf0, oldbuf0, sbuf0, sem_g0, sem_s0),
                (kbuf1, oldbuf1, sbuf1, sem_g1, sem_s1),
                (kbuf2, oldbuf2, sbuf2, sem_g2, sem_s2))

        _g_start(0, kbuf0, oldbuf0, sem_g0)

        @pl.when(1 < nch)
        def _():
            _g_start(1, kbuf1, oldbuf1, sem_g1)

        @pl.when(2 < nch)
        def _():
            _g_start(2, kbuf2, oldbuf2, sem_g2)

        @pl.loop(0, nch, step=3)
        def _chunk3(c):
            for j in range(3):
                kb, ob, sb, sg, ss = sets[j]
                cc = c + j

                @pl.when(cc < nch)
                def _():
                    _g_wait(cc, kb, ob, sg)

                    @pl.when(cc >= 3)
                    def _():
                        _s_wait(sb, ss)

                    _blend(kb, ob, sb)
                    _s_start(cc, sb, ss)

                    @pl.when(cc + 3 < nch)
                    def _():
                        _g_start(cc + 3, kb, ob, sg)

        for j in range(3):
            kb, ob, sb, sg, ss = sets[j]

            @pl.when(nch > j)
            def _():
                _s_wait(sb, ss)


_sc_update = pl.kernel(
    _body,
    out_type=(),
    mesh=plsc.VectorSubcoreMesh(core_axis_name="c", subcore_axis_name="s",
                                num_cores=_NC, num_subcores=_NS),
    compiler_params=pltpu.CompilerParams(needs_layout_passes=False),
    scratch_types=[
        pltpu.VMEM((_BATCH,), jnp.int32),
        pltpu.VMEM((_RPW,), jnp.int32),
        pltpu.VMEM((_PPAD,), jnp.int32),
        pltpu.VMEM((_PPAD,), jnp.int32),
        pltpu.VMEM((_CH, _EMB), jnp.float32),
        pltpu.VMEM((_CH, _EMB), jnp.float32),
        pltpu.VMEM((_CH, _EMB), jnp.float32),
        pltpu.VMEM((_CH, _EMB), jnp.float32),
        pltpu.VMEM((_CH, _EMB), jnp.float32),
        pltpu.VMEM((_CH, _EMB), jnp.float32),
        pltpu.VMEM((_CH, _EMB), jnp.float32),
        pltpu.VMEM((_CH, _EMB), jnp.float32),
        pltpu.VMEM((_CH, _EMB), jnp.float32),
        pltpu.SemaphoreType.DMA,
        pltpu.SemaphoreType.DMA,
        pltpu.SemaphoreType.DMA,
        pltpu.SemaphoreType.DMA,
        pltpu.SemaphoreType.DMA,
        pltpu.SemaphoreType.DMA,
    ],
    name="feature_memory_update",
)


def kernel(memory, k, idx):
    out_ref = jax.new_ref(memory)
    _sc_update(memory, k, idx, out_ref)
    return jax.freeze(out_ref)

# --- scband reference (transcript-rebuilt; emitter-appended) ---
"""Pipeline reference for scband-feature-memory-52725018526442 (READ-ONLY COPY).

The authoritative reference and input builder live on the scoring server;
editing this copy changes nothing except your own understanding.
"""

import jax, jax.numpy as jnp
import numpy as np

SIZE = 220000
EMB = 256
BATCH = 16384
MOMENTUM = 0.5

def setup_inputs(seed: int = 0) -> dict:
    key = jax.random.key(seed)
    k1, k2, k3 = jax.random.split(key, 3)
    memory = jax.random.normal(k1, (SIZE, EMB), dtype=jnp.float32)
    k = jax.random.normal(k2, (BATCH, EMB), dtype=jnp.float32)
    idx = jax.random.randint(k3, (BATCH,), 0, SIZE, dtype=jnp.int32)
    return {"memory": memory, "k": k, "idx": idx}

def reference(memory, k, idx):
    # FeatureMemory.update: memory[idx, :] = k * momentum + memory[idx, :] * (1 - momentum)
    old = jnp.take(memory, idx, axis=0)
    vals = k * MOMENTUM + old * (1.0 - MOMENTUM)
    new_memory = memory.at[idx].set(vals)
    return new_memory

if __name__ == "__main__":
    import jax
    _d = setup_inputs()
    print(jax.jit(kernel)(*tuple(_d.values())))

</pallas_src>

<mosaic_0001>
#map = affine_map<(d0, d1) -> (0, 0)>
#map1 = affine_map<(d0, d1) -> (0)>
module attributes {stable_mosaic.version = 14 : i64} {
  func.func @new_body(%arg0: i32, %arg1: i32, %arg2: memref<220000x256xf32, #tpu.memory_space<hbm>>, %arg3: memref<16384x256xf32, #tpu.memory_space<hbm>>, %arg4: memref<16384xi32, #tpu.memory_space<hbm>>, %arg5: memref<220000x256xf32, #tpu.memory_space<hbm>>, %arg6: memref<220000x256xf32, #tpu.memory_space<hbm>>, %arg7: memref<16384xi32, #tpu.memory_space<vmem>>, %arg8: memref<6880xi32, #tpu.memory_space<vmem>>, %arg9: memref<6960xi32, #tpu.memory_space<vmem>>, %arg10: memref<6960xi32, #tpu.memory_space<vmem>>, %arg11: memref<32x256xf32, #tpu.memory_space<vmem>>, %arg12: memref<32x256xf32, #tpu.memory_space<vmem>>, %arg13: memref<32x256xf32, #tpu.memory_space<vmem>>, %arg14: memref<32x256xf32, #tpu.memory_space<vmem>>, %arg15: memref<32x256xf32, #tpu.memory_space<vmem>>, %arg16: memref<32x256xf32, #tpu.memory_space<vmem>>, %arg17: memref<32x256xf32, #tpu.memory_space<vmem>>, %arg18: memref<32x256xf32, #tpu.memory_space<vmem>>, %arg19: memref<32x256xf32, #tpu.memory_space<vmem>>, %arg20: memref<!tpu.dma_semaphore, #tpu.memory_space<semaphore_mem>>, %arg21: memref<!tpu.dma_semaphore, #tpu.memory_space<semaphore_mem>>, %arg22: memref<!tpu.dma_semaphore, #tpu.memory_space<semaphore_mem>>, %arg23: memref<!tpu.dma_semaphore, #tpu.memory_space<semaphore_mem>>, %arg24: memref<!tpu.dma_semaphore, #tpu.memory_space<semaphore_mem>>, %arg25: memref<!tpu.dma_semaphore, #tpu.memory_space<semaphore_mem>>) attributes {dimension_semantics = [#tpu.dimension_semantics<core_parallel>, #tpu.dimension_semantics<subcore_parallel>], iteration_bounds = array<i64: 2, 16>, scalar_prefetch = 0 : i64, scratch_operands = 19 : i64, tpu.core_type = #tpu.core_type<sc_vector_subcore>, window_params = [{transform_indices = #map}, {transform_indices = #map}, {transform_indices = #map1}, {transform_indices = #map}, {transform_indices = #map}]} {
    %mul3A = arith.constant 16 : i32
    %mul3A_0 = arith.muli %arg0, %mul3A : i32
    %add3A = arith.addi %mul3A_0, %arg1 : i32
    %mul3A_1 = arith.constant 6880 : i32
    %mul3A_2 = arith.muli %add3A, %mul3A_1 : i32
    "tpu.region"() ({
      %run_scoped3A = tpu.sem_alloc : memref<!tpu.dma_semaphore, #tpu.memory_space<semaphore_mem>>
      tpu.enqueue_dma source(%arg4 : memref<16384xi32, #tpu.memory_space<hbm>>) target(%arg7 : memref<16384xi32, #tpu.memory_space<vmem>>) target_semaphore(%run_scoped3A : memref<!tpu.dma_semaphore, #tpu.memory_space<semaphore_mem>>)
      tpu.wait_dma2 semaphore(%run_scoped3A : memref<!tpu.dma_semaphore, #tpu.memory_space<semaphore_mem>>) src(%arg4 : memref<16384xi32, #tpu.memory_space<hbm>>) dst(%arg7 : memref<16384xi32, #tpu.memory_space<vmem>>)
      tpu.yield
    }) : () -> ()
    %iota3A = tpu.iota {dimensions = array<i32: 0>} : vector<16xi32>
    %broadcast_in_dim3A = arith.constant -1 : i32
    %broadcast_in_dim3A_3 = vector.broadcast %broadcast_in_dim3A : i32 to vector<16xi32>
    %scan3A = arith.constant 0 : i32
    %scan3A_4 = arith.constant 430 : i32
    %scan3A_5 = arith.addi %scan3A, %scan3A_4 : i32
    %scan3A_6 = arith.constant 5 : i32
    scf.for %scan3A_27 = %scan3A to %scan3A_5 step %scan3A_6  : i32 {
      %mul3A_28 = arith.constant 1 : i32
      %mul3A_29 = arith.muli %scan3A_27, %mul3A_28 : i32
      %add3A_30 = arith.constant 0 : i32
      %add3A_31 = arith.addi %add3A_30, %mul3A_29 : i32
      %mul3A_32 = arith.constant 16 : i32
      %mul3A_33 = arith.muli %add3A_31, %mul3A_32 : i32
      %swap3A = arith.index_cast %mul3A_33 : i32 to index
      %swap3A_34 = tpu.vector_load %arg8[%swap3A] {strides = array<i32>} : memref<6880xi32, #tpu.memory_space<vmem>>, vector<16xi32>,
      tpu.vector_store %arg8[%swap3A], %broadcast_in_dim3A_3 {strides = array<i32>} : memref<6880xi32, #tpu.memory_space<vmem>>, vector<16xi32>,
      %scan3A_35 = arith.constant 1 : i32
      %scan3A_36 = arith.addi %scan3A_27, %scan3A_35 : i32
      %mul3A_37 = arith.constant 1 : i32
      %mul3A_38 = arith.muli %scan3A_36, %mul3A_37 : i32
      %add3A_39 = arith.constant 0 : i32
      %add3A_40 = arith.addi %add3A_39, %mul3A_38 : i32
      %mul3A_41 = arith.constant 16 : i32
      %mul3A_42 = arith.muli %add3A_40, %mul3A_41 : i32
      %swap3A_43 = arith.index_cast %mul3A_42 : i32 to index
      %swap3A_44 = tpu.vector_load %arg8[%swap3A_43] {strides = array<i32>} : memref<6880xi32, #tpu.memory_space<vmem>>, vector<16xi32>,
      tpu.vector_store %arg8[%swap3A_43], %broadcast_in_dim3A_3 {strides = array<i32>} : memref<6880xi32, #tpu.memory_space<vmem>>, vector<16xi32>,
      %scan3A_45 = arith.constant 2 : i32
      %scan3A_46 = arith.addi %scan3A_27, %scan3A_45 : i32
      %mul3A_47 = arith.constant 1 : i32
      %mul3A_48 = arith.muli %scan3A_46, %mul3A_47 : i32
      %add3A_49 = arith.constant 0 : i32
      %add3A_50 = arith.addi %add3A_49, %mul3A_48 : i32
      %mul3A_51 = arith.constant 16 : i32
      %mul3A_52 = arith.muli %add3A_50, %mul3A_51 : i32
      %swap3A_53 = arith.index_cast %mul3A_52 : i32 to index
      %swap3A_54 = tpu.vector_load %arg8[%swap3A_53] {strides = array<i32>} : memref<6880xi32, #tpu.memory_space<vmem>>, vector<16xi32>,
      tpu.vector_store %arg8[%swap3A_53], %broadcast_in_dim3A_3 {strides = array<i32>} : memref<6880xi32, #tpu.memory_space<vmem>>, vector<16xi32>,
      %scan3A_55 = arith.constant 3 : i32
      %scan3A_56 = arith.addi %scan3A_27, %scan3A_55 : i32
      %mul3A_57 = arith.constant 1 : i32
      %mul3A_58 = arith.muli %scan3A_56, %mul3A_57 : i32
      %add3A_59 = arith.constant 0 : i32
      %add3A_60 = arith.addi %add3A_59, %mul3A_58 : i32
      %mul3A_61 = arith.constant 16 : i32
      %mul3A_62 = arith.muli %add3A_60, %mul3A_61 : i32
      %swap3A_63 = arith.index_cast %mul3A_62 : i32 to index
      %swap3A_64 = tpu.vector_load %arg8[%swap3A_63] {strides = array<i32>} : memref<6880xi32, #tpu.memory_space<vmem>>, vector<16xi32>,
      tpu.vector_store %arg8[%swap3A_63], %broadcast_in_dim3A_3 {strides = array<i32>} : memref<6880xi32, #tpu.memory_space<vmem>>, vector<16xi32>,
      %scan3A_65 = arith.constant 4 : i32
      %scan3A_66 = arith.addi %scan3A_27, %scan3A_65 : i32
      %mul3A_67 = arith.constant 1 : i32
      %mul3A_68 = arith.muli %scan3A_66, %mul3A_67 : i32
      %add3A_69 = arith.constant 0 : i32
      %add3A_70 = arith.addi %add3A_69, %mul3A_68 : i32
      %mul3A_71 = arith.constant 16 : i32
      %mul3A_72 = arith.muli %add3A_70, %mul3A_71 : i32
      %swap3A_73 = arith.index_cast %mul3A_72 : i32 to index
      %swap3A_74 = tpu.vector_load %arg8[%swap3A_73] {strides = array<i32>} : memref<6880xi32, #tpu.memory_space<vmem>>, vector<16xi32>,
      tpu.vector_store %arg8[%swap3A_73], %broadcast_in_dim3A_3 {strides = array<i32>} : memref<6880xi32, #tpu.memory_space<vmem>>, vector<16xi32>,
    }
    %scan3A_7 = arith.constant 430 : i32
    %scan3A_8 = arith.constant 0 : i32
    %scan3A_9 = arith.constant 1024 : i32
    %scan3A_10 = arith.addi %scan3A_8, %scan3A_9 : i32
    %scan3A_11 = arith.constant 8 : i32
    scf.for %scan3A_27 = %scan3A_8 to %scan3A_10 step %scan3A_11  : i32 {
      %mul3A_28 = arith.constant 1 : i32
      %mul3A_29 = arith.muli %scan3A_27, %mul3A_28 : i32
      %add3A_30 = arith.constant 0 : i32
      %add3A_31 = arith.addi %add3A_30, %mul3A_29 : i32
      %mul3A_32 = arith.constant 16 : i32
      %mul3A_33 = arith.muli %add3A_31, %mul3A_32 : i32
      %get3A = arith.index_cast %mul3A_33 : i32 to index
      %get3A_34 = tpu.vector_load %arg7[%get3A] {strides = array<i32>} : memref<16384xi32, #tpu.memory_space<vmem>>, vector<16xi32>,
      %ge3A = vector.broadcast %mul3A_2 : i32 to vector<16xi32>
      %ge3A_35 = arith.cmpi sge, %get3A_34, %ge3A : vector<16xi32>
      %add3A_36 = arith.constant 6880 : i32
      %add3A_37 = arith.addi %mul3A_2, %add3A_36 : i32
      %lt3A = vector.broadcast %add3A_37 : i32 to vector<16xi32>
      %lt3A_38 = arith.cmpi slt, %get3A_34, %lt3A : vector<16xi32>
      %and3A = arith.andi %ge3A_35, %lt3A_38 : vector<16xi1>
      %sub3A = vector.broadcast %mul3A_2 : i32 to vector<16xi32>
      %sub3A_39 = arith.subi %get3A_34, %sub3A : vector<16xi32>
      %jit3A = arith.constant 0 : i32
      %jit3A_40 = arith.constant 6879 : i32
      %max3A = vector.broadcast %jit3A : i32 to vector<16xi32>
      %max3A_41 = arith.maxsi %max3A, %sub3A_39 : vector<16xi32>
      %min3A = vector.broadcast %jit3A_40 : i32 to vector<16xi32>
      %min3A_42 = arith.minsi %min3A, %max3A_41 : vector<16xi32>
      %mul3A_43 = arith.constant 16 : i32
      %mul3A_44 = arith.muli %add3A_31, %mul3A_43 : i32
      %add3A_45 = vector.broadcast %mul3A_44 : i32 to vector<16xi32>
      %add3A_46 = arith.addi %add3A_45, %iota3A : vector<16xi32>
      tpu.vector_store_idx %arg8[%min3A_42], %add3A_46 masked %and3A : memref<6880xi32, #tpu.memory_space<vmem>>[vector<16xi32>], vector<16xi32>, vector<16xi1>
      %scan3A_47 = arith.constant 1 : i32
      %scan3A_48 = arith.addi %scan3A_27, %scan3A_47 : i32
      %mul3A_49 = arith.constant 1 : i32
      %mul3A_50 = arith.muli %scan3A_48, %mul3A_49 : i32
      %add3A_51 = arith.constant 0 : i32
      %add3A_52 = arith.addi %add3A_51, %mul3A_50 : i32
      %mul3A_53 = arith.constant 16 : i32
      %mul3A_54 = arith.muli %add3A_52, %mul3A_53 : i32
      %get3A_55 = arith.index_cast %mul3A_54 : i32 to index
      %get3A_56 = tpu.vector_load %arg7[%get3A_55] {strides = array<i32>} : memref<16384xi32, #tpu.memory_space<vmem>>, vector<16xi32>,
      %ge3A_57 = vector.broadcast %mul3A_2 : i32 to vector<16xi32>
      %ge3A_58 = arith.cmpi sge, %get3A_56, %ge3A_57 : vector<16xi32>
      %add3A_59 = arith.constant 6880 : i32
      %add3A_60 = arith.addi %mul3A_2, %add3A_59 : i32
      %lt3A_61 = vector.broadcast %add3A_60 : i32 to vector<16xi32>
      %lt3A_62 = arith.cmpi slt, %get3A_56, %lt3A_61 : vector<16xi32>
      %and3A_63 = arith.andi %ge3A_58, %lt3A_62 : vector<16xi1>
      %sub3A_64 = vector.broadcast %mul3A_2 : i32 to vector<16xi32>
      %sub3A_65 = arith.subi %get3A_56, %sub3A_64 : vector<16xi32>
      %jit3A_66 = arith.constant 0 : i32
      %jit3A_67 = arith.constant 6879 : i32
      %max3A_68 = vector.broadcast %jit3A_66 : i32 to vector<16xi32>
      %max3A_69 = arith.maxsi %max3A_68, %sub3A_65 : vector<16xi32>
      %min3A_70 = vector.broadcast %jit3A_67 : i32 to vector<16xi32>
      %min3A_71 = arith.minsi %min3A_70, %max3A_69 : vector<16xi32>
      %mul3A_72 = arith.constant 16 : i32
      %mul3A_73 = arith.muli %add3A_52, %mul3A_72 : i32
      %add3A_74 = vector.broadcast %mul3A_73 : i32 to vector<16xi32>
      %add3A_75 = arith.addi %add3A_74, %iota3A : vector<16xi32>
      tpu.vector_store_idx %arg8[%min3A_71], %add3A_75 masked %and3A_63 : memref<6880xi32, #tpu.memory_space<vmem>>[vector<16xi32>], vector<16xi32>, vector<16xi1>
      %scan3A_76 = arith.constant 2 : i32
      %scan3A_77 = arith.addi %scan3A_27, %scan3A_76 : i32
      %mul3A_78 = arith.constant 1 : i32
      %mul3A_79 = arith.muli %scan3A_77, %mul3A_78 : i32
      %add3A_80 = arith.constant 0 : i32
      %add3A_81 = arith.addi %add3A_80, %mul3A_79 : i32
      %mul3A_82 = arith.constant 16 : i32
      %mul3A_83 = arith.muli %add3A_81, %mul3A_82 : i32
      %get3A_84 = arith.index_cast %mul3A_83 : i32 to index
      %get3A_85 = tpu.vector_load %arg7[%get3A_84] {strides = array<i32>} : memref<16384xi32, #tpu.memory_space<vmem>>, vector<16xi32>,
      %ge3A_86 = vector.broadcast %mul3A_2 : i32 to vector<16xi32>
      %ge3A_87 = arith.cmpi sge, %get3A_85, %ge3A_86 : vector<16xi32>
      %add3A_88 = arith.constant 6880 : i32
      %add3A_89 = arith.addi %mul3A_2, %add3A_88 : i32
      %lt3A_90 = vector.broadcast %add3A_89 : i32 to vector<16xi32>
      %lt3A_91 = arith.cmpi slt, %get3A_85, %lt3A_90 : vector<16xi32>
      %and3A_92 = arith.andi %ge3A_87, %lt3A_91 : vector<16xi1>
      %sub3A_93 = vector.broadcast %mul3A_2 : i32 to vector<16xi32>
      %sub3A_94 = arith.subi %get3A_85, %sub3A_93 : vector<16xi32>
      %jit3A_95 = arith.constant 0 : i32
      %jit3A_96 = arith.constant 6879 : i32
      %max3A_97 = vector.broadcast %jit3A_95 : i32 to vector<16xi32>
      %max3A_98 = arith.maxsi %max3A_97, %sub3A_94 : vector<16xi32>
      %min3A_99 = vector.broadcast %jit3A_96 : i32 to vector<16xi32>
      %min3A_100 = arith.minsi %min3A_99, %max3A_98 : vector<16xi32>
      %mul3A_101 = arith.constant 16 : i32
      %mul3A_102 = arith.muli %add3A_81, %mul3A_101 : i32
      %add3A_103 = vector.broadcast %mul3A_102 : i32 to vector<16xi32>
      %add3A_104 = arith.addi %add3A_103, %iota3A : vector<16xi32>
      tpu.vector_store_idx %arg8[%min3A_100], %add3A_104 masked %and3A_92 : memref<6880xi32, #tpu.memory_space<vmem>>[vector<16xi32>], vector<16xi32>, vector<16xi1>
      %scan3A_105 = arith.constant 3 : i32
      %scan3A_106 = arith.addi %scan3A_27, %scan3A_105 : i32
      %mul3A_107 = arith.constant 1 : i32
      %mul3A_108 = arith.muli %scan3A_106, %mul3A_107 : i32
      %add3A_109 = arith.constant 0 : i32
      %add3A_110 = arith.addi %add3A_109, %mul3A_108 : i32
      %mul3A_111 = arith.constant 16 : i32
      %mul3A_112 = arith.muli %add3A_110, %mul3A_111 : i32
      %get3A_113 = arith.index_cast %mul3A_112 : i32 to index
      %get3A_114 = tpu.vector_load %arg7[%get3A_113] {strides = array<i32>} : memref<16384xi32, #tpu.memory_space<vmem>>, vector<16xi32>,
      %ge3A_115 = vector.broadcast %mul3A_2 : i32 to vector<16xi32>
      %ge3A_116 = arith.cmpi sge, %get3A_114, %ge3A_115 : vector<16xi32>
      %add3A_117 = arith.constant 6880 : i32
      %add3A_118 = arith.addi %mul3A_2, %add3A_117 : i32
      %lt3A_119 = vector.broadcast %add3A_118 : i32 to vector<16xi32>
      %lt3A_120 = arith.cmpi slt, %get3A_114, %lt3A_119 : vector<16xi32>
      %and3A_121 = arith.andi %ge3A_116, %lt3A_120 : vector<16xi1>
      %sub3A_122 = vector.broadcast %mul3A_2 : i32 to vector<16xi32>
      %sub3A_123 = arith.subi %get3A_114, %sub3A_122 : vector<16xi32>
      %jit3A_124 = arith.constant 0 : i32
      %jit3A_125 = arith.constant 6879 : i32
      %max3A_126 = vector.broadcast %jit3A_124 : i32 to vector<16xi32>
      %max3A_127 = arith.maxsi %max3A_126, %sub3A_123 : vector<16xi32>
      %min3A_128 = vector.broadcast %jit3A_125 : i32 to vector<16xi32>
      %min3A_129 = arith.minsi %min3A_128, %max3A_127 : vector<16xi32>
      %mul3A_130 = arith.constant 16 : i32
      %mul3A_131 = arith.muli %add3A_110, %mul3A_130 : i32
      %add3A_132 = vector.broadcast %mul3A_131 : i32 to vector<16xi32>
      %add3A_133 = arith.addi %add3A_132, %iota3A : vector<16xi32>
      tpu.vector_store_idx %arg8[%min3A_129], %add3A_133 masked %and3A_121 : memref<6880xi32, #tpu.memory_space<vmem>>[vector<16xi32>], vector<16xi32>, vector<16xi1>
      %scan3A_134 = arith.constant 4 : i32
      %scan3A_135 = arith.addi %scan3A_27, %scan3A_134 : i32
      %mul3A_136 = arith.constant 1 : i32
      %mul3A_137 = arith.muli %scan3A_135, %mul3A_136 : i32
      %add3A_138 = arith.constant 0 : i32
      %add3A_139 = arith.addi %add3A_138, %mul3A_137 : i32
      %mul3A_140 = arith.constant 16 : i32
      %mul3A_141 = arith.muli %add3A_139, %mul3A_140 : i32
      %get3A_142 = arith.index_cast %mul3A_141 : i32 to index
      %get3A_143 = tpu.vector_load %arg7[%get3A_142] {strides = array<i32>} : memref<16384xi32, #tpu.memory_space<vmem>>, vector<16xi32>,
      %ge3A_144 = vector.broadcast %mul3A_2 : i32 to vector<16xi32>
      %ge3A_145 = arith.cmpi sge, %get3A_143, %ge3A_144 : vector<16xi32>
      %add3A_146 = arith.constant 6880 : i32
      %add3A_147 = arith.addi %mul3A_2, %add3A_146 : i32
      %lt3A_148 = vector.broadcast %add3A_147 : i32 to vector<16xi32>
      %lt3A_149 = arith.cmpi slt, %get3A_143, %lt3A_148 : vector<16xi32>
      %and3A_150 = arith.andi %ge3A_145, %lt3A_149 : vector<16xi1>
      %sub3A_151 = vector.broadcast %mul3A_2 : i32 to vector<16xi32>
      %sub3A_152 = arith.subi %get3A_143, %sub3A_151 : vector<16xi32>
      %jit3A_153 = arith.constant 0 : i32
      %jit3A_154 = arith.constant 6879 : i32
      %max3A_155 = vector.broadcast %jit3A_153 : i32 to vector<16xi32>
      %max3A_156 = arith.maxsi %max3A_155, %sub3A_152 : vector<16xi32>
      %min3A_157 = vector.broadcast %jit3A_154 : i32 to vector<16xi32>
      %min3A_158 = arith.minsi %min3A_157, %max3A_156 : vector<16xi32>
      %mul3A_159 = arith.constant 16 : i32
      %mul3A_160 = arith.muli %add3A_139, %mul3A_159 : i32
      %add3A_161 = vector.broadcast %mul3A_160 : i32 to vector<16xi32>
      %add3A_162 = arith.addi %add3A_161, %iota3A : vector<16xi32>
      tpu.vector_store_idx %arg8[%min3A_158], %add3A_162 masked %and3A_150 : memref<6880xi32, #tpu.memory_space<vmem>>[vector<16xi32>], vector<16xi32>, vector<16xi1>
      %scan3A_163 = arith.constant 5 : i32
      %scan3A_164 = arith.addi %scan3A_27, %scan3A_163 : i32
      %mul3A_165 = arith.constant 1 : i32
      %mul3A_166 = arith.muli %scan3A_164, %mul3A_165 : i32
      %add3A_167 = arith.constant 0 : i32
      %add3A_168 = arith.addi %add3A_167, %mul3A_166 : i32
      %mul3A_169 = arith.constant 16 : i32
      %mul3A_170 = arith.muli %add3A_168, %mul3A_169 : i32
      %get3A_171 = arith.index_cast %mul3A_170 : i32 to index
      %get3A_172 = tpu.vector_load %arg7[%get3A_171] {strides = array<i32>} : memref<16384xi32, #tpu.memory_space<vmem>>, vector<16xi32>,
      %ge3A_173 = vector.broadcast %mul3A_2 : i32 to vector<16xi32>
      %ge3A_174 = arith.cmpi sge, %get3A_172, %ge3A_173 : vector<16xi32>
      %add3A_175 = arith.constant 6880 : i32
      %add3A_176 = arith.addi %mul3A_2, %add3A_175 : i32
      %lt3A_177 = vector.broadcast %add3A_176 : i32 to vector<16xi32>
      %lt3A_178 = arith.cmpi slt, %get3A_172, %lt3A_177 : vector<16xi32>
      %and3A_179 = arith.andi %ge3A_174, %lt3A_178 : vector<16xi1>
      %sub3A_180 = vector.broadcast %mul3A_2 : i32 to vector<16xi32>
      %sub3A_181 = arith.subi %get3A_172, %sub3A_180 : vector<16xi32>
      %jit3A_182 = arith.constant 0 : i32
      %jit3A_183 = arith.constant 6879 : i32
      %max3A_184 = vector.broadcast %jit3A_182 : i32 to vector<16xi32>
      %max3A_185 = arith.maxsi %max3A_184, %sub3A_181 : vector<16xi32>
      %min3A_186 = vector.broadcast %jit3A_183 : i32 to vector<16xi32>
      %min3A_187 = arith.minsi %min3A_186, %max3A_185 : vector<16xi32>
      %mul3A_188 = arith.constant 16 : i32
      %mul3A_189 = arith.muli %add3A_168, %mul3A_188 : i32
      %add3A_190 = vector.broadcast %mul3A_189 : i32 to vector<16xi32>
      %add3A_191 = arith.addi %add3A_190, %iota3A : vector<16xi32>
      tpu.vector_store_idx %arg8[%min3A_187], %add3A_191 masked %and3A_179 : memref<6880xi32, #tpu.memory_space<vmem>>[vector<16xi32>], vector<16xi32>, vector<16xi1>
      %scan3A_192 = arith.constant 6 : i32
      %scan3A_193 = arith.addi %scan3A_27, %scan3A_192 : i32
      %mul3A_194 = arith.constant 1 : i32
      %mul3A_195 = arith.muli %scan3A_193, %mul3A_194 : i32
      %add3A_196 = arith.constant 0 : i32
      %add3A_197 = arith.addi %add3A_196, %mul3A_195 : i32
      %mul3A_198 = arith.constant 16 : i32
      %mul3A_199 = arith.muli %add3A_197, %mul3A_198 : i32
      %get3A_200 = arith.index_cast %mul3A_199 : i32 to index
      %get3A_201 = tpu.vector_load %arg7[%get3A_200] {strides = array<i32>} : memref<16384xi32, #tpu.memory_space<vmem>>, vector<16xi32>,
      %ge3A_202 = vector.broadcast %mul3A_2 : i32 to vector<16xi32>
      %ge3A_203 = arith.cmpi sge, %get3A_201, %ge3A_202 : vector<16xi32>
      %add3A_204 = arith.constant 6880 : i32
      %add3A_205 = arith.addi %mul3A_2, %add3A_204 : i32
      %lt3A_206 = vector.broadcast %add3A_205 : i32 to vector<16xi32>
      %lt3A_207 = arith.cmpi slt, %get3A_201, %lt3A_206 : vector<16xi32>
      %and3A_208 = arith.andi %ge3A_203, %lt3A_207 : vector<16xi1>
      %sub3A_209 = vector.broadcast %mul3A_2 : i32 to vector<16xi32>
      %sub3A_210 = arith.subi %get3A_201, %sub3A_209 : vector<16xi32>
      %jit3A_211 = arith.constant 0 : i32
      %jit3A_212 = arith.constant 6879 : i32
      %max3A_213 = vector.broadcast %jit3A_211 : i32 to vector<16xi32>
      %max3A_214 = arith.maxsi %max3A_213, %sub3A_210 : vector<16xi32>
      %min3A_215 = vector.broadcast %jit3A_212 : i32 to vector<16xi32>
      %min3A_216 = arith.minsi %min3A_215, %max3A_214 : vector<16xi32>
      %mul3A_217 = arith.constant 16 : i32
      %mul3A_218 = arith.muli %add3A_197, %mul3A_217 : i32
      %add3A_219 = vector.broadcast %mul3A_218 : i32 to vector<16xi32>
      %add3A_220 = arith.addi %add3A_219, %iota3A : vector<16xi32>
      tpu.vector_store_idx %arg8[%min3A_216], %add3A_220 masked %and3A_208 : memref<6880xi32, #tpu.memory_space<vmem>>[vector<16xi32>], vector<16xi32>, vector<16xi1>
      %scan3A_221 = arith.constant 7 : i32
      %scan3A_222 = arith.addi %scan3A_27, %scan3A_221 : i32
      %mul3A_223 = arith.constant 1 : i32
      %mul3A_224 = arith.muli %scan3A_222, %mul3A_223 : i32
      %add3A_225 = arith.constant 0 : i32
      %add3A_226 = arith.addi %add3A_225, %mul3A_224 : i32
      %mul3A_227 = arith.constant 16 : i32
      %mul3A_228 = arith.muli %add3A_226, %mul3A_227 : i32
      %get3A_229 = arith.index_cast %mul3A_228 : i32 to index
      %get3A_230 = tpu.vector_load %arg7[%get3A_229] {strides = array<i32>} : memref<16384xi32, #tpu.memory_space<vmem>>, vector<16xi32>,
      %ge3A_231 = vector.broadcast %mul3A_2 : i32 to vector<16xi32>
      %ge3A_232 = arith.cmpi sge, %get3A_230, %ge3A_231 : vector<16xi32>
      %add3A_233 = arith.constant 6880 : i32
      %add3A_234 = arith.addi %mul3A_2, %add3A_233 : i32
      %lt3A_235 = vector.broadcast %add3A_234 : i32 to vector<16xi32>
      %lt3A_236 = arith.cmpi slt, %get3A_230, %lt3A_235 : vector<16xi32>
      %and3A_237 = arith.andi %ge3A_232, %lt3A_236 : vector<16xi1>
      %sub3A_238 = vector.broadcast %mul3A_2 : i32 to vector<16xi32>
      %sub3A_239 = arith.subi %get3A_230, %sub3A_238 : vector<16xi32>
      %jit3A_240 = arith.constant 0 : i32
      %jit3A_241 = arith.constant 6879 : i32
      %max3A_242 = vector.broadcast %jit3A_240 : i32 to vector<16xi32>
      %max3A_243 = arith.maxsi %max3A_242, %sub3A_239 : vector<16xi32>
      %min3A_244 = vector.broadcast %jit3A_241 : i32 to vector<16xi32>
      %min3A_245 = arith.minsi %min3A_244, %max3A_243 : vector<16xi32>
      %mul3A_246 = arith.constant 16 : i32
      %mul3A_247 = arith.muli %add3A_226, %mul3A_246 : i32
      %add3A_248 = vector.broadcast %mul3A_247 : i32 to vector<16xi32>
      %add3A_249 = arith.addi %add3A_248, %iota3A : vector<16xi32>
      tpu.vector_store_idx %arg8[%min3A_245], %add3A_249 masked %and3A_237 : memref<6880xi32, #tpu.memory_space<vmem>>[vector<16xi32>], vector<16xi32>, vector<16xi1>
    }
    %scan3A_12 = arith.constant 1024 : i32
    %scan3A_13 = arith.constant 0 : i32
    %scan3A_14 = arith.constant 1024 : i32
    %scan3A_15 = arith.addi %scan3A_13, %scan3A_14 : i32
    %scan3A_16 = arith.constant 8 : i32
    scf.for %scan3A_27 = %scan3A_13 to %scan3A_15 step %scan3A_16  : i32 {
      %mul3A_28 = arith.constant 1 : i32
      %mul3A_29 = arith.muli %scan3A_27, %mul3A_28 : i32
      %add3A_30 = arith.constant 0 : i32
      %add3A_31 = arith.addi %add3A_30, %mul3A_29 : i32
      %mul3A_32 = arith.constant 16 : i32
      %mul3A_33 = arith.muli %add3A_31, %mul3A_32 : i32
      %get3A = arith.index_cast %mul3A_33 : i32 to index
      %get3A_34 = tpu.vector_load %arg7[%get3A] {strides = array<i32>} : memref<16384xi32, #tpu.memory_space<vmem>>, vector<16xi32>,
      %ge3A = vector.broadcast %mul3A_2 : i32 to vector<16xi32>
      %ge3A_35 = arith.cmpi sge, %get3A_34, %ge3A : vector<16xi32>
      %add3A_36 = arith.constant 6880 : i32
      %add3A_37 = arith.addi %mul3A_2, %add3A_36 : i32
      %lt3A = vector.broadcast %add3A_37 : i32 to vector<16xi32>
      %lt3A_38 = arith.cmpi slt, %get3A_34, %lt3A : vector<16xi32>
      %and3A = arith.andi %ge3A_35, %lt3A_38 : vector<16xi1>
      %sub3A = vector.broadcast %mul3A_2 : i32 to vector<16xi32>
      %sub3A_39 = arith.subi %get3A_34, %sub3A : vector<16xi32>
      %jit3A = arith.constant 0 : i32
      %jit3A_40 = arith.constant 6879 : i32
      %max3A = vector.broadcast %jit3A : i32 to vector<16xi32>
      %max3A_41 = arith.maxsi %max3A, %sub3A_39 : vector<16xi32>
      %min3A = vector.broadcast %jit3A_40 : i32 to vector<16xi32>
      %min3A_42 = arith.minsi %min3A, %max3A_41 : vector<16xi32>
      %mul3A_43 = arith.constant 16 : i32
      %mul3A_44 = arith.muli %add3A_31, %mul3A_43 : i32
      %add3A_45 = vector.broadcast %mul3A_44 : i32 to vector<16xi32>
      %add3A_46 = arith.addi %add3A_45, %iota3A : vector<16xi32>
      %gather3A = tpu.vector_load_idx %arg8[%min3A_42] masked %and3A : memref<6880xi32, #tpu.memory_space<vmem>>[vector<16xi32>], vector<16xi32>, vector<16xi1>
      %gt3A_47 = arith.cmpi sgt, %add3A_46, %gather3A : vector<16xi32>
      %and3A_48 = arith.andi %and3A, %gt3A_47 : vector<16xi1>
      tpu.vector_store_idx %arg8[%min3A_42], %add3A_46 masked %and3A_48 : memref<6880xi32, #tpu.memory_space<vmem>>[vector<16xi32>], vector<16xi32>, vector<16xi1>
      %scan3A_49 = arith.constant 1 : i32
      %scan3A_50 = arith.addi %scan3A_27, %scan3A_49 : i32
      %mul3A_51 = arith.constant 1 : i32
      %mul3A_52 = arith.muli %scan3A_50, %mul3A_51 : i32
      %add3A_53 = arith.constant 0 : i32
      %add3A_54 = arith.addi %add3A_53, %mul3A_52 : i32
      %mul3A_55 = arith.constant 16 : i32
      %mul3A_56 = arith.muli %add3A_54, %mul3A_55 : i32
      %get3A_57 = arith.index_cast %mul3A_56 : i32 to index
      %get3A_58 = tpu.vector_load %arg7[%get3A_57] {strides = array<i32>} : memref<16384xi32, #tpu.memory_space<vmem>>, vector<16xi32>,
      %ge3A_59 = vector.broadcast %mul3A_2 : i32 to vector<16xi32>
      %ge3A_60 = arith.cmpi sge, %get3A_58, %ge3A_59 : vector<16xi32>
      %add3A_61 = arith.constant 6880 : i32
      %add3A_62 = arith.addi %mul3A_2, %add3A_61 : i32
      %lt3A_63 = vector.broadcast %add3A_62 : i32 to vector<16xi32>
      %lt3A_64 = arith.cmpi slt, %get3A_58, %lt3A_63 : vector<16xi32>
      %and3A_65 = arith.andi %ge3A_60, %lt3A_64 : vector<16xi1>
      %sub3A_66 = vector.broadcast %mul3A_2 : i32 to vector<16xi32>
      %sub3A_67 = arith.subi %get3A_58, %sub3A_66 : vector<16xi32>
      %jit3A_68 = arith.constant 0 : i32
      %jit3A_69 = arith.constant 6879 : i32
      %max3A_70 = vector.broadcast %jit3A_68 : i32 to vector<16xi32>
      %max3A_71 = arith.maxsi %max3A_70, %sub3A_67 : vector<16xi32>
      %min3A_72 = vector.broadcast %jit3A_69 : i32 to vector<16xi32>
      %min3A_73 = arith.minsi %min3A_72, %max3A_71 : vector<16xi32>
      %mul3A_74 = arith.constant 16 : i32
      %mul3A_75 = arith.muli %add3A_54, %mul3A_74 : i32
      %add3A_76 = vector.broadcast %mul3A_75 : i32 to vector<16xi32>
      %add3A_77 = arith.addi %add3A_76, %iota3A : vector<16xi32>
      %gather3A_78 = tpu.vector_load_idx %arg8[%min3A_73] masked %and3A_65 : memref<6880xi32, #tpu.memory_space<vmem>>[vector<16xi32>], vector<16xi32>, vector<16xi1>
      %gt3A_79 = arith.cmpi sgt, %add3A_77, %gather3A_78 : vector<16xi32>
      %and3A_80 = arith.andi %and3A_65, %gt3A_79 : vector<16xi1>
      tpu.vector_store_idx %arg8[%min3A_73], %add3A_77 masked %and3A_80 : memref<6880xi32, #tpu.memory_space<vmem>>[vector<16xi32>], vector<16xi32>, vector<16xi1>
      %scan3A_81 = arith.constant 2 : i32
      %scan3A_82 = arith.addi %scan3A_27, %scan3A_81 : i32
      %mul3A_83 = arith.constant 1 : i32
      %mul3A_84 = arith.muli %scan3A_82, %mul3A_83 : i32
      %add3A_85 = arith.constant 0 : i32
      %add3A_86 = arith.addi %add3A_85, %mul3A_84 : i32
      %mul3A_87 = arith.constant 16 : i32
      %mul3A_88 = arith.muli %add3A_86, %mul3A_87 : i32
      %get3A_89 = arith.index_cast %mul3A_88 : i32 to index
      %get3A_90 = tpu.vector_load %arg7[%get3A_89] {strides = array<i32>} : memref<16384xi32, #tpu.memory_space<vmem>>, vector<16xi32>,
      %ge3A_91 = vector.broadcast %mul3A_2 : i32 to vector<16xi32>
      %ge3A_92 = arith.cmpi sge, %get3A_90, %ge3A_91 : vector<16xi32>
      %add3A_93 = arith.constant 6880 : i32
      %add3A_94 = arith.addi %mul3A_2, %add3A_93 : i32
      %lt3A_95 = vector.broadcast %add3A_94 : i32 to vector<16xi32>
      %lt3A_96 = arith.cmpi slt, %get3A_90, %lt3A_95 : vector<16xi32>
      %and3A_97 = arith.andi %ge3A_92, %lt3A_96 : vector<16xi1>
      %sub3A_98 = vector.broadcast %mul3A_2 : i32 to vector<16xi32>
      %sub3A_99 = arith.subi %get3A_90, %sub3A_98 : vector<16xi32>
      %jit3A_100 = arith.constant 0 : i32
      %jit3A_101 = arith.constant 6879 : i32
      %max3A_102 = vector.broadcast %jit3A_100 : i32 to vector<16xi32>
      %max3A_103 = arith.maxsi %max3A_102, %sub3A_99 : vector<16xi32>
      %min3A_104 = vector.broadcast %jit3A_101 : i32 to vector<16xi32>
      %min3A_105 = arith.minsi %min3A_104, %max3A_103 : vector<16xi32>
      %mul3A_106 = arith.constant 16 : i32
      %mul3A_107 = arith.muli %add3A_86, %mul3A_106 : i32
      %add3A_108 = vector.broadcast %mul3A_107 : i32 to vector<16xi32>
      %add3A_109 = arith.addi %add3A_108, %iota3A : vector<16xi32>
      %gather3A_110 = tpu.vector_load_idx %arg8[%min3A_105] masked %and3A_97 : memref<6880xi32, #tpu.memory_space<vmem>>[vector<16xi32>], vector<16xi32>, vector<16xi1>
      %gt3A_111 = arith.cmpi sgt, %add3A_109, %gather3A_110 : vector<16xi32>
      %and3A_112 = arith.andi %and3A_97, %gt3A_111 : vector<16xi1>
      tpu.vector_store_idx %arg8[%min3A_105], %add3A_109 masked %and3A_112 : memref<6880xi32, #tpu.memory_space<vmem>>[vector<16xi32>], vector<16xi32>, vector<16xi1>
      %scan3A_113 = arith.constant 3 : i32
      %scan3A_114 = arith.addi %scan3A_27, %scan3A_113 : i32
      %mul3A_115 = arith.constant 1 : i32
      %mul3A_116 = arith.muli %scan3A_114, %mul3A_115 : i32
      %add3A_117 = arith.constant 0 : i32
      %add3A_118 = arith.addi %add3A_117, %mul3A_116 : i32
      %mul3A_119 = arith.constant 16 : i32
      %mul3A_120 = arith.muli %add3A_118, %mul3A_119 : i32
      %get3A_121 = arith.index_cast %mul3A_120 : i32 to index
      %get3A_122 = tpu.vector_load %arg7[%get3A_121] {strides = array<i32>} : memref<16384xi32, #tpu.memory_space<vmem>>, vector<16xi32>,
      %ge3A_123 = vector.broadcast %mul3A_2 : i32 to vector<16xi32>
      %ge3A_124 = arith.cmpi sge, %get3A_122, %ge3A_123 : vector<16xi32>
      %add3A_125 = arith.constant 6880 : i32
      %add3A_126 = arith.addi %mul3A_2, %add3A_125 : i32
      %lt3A_127 = vector.broadcast %add3A_126 : i32 to vector<16xi32>
      %lt3A_128 = arith.cmpi slt, %get3A_122, %lt3A_127 : vector<16xi32>
      %and3A_129 = arith.andi %ge3A_124, %lt3A_128 : vector<16xi1>
      %sub3A_130 = vector.broadcast %mul3A_2 : i32 to vector<16xi32>
      %sub3A_131 = arith.subi %get3A_122, %sub3A_130 : vector<16xi32>
      %jit3A_132 = arith.constant 0 : i32
      %jit3A_133 = arith.constant 6879 : i32
      %max3A_134 = vector.broadcast %jit3A_132 : i32 to vector<16xi32>
      %max3A_135 = arith.maxsi %max3A_134, %sub3A_131 : vector<16xi32>
      %min3A_136 = vector.broadcast %jit3A_133 : i32 to vector<16xi32>
      %min3A_137 = arith.minsi %min3A_136, %max3A_135 : vector<16xi32>
      %mul3A_138 = arith.constant 16 : i32
      %mul3A_139 = arith.muli %add3A_118, %mul3A_138 : i32
      %add3A_140 = vector.broadcast %mul3A_139 : i32 to vector<16xi32>
      %add3A_141 = arith.addi %add3A_140, %iota3A : vector<16xi32>
      %gather3A_142 = tpu.vector_load_idx %arg8[%min3A_137] masked %and3A_129 : memref<6880xi32, #tpu.memory_space<vmem>>[vector<16xi32>], vector<16xi32>, vector<16xi1>
      %gt3A_143 = arith.cmpi sgt, %add3A_141, %gather3A_142 : vector<16xi32>
      %and3A_144 = arith.andi %and3A_129, %gt3A_143 : vector<16xi1>
      tpu.vector_store_idx %arg8[%min3A_137], %add3A_141 masked %and3A_144 : memref<6880xi32, #tpu.memory_space<vmem>>[vector<16xi32>], vector<16xi32>, vector<16xi1>
      %scan3A_145 = arith.constant 4 : i32
      %scan3A_146 = arith.addi %scan3A_27, %scan3A_145 : i32
      %mul3A_147 = arith.constant 1 : i32
      %mul3A_148 = arith.muli %scan3A_146, %mul3A_147 : i32
      %add3A_149 = arith.constant 0 : i32
      %add3A_150 = arith.addi %add3A_149, %mul3A_148 : i32
      %mul3A_151 = arith.constant 16 : i32
      %mul3A_152 = arith.muli %add3A_150, %mul3A_151 : i32
      %get3A_153 = arith.index_cast %mul3A_152 : i32 to index
      %get3A_154 = tpu.vector_load %arg7[%get3A_153] {strides = array<i32>} : memref<16384xi32, #tpu.memory_space<vmem>>, vector<16xi32>,
      %ge3A_155 = vector.broadcast %mul3A_2 : i32 to vector<16xi32>
      %ge3A_156 = arith.cmpi sge, %get3A_154, %ge3A_155 : vector<16xi32>
      %add3A_157 = arith.constant 6880 : i32
      %add3A_158 = arith.addi %mul3A_2, %add3A_157 : i32
      %lt3A_159 = vector.broadcast %add3A_158 : i32 to vector<16xi32>
      %lt3A_160 = arith.cmpi slt, %get3A_154, %lt3A_159 : vector<16xi32>
      %and3A_161 = arith.andi %ge3A_156, %lt3A_160 : vector<16xi1>
      %sub3A_162 = vector.broadcast %mul3A_2 : i32 to vector<16xi32>
      %sub3A_163 = arith.subi %get3A_154, %sub3A_162 : vector<16xi32>
      %jit3A_164 = arith.constant 0 : i32
      %jit3A_165 = arith.constant 6879 : i32
      %max3A_166 = vector.broadcast %jit3A_164 : i32 to vector<16xi32>
      %max3A_167 = arith.maxsi %max3A_166, %sub3A_163 : vector<16xi32>
      %min3A_168 = vector.broadcast %jit3A_165 : i32 to vector<16xi32>
      %min3A_169 = arith.minsi %min3A_168, %max3A_167 : vector<16xi32>
      %mul3A_170 = arith.constant 16 : i32
      %mul3A_171 = arith.muli %add3A_150, %mul3A_170 : i32
      %add3A_172 = vector.broadcast %mul3A_171 : i32 to vector<16xi32>
      %add3A_173 = arith.addi %add3A_172, %iota3A : vector<16xi32>
      %gather3A_174 = tpu.vector_load_idx %arg8[%min3A_169] masked %and3A_161 : memref<6880xi32, #tpu.memory_space<vmem>>[vector<16xi32>], vector<16xi32>, vector<16xi1>
      %gt3A_175 = arith.cmpi sgt, %add3A_173, %gather3A_174 : vector<16xi32>
      %and3A_176 = arith.andi %and3A_161, %gt3A_175 : vector<16xi1>
      tpu.vector_store_idx %arg8[%min3A_169], %add3A_173 masked %and3A_176 : memref<6880xi32, #tpu.memory_space<vmem>>[vector<16xi32>], vector<16xi32>, vector<16xi1>
      %scan3A_177 = arith.constant 5 : i32
      %scan3A_178 = arith.addi %scan3A_27, %scan3A_177 : i32
      %mul3A_179 = arith.constant 1 : i32
      %mul3A_180 = arith.muli %scan3A_178, %mul3A_179 : i32
      %add3A_181 = arith.constant 0 : i32
      %add3A_182 = arith.addi %add3A_181, %mul3A_180 : i32
      %mul3A_183 = arith.constant 16 : i32
      %mul3A_184 = arith.muli %add3A_182, %mul3A_183 : i32
      %get3A_185 = arith.index_cast %mul3A_184 : i32 to index
      %get3A_186 = tpu.vector_load %arg7[%get3A_185] {strides = array<i32>} : memref<16384xi32, #tpu.memory_space<vmem>>, vector<16xi32>,
      %ge3A_187 = vector.broadcast %mul3A_2 : i32 to vector<16xi32>
      %ge3A_188 = arith.cmpi sge, %get3A_186, %ge3A_187 : vector<16xi32>
      %add3A_189 = arith.constant 6880 : i32
      %add3A_190 = arith.addi %mul3A_2, %add3A_189 : i32
      %lt3A_191 = vector.broadcast %add3A_190 : i32 to vector<16xi32>
      %lt3A_192 = arith.cmpi slt, %get3A_186, %lt3A_191 : vector<16xi32>
      %and3A_193 = arith.andi %ge3A_188, %lt3A_192 : vector<16xi1>
      %sub3A_194 = vector.broadcast %mul3A_2 : i32 to vector<16xi32>
      %sub3A_195 = arith.subi %get3A_186, %sub3A_194 : vector<16xi32>
      %jit3A_196 = arith.constant 0 : i32
      %jit3A_197 = arith.constant 6879 : i32
      %max3A_198 = vector.broadcast %jit3A_196 : i32 to vector<16xi32>
      %max3A_199 = arith.maxsi %max3A_198, %sub3A_195 : vector<16xi32>
      %min3A_200 = vector.broadcast %jit3A_197 : i32 to vector<16xi32>
      %min3A_201 = arith.minsi %min3A_200, %max3A_199 : vector<16xi32>
      %mul3A_202 = arith.constant 16 : i32
      %mul3A_203 = arith.muli %add3A_182, %mul3A_202 : i32
      %add3A_204 = vector.broadcast %mul3A_203 : i32 to vector<16xi32>
      %add3A_205 = arith.addi %add3A_204, %iota3A : vector<16xi32>
      %gather3A_206 = tpu.vector_load_idx %arg8[%min3A_201] masked %and3A_193 : memref<6880xi32, #tpu.memory_space<vmem>>[vector<16xi32>], vector<16xi32>, vector<16xi1>
      %gt3A_207 = arith.cmpi sgt, %add3A_205, %gather3A_206 : vector<16xi32>
      %and3A_208 = arith.andi %and3A_193, %gt3A_207 : vector<16xi1>
      tpu.vector_store_idx %arg8[%min3A_201], %add3A_205 masked %and3A_208 : memref<6880xi32, #tpu.memory_space<vmem>>[vector<16xi32>], vector<16xi32>, vector<16xi1>
      %scan3A_209 = arith.constant 6 : i32
      %scan3A_210 = arith.addi %scan3A_27, %scan3A_209 : i32
      %mul3A_211 = arith.constant 1 : i32
      %mul3A_212 = arith.muli %scan3A_210, %mul3A_211 : i32
      %add3A_213 = arith.constant 0 : i32
      %add3A_214 = arith.addi %add3A_213, %mul3A_212 : i32
      %mul3A_215 = arith.constant 16 : i32
      %mul3A_216 = arith.muli %add3A_214, %mul3A_215 : i32
      %get3A_217 = arith.index_cast %mul3A_216 : i32 to index
      %get3A_218 = tpu.vector_load %arg7[%get3A_217] {strides = array<i32>} : memref<16384xi32, #tpu.memory_space<vmem>>, vector<16xi32>,
      %ge3A_219 = vector.broadcast %mul3A_2 : i32 to vector<16xi32>
      %ge3A_220 = arith.cmpi sge, %get3A_218, %ge3A_219 : vector<16xi32>
      %add3A_221 = arith.constant 6880 : i32
      %add3A_222 = arith.addi %mul3A_2, %add3A_221 : i32
      %lt3A_223 = vector.broadcast %add3A_222 : i32 to vector<16xi32>
      %lt3A_224 = arith.cmpi slt, %get3A_218, %lt3A_223 : vector<16xi32>
      %and3A_225 = arith.andi %ge3A_220, %lt3A_224 : vector<16xi1>
      %sub3A_226 = vector.broadcast %mul3A_2 : i32 to vector<16xi32>
      %sub3A_227 = arith.subi %get3A_218, %sub3A_226 : vector<16xi32>
      %jit3A_228 = arith.constant 0 : i32
      %jit3A_229 = arith.constant 6879 : i32
      %max3A_230 = vector.broadcast %jit3A_228 : i32 to vector<16xi32>
      %max3A_231 = arith.maxsi %max3A_230, %sub3A_227 : vector<16xi32>
      %min3A_232 = vector.broadcast %jit3A_229 : i32 to vector<16xi32>
      %min3A_233 = arith.minsi %min3A_232, %max3A_231 : vector<16xi32>
      %mul3A_234 = arith.constant 16 : i32
      %mul3A_235 = arith.muli %add3A_214, %mul3A_234 : i32
      %add3A_236 = vector.broadcast %mul3A_235 : i32 to vector<16xi32>
      %add3A_237 = arith.addi %add3A_236, %iota3A : vector<16xi32>
      %gather3A_238 = tpu.vector_load_idx %arg8[%min3A_233] masked %and3A_225 : memref<6880xi32, #tpu.memory_space<vmem>>[vector<16xi32>], vector<16xi32>, vector<16xi1>
      %gt3A_239 = arith.cmpi sgt, %add3A_237, %gather3A_238 : vector<16xi32>
      %and3A_240 = arith.andi %and3A_225, %gt3A_239 : vector<16xi1>
      tpu.vector_store_idx %arg8[%min3A_233], %add3A_237 masked %and3A_240 : memref<6880xi32, #tpu.memory_space<vmem>>[vector<16xi32>], vector<16xi32>, vector<16xi1>
      %scan3A_241 = arith.constant 7 : i32
      %scan3A_242 = arith.addi %scan3A_27, %scan3A_241 : i32
      %mul3A_243 = arith.constant 1 : i32
      %mul3A_244 = arith.muli %scan3A_242, %mul3A_243 : i32
      %add3A_245 = arith.constant 0 : i32
      %add3A_246 = arith.addi %add3A_245, %mul3A_244 : i32
      %mul3A_247 = arith.constant 16 : i32
      %mul3A_248 = arith.muli %add3A_246, %mul3A_247 : i32
      %get3A_249 = arith.index_cast %mul3A_248 : i32 to index
      %get3A_250 = tpu.vector_load %arg7[%get3A_249] {strides = array<i32>} : memref<16384xi32, #tpu.memory_space<vmem>>, vector<16xi32>,
      %ge3A_251 = vector.broadcast %mul3A_2 : i32 to vector<16xi32>
      %ge3A_252 = arith.cmpi sge, %get3A_250, %ge3A_251 : vector<16xi32>
      %add3A_253 = arith.constant 6880 : i32
      %add3A_254 = arith.addi %mul3A_2, %add3A_253 : i32
      %lt3A_255 = vector.broadcast %add3A_254 : i32 to vector<16xi32>
      %lt3A_256 = arith.cmpi slt, %get3A_250, %lt3A_255 : vector<16xi32>
      %and3A_257 = arith.andi %ge3A_252, %lt3A_256 : vector<16xi1>
      %sub3A_258 = vector.broadcast %mul3A_2 : i32 to vector<16xi32>
      %sub3A_259 = arith.subi %get3A_250, %sub3A_258 : vector<16xi32>
      %jit3A_260 = arith.constant 0 : i32
      %jit3A_261 = arith.constant 6879 : i32
      %max3A_262 = vector.broadcast %jit3A_260 : i32 to vector<16xi32>
      %max3A_263 = arith.maxsi %max3A_262, %sub3A_259 : vector<16xi32>
      %min3A_264 = vector.broadcast %jit3A_261 : i32 to vector<16xi32>
      %min3A_265 = arith.minsi %min3A_264, %max3A_263 : vector<16xi32>
      %mul3A_266 = arith.constant 16 : i32
      %mul3A_267 = arith.muli %add3A_246, %mul3A_266 : i32
      %add3A_268 = vector.broadcast %mul3A_267 : i32 to vector<16xi32>
      %add3A_269 = arith.addi %add3A_268, %iota3A : vector<16xi32>
      %gather3A_270 = tpu.vector_load_idx %arg8[%min3A_265] masked %and3A_257 : memref<6880xi32, #tpu.memory_space<vmem>>[vector<16xi32>], vector<16xi32>, vector<16xi1>
      %gt3A_271 = arith.cmpi sgt, %add3A_269, %gather3A_270 : vector<16xi32>
      %and3A_272 = arith.andi %and3A_257, %gt3A_271 : vector<16xi1>
      tpu.vector_store_idx %arg8[%min3A_265], %add3A_269 masked %and3A_272 : memref<6880xi32, #tpu.memory_space<vmem>>[vector<16xi32>], vector<16xi32>, vector<16xi1>
    }
    %scan3A_17 = arith.constant 1024 : i32
    %scan3A_18 = arith.constant 0 : i32
    %scan3A_19 = arith.constant 0 : i32
    %scan3A_20 = arith.constant 430 : i32
    %scan3A_21 = arith.addi %scan3A_19, %scan3A_20 : i32
    %scan3A_22 = arith.constant 5 : i32
    %scan3A_23 = scf.for %scan3A_27 = %scan3A_19 to %scan3A_21 step %scan3A_22 iter_args(%scan3A_28 = %scan3A_18) -> (i32)  : i32 {
      %mul3A_29 = arith.constant 1 : i32
      %mul3A_30 = arith.muli %scan3A_27, %mul3A_29 : i32
      %add3A_31 = arith.constant 0 : i32
      %add3A_32 = arith.addi %add3A_31, %mul3A_30 : i32
      %mul3A_33 = arith.constant 16 : i32
      %mul3A_34 = arith.muli %add3A_32, %mul3A_33 : i32
      %get3A = arith.index_cast %mul3A_34 : i32 to index
      %get3A_35 = tpu.vector_load %arg8[%get3A] {strides = array<i32>} : memref<6880xi32, #tpu.memory_space<vmem>>, vector<16xi32>,
      %ge3A = arith.constant 0 : i32
      %ge3A_36 = vector.broadcast %ge3A : i32 to vector<16xi32>
      %ge3A_37 = arith.cmpi sge, %get3A_35, %ge3A_36 : vector<16xi32>
      %mul3A_38 = arith.constant 16 : i32
      %mul3A_39 = arith.muli %add3A_32, %mul3A_38 : i32
      %add3A_40 = arith.addi %mul3A_2, %mul3A_39 : i32
      %add3A_41 = vector.broadcast %add3A_40 : i32 to vector<16xi32>
      %add3A_42 = arith.addi %add3A_41, %iota3A : vector<16xi32>
      %swap3A = arith.index_cast %scan3A_28 : i32 to index
      %swap3A_43 = tpu.vector_load %arg9[%swap3A] masked %ge3A_37 {strides = array<i32>} : memref<6960xi32, #tpu.memory_space<vmem>>, vector<16xi32>, vector<16xi1>
      tpu.vector_store %arg9[%swap3A], %add3A_42 masked %ge3A_37 {strides = array<i32>} : memref<6960xi32, #tpu.memory_space<vmem>>, vector<16xi32>, vector<16xi1>
      %jit3A = arith.constant 0 : i32
      %jit3A_44 = arith.constant 16383 : i32
      %max3A = vector.broadcast %jit3A : i32 to vector<16xi32>
      %max3A_45 = arith.maxsi %max3A, %get3A_35 : vector<16xi32>
      %min3A = vector.broadcast %jit3A_44 : i32 to vector<16xi32>
      %min3A_46 = arith.minsi %min3A, %max3A_45 : vector<16xi32>
      %swap3A_47 = arith.index_cast %scan3A_28 : i32 to index
      %swap3A_48 = tpu.vector_load %arg10[%swap3A_47] masked %ge3A_37 {strides = array<i32>} : memref<6960xi32, #tpu.memory_space<vmem>>, vector<16xi32>, vector<16xi1>
      tpu.vector_store %arg10[%swap3A_47], %min3A_46 masked %ge3A_37 {strides = array<i32>} : memref<6960xi32, #tpu.memory_space<vmem>>, vector<16xi32>, vector<16xi1>
      %all_reduce_population_count3A = tpu.all_reduce %ge3A_37 {dim = 0 : i64, kind = #tpu.reduction_kind<sum>} : vector<16xi1> -> vector<16xi32>
      %reduce_max3A = arith.constant true
      %reduce_max3A_49 = vector.broadcast %reduce_max3A : i1 to vector<16xi1>
      %reduce_max3A_50 = arith.constant -2147483648 : i32
      %reduce_max3A_51 = vector.broadcast %reduce_max3A_50 : i32 to vector<16xi32>
      %reduce_max3A_52 = arith.xori %all_reduce_population_count3A, %reduce_max3A_51 : vector<16xi32>
      %reduce_max3A_53 = tpu.scan <max>, %reduce_max3A_52 masked %reduce_max3A_49 : vector<16xi32>, vector<16xi1> -> vector<16xi32>
      %reduce_max3A_54 = arith.xori %reduce_max3A_53, %reduce_max3A_51 : vector<16xi32>
      %reduce_max3A_55 = vector.extract %reduce_max3A_54[15] : i32 from vector<16xi32>
      %add3A_56 = arith.addi %scan3A_28, %reduce_max3A_55 : i32
      %scan3A_57 = arith.constant 1 : i32
      %scan3A_58 = arith.addi %scan3A_27, %scan3A_57 : i32
      %mul3A_59 = arith.constant 1 : i32
      %mul3A_60 = arith.muli %scan3A_58, %mul3A_59 : i32
      %add3A_61 = arith.constant 0 : i32
      %add3A_62 = arith.addi %add3A_61, %mul3A_60 : i32
      %mul3A_63 = arith.constant 16 : i32
      %mul3A_64 = arith.muli %add3A_62, %mul3A_63 : i32
      %get3A_65 = arith.index_cast %mul3A_64 : i32 to index
      %get3A_66 = tpu.vector_load %arg8[%get3A_65] {strides = array<i32>} : memref<6880xi32, #tpu.memory_space<vmem>>, vector<16xi32>,
      %ge3A_67 = arith.constant 0 : i32
      %ge3A_68 = vector.broadcast %ge3A_67 : i32 to vector<16xi32>
      %ge3A_69 = arith.cmpi sge, %get3A_66, %ge3A_68 : vector<16xi32>
      %mul3A_70 = arith.constant 16 : i32
      %mul3A_71 = arith.muli %add3A_62, %mul3A_70 : i32
      %add3A_72 = arith.addi %mul3A_2, %mul3A_71 : i32
      %add3A_73 = vector.broadcast %add3A_72 : i32 to vector<16xi32>
      %add3A_74 = arith.addi %add3A_73, %iota3A : vector<16xi32>
      %swap3A_75 = arith.index_cast %add3A_56 : i32 to index
      %swap3A_76 = tpu.vector_load %arg9[%swap3A_75] masked %ge3A_69 {strides = array<i32>} : memref<6960xi32, #tpu.memory_space<vmem>>, vector<16xi32>, vector<16xi1>
      tpu.vector_store %arg9[%swap3A_75], %add3A_74 masked %ge3A_69 {strides = array<i32>} : memref<6960xi32, #tpu.memory_space<vmem>>, vector<16xi32>, vector<16xi1>
      %jit3A_77 = arith.constant 0 : i32
      %jit3A_78 = arith.constant 16383 : i32
      %max3A_79 = vector.broadcast %jit3A_77 : i32 to vector<16xi32>
      %max3A_80 = arith.maxsi %max3A_79, %get3A_66 : vector<16xi32>
      %min3A_81 = vector.broadcast %jit3A_78 : i32 to vector<16xi32>
      %min3A_82 = arith.minsi %min3A_81, %max3A_80 : vector<16xi32>
      %swap3A_83 = arith.index_cast %add3A_56 : i32 to index
      %swap3A_84 = tpu.vector_load %arg10[%swap3A_83] masked %ge3A_69 {strides = array<i32>} : memref<6960xi32, #tpu.memory_space<vmem>>, vector<16xi32>, vector<16xi1>
      tpu.vector_store %arg10[%swap3A_83], %min3A_82 masked %ge3A_69 {strides = array<i32>} : memref<6960xi32, #tpu.memory_space<vmem>>, vector<16xi32>, vector<16xi1>
      %all_reduce_population_count3A_85 = tpu.all_reduce %ge3A_69 {dim = 0 : i64, kind = #tpu.reduction_kind<sum>} : vector<16xi1> -> vector<16xi32>
      %reduce_max3A_86 = arith.constant true
      %reduce_max3A_87 = vector.broadcast %reduce_max3A_86 : i1 to vector<16xi1>
      %reduce_max3A_88 = arith.constant -2147483648 : i32
      %reduce_max3A_89 = vector.broadcast %reduce_max3A_88 : i32 to vector<16xi32>
      %reduce_max3A_90 = arith.xori %all_reduce_population_count3A_85, %reduce_max3A_89 : vector<16xi32>
      %reduce_max3A_91 = tpu.scan <max>, %reduce_max3A_90 masked %reduce_max3A_87 : vector<16xi32>, vector<16xi1> -> vector<16xi32>
      %reduce_max3A_92 = arith.xori %reduce_max3A_91, %reduce_max3A_89 : vector<16xi32>
      %reduce_max3A_93 = vector.extract %reduce_max3A_92[15] : i32 from vector<16xi32>
      %add3A_94 = arith.addi %add3A_56, %reduce_max3A_93 : i32
      %scan3A_95 = arith.constant 2 : i32
      %scan3A_96 = arith.addi %scan3A_27, %scan3A_95 : i32
      %mul3A_97 = arith.constant 1 : i32
      %mul3A_98 = arith.muli %scan3A_96, %mul3A_97 : i32
      %add3A_99 = arith.constant 0 : i32
      %add3A_100 = arith.addi %add3A_99, %mul3A_98 : i32
      %mul3A_101 = arith.constant 16 : i32
      %mul3A_102 = arith.muli %add3A_100, %mul3A_101 : i32
      %get3A_103 = arith.index_cast %mul3A_102 : i32 to index
      %get3A_104 = tpu.vector_load %arg8[%get3A_103] {strides = array<i32>} : memref<6880xi32, #tpu.memory_space<vmem>>, vector<16xi32>,
      %ge3A_105 = arith.constant 0 : i32
      %ge3A_106 = vector.broadcast %ge3A_105 : i32 to vector<16xi32>
      %ge3A_107 = arith.cmpi sge, %get3A_104, %ge3A_106 : vector<16xi32>
      %mul3A_108 = arith.constant 16 : i32
      %mul3A_109 = arith.muli %add3A_100, %mul3A_108 : i32
      %add3A_110 = arith.addi %mul3A_2, %mul3A_109 : i32
      %add3A_111 = vector.broadcast %add3A_110 : i32 to vector<16xi32>
      %add3A_112 = arith.addi %add3A_111, %iota3A : vector<16xi32>
      %swap3A_113 = arith.index_cast %add3A_94 : i32 to index
      %swap3A_114 = tpu.vector_load %arg9[%swap3A_113] masked %ge3A_107 {strides = array<i32>} : memref<6960xi32, #tpu.memory_space<vmem>>, vector<16xi32>, vector<16xi1>
      tpu.vector_store %arg9[%swap3A_113], %add3A_112 masked %ge3A_107 {strides = array<i32>} : memref<6960xi32, #tpu.memory_space<vmem>>, vector<16xi32>, vector<16xi1>
      %jit3A_115 = arith.constant 0 : i32
      %jit3A_116 = arith.constant 16383 : i32
      %max3A_117 = vector.broadcast %jit3A_115 : i32 to vector<16xi32>
      %max3A_118 = arith.maxsi %max3A_117, %get3A_104 : vector<16xi32>
      %min3A_119 = vector.broadcast %jit3A_116 : i32 to vector<16xi32>
      %min3A_120 = arith.minsi %min3A_119, %max3A_118 : vector<16xi32>
      %swap3A_121 = arith.index_cast %add3A_94 : i32 to index
      %swap3A_122 = tpu.vector_load %arg10[%swap3A_121] masked %ge3A_107 {strides = array<i32>} : memref<6960xi32, #tpu.memory_space<vmem>>, vector<16xi32>, vector<16xi1>
      tpu.vector_store %arg10[%swap3A_121], %min3A_120 masked %ge3A_107 {strides = array<i32>} : memref<6960xi32, #tpu.memory_space<vmem>>, vector<16xi32>, vector<16xi1>
      %all_reduce_population_count3A_123 = tpu.all_reduce %ge3A_107 {dim = 0 : i64, kind = #tpu.reduction_kind<sum>} : vector<16xi1> -> vector<16xi32>
      %reduce_max3A_124 = arith.constant true
      %reduce_max3A_125 = vector.broadcast %reduce_max3A_124 : i1 to vector<16xi1>
      %reduce_max3A_126 = arith.constant -2147483648 : i32
      %reduce_max3A_127 = vector.broadcast %reduce_max3A_126 : i32 to vector<16xi32>
      %reduce_max3A_128 = arith.xori %all_reduce_population_count3A_123, %reduce_max3A_127 : vector<16xi32>
      %reduce_max3A_129 = tpu.scan <max>, %reduce_max3A_128 masked %reduce_max3A_125 : vector<16xi32>, vector<16xi1> -> vector<16xi32>
      %reduce_max3A_130 = arith.xori %reduce_max3A_129, %reduce_max3A_127 : vector<16xi32>
      %reduce_max3A_131 = vector.extract %reduce_max3A_130[15] : i32 from vector<16xi32>
      %add3A_132 = arith.addi %add3A_94, %reduce_max3A_131 : i32
      %scan3A_133 = arith.constant 3 : i32
      %scan3A_134 = arith.addi %scan3A_27, %scan3A_133 : i32
      %mul3A_135 = arith.constant 1 : i32
      %mul3A_136 = arith.muli %scan3A_134, %mul3A_135 : i32
      %add3A_137 = arith.constant 0 : i32
      %add3A_138 = arith.addi %add3A_137, %mul3A_136 : i32
      %mul3A_139 = arith.constant 16 : i32
      %mul3A_140 = arith.muli %add3A_138, %mul3A_139 : i32
      %get3A_141 = arith.index_cast %mul3A_140 : i32 to index
      %get3A_142 = tpu.vector_load %arg8[%get3A_141] {strides = array<i32>} : memref<6880xi32, #tpu.memory_space<vmem>>, vector<16xi32>,
      %ge3A_143 = arith.constant 0 : i32
      %ge3A_144 = vector.broadcast %ge3A_143 : i32 to vector<16xi32>
      %ge3A_145 = arith.cmpi sge, %get3A_142, %ge3A_144 : vector<16xi32>
      %mul3A_146 = arith.constant 16 : i32
      %mul3A_147 = arith.muli %add3A_138, %mul3A_146 : i32
      %add3A_148 = arith.addi %mul3A_2, %mul3A_147 : i32
      %add3A_149 = vector.broadcast %add3A_148 : i32 to vector<16xi32>
      %add3A_150 = arith.addi %add3A_149, %iota3A : vector<16xi32>
      %swap3A_151 = arith.index_cast %add3A_132 : i32 to index
      %swap3A_152 = tpu.vector_load %arg9[%swap3A_151] masked %ge3A_145 {strides = array<i32>} : memref<6960xi32, #tpu.memory_space<vmem>>, vector<16xi32>, vector<16xi1>
      tpu.vector_store %arg9[%swap3A_151], %add3A_150 masked %ge3A_145 {strides = array<i32>} : memref<6960xi32, #tpu.memory_space<vmem>>, vector<16xi32>, vector<16xi1>
      %jit3A_153 = arith.constant 0 : i32
      %jit3A_154 = arith.constant 16383 : i32
      %max3A_155 = vector.broadcast %jit3A_153 : i32 to vector<16xi32>
      %max3A_156 = arith.maxsi %max3A_155, %get3A_142 : vector<16xi32>
      %min3A_157 = vector.broadcast %jit3A_154 : i32 to vector<16xi32>
      %min3A_158 = arith.minsi %min3A_157, %max3A_156 : vector<16xi32>
      %swap3A_159 = arith.index_cast %add3A_132 : i32 to index
      %swap3A_160 = tpu.vector_load %arg10[%swap3A_159] masked %ge3A_145 {strides = array<i32>} : memref<6960xi32, #tpu.memory_space<vmem>>, vector<16xi32>, vector<16xi1>
      tpu.vector_store %arg10[%swap3A_159], %min3A_158 masked %ge3A_145 {strides = array<i32>} : memref<6960xi32, #tpu.memory_space<vmem>>, vector<16xi32>, vector<16xi1>
      %all_reduce_population_count3A_161 = tpu.all_reduce %ge3A_145 {dim = 0 : i64, kind = #tpu.reduction_kind<sum>} : vector<16xi1> -> vector<16xi32>
      %reduce_max3A_162 = arith.constant true
      %reduce_max3A_163 = vector.broadcast %reduce_max3A_162 : i1 to vector<16xi1>
      %reduce_max3A_164 = arith.constant -2147483648 : i32
      %reduce_max3A_165 = vector.broadcast %reduce_max3A_164 : i32 to vector<16xi32>
      %reduce_max3A_166 = arith.xori %all_reduce_population_count3A_161, %reduce_max3A_165 : vector<16xi32>
      %reduce_max3A_167 = tpu.scan <max>, %reduce_max3A_166 masked %reduce_max3A_163 : vector<16xi32>, vector<16xi1> -> vector<16xi32>
      %reduce_max3A_168 = arith.xori %reduce_max3A_167, %reduce_max3A_165 : vector<16xi32>
      %reduce_max3A_169 = vector.extract %reduce_max3A_168[15] : i32 from vector<16xi32>
      %add3A_170 = arith.addi %add3A_132, %reduce_max3A_169 : i32
      %scan3A_171 = arith.constant 4 : i32
      %scan3A_172 = arith.addi %scan3A_27, %scan3A_171 : i32
      %mul3A_173 = arith.constant 1 : i32
      %mul3A_174 = arith.muli %scan3A_172, %mul3A_173 : i32
      %add3A_175 = arith.constant 0 : i32
      %add3A_176 = arith.addi %add3A_175, %mul3A_174 : i32
      %mul3A_177 = arith.constant 16 : i32
      %mul3A_178 = arith.muli %add3A_176, %mul3A_177 : i32
      %get3A_179 = arith.index_cast %mul3A_178 : i32 to index
      %get3A_180 = tpu.vector_load %arg8[%get3A_179] {strides = array<i32>} : memref<6880xi32, #tpu.memory_space<vmem>>, vector<16xi32>,
      %ge3A_181 = arith.constant 0 : i32
      %ge3A_182 = vector.broadcast %ge3A_181 : i32 to vector<16xi32>
      %ge3A_183 = arith.cmpi sge, %get3A_180, %ge3A_182 : vector<16xi32>
      %mul3A_184 = arith.constant 16 : i32
      %mul3A_185 = arith.muli %add3A_176, %mul3A_184 : i32
      %add3A_186 = arith.addi %mul3A_2, %mul3A_185 : i32
      %add3A_187 = vector.broadcast %add3A_186 : i32 to vector<16xi32>
      %add3A_188 = arith.addi %add3A_187, %iota3A : vector<16xi32>
      %swap3A_189 = arith.index_cast %add3A_170 : i32 to index
      %swap3A_190 = tpu.vector_load %arg9[%swap3A_189] masked %ge3A_183 {strides = array<i32>} : memref<6960xi32, #tpu.memory_space<vmem>>, vector<16xi32>, vector<16xi1>
      tpu.vector_store %arg9[%swap3A_189], %add3A_188 masked %ge3A_183 {strides = array<i32>} : memref<6960xi32, #tpu.memory_space<vmem>>, vector<16xi32>, vector<16xi1>
      %jit3A_191 = arith.constant 0 : i32
      %jit3A_192 = arith.constant 16383 : i32
      %max3A_193 = vector.broadcast %jit3A_191 : i32 to vector<16xi32>
      %max3A_194 = arith.maxsi %max3A_193, %get3A_180 : vector<16xi32>
      %min3A_195 = vector.broadcast %jit3A_192 : i32 to vector<16xi32>
      %min3A_196 = arith.minsi %min3A_195, %max3A_194 : vector<16xi32>
      %swap3A_197 = arith.index_cast %add3A_170 : i32 to index
      %swap3A_198 = tpu.vector_load %arg10[%swap3A_197] masked %ge3A_183 {strides = array<i32>} : memref<6960xi32, #tpu.memory_space<vmem>>, vector<16xi32>, vector<16xi1>
      tpu.vector_store %arg10[%swap3A_197], %min3A_196 masked %ge3A_183 {strides = array<i32>} : memref<6960xi32, #tpu.memory_space<vmem>>, vector<16xi32>, vector<16xi1>
      %all_reduce_population_count3A_199 = tpu.all_reduce %ge3A_183 {dim = 0 : i64, kind = #tpu.reduction_kind<sum>} : vector<16xi1> -> vector<16xi32>
      %reduce_max3A_200 = arith.constant true
      %reduce_max3A_201 = vector.broadcast %reduce_max3A_200 : i1 to vector<16xi1>
      %reduce_max3A_202 = arith.constant -2147483648 : i32
      %reduce_max3A_203 = vector.broadcast %reduce_max3A_202 : i32 to vector<16xi32>
      %reduce_max3A_204 = arith.xori %all_reduce_population_count3A_199, %reduce_max3A_203 : vector<16xi32>
      %reduce_max3A_205 = tpu.scan <max>, %reduce_max3A_204 masked %reduce_max3A_201 : vector<16xi32>, vector<16xi1> -> vector<16xi32>
      %reduce_max3A_206 = arith.xori %reduce_max3A_205, %reduce_max3A_203 : vector<16xi32>
      %reduce_max3A_207 = vector.extract %reduce_max3A_206[15] : i32 from vector<16xi32>
      %add3A_208 = arith.addi %add3A_170, %reduce_max3A_207 : i32
      scf.yield %add3A_208 : i32
    }
    %scan3A_24 = arith.constant 430 : i32
    %gt3A = arith.constant 0 : i32
    %gt3A_25 = arith.cmpi sgt, %scan3A_23, %gt3A : i32
    %convert_element_type3A = arith.extui %gt3A_25 : i1 to i32
    %cond3A = arith.constant 0 : i32
    %cond3A_26 = arith.cmpi ne, %convert_element_type3A, %cond3A : i32
    scf.if %cond3A_26 {
      %broadcast_in_dim3A_27 = arith.constant 0 : i32
      %broadcast_in_dim3A_28 = vector.broadcast %broadcast_in_dim3A_27 : i32 to vector<16xi32>
      %gather3A = tpu.vector_load_idx %arg9[%broadcast_in_dim3A_28] : memref<6960xi32, #tpu.memory_space<vmem>>[vector<16xi32>], vector<16xi32>,
      %gather3A_29 = tpu.vector_load_idx %arg10[%broadcast_in_dim3A_28] : memref<6960xi32, #tpu.memory_space<vmem>>[vector<16xi32>], vector<16xi32>,
      %add3A_30 = arith.constant 0 : i32
      %add3A_31 = arith.addi %scan3A_23, %add3A_30 : i32
      %swap3A = arith.index_cast %add3A_31 : i32 to index
      %swap3A_32 = tpu.vector_load %arg9[%swap3A] {strides = array<i32>} : memref<6960xi32, #tpu.memory_space<vmem>>, vector<16xi32>,
      tpu.vector_store %arg9[%swap3A], %gather3A {strides = array<i32>} : memref<6960xi32, #tpu.memory_space<vmem>>, vector<16xi32>,
      %add3A_33 = arith.constant 0 : i32
      %add3A_34 = arith.addi %scan3A_23, %add3A_33 : i32
      %swap3A_35 = arith.index_cast %add3A_34 : i32 to index
      %swap3A_36 = tpu.vector_load %arg10[%swap3A_35] {strides = array<i32>} : memref<6960xi32, #tpu.memory_space<vmem>>, vector<16xi32>,
      tpu.vector_store %arg10[%swap3A_35], %gather3A_29 {strides = array<i32>} : memref<6960xi32, #tpu.memory_space<vmem>>, vector<16xi32>,
      %add3A_37 = arith.constant 16 : i32
      %add3A_38 = arith.addi %scan3A_23, %add3A_37 : i32
      %swap3A_39 = arith.index_cast %add3A_38 : i32 to index
      %swap3A_40 = tpu.vector_load %arg9[%swap3A_39] {strides = array<i32>} : memref<6960xi32, #tpu.memory_space<vmem>>, vector<16xi32>,
      tpu.vector_store %arg9[%swap3A_39], %gather3A {strides = array<i32>} : memref<6960xi32, #tpu.memory_space<vmem>>, vector<16xi32>,
      %add3A_41 = arith.constant 16 : i32
      %add3A_42 = arith.addi %scan3A_23, %add3A_41 : i32
      %swap3A_43 = arith.index_cast %add3A_42 : i32 to index
      %swap3A_44 = tpu.vector_load %arg10[%swap3A_43] {strides = array<i32>} : memref<6960xi32, #tpu.memory_space<vmem>>, vector<16xi32>,
      tpu.vector_store %arg10[%swap3A_43], %gather3A_29 {strides = array<i32>} : memref<6960xi32, #tpu.memory_space<vmem>>, vector<16xi32>,
      %add3A_45 = arith.constant 32 : i32
      %add3A_46 = arith.addi %scan3A_23, %add3A_45 : i32
      %sub3A = arith.constant 1 : i32
      %sub3A_47 = arith.subi %add3A_46, %sub3A : i32
      %jit3A = arith.constant 32 : i32
      %div3A = arith.divsi %sub3A_47, %jit3A : i32
      %sign3A = arith.constant 0 : i32
      %sign3A_48 = arith.cmpi sgt, %sub3A_47, %sign3A : i32
      %sign3A_49 = arith.extui %sign3A_48 : i1 to i32
      %sign3A_50 = arith.constant 0 : i32
      %sign3A_51 = arith.cmpi slt, %sub3A_47, %sign3A_50 : i32
      %sign3A_52 = arith.extui %sign3A_51 : i1 to i32
      %sign3A_53 = arith.subi %sign3A_49, %sign3A_52 : i32
      %sign3A_54 = arith.constant 0 : i32
      %sign3A_55 = arith.cmpi sgt, %jit3A, %sign3A_54 : i32
      %sign3A_56 = arith.extui %sign3A_55 : i1 to i32
      %sign3A_57 = arith.constant 0 : i32
      %sign3A_58 = arith.cmpi slt, %jit3A, %sign3A_57 : i32
      %sign3A_59 = arith.extui %sign3A_58 : i1 to i32
      %sign3A_60 = arith.subi %sign3A_56, %sign3A_59 : i32
      %ne3A = arith.cmpi ne, %sign3A_53, %sign3A_60 : i32
      %rem3A = arith.remsi %sub3A_47, %jit3A : i32
      %ne3A_61 = arith.constant 0 : i32
      %ne3A_62 = arith.cmpi ne, %rem3A, %ne3A_61 : i32
      %and3A = arith.andi %ne3A, %ne3A_62 : i1
      %sub3A_63 = arith.constant 1 : i32
      %sub3A_64 = arith.subi %div3A, %sub3A_63 : i32
      %select_n3A = arith.select %and3A, %sub3A_64, %div3A : i32
      %multiple_of3A = arith.constant 0 : i32
      %multiple_of3A_65 = tpu.assume_multiple %multiple_of3A, 32 : i32
      %add3A_66 = arith.constant 0 : i32
      %add3A_67 = arith.addi %multiple_of3A_65, %add3A_66 : i32
      %get3A = arith.index_cast %add3A_67 : i32 to index
      %get3A_68 = tpu.vector_load %arg9[%get3A] {strides = array<i32>} : memref<6960xi32, #tpu.memory_space<vmem>>, vector<16xi32>,
      %add3A_69 = arith.constant 0 : i32
      %add3A_70 = arith.addi %multiple_of3A_65, %add3A_69 : i32
      %get3A_71 = arith.index_cast %add3A_70 : i32 to index
      %get3A_72 = tpu.vector_load %arg10[%get3A_71] {strides = array<i32>} : memref<6960xi32, #tpu.memory_space<vmem>>, vector<16xi32>,
      %dma_start3A = arith.constant 0 : i32
      %dma_start3A_73 = arith.constant 0 : i32
      %dma_start3A_74 = tpu.memref_slice %arg11[%dma_start3A, %dma_start3A_73] : memref<32x256xf32, #tpu.memory_space<vmem>> -> memref<16x256xf32, #tpu.memory_space<vmem>>
      %dma_start3A_75 = arith.constant 0 : i32
      %dma_start3A_76 = arith.constant 0 : i32
      %dma_start3A_77 = tpu.memref_slice %arg3[%dma_start3A_75, %dma_start3A_76] : memref<16384x256xf32, #tpu.memory_space<hbm>> -> memref<16384x256xf32, #tpu.memory_space<hbm>>
      tpu.enqueue_indirect_dma source(%dma_start3A_77 : memref<16384x256xf32, #tpu.memory_space<hbm>>) target(%dma_start3A_74 : memref<16x256xf32, #tpu.memory_space<vmem>>) offsets(%get3A_72 : vector<16xi32>) semaphore(%arg20 : memref<!tpu.dma_semaphore, #tpu.memory_space<semaphore_mem>>)
      %dma_start3A_78 = arith.constant 0 : i32
      %dma_start3A_79 = arith.constant 0 : i32
      %dma_start3A_80 = tpu.memref_slice %arg14[%dma_start3A_78, %dma_start3A_79] : memref<32x256xf32, #tpu.memory_space<vmem>> -> memref<16x256xf32, #tpu.memory_space<vmem>>
      %dma_start3A_81 = arith.constant 0 : i32
      %dma_start3A_82 = arith.constant 0 : i32
      %dma_start3A_83 = tpu.memref_slice %arg2[%dma_start3A_81, %dma_start3A_82] : memref<220000x256xf32, #tpu.memory_space<hbm>> -> memref<220000x256xf32, #tpu.memory_space<hbm>>
      tpu.enqueue_indirect_dma source(%dma_start3A_83 : memref<220000x256xf32, #tpu.memory_space<hbm>>) target(%dma_start3A_80 : memref<16x256xf32, #tpu.memory_space<vmem>>) offsets(%get3A_68 : vector<16xi32>) semaphore(%arg20 : memref<!tpu.dma_semaphore, #tpu.memory_space<semaphore_mem>>)
      %add3A_84 = arith.constant 16 : i32
      %add3A_85 = arith.addi %multiple_of3A_65, %add3A_84 : i32
      %get3A_86 = arith.index_cast %add3A_85 : i32 to index
      %get3A_87 = tpu.vector_load %arg9[%get3A_86] {strides = array<i32>} : memref<6960xi32, #tpu.memory_space<vmem>>, vector<16xi32>,
      %add3A_88 = arith.constant 16 : i32
      %add3A_89 = arith.addi %multiple_of3A_65, %add3A_88 : i32
      %get3A_90 = arith.index_cast %add3A_89 : i32 to index
      %get3A_91 = tpu.vector_load %arg10[%get3A_90] {strides = array<i32>} : memref<6960xi32, #tpu.memory_space<vmem>>, vector<16xi32>,
      %dma_start3A_92 = arith.constant 16 : i32
      %dma_start3A_93 = arith.constant 0 : i32
      %dma_start3A_94 = tpu.memref_slice %arg11[%dma_start3A_92, %dma_start3A_93] : memref<32x256xf32, #tpu.memory_space<vmem>> -> memref<16x256xf32, #tpu.memory_space<vmem>>
      %dma_start3A_95 = arith.constant 0 : i32
      %dma_start3A_96 = arith.constant 0 : i32
      %dma_start3A_97 = tpu.memref_slice %arg3[%dma_start3A_95, %dma_start3A_96] : memref<16384x256xf32, #tpu.memory_space<hbm>> -> memref<16384x256xf32, #tpu.memory_space<hbm>>
      tpu.enqueue_indirect_dma source(%dma_start3A_97 : memref<16384x256xf32, #tpu.memory_space<hbm>>) target(%dma_start3A_94 : memref<16x256xf32, #tpu.memory_space<vmem>>) offsets(%get3A_91 : vector<16xi32>) semaphore(%arg20 : memref<!tpu.dma_semaphore, #tpu.memory_space<semaphore_mem>>)
      %dma_start3A_98 = arith.constant 16 : i32
      %dma_start3A_99 = arith.constant 0 : i32
      %dma_start3A_100 = tpu.memref_slice %arg14[%dma_start3A_98, %dma_start3A_99] : memref<32x256xf32, #tpu.memory_space<vmem>> -> memref<16x256xf32, #tpu.memory_space<vmem>>
      %dma_start3A_101 = arith.constant 0 : i32
      %dma_start3A_102 = arith.constant 0 : i32
      %dma_start3A_103 = tpu.memref_slice %arg2[%dma_start3A_101, %dma_start3A_102] : memref<220000x256xf32, #tpu.memory_space<hbm>> -> memref<220000x256xf32, #tpu.memory_space<hbm>>
      tpu.enqueue_indirect_dma source(%dma_start3A_103 : memref<220000x256xf32, #tpu.memory_space<hbm>>) target(%dma_start3A_100 : memref<16x256xf32, #tpu.memory_space<vmem>>) offsets(%get3A_87 : vector<16xi32>) semaphore(%arg20 : memref<!tpu.dma_semaphore, #tpu.memory_space<semaphore_mem>>)
      %gt3A_104 = arith.constant 1 : i32
      %gt3A_105 = arith.cmpi sgt, %select_n3A, %gt3A_104 : i32
      %convert_element_type3A_106 = arith.extui %gt3A_105 : i1 to i32
      %cond3A_107 = arith.constant 0 : i32
      %cond3A_108 = arith.cmpi ne, %convert_element_type3A_106, %cond3A_107 : i32
      scf.if %cond3A_108 {
        %multiple_of3A_147 = arith.constant 32 : i32
        %multiple_of3A_148 = tpu.assume_multiple %multiple_of3A_147, 32 : i32
        %add3A_149 = arith.constant 0 : i32
        %add3A_150 = arith.addi %multiple_of3A_148, %add3A_149 : i32
        %get3A_151 = arith.index_cast %add3A_150 : i32 to index
        %get3A_152 = tpu.vector_load %arg9[%get3A_151] {strides = array<i32>} : memref<6960xi32, #tpu.memory_space<vmem>>, vector<16xi32>,
        %add3A_153 = arith.constant 0 : i32
        %add3A_154 = arith.addi %multiple_of3A_148, %add3A_153 : i32
        %get3A_155 = arith.index_cast %add3A_154 : i32 to index
        %get3A_156 = tpu.vector_load %arg10[%get3A_155] {strides = array<i32>} : memref<6960xi32, #tpu.memory_space<vmem>>, vector<16xi32>,
        %dma_start3A_157 = arith.constant 0 : i32
        %dma_start3A_158 = arith.constant 0 : i32
        %dma_start3A_159 = tpu.memref_slice %arg12[%dma_start3A_157, %dma_start3A_158] : memref<32x256xf32, #tpu.memory_space<vmem>> -> memref<16x256xf32, #tpu.memory_space<vmem>>
        %dma_start3A_160 = arith.constant 0 : i32
        %dma_start3A_161 = arith.constant 0 : i32
        %dma_start3A_162 = tpu.memref_slice %arg3[%dma_start3A_160, %dma_start3A_161] : memref<16384x256xf32, #tpu.memory_space<hbm>> -> memref<16384x256xf32, #tpu.memory_space<hbm>>
        tpu.enqueue_indirect_dma source(%dma_start3A_162 : memref<16384x256xf32, #tpu.memory_space<hbm>>) target(%dma_start3A_159 : memref<16x256xf32, #tpu.memory_space<vmem>>) offsets(%get3A_156 : vector<16xi32>) semaphore(%arg21 : memref<!tpu.dma_semaphore, #tpu.memory_space<semaphore_mem>>)
        %dma_start3A_163 = arith.constant 0 : i32
        %dma_start3A_164 = arith.constant 0 : i32
        %dma_start3A_165 = tpu.memref_slice %arg15[%dma_start3A_163, %dma_start3A_164] : memref<32x256xf32, #tpu.memory_space<vmem>> -> memref<16x256xf32, #tpu.memory_space<vmem>>
        %dma_start3A_166 = arith.constant 0 : i32
        %dma_start3A_167 = arith.constant 0 : i32
        %dma_start3A_168 = tpu.memref_slice %arg2[%dma_start3A_166, %dma_start3A_167] : memref<220000x256xf32, #tpu.memory_space<hbm>> -> memref<220000x256xf32, #tpu.memory_space<hbm>>
        tpu.enqueue_indirect_dma source(%dma_start3A_168 : memref<220000x256xf32, #tpu.memory_space<hbm>>) target(%dma_start3A_165 : memref<16x256xf32, #tpu.memory_space<vmem>>) offsets(%get3A_152 : vector<16xi32>) semaphore(%arg21 : memref<!tpu.dma_semaphore, #tpu.memory_space<semaphore_mem>>)
        %add3A_169 = arith.constant 16 : i32
        %add3A_170 = arith.addi %multiple_of3A_148, %add3A_169 : i32
        %get3A_171 = arith.index_cast %add3A_170 : i32 to index
        %get3A_172 = tpu.vector_load %arg9[%get3A_171] {strides = array<i32>} : memref<6960xi32, #tpu.memory_space<vmem>>, vector<16xi32>,
        %add3A_173 = arith.constant 16 : i32
        %add3A_174 = arith.addi %multiple_of3A_148, %add3A_173 : i32
        %get3A_175 = arith.index_cast %add3A_174 : i32 to index
        %get3A_176 = tpu.vector_load %arg10[%get3A_175] {strides = array<i32>} : memref<6960xi32, #tpu.memory_space<vmem>>, vector<16xi32>,
        %dma_start3A_177 = arith.constant 16 : i32
        %dma_start3A_178 = arith.constant 0 : i32
        %dma_start3A_179 = tpu.memref_slice %arg12[%dma_start3A_177, %dma_start3A_178] : memref<32x256xf32, #tpu.memory_space<vmem>> -> memref<16x256xf32, #tpu.memory_space<vmem>>
        %dma_start3A_180 = arith.constant 0 : i32
        %dma_start3A_181 = arith.constant 0 : i32
        %dma_start3A_182 = tpu.memref_slice %arg3[%dma_start3A_180, %dma_start3A_181] : memref<16384x256xf32, #tpu.memory_space<hbm>> -> memref<16384x256xf32, #tpu.memory_space<hbm>>
        tpu.enqueue_indirect_dma source(%dma_start3A_182 : memref<16384x256xf32, #tpu.memory_space<hbm>>) target(%dma_start3A_179 : memref<16x256xf32, #tpu.memory_space<vmem>>) offsets(%get3A_176 : vector<16xi32>) semaphore(%arg21 : memref<!tpu.dma_semaphore, #tpu.memory_space<semaphore_mem>>)
        %dma_start3A_183 = arith.constant 16 : i32
        %dma_start3A_184 = arith.constant 0 : i32
        %dma_start3A_185 = tpu.memref_slice %arg15[%dma_start3A_183, %dma_start3A_184] : memref<32x256xf32, #tpu.memory_space<vmem>> -> memref<16x256xf32, #tpu.memory_space<vmem>>
        %dma_start3A_186 = arith.constant 0 : i32
        %dma_start3A_187 = arith.constant 0 : i32
        %dma_start3A_188 = tpu.memref_slice %arg2[%dma_start3A_186, %dma_start3A_187] : memref<220000x256xf32, #tpu.memory_space<hbm>> -> memref<220000x256xf32, #tpu.memory_space<hbm>>
        tpu.enqueue_indirect_dma source(%dma_start3A_188 : memref<220000x256xf32, #tpu.memory_space<hbm>>) target(%dma_start3A_185 : memref<16x256xf32, #tpu.memory_space<vmem>>) offsets(%get3A_172 : vector<16xi32>) semaphore(%arg21 : memref<!tpu.dma_semaphore, #tpu.memory_space<semaphore_mem>>)
      } else {
      }
      %gt3A_109 = arith.constant 2 : i32
      %gt3A_110 = arith.cmpi sgt, %select_n3A, %gt3A_109 : i32
      %convert_element_type3A_111 = arith.extui %gt3A_110 : i1 to i32
      %cond3A_112 = arith.constant 0 : i32
      %cond3A_113 = arith.cmpi ne, %convert_element_type3A_111, %cond3A_112 : i32
      scf.if %cond3A_113 {
        %multiple_of3A_147 = arith.constant 64 : i32
        %multiple_of3A_148 = tpu.assume_multiple %multiple_of3A_147, 32 : i32
        %add3A_149 = arith.constant 0 : i32
        %add3A_150 = arith.addi %multiple_of3A_148, %add3A_149 : i32
        %get3A_151 = arith.index_cast %add3A_150 : i32 to index
        %get3A_152 = tpu.vector_load %arg9[%get3A_151] {strides = array<i32>} : memref<6960xi32, #tpu.memory_space<vmem>>, vector<16xi32>,
        %add3A_153 = arith.constant 0 : i32
        %add3A_154 = arith.addi %multiple_of3A_148, %add3A_153 : i32
        %get3A_155 = arith.index_cast %add3A_154 : i32 to index
        %get3A_156 = tpu.vector_load %arg10[%get3A_155] {strides = array<i32>} : memref<6960xi32, #tpu.memory_space<vmem>>, vector<16xi32>,
        %dma_start3A_157 = arith.constant 0 : i32
        %dma_start3A_158 = arith.constant 0 : i32
        %dma_start3A_159 = tpu.memref_slice %arg13[%dma_start3A_157, %dma_start3A_158] : memref<32x256xf32, #tpu.memory_space<vmem>> -> memref<16x256xf32, #tpu.memory_space<vmem>>
        %dma_start3A_160 = arith.constant 0 : i32
        %dma_start3A_161 = arith.constant 0 : i32
        %dma_start3A_162 = tpu.memref_slice %arg3[%dma_start3A_160, %dma_start3A_161] : memref<16384x256xf32, #tpu.memory_space<hbm>> -> memref<16384x256xf32, #tpu.memory_space<hbm>>
        tpu.enqueue_indirect_dma source(%dma_start3A_162 : memref<16384x256xf32, #tpu.memory_space<hbm>>) target(%dma_start3A_159 : memref<16x256xf32, #tpu.memory_space<vmem>>) offsets(%get3A_156 : vector<16xi32>) semaphore(%arg22 : memref<!tpu.dma_semaphore, #tpu.memory_space<semaphore_mem>>)
        %dma_start3A_163 = arith.constant 0 : i32
        %dma_start3A_164 = arith.constant 0 : i32
        %dma_start3A_165 = tpu.memref_slice %arg16[%dma_start3A_163, %dma_start3A_164] : memref<32x256xf32, #tpu.memory_space<vmem>> -> memref<16x256xf32, #tpu.memory_space<vmem>>
        %dma_start3A_166 = arith.constant 0 : i32
        %dma_start3A_167 = arith.constant 0 : i32
        %dma_start3A_168 = tpu.memref_slice %arg2[%dma_start3A_166, %dma_start3A_167] : memref<220000x256xf32, #tpu.memory_space<hbm>> -> memref<220000x256xf32, #tpu.memory_space<hbm>>
        tpu.enqueue_indirect_dma source(%dma_start3A_168 : memref<220000x256xf32, #tpu.memory_space<hbm>>) target(%dma_start3A_165 : memref<16x256xf32, #tpu.memory_space<vmem>>) offsets(%get3A_152 : vector<16xi32>) semaphore(%arg22 : memref<!tpu.dma_semaphore, #tpu.memory_space<semaphore_mem>>)
        %add3A_169 = arith.constant 16 : i32
        %add3A_170 = arith.addi %multiple_of3A_148, %add3A_169 : i32
        %get3A_171 = arith.index_cast %add3A_170 : i32 to index
        %get3A_172 = tpu.vector_load %arg9[%get3A_171] {strides = array<i32>} : memref<6960xi32, #tpu.memory_space<vmem>>, vector<16xi32>,
        %add3A_173 = arith.constant 16 : i32
        %add3A_174 = arith.addi %multiple_of3A_148, %add3A_173 : i32
        %get3A_175 = arith.index_cast %add3A_174 : i32 to index
        %get3A_176 = tpu.vector_load %arg10[%get3A_175] {strides = array<i32>} : memref<6960xi32, #tpu.memory_space<vmem>>, vector<16xi32>,
        %dma_start3A_177 = arith.constant 16 : i32
        %dma_start3A_178 = arith.constant 0 : i32
        %dma_start3A_179 = tpu.memref_slice %arg13[%dma_start3A_177, %dma_start3A_178] : memref<32x256xf32, #tpu.memory_space<vmem>> -> memref<16x256xf32, #tpu.memory_space<vmem>>
        %dma_start3A_180 = arith.constant 0 : i32
        %dma_start3A_181 = arith.constant 0 : i32
        %dma_start3A_182 = tpu.memref_slice %arg3[%dma_start3A_180, %dma_start3A_181] : memref<16384x256xf32, #tpu.memory_space<hbm>> -> memref<16384x256xf32, #tpu.memory_space<hbm>>
        tpu.enqueue_indirect_dma source(%dma_start3A_182 : memref<16384x256xf32, #tpu.memory_space<hbm>>) target(%dma_start3A_179 : memref<16x256xf32, #tpu.memory_space<vmem>>) offsets(%get3A_176 : vector<16xi32>) semaphore(%arg22 : memref<!tpu.dma_semaphore, #tpu.memory_space<semaphore_mem>>)
        %dma_start3A_183 = arith.constant 16 : i32
        %dma_start3A_184 = arith.constant 0 : i32
        %dma_start3A_185 = tpu.memref_slice %arg16[%dma_start3A_183, %dma_start3A_184] : memref<32x256xf32, #tpu.memory_space<vmem>> -> memref<16x256xf32, #tpu.memory_space<vmem>>
        %dma_start3A_186 = arith.constant 0 : i32
        %dma_start3A_187 = arith.constant 0 : i32
        %dma_start3A_188 = tpu.memref_slice %arg2[%dma_start3A_186, %dma_start3A_187] : memref<220000x256xf32, #tpu.memory_space<hbm>> -> memref<220000x256xf32, #tpu.memory_space<hbm>>
        tpu.enqueue_indirect_dma source(%dma_start3A_188 : memref<220000x256xf32, #tpu.memory_space<hbm>>) target(%dma_start3A_185 : memref<16x256xf32, #tpu.memory_space<vmem>>) offsets(%get3A_172 : vector<16xi32>) semaphore(%arg22 : memref<!tpu.dma_semaphore, #tpu.memory_space<semaphore_mem>>)
      } else {
      }
      %sub3A_114 = arith.constant 0 : i32
      %sub3A_115 = arith.subi %select_n3A, %sub3A_114 : i32
      %sub3A_116 = arith.constant 3 : i32
      %sub3A_117 = arith.constant 1 : i32
      %sub3A_118 = arith.subi %sub3A_116, %sub3A_117 : i32
      %add3A_119 = arith.addi %sub3A_115, %sub3A_118 : i32
      %div3A_120 = arith.constant 3 : i32
      %div3A_121 = arith.divsi %add3A_119, %div3A_120 : i32
      %while3A = arith.constant 3 : i32
      %while3A_122 = arith.constant 0 : i32
      %while3A_123 = arith.constant 0 : i32
      %while3A_124 = arith.subi %div3A_121, %while3A_123 : i32
      %while3A_125 = arith.addi %while3A_123, %while3A_124 : i32
      %while3A_126 = arith.constant 1 : i32
      %while3A_127 = arith.divsi %while3A_124, %while3A_126 : i32
      %while3A_128 = arith.muli %while3A_127, %while3A_126 : i32
      %while3A_129 = arith.addi %while3A_123, %while3A_128 : i32
      %while3A_130 = arith.constant 1 : i32
      scf.for %while3A_147 = %while3A_123 to %while3A_129 step %while3A_130  : i32 {
        %mul3A_148 = arith.muli %while3A_147, %while3A : i32
        %add3A_149 = arith.addi %while3A_122, %mul3A_148 : i32
        %add3A_150 = arith.constant 0 : i32
        %add3A_151 = arith.addi %add3A_149, %add3A_150 : i32
        %lt3A = arith.cmpi slt, %add3A_151, %select_n3A : i32
        %convert_element_type3A_152 = arith.extui %lt3A : i1 to i32
        %cond3A_153 = arith.constant 0 : i32
        %cond3A_154 = arith.cmpi ne, %convert_element_type3A_152, %cond3A_153 : i32
        scf.if %cond3A_154 {
          %mul3A_167 = arith.constant 32 : i32
          %mul3A_168 = arith.muli %add3A_151, %mul3A_167 : i32
          %multiple_of3A_169 = tpu.assume_multiple %mul3A_168, 32 : i32
          %add3A_170 = arith.constant 0 : i32
          %add3A_171 = arith.addi %multiple_of3A_169, %add3A_170 : i32
          %get3A_172 = arith.index_cast %add3A_171 : i32 to index
          %get3A_173 = tpu.vector_load %arg9[%get3A_172] {strides = array<i32>} : memref<6960xi32, #tpu.memory_space<vmem>>, vector<16xi32>,
          %add3A_174 = arith.constant 0 : i32
          %add3A_175 = arith.addi %multiple_of3A_169, %add3A_174 : i32
          %get3A_176 = arith.index_cast %add3A_175 : i32 to index
          %get3A_177 = tpu.vector_load %arg10[%get3A_176] {strides = array<i32>} : memref<6960xi32, #tpu.memory_space<vmem>>, vector<16xi32>,
          %dma_wait3A = arith.constant 0 : i32
          %dma_wait3A_178 = arith.constant 0 : i32
          %dma_wait3A_179 = tpu.memref_slice %arg11[%dma_wait3A, %dma_wait3A_178] : memref<32x256xf32, #tpu.memory_space<vmem>> -> memref<16x256xf32, #tpu.memory_space<vmem>>
          %dma_wait3A_180 = arith.constant 0 : i32
          %dma_wait3A_181 = arith.constant 0 : i32
          %dma_wait3A_182 = tpu.memref_slice %arg3[%dma_wait3A_180, %dma_wait3A_181] : memref<16384x256xf32, #tpu.memory_space<hbm>> -> memref<16384x256xf32, #tpu.memory_space<hbm>>
          tpu.wait_indirect_dma semaphore(%arg20 : memref<!tpu.dma_semaphore, #tpu.memory_space<semaphore_mem>>) src(%dma_wait3A_182 : memref<16384x256xf32, #tpu.memory_space<hbm>>) dst(%dma_wait3A_179 : memref<16x256xf32, #tpu.memory_space<vmem>>)
          %dma_wait3A_183 = arith.constant 0 : i32
          %dma_wait3A_184 = arith.constant 0 : i32
          %dma_wait3A_185 = tpu.memref_slice %arg14[%dma_wait3A_183, %dma_wait3A_184] : memref<32x256xf32, #tpu.memory_space<vmem>> -> memref<16x256xf32, #tpu.memory_space<vmem>>
          %dma_wait3A_186 = arith.constant 0 : i32
          %dma_wait3A_187 = arith.constant 0 : i32
          %dma_wait3A_188 = tpu.memref_slice %arg2[%dma_wait3A_186, %dma_wait3A_187] : memref<220000x256xf32, #tpu.memory_space<hbm>> -> memref<220000x256xf32, #tpu.memory_space<hbm>>
          tpu.wait_indirect_dma semaphore(%arg20 : memref<!tpu.dma_semaphore, #tpu.memory_space<semaphore_mem>>) src(%dma_wait3A_188 : memref<220000x256xf32, #tpu.memory_space<hbm>>) dst(%dma_wait3A_185 : memref<16x256xf32, #tpu.memory_space<vmem>>)
          %add3A_189 = arith.constant 16 : i32
          %add3A_190 = arith.addi %multiple_of3A_169, %add3A_189 : i32
          %get3A_191 = arith.index_cast %add3A_190 : i32 to index
          %get3A_192 = tpu.vector_load %arg9[%get3A_191] {strides = array<i32>} : memref<6960xi32, #tpu.memory_space<vmem>>, vector<16xi32>,
          %add3A_193 = arith.constant 16 : i32
          %add3A_194 = arith.addi %multiple_of3A_169, %add3A_193 : i32
          %get3A_195 = arith.index_cast %add3A_194 : i32 to index
          %get3A_196 = tpu.vector_load %arg10[%get3A_195] {strides = array<i32>} : memref<6960xi32, #tpu.memory_space<vmem>>, vector<16xi32>,
          %dma_wait3A_197 = arith.constant 16 : i32
          %dma_wait3A_198 = arith.constant 0 : i32
          %dma_wait3A_199 = tpu.memref_slice %arg11[%dma_wait3A_197, %dma_wait3A_198] : memref<32x256xf32, #tpu.memory_space<vmem>> -> memref<16x256xf32, #tpu.memory_space<vmem>>
          %dma_wait3A_200 = arith.constant 0 : i32
          %dma_wait3A_201 = arith.constant 0 : i32
          %dma_wait3A_202 = tpu.memref_slice %arg3[%dma_wait3A_200, %dma_wait3A_201] : memref<16384x256xf32, #tpu.memory_space<hbm>> -> memref<16384x256xf32, #tpu.memory_space<hbm>>
          tpu.wait_indirect_dma semaphore(%arg20 : memref<!tpu.dma_semaphore, #tpu.memory_space<semaphore_mem>>) src(%dma_wait3A_202 : memref<16384x256xf32, #tpu.memory_space<hbm>>) dst(%dma_wait3A_199 : memref<16x256xf32, #tpu.memory_space<vmem>>)
          %dma_wait3A_203 = arith.constant 16 : i32
          %dma_wait3A_204 = arith.constant 0 : i32
          %dma_wait3A_205 = tpu.memref_slice %arg14[%dma_wait3A_203, %dma_wait3A_204] : memref<32x256xf32, #tpu.memory_space<vmem>> -> memref<16x256xf32, #tpu.memory_space<vmem>>
          %dma_wait3A_206 = arith.constant 0 : i32
          %dma_wait3A_207 = arith.constant 0 : i32
          %dma_wait3A_208 = tpu.memref_slice %arg2[%dma_wait3A_206, %dma_wait3A_207] : memref<220000x256xf32, #tpu.memory_space<hbm>> -> memref<220000x256xf32, #tpu.memory_space<hbm>>
          tpu.wait_indirect_dma semaphore(%arg20 : memref<!tpu.dma_semaphore, #tpu.memory_space<semaphore_mem>>) src(%dma_wait3A_208 : memref<220000x256xf32, #tpu.memory_space<hbm>>) dst(%dma_wait3A_205 : memref<16x256xf32, #tpu.memory_space<vmem>>)
          %ge3A = arith.constant 3 : i32
          %ge3A_209 = arith.cmpi sge, %add3A_151, %ge3A : i32
          %convert_element_type3A_210 = arith.extui %ge3A_209 : i1 to i32
          %cond3A_211 = arith.constant 0 : i32
          %cond3A_212 = arith.cmpi ne, %convert_element_type3A_210, %cond3A_211 : i32
          scf.if %cond3A_212 {
            %get3A_247 = arith.constant 0 : index
            %get3A_248 = tpu.vector_load %arg9[%get3A_247] {strides = array<i32>} : memref<6960xi32, #tpu.memory_space<vmem>>, vector<16xi32>,
            %dma_wait3A_249 = arith.constant 0 : i32
            %dma_wait3A_250 = arith.constant 0 : i32
            %dma_wait3A_251 = tpu.memref_slice %arg17[%dma_wait3A_249, %dma_wait3A_250] : memref<32x256xf32, #tpu.memory_space<vmem>> -> memref<16x256xf32, #tpu.memory_space<vmem>>
            %dma_wait3A_252 = arith.constant 0 : i32
            %dma_wait3A_253 = arith.constant 0 : i32
            %dma_wait3A_254 = tpu.memref_slice %arg5[%dma_wait3A_252, %dma_wait3A_253] : memref<220000x256xf32, #tpu.memory_space<hbm>> -> memref<220000x256xf32, #tpu.memory_space<hbm>>
            tpu.wait_indirect_dma semaphore(%arg23 : memref<!tpu.dma_semaphore, #tpu.memory_space<semaphore_mem>>) src(%dma_wait3A_251 : memref<16x256xf32, #tpu.memory_space<vmem>>) dst(%dma_wait3A_254 : memref<220000x256xf32, #tpu.memory_space<hbm>>)
            %get3A_255 = arith.constant 16 : index
            %get3A_256 = tpu.vector_load %arg9[%get3A_255] {strides = array<i32>} : memref<6960xi32, #tpu.memory_space<vmem>>, vector<16xi32>,
            %dma_wait3A_257 = arith.constant 16 : i32
            %dma_wait3A_258 = arith.constant 0 : i32
            %dma_wait3A_259 = tpu.memref_slice %arg17[%dma_wait3A_257, %dma_wait3A_258] : memref<32x256xf32, #tpu.memory_space<vmem>> -> memref<16x256xf32, #tpu.memory_space<vmem>>
            %dma_wait3A_260 = arith.constant 0 : i32
            %dma_wait3A_261 = arith.constant 0 : i32
            %dma_wait3A_262 = tpu.memref_slice %arg5[%dma_wait3A_260, %dma_wait3A_261] : memref<220000x256xf32, #tpu.memory_space<hbm>> -> memref<220000x256xf32, #tpu.memory_space<hbm>>
            tpu.wait_indirect_dma semaphore(%arg23 : memref<!tpu.dma_semaphore, #tpu.memory_space<semaphore_mem>>) src(%dma_wait3A_259 : memref<16x256xf32, #tpu.memory_space<vmem>>) dst(%dma_wait3A_262 : memref<220000x256xf32, #tpu.memory_space<hbm>>)
          } else {
          }
          %scan3A_213 = arith.constant 0 : i32
          %scan3A_214 = arith.constant 32 : i32
          %scan3A_215 = arith.addi %scan3A_213, %scan3A_214 : i32
          %scan3A_216 = arith.constant 1 : i32
          scf.for %scan3A_247 = %scan3A_213 to %scan3A_215 step %scan3A_216  : i32 {
            %mul3A_248 = arith.constant 1 : i32
            %mul3A_249 = arith.muli %scan3A_247, %mul3A_248 : i32
            %add3A_250 = arith.constant 0 : i32
            %add3A_251 = arith.addi %add3A_250, %mul3A_249 : i32
            %get3A_252 = arith.index_cast %add3A_251 : i32 to index
            %get3A_253 = arith.constant 0 : index
            %get3A_254 = tpu.vector_load %arg11[%get3A_252, %get3A_253] {strides = array<i32>} : memref<32x256xf32, #tpu.memory_space<vmem>>, vector<16xf32>,
            %get3A_255 = arith.index_cast %add3A_251 : i32 to index
            %get3A_256 = arith.constant 0 : index
            %get3A_257 = tpu.vector_load %arg14[%get3A_255, %get3A_256] {strides = array<i32>} : memref<32x256xf32, #tpu.memory_space<vmem>>, vector<16xf32>,
            %add3A_258 = arith.addf %get3A_254, %get3A_257 : vector<16xf32>
            %mul3A_259 = arith.constant 5.000000e-01 : f32
            %mul3A_260 = vector.broadcast %mul3A_259 : f32 to vector<16xf32>
            %mul3A_261 = arith.mulf %add3A_258, %mul3A_260 : vector<16xf32>
            %swap3A_262 = arith.index_cast %add3A_251 : i32 to index
            %swap3A_263 = arith.constant 0 : index
            %swap3A_264 = tpu.vector_load %arg17[%swap3A_262, %swap3A_263] {strides = array<i32>} : memref<32x256xf32, #tpu.memory_space<vmem>>, vector<16xf32>,
            tpu.vector_store %arg17[%swap3A_262, %swap3A_263], %mul3A_261 {strides = array<i32>} : memref<32x256xf32, #tpu.memory_space<vmem>>, vector<16xf32>,
            %get3A_265 = arith.index_cast %add3A_251 : i32 to index
            %get3A_266 = arith.constant 16 : index
            %get3A_267 = tpu.vector_load %arg11[%get3A_265, %get3A_266] {strides = array<i32>} : memref<32x256xf32, #tpu.memory_space<vmem>>, vector<16xf32>,
            %get3A_268 = arith.index_cast %add3A_251 : i32 to index
            %get3A_269 = arith.constant 16 : index
            %get3A_270 = tpu.vector_load %arg14[%get3A_268, %get3A_269] {strides = array<i32>} : memref<32x256xf32, #tpu.memory_space<vmem>>, vector<16xf32>,
            %add3A_271 = arith.addf %get3A_267, %get3A_270 : vector<16xf32>
            %mul3A_272 = arith.constant 5.000000e-01 : f32
            %mul3A_273 = vector.broadcast %mul3A_272 : f32 to vector<16xf32>
            %mul3A_274 = arith.mulf %add3A_271, %mul3A_273 : vector<16xf32>
            %swap3A_275 = arith.index_cast %add3A_251 : i32 to index
            %swap3A_276 = arith.constant 16 : index
            %swap3A_277 = tpu.vector_load %arg17[%swap3A_275, %swap3A_276] {strides = array<i32>} : memref<32x256xf32, #tpu.memory_space<vmem>>, vector<16xf32>,
            tpu.vector_store %arg17[%swap3A_275, %swap3A_276], %mul3A_274 {strides = array<i32>} : memref<32x256xf32, #tpu.memory_space<vmem>>, vector<16xf32>,
            %get3A_278 = arith.index_cast %add3A_251 : i32 to index
            %get3A_279 = arith.constant 32 : index
            %get3A_280 = tpu.vector_load %arg11[%get3A_278, %get3A_279] {strides = array<i32>} : memref<32x256xf32, #tpu.memory_space<vmem>>, vector<16xf32>,
            %get3A_281 = arith.index_cast %add3A_251 : i32 to index
            %get3A_282 = arith.constant 32 : index
            %get3A_283 = tpu.vector_load %arg14[%get3A_281, %get3A_282] {strides = array<i32>} : memref<32x256xf32, #tpu.memory_space<vmem>>, vector<16xf32>,
            %add3A_284 = arith.addf %get3A_280, %get3A_283 : vector<16xf32>
            %mul3A_285 = arith.constant 5.000000e-01 : f32
            %mul3A_286 = vector.broadcast %mul3A_285 : f32 to vector<16xf32>
            %mul3A_287 = arith.mulf %add3A_284, %mul3A_286 : vector<16xf32>
            %swap3A_288 = arith.index_cast %add3A_251 : i32 to index
            %swap3A_289 = arith.constant 32 : index
            %swap3A_290 = tpu.vector_load %arg17[%swap3A_288, %swap3A_289] {strides = array<i32>} : memref<32x256xf32, #tpu.memory_space<vmem>>, vector<16xf32>,
            tpu.vector_store %arg17[%swap3A_288, %swap3A_289], %mul3A_287 {strides = array<i32>} : memref<32x256xf32, #tpu.memory_space<vmem>>, vector<16xf32>,
            %get3A_291 = arith.index_cast %add3A_251 : i32 to index
            %get3A_292 = arith.constant 48 : index
            %get3A_293 = tpu.vector_load %arg11[%get3A_291, %get3A_292] {strides = array<i32>} : memref<32x256xf32, #tpu.memory_space<vmem>>, vector<16xf32>,
            %get3A_294 = arith.index_cast %add3A_251 : i32 to index
            %get3A_295 = arith.constant 48 : index
            %get3A_296 = tpu.vector_load %arg14[%get3A_294, %get3A_295] {strides = array<i32>} : memref<32x256xf32, #tpu.memory_space<vmem>>, vector<16xf32>,
            %add3A_297 = arith.addf %get3A_293, %get3A_296 : vector<16xf32>
            %mul3A_298 = arith.constant 5.000000e-01 : f32
            %mul3A_299 = vector.broadcast %mul3A_298 : f32 to vector<16xf32>
            %mul3A_300 = arith.mulf %add3A_297, %mul3A_299 : vector<16xf32>
            %swap3A_301 = arith.index_cast %add3A_251 : i32 to index
            %swap3A_302 = arith.constant 48 : index
            %swap3A_303 = tpu.vector_load %arg17[%swap3A_301, %swap3A_302] {strides = array<i32>} : memref<32x256xf32, #tpu.memory_space<vmem>>, vector<16xf32>,
            tpu.vector_store %arg17[%swap3A_301, %swap3A_302], %mul3A_300 {strides = array<i32>} : memref<32x256xf32, #tpu.memory_space<vmem>>, vector<16xf32>,
            %get3A_304 = arith.index_cast %add3A_251 : i32 to index
            %get3A_305 = arith.constant 64 : index
            %get3A_306 = tpu.vector_load %arg11[%get3A_304, %get3A_305] {strides = array<i32>} : memref<32x256xf32, #tpu.memory_space<vmem>>, vector<16xf32>,
            %get3A_307 = arith.index_cast %add3A_251 : i32 to index
            %get3A_308 = arith.constant 64 : index
            %get3A_309 = tpu.vector_load %arg14[%get3A_307, %get3A_308] {strides = array<i32>} : memref<32x256xf32, #tpu.memory_space<vmem>>, vector<16xf32>,
            %add3A_310 = arith.addf %get3A_306, %get3A_309 : vector<16xf32>
            %mul3A_311 = arith.constant 5.000000e-01 : f32
            %mul3A_312 = vector.broadcast %mul3A_311 : f32 to vector<16xf32>
            %mul3A_313 = arith.mulf %add3A_310, %mul3A_312 : vector<16xf32>
            %swap3A_314 = arith.index_cast %add3A_251 : i32 to index
            %swap3A_315 = arith.constant 64 : index
            %swap3A_316 = tpu.vector_load %arg17[%swap3A_314, %swap3A_315] {strides = array<i32>} : memref<32x256xf32, #tpu.memory_space<vmem>>, vector<16xf32>,
            tpu.vector_store %arg17[%swap3A_314, %swap3A_315], %mul3A_313 {strides = array<i32>} : memref<32x256xf32, #tpu.memory_space<vmem>>, vector<16xf32>,
            %get3A_317 = arith.index_cast %add3A_251 : i32 to index
            %get3A_318 = arith.constant 80 : index
            %get3A_319 = tpu.vector_load %arg11[%get3A_317, %get3A_318] {strides = array<i32>} : memref<32x256xf32, #tpu.memory_space<vmem>>, vector<16xf32>,
            %get3A_320 = arith.index_cast %add3A_251 : i32 to index
            %get3A_321 = arith.constant 80 : index
            %get3A_322 = tpu.vector_load %arg14[%get3A_320, %get3A_321] {strides = array<i32>} : memref<32x256xf32, #tpu.memory_space<vmem>>, vector<16xf32>,
            %add3A_323 = arith.addf %get3A_319, %get3A_322 : vector<16xf32>
            %mul3A_324 = arith.constant 5.000000e-01 : f32
            %mul3A_325 = vector.broadcast %mul3A_324 : f32 to vector<16xf32>
            %mul3A_326 = arith.mulf %add3A_323, %mul3A_325 : vector<16xf32>
            %swap3A_327 = arith.index_cast %add3A_251 : i32 to index
            %swap3A_328 = arith.constant 80 : index
            %swap3A_329 = tpu.vector_load %arg17[%swap3A_327, %swap3A_328] {strides = array<i32>} : memref<32x256xf32, #tpu.memory_space<vmem>>, vector<16xf32>,
            tpu.vector_store %arg17[%swap3A_327, %swap3A_328], %mul3A_326 {strides = array<i32>} : memref<32x256xf32, #tpu.memory_space<vmem>>, vector<16xf32>,
            %get3A_330 = arith.index_cast %add3A_251 : i32 to index
            %get3A_331 = arith.constant 96 : index
            %get3A_332 = tpu.vector_load %arg11[%get3A_330, %get3A_331] {strides = array<i32>} : memref<32x256xf32, #tpu.memory_space<vmem>>, vector<16xf32>,
            %get3A_333 = arith.index_cast %add3A_251 : i32 to index
            %get3A_334 = arith.constant 96 : index
            %get3A_335 = tpu.vector_load %arg14[%get3A_333, %get3A_334] {strides = array<i32>} : memref<32x256xf32, #tpu.memory_space<vmem>>, vector<16xf32>,
            %add3A_336 = arith.addf %get3A_332, %get3A_335 : vector<16xf32>
            %mul3A_337 = arith.constant 5.000000e-01 : f32
            %mul3A_338 = vector.broadcast %mul3A_337 : f32 to vector<16xf32>
            %mul3A_339 = arith.mulf %add3A_336, %mul3A_338 : vector<16xf32>
            %swap3A_340 = arith.index_cast %add3A_251 : i32 to index
            %swap3A_341 = arith.constant 96 : index
            %swap3A_342 = tpu.vector_load %arg17[%swap3A_340, %swap3A_341] {strides = array<i32>} : memref<32x256xf32, #tpu.memory_space<vmem>>, vector<16xf32>,
            tpu.vector_store %arg17[%swap3A_340, %swap3A_341], %mul3A_339 {strides = array<i32>} : memref<32x256xf32, #tpu.memory_space<vmem>>, vector<16xf32>,
            %get3A_343 = arith.index_cast %add3A_251 : i32 to index
            %get3A_344 = arith.constant 112 : index
            %get3A_345 = tpu.vector_load %arg11[%get3A_343, %get3A_344] {strides = array<i32>} : memref<32x256xf32, #tpu.memory_space<vmem>>, vector<16xf32>,
            %get3A_346 = arith.index_cast %add3A_251 : i32 to index
            %get3A_347 = arith.constant 112 : index
            %get3A_348 = tpu.vector_load %arg14[%get3A_346, %get3A_347] {strides = array<i32>} : memref<32x256xf32, #tpu.memory_space<vmem>>, vector<16xf32>,
            %add3A_349 = arith.addf %get3A_345, %get3A_348 : vector<16xf32>
            %mul3A_350 = arith.constant 5.000000e-01 : f32
            %mul3A_351 = vector.broadcast %mul3A_350 : f32 to vector<16xf32>
            %mul3A_352 = arith.mulf %add3A_349, %mul3A_351 : vector<16xf32>
            %swap3A_353 = arith.index_cast %add3A_251 : i32 to index
            %swap3A_354 = arith.constant 112 : index
            %swap3A_355 = tpu.vector_load %arg17[%swap3A_353, %swap3A_354] {strides = array<i32>} : memref<32x256xf32, #tpu.memory_space<vmem>>, vector<16xf32>,
            tpu.vector_store %arg17[%swap3A_353, %swap3A_354], %mul3A_352 {strides = array<i32>} : memref<32x256xf32, #tpu.memory_space<vmem>>, vector<16xf32>,
            %get3A_356 = arith.index_cast %add3A_251 : i32 to index
            %get3A_357 = arith.constant 128 : index
            %get3A_358 = tpu.vector_load %arg11[%get3A_356, %get3A_357] {strides = array<i32>} : memref<32x256xf32, #tpu.memory_space<vmem>>, vector<16xf32>,
            %get3A_359 = arith.index_cast %add3A_251 : i32 to index
            %get3A_360 = arith.constant 128 : index
            %get3A_361 = tpu.vector_load %arg14[%get3A_359, %get3A_360] {strides = array<i32>} : memref<32x256xf32, #tpu.memory_space<vmem>>, vector<16xf32>,
            %add3A_362 = arith.addf %get3A_358, %get3A_361 : vector<16xf32>
            %mul3A_363 = arith.constant 5.000000e-01 : f32
            %mul3A_364 = vector.broadcast %mul3A_363 : f32 to vector<16xf32>
            %mul3A_365 = arith.mulf %add3A_362, %mul3A_364 : vector<16xf32>
            %swap3A_366 = arith.index_cast %add3A_251 : i32 to index
            %swap3A_367 = arith.constant 128 : index
            %swap3A_368 = tpu.vector_load %arg17[%swap3A_366, %swap3A_367] {strides = array<i32>} : memref<32x256xf32, #tpu.memory_space<vmem>>, vector<16xf32>,
            tpu.vector_store %arg17[%swap3A_366, %swap3A_367], %mul3A_365 {strides = array<i32>} : memref<32x256xf32, #tpu.memory_space<vmem>>, vector<16xf32>,
            %get3A_369 = arith.index_cast %add3A_251 : i32 to index
            %get3A_370 = arith.constant 144 : index
            %get3A_371 = tpu.vector_load %arg11[%get3A_369, %get3A_370] {strides = array<i32>} : memref<32x256xf32, #tpu.memory_space<vmem>>, vector<16xf32>,
            %get3A_372 = arith.index_cast %add3A_251 : i32 to index
            %get3A_373 = arith.constant 144 : index
            %get3A_374 = tpu.vector_load %arg14[%get3A_372, %get3A_373] {strides = array<i32>} : memref<32x256xf32, #tpu.memory_space<vmem>>, vector<16xf32>,
            %add3A_375 = arith.addf %get3A_371, %get3A_374 : vector<16xf32>
            %mul3A_376 = arith.constant 5.000000e-01 : f32
            %mul3A_377 = vector.broadcast %mul3A_376 : f32 to vector<16xf32>
            %mul3A_378 = arith.mulf %add3A_375, %mul3A_377 : vector<16xf32>
            %swap3A_379 = arith.index_cast %add3A_251 : i32 to index
            %swap3A_380 = arith.constant 144 : index
            %swap3A_381 = tpu.vector_load %arg17[%swap3A_379, %swap3A_380] {strides = array<i32>} : memref<32x256xf32, #tpu.memory_space<vmem>>, vector<16xf32>,
            tpu.vector_store %arg17[%swap3A_379, %swap3A_380], %mul3A_378 {strides = array<i32>} : memref<32x256xf32, #tpu.memory_space<vmem>>, vector<16xf32>,
            %get3A_382 = arith.index_cast %add3A_251 : i32 to index
            %get3A_383 = arith.constant 160 : index
            %get3A_384 = tpu.vector_load %arg11[%get3A_382, %get3A_383] {strides = array<i32>} : memref<32x256xf32, #tpu.memory_space<vmem>>, vector<16xf32>,
            %get3A_385 = arith.index_cast %add3A_251 : i32 to index
            %get3A_386 = arith.constant 160 : index
            %get3A_387 = tpu.vector_load %arg14[%get3A_385, %get3A_386] {strides = array<i32>} : memref<32x256xf32, #tpu.memory_space<vmem>>, vector<16xf32>,
            %add3A_388 = arith.addf %get3A_384, %get3A_387 : vector<16xf32>
            %mul3A_389 = arith.constant 5.000000e-01 : f32
            %mul3A_390 = vector.broadcast %mul3A_389 : f32 to vector<16xf32>
            %mul3A_391 = arith.mulf %add3A_388, %mul3A_390 : vector<16xf32>
            %swap3A_392 = arith.index_cast %add3A_251 : i32 to index
            %swap3A_393 = arith.constant 160 : index
            %swap3A_394 = tpu.vector_load %arg17[%swap3A_392, %swap3A_393] {strides = array<i32>} : memref<32x256xf32, #tpu.memory_space<vmem>>, vector<16xf32>,
            tpu.vector_store %arg17[%swap3A_392, %swap3A_393], %mul3A_391 {strides = array<i32>} : memref<32x256xf32, #tpu.memory_space<vmem>>, vector<16xf32>,
            %get3A_395 = arith.index_cast %add3A_251 : i32 to index
            %get3A_396 = arith.constant 176 : index
            %get3A_397 = tpu.vector_load %arg11[%get3A_395, %get3A_396] {strides = array<i32>} : memref<32x256xf32, #tpu.memory_space<vmem>>, vector<16xf32>,
            %get3A_398 = arith.index_cast %add3A_251 : i32 to index
            %get3A_399 = arith.constant 176 : index
            %get3A_400 = tpu.vector_load %arg14[%get3A_398, %get3A_399] {strides = array<i32>} : memref<32x256xf32, #tpu.memory_space<vmem>>, vector<16xf32>,
            %add3A_401 = arith.addf %get3A_397, %get3A_400 : vector<16xf32>
            %mul3A_402 = arith.constant 5.000000e-01 : f32
            %mul3A_403 = vector.broadcast %mul3A_402 : f32 to vector<16xf32>
            %mul3A_404 = arith.mulf %add3A_401, %mul3A_403 : vector<16xf32>
            %swap3A_405 = arith.index_cast %add3A_251 : i32 to index
            %swap3A_406 = arith.constant 176 : index
            %swap3A_407 = tpu.vector_load %arg17[%swap3A_405, %swap3A_406] {strides = array<i32>} : memref<32x256xf32, #tpu.memory_space<vmem>>, vector<16xf32>,
            tpu.vector_store %arg17[%swap3A_405, %swap3A_406], %mul3A_404 {strides = array<i32>} : memref<32x256xf32, #tpu.memory_space<vmem>>, vector<16xf32>,
            %get3A_408 = arith.index_cast %add3A_251 : i32 to index
            %get3A_409 = arith.constant 192 : index
            %get3A_410 = tpu.vector_load %arg11[%get3A_408, %get3A_409] {strides = array<i32>} : memref<32x256xf32, #tpu.memory_space<vmem>>, vector<16xf32>,
            %get3A_411 = arith.index_cast %add3A_251 : i32 to index
            %get3A_412 = arith.constant 192 : index
            %get3A_413 = tpu.vector_load %arg14[%get3A_411, %get3A_412] {strides = array<i32>} : memref<32x256xf32, #tpu.memory_space<vmem>>, vector<16xf32>,
            %add3A_414 = arith.addf %get3A_410, %get3A_413 : vector<16xf32>
            %mul3A_415 = arith.constant 5.000000e-01 : f32
            %mul3A_416 = vector.broadcast %mul3A_415 : f32 to vector<16xf32>
            %mul3A_417 = arith.mulf %add3A_414, %mul3A_416 : vector<16xf32>
            %swap3A_418 = arith.index_cast %add3A_251 : i32 to index
            %swap3A_419 = arith.constant 192 : index
            %swap3A_420 = tpu.vector_load %arg17[%swap3A_418, %swap3A_419] {strides = array<i32>} : memref<32x256xf32, #tpu.memory_space<vmem>>, vector<16xf32>,
            tpu.vector_store %arg17[%swap3A_418, %swap3A_419], %mul3A_417 {strides = array<i32>} : memref<32x256xf32, #tpu.memory_space<vmem>>, vector<16xf32>,
            %get3A_421 = arith.index_cast %add3A_251 : i32 to index
            %get3A_422 = arith.constant 208 : index
            %get3A_423 = tpu.vector_load %arg11[%get3A_421, %get3A_422] {strides = array<i32>} : memref<32x256xf32, #tpu.memory_space<vmem>>, vector<16xf32>,
            %get3A_424 = arith.index_cast %add3A_251 : i32 to index
            %get3A_425 = arith.constant 208 : index
            %get3A_426 = tpu.vector_load %arg14[%get3A_424, %get3A_425] {strides = array<i32>} : memref<32x256xf32, #tpu.memory_space<vmem>>, vector<16xf32>,
            %add3A_427 = arith.addf %get3A_423, %get3A_426 : vector<16xf32>
            %mul3A_428 = arith.constant 5.000000e-01 : f32
            %mul3A_429 = vector.broadcast %mul3A_428 : f32 to vector<16xf32>
            %mul3A_430 = arith.mulf %add3A_427, %mul3A_429 : vector<16xf32>
            %swap3A_431 = arith.index_cast %add3A_251 : i32 to index
            %swap3A_432 = arith.constant 208 : index
            %swap3A_433 = tpu.vector_load %arg17[%swap3A_431, %swap3A_432] {strides = array<i32>} : memref<32x256xf32, #tpu.memory_space<vmem>>, vector<16xf32>,
            tpu.vector_store %arg17[%swap3A_431, %swap3A_432], %mul3A_430 {strides = array<i32>} : memref<32x256xf32, #tpu.memory_space<vmem>>, vector<16xf32>,
            %get3A_434 = arith.index_cast %add3A_251 : i32 to index
            %get3A_435 = arith.constant 224 : index
            %get3A_436 = tpu.vector_load %arg11[%get3A_434, %get3A_435] {strides = array<i32>} : memref<32x256xf32, #tpu.memory_space<vmem>>, vector<16xf32>,
            %get3A_437 = arith.index_cast %add3A_251 : i32 to index
            %get3A_438 = arith.constant 224 : index
            %get3A_439 = tpu.vector_load %arg14[%get3A_437, %get3A_438] {strides = array<i32>} : memref<32x256xf32, #tpu.memory_space<vmem>>, vector<16xf32>,
            %add3A_440 = arith.addf %get3A_436, %get3A_439 : vector<16xf32>
            %mul3A_441 = arith.constant 5.000000e-01 : f32
            %mul3A_442 = vector.broadcast %mul3A_441 : f32 to vector<16xf32>
            %mul3A_443 = arith.mulf %add3A_440, %mul3A_442 : vector<16xf32>
            %swap3A_444 = arith.index_cast %add3A_251 : i32 to index
            %swap3A_445 = arith.constant 224 : index
            %swap3A_446 = tpu.vector_load %arg17[%swap3A_444, %swap3A_445] {strides = array<i32>} : memref<32x256xf32, #tpu.memory_space<vmem>>, vector<16xf32>,
            tpu.vector_store %arg17[%swap3A_444, %swap3A_445], %mul3A_443 {strides = array<i32>} : memref<32x256xf32, #tpu.memory_space<vmem>>, vector<16xf32>,
            %get3A_447 = arith.index_cast %add3A_251 : i32 to index
            %get3A_448 = arith.constant 240 : index
            %get3A_449 = tpu.vector_load %arg11[%get3A_447, %get3A_448] {strides = array<i32>} : memref<32x256xf32, #tpu.memory_space<vmem>>, vector<16xf32>,
            %get3A_450 = arith.index_cast %add3A_251 : i32 to index
            %get3A_451 = arith.constant 240 : index
            %get3A_452 = tpu.vector_load %arg14[%get3A_450, %get3A_451] {strides = array<i32>} : memref<32x256xf32, #tpu.memory_space<vmem>>, vector<16xf32>,
            %add3A_453 = arith.addf %get3A_449, %get3A_452 : vector<16xf32>
            %mul3A_454 = arith.constant 5.000000e-01 : f32
            %mul3A_455 = vector.broadcast %mul3A_454 : f32 to vector<16xf32>
            %mul3A_456 = arith.mulf %add3A_453, %mul3A_455 : vector<16xf32>
            %swap3A_457 = arith.index_cast %add3A_251 : i32 to index
            %swap3A_458 = arith.constant 240 : index
            %swap3A_459 = tpu.vector_load %arg17[%swap3A_457, %swap3A_458] {strides = array<i32>} : memref<32x256xf32, #tpu.memory_space<vmem>>, vector<16xf32>,
            tpu.vector_store %arg17[%swap3A_457, %swap3A_458], %mul3A_456 {strides = array<i32>} : memref<32x256xf32, #tpu.memory_space<vmem>>, vector<16xf32>,
          }
          %scan3A_217 = arith.constant 32 : i32
          %mul3A_218 = arith.constant 32 : i32
          %mul3A_219 = arith.muli %add3A_151, %mul3A_218 : i32
          %multiple_of3A_220 = tpu.assume_multiple %mul3A_219, 32 : i32
          %add3A_221 = arith.constant 0 : i32
          %add3A_222 = arith.addi %multiple_of3A_220, %add3A_221 : i32
          %get3A_223 = arith.index_cast %add3A_222 : i32 to index
          %get3A_224 = tpu.vector_load %arg9[%get3A_223] {strides = array<i32>} : memref<6960xi32, #tpu.memory_space<vmem>>, vector<16xi32>,
          %dma_start3A_225 = arith.constant 0 : i32
          %dma_start3A_226 = arith.constant 0 : i32
          %dma_start3A_227 = tpu.memref_slice %arg17[%dma_start3A_225, %dma_start3A_226] : memref<32x256xf32, #tpu.memory_space<vmem>> -> memref<16x256xf32, #tpu.memory_space<vmem>>
          %dma_start3A_228 = arith.constant 0 : i32
          %dma_start3A_229 = arith.constant 0 : i32
          %dma_start3A_230 = tpu.memref_slice %arg5[%dma_start3A_228, %dma_start3A_229] : memref<220000x256xf32, #tpu.memory_space<hbm>> -> memref<220000x256xf32, #tpu.memory_space<hbm>>
          tpu.enqueue_indirect_dma source(%dma_start3A_227 : memref<16x256xf32, #tpu.memory_space<vmem>>) target(%dma_start3A_230 : memref<220000x256xf32, #tpu.memory_space<hbm>>) offsets(%get3A_224 : vector<16xi32>) semaphore(%arg23 : memref<!tpu.dma_semaphore, #tpu.memory_space<semaphore_mem>>)
          %add3A_231 = arith.constant 16 : i32
          %add3A_232 = arith.addi %multiple_of3A_220, %add3A_231 : i32
          %get3A_233 = arith.index_cast %add3A_232 : i32 to index
          %get3A_234 = tpu.vector_load %arg9[%get3A_233] {strides = array<i32>} : memref<6960xi32, #tpu.memory_space<vmem>>, vector<16xi32>,
          %dma_start3A_235 = arith.constant 16 : i32
          %dma_start3A_236 = arith.constant 0 : i32
          %dma_start3A_237 = tpu.memref_slice %arg17[%dma_start3A_235, %dma_start3A_236] : memref<32x256xf32, #tpu.memory_space<vmem>> -> memref<16x256xf32, #tpu.memory_space<vmem>>
          %dma_start3A_238 = arith.constant 0 : i32
          %dma_start3A_239 = arith.constant 0 : i32
          %dma_start3A_240 = tpu.memref_slice %arg5[%dma_start3A_238, %dma_start3A_239] : memref<220000x256xf32, #tpu.memory_space<hbm>> -> memref<220000x256xf32, #tpu.memory_space<hbm>>
          tpu.enqueue_indirect_dma source(%dma_start3A_237 : memref<16x256xf32, #tpu.memory_space<vmem>>) target(%dma_start3A_240 : memref<220000x256xf32, #tpu.memory_space<hbm>>) offsets(%get3A_234 : vector<16xi32>) semaphore(%arg23 : memref<!tpu.dma_semaphore, #tpu.memory_space<semaphore_mem>>)
          %add3A_241 = arith.constant 3 : i32
          %add3A_242 = arith.addi %add3A_151, %add3A_241 : i32
          %lt3A_243 = arith.cmpi slt, %add3A_242, %select_n3A : i32
          %convert_element_type3A_244 = arith.extui %lt3A_243 : i1 to i32
          %cond3A_245 = arith.constant 0 : i32
          %cond3A_246 = arith.cmpi ne, %convert_element_type3A_244, %cond3A_245 : i32
          scf.if %cond3A_246 {
            %add3A_247 = arith.constant 3 : i32
            %add3A_248 = arith.addi %add3A_151, %add3A_247 : i32
            %mul3A_249 = arith.constant 32 : i32
            %mul3A_250 = arith.muli %add3A_248, %mul3A_249 : i32
            %multiple_of3A_251 = tpu.assume_multiple %mul3A_250, 32 : i32
            %add3A_252 = arith.constant 0 : i32
            %add3A_253 = arith.addi %multiple_of3A_251, %add3A_252 : i32
            %get3A_254 = arith.index_cast %add3A_253 : i32 to index
            %get3A_255 = tpu.vector_load %arg9[%get3A_254] {strides = array<i32>} : memref<6960xi32, #tpu.memory_space<vmem>>, vector<16xi32>,
            %add3A_256 = arith.constant 0 : i32
            %add3A_257 = arith.addi %multiple_of3A_251, %add3A_256 : i32
            %get3A_258 = arith.index_cast %add3A_257 : i32 to index
            %get3A_259 = tpu.vector_load %arg10[%get3A_258] {strides = array<i32>} : memref<6960xi32, #tpu.memory_space<vmem>>, vector<16xi32>,
            %dma_start3A_260 = arith.constant 0 : i32
            %dma_start3A_261 = arith.constant 0 : i32
            %dma_start3A_262 = tpu.memref_slice %arg11[%dma_start3A_260, %dma_start3A_261] : memref<32x256xf32, #tpu.memory_space<vmem>> -> memref<16x256xf32, #tpu.memory_space<vmem>>
            %dma_start3A_263 = arith.constant 0 : i32
            %dma_start3A_264 = arith.constant 0 : i32
            %dma_start3A_265 = tpu.memref_slice %arg3[%dma_start3A_263, %dma_start3A_264] : memref<16384x256xf32, #tpu.memory_space<hbm>> -> memref<16384x256xf32, #tpu.memory_space<hbm>>
            tpu.enqueue_indirect_dma source(%dma_start3A_265 : memref<16384x256xf32, #tpu.memory_space<hbm>>) target(%dma_start3A_262 : memref<16x256xf32, #tpu.memory_space<vmem>>) offsets(%get3A_259 : vector<16xi32>) semaphore(%arg20 : memref<!tpu.dma_semaphore, #tpu.memory_space<semaphore_mem>>)
            %dma_start3A_266 = arith.constant 0 : i32
            %dma_start3A_267 = arith.constant 0 : i32
            %dma_start3A_268 = tpu.memref_slice %arg14[%dma_start3A_266, %dma_start3A_267] : memref<32x256xf32, #tpu.memory_space<vmem>> -> memref<16x256xf32, #tpu.memory_space<vmem>>
            %dma_start3A_269 = arith.constant 0 : i32
            %dma_start3A_270 = arith.constant 0 : i32
            %dma_start3A_271 = tpu.memref_slice %arg2[%dma_start3A_269, %dma_start3A_270] : memref<220000x256xf32, #tpu.memory_space<hbm>> -> memref<220000x256xf32, #tpu.memory_space<hbm>>
            tpu.enqueue_indirect_dma source(%dma_start3A_271 : memref<220000x256xf32, #tpu.memory_space<hbm>>) target(%dma_start3A_268 : memref<16x256xf32, #tpu.memory_space<vmem>>) offsets(%get3A_255 : vector<16xi32>) semaphore(%arg20 : memref<!tpu.dma_semaphore, #tpu.memory_space<semaphore_mem>>)
            %add3A_272 = arith.constant 16 : i32
            %add3A_273 = arith.addi %multiple_of3A_251, %add3A_272 : i32
            %get3A_274 = arith.index_cast %add3A_273 : i32 to index
            %get3A_275 = tpu.vector_load %arg9[%get3A_274] {strides = array<i32>} : memref<6960xi32, #tpu.memory_space<vmem>>, vector<16xi32>,
            %add3A_276 = arith.constant 16 : i32
            %add3A_277 = arith.addi %multiple_of3A_251, %add3A_276 : i32
            %get3A_278 = arith.index_cast %add3A_277 : i32 to index
            %get3A_279 = tpu.vector_load %arg10[%get3A_278] {strides = array<i32>} : memref<6960xi32, #tpu.memory_space<vmem>>, vector<16xi32>,
            %dma_start3A_280 = arith.constant 16 : i32
            %dma_start3A_281 = arith.constant 0 : i32
            %dma_start3A_282 = tpu.memref_slice %arg11[%dma_start3A_280, %dma_start3A_281] : memref<32x256xf32, #tpu.memory_space<vmem>> -> memref<16x256xf32, #tpu.memory_space<vmem>>
            %dma_start3A_283 = arith.constant 0 : i32
            %dma_start3A_284 = arith.constant 0 : i32
            %dma_start3A_285 = tpu.memref_slice %arg3[%dma_start3A_283, %dma_start3A_284] : memref<16384x256xf32, #tpu.memory_space<hbm>> -> memref<16384x256xf32, #tpu.memory_space<hbm>>
            tpu.enqueue_indirect_dma source(%dma_start3A_285 : memref<16384x256xf32, #tpu.memory_space<hbm>>) target(%dma_start3A_282 : memref<16x256xf32, #tpu.memory_space<vmem>>) offsets(%get3A_279 : vector<16xi32>) semaphore(%arg20 : memref<!tpu.dma_semaphore, #tpu.memory_space<semaphore_mem>>)
            %dma_start3A_286 = arith.constant 16 : i32
            %dma_start3A_287 = arith.constant 0 : i32
            %dma_start3A_288 = tpu.memref_slice %arg14[%dma_start3A_286, %dma_start3A_287] : memref<32x256xf32, #tpu.memory_space<vmem>> -> memref<16x256xf32, #tpu.memory_space<vmem>>
            %dma_start3A_289 = arith.constant 0 : i32
            %dma_start3A_290 = arith.constant 0 : i32
            %dma_start3A_291 = tpu.memref_slice %arg2[%dma_start3A_289, %dma_start3A_290] : memref<220000x256xf32, #tpu.memory_space<hbm>> -> memref<220000x256xf32, #tpu.memory_space<hbm>>
            tpu.enqueue_indirect_dma source(%dma_start3A_291 : memref<220000x256xf32, #tpu.memory_space<hbm>>) target(%dma_start3A_288 : memref<16x256xf32, #tpu.memory_space<vmem>>) offsets(%get3A_275 : vector<16xi32>) semaphore(%arg20 : memref<!tpu.dma_semaphore, #tpu.memory_space<semaphore_mem>>)
          } else {
          }
        } else {
        }
        %add3A_155 = arith.constant 1 : i32
        %add3A_156 = arith.addi %add3A_149, %add3A_155 : i32
        %lt3A_157 = arith.cmpi slt, %add3A_156, %select_n3A : i32
        %convert_element_type3A_158 = arith.extui %lt3A_157 : i1 to i32
        %cond3A_159 = arith.constant 0 : i32
        %cond3A_160 = arith.cmpi ne, %convert_element_type3A_158, %cond3A_159 : i32
        scf.if %cond3A_160 {
          %mul3A_167 = arith.constant 32 : i32
          %mul3A_168 = arith.muli %add3A_156, %mul3A_167 : i32
          %multiple_of3A_169 = tpu.assume_multiple %mul3A_168, 32 : i32
          %add3A_170 = arith.constant 0 : i32
          %add3A_171 = arith.addi %multiple_of3A_169, %add3A_170 : i32
          %get3A_172 = arith.index_cast %add3A_171 : i32 to index
          %get3A_173 = tpu.vector_load %arg9[%get3A_172] {strides = array<i32>} : memref<6960xi32, #tpu.memory_space<vmem>>, vector<16xi32>,
          %add3A_174 = arith.constant 0 : i32
          %add3A_175 = arith.addi %multiple_of3A_169, %add3A_174 : i32
          %get3A_176 = arith.index_cast %add3A_175 : i32 to index
          %get3A_177 = tpu.vector_load %arg10[%get3A_176] {strides = array<i32>} : memref<6960xi32, #tpu.memory_space<vmem>>, vector<16xi32>,
          %dma_wait3A = arith.constant 0 : i32
          %dma_wait3A_178 = arith.constant 0 : i32
          %dma_wait3A_179 = tpu.memref_slice %arg12[%dma_wait3A, %dma_wait3A_178] : memref<32x256xf32, #tpu.memory_space<vmem>> -> memref<16x256xf32, #tpu.memory_space<vmem>>
          %dma_wait3A_180 = arith.constant 0 : i32
          %dma_wait3A_181 = arith.constant 0 : i32
          %dma_wait3A_182 = tpu.memref_slice %arg3[%dma_wait3A_180, %dma_wait3A_181] : memref<16384x256xf32, #tpu.memory_space<hbm>> -> memref<16384x256xf32, #tpu.memory_space<hbm>>
          tpu.wait_indirect_dma semaphore(%arg21 : memref<!tpu.dma_semaphore, #tpu.memory_space<semaphore_mem>>) src(%dma_wait3A_182 : memref<16384x256xf32, #tpu.memory_space<hbm>>) dst(%dma_wait3A_179 : memref<16x256xf32, #tpu.memory_space<vmem>>)
          %dma_wait3A_183 = arith.constant 0 : i32
          %dma_wait3A_184 = arith.constant 0 : i32
          %dma_wait3A_185 = tpu.memref_slice %arg15[%dma_wait3A_183, %dma_wait3A_184] : memref<32x256xf32, #tpu.memory_space<vmem>> -> memref<16x256xf32, #tpu.memory_space<vmem>>
          %dma_wait3A_186 = arith.constant 0 : i32
          %dma_wait3A_187 = arith.constant 0 : i32
          %dma_wait3A_188 = tpu.memref_slice %arg2[%dma_wait3A_186, %dma_wait3A_187] : memref<220000x256xf32, #tpu.memory_space<hbm>> -> memref<220000x256xf32, #tpu.memory_space<hbm>>
          tpu.wait_indirect_dma semaphore(%arg21 : memref<!tpu.dma_semaphore, #tpu.memory_space<semaphore_mem>>) src(%dma_wait3A_188 : memref<220000x256xf32, #tpu.memory_space<hbm>>) dst(%dma_wait3A_185 : memref<16x256xf32, #tpu.memory_space<vmem>>)
          %add3A_189 = arith.constant 16 : i32
          %add3A_190 = arith.addi %multiple_of3A_169, %add3A_189 : i32
          %get3A_191 = arith.index_cast %add3A_190 : i32 to index
          %get3A_192 = tpu.vector_load %arg9[%get3A_191] {strides = array<i32>} : memref<6960xi32, #tpu.memory_space<vmem>>, vector<16xi32>,
          %add3A_193 = arith.constant 16 : i32
          %add3A_194 = arith.addi %multiple_of3A_169, %add3A_193 : i32
          %get3A_195 = arith.index_cast %add3A_194 : i32 to index
          %get3A_196 = tpu.vector_load %arg10[%get3A_195] {strides = array<i32>} : memref<6960xi32, #tpu.memory_space<vmem>>, vector<16xi32>,
          %dma_wait3A_197 = arith.constant 16 : i32
          %dma_wait3A_198 = arith.constant 0 : i32
          %dma_wait3A_199 = tpu.memref_slice %arg12[%dma_wait3A_197, %dma_wait3A_198] : memref<32x256xf32, #tpu.memory_space<vmem>> -> memref<16x256xf32, #tpu.memory_space<vmem>>
          %dma_wait3A_200 = arith.constant 0 : i32
          %dma_wait3A_201 = arith.constant 0 : i32
          %dma_wait3A_202 = tpu.memref_slice %arg3[%dma_wait3A_200, %dma_wait3A_201] : memref<16384x256xf32, #tpu.memory_space<hbm>> -> memref<16384x256xf32, #tpu.memory_space<hbm>>
          tpu.wait_indirect_dma semaphore(%arg21 : memref<!tpu.dma_semaphore, #tpu.memory_space<semaphore_mem>>) src(%dma_wait3A_202 : memref<16384x256xf32, #tpu.memory_space<hbm>>) dst(%dma_wait3A_199 : memref<16x256xf32, #tpu.memory_space<vmem>>)
          %dma_wait3A_203 = arith.constant 16 : i32
          %dma_wait3A_204 = arith.constant 0 : i32
          %dma_wait3A_205 = tpu.memref_slice %arg15[%dma_wait3A_203, %dma_wait3A_204] : memref<32x256xf32, #tpu.memory_space<vmem>> -> memref<16x256xf32, #tpu.memory_space<vmem>>
          %dma_wait3A_206 = arith.constant 0 : i32
          %dma_wait3A_207 = arith.constant 0 : i32
          %dma_wait3A_208 = tpu.memref_slice %arg2[%dma_wait3A_206, %dma_wait3A_207] : memref<220000x256xf32, #tpu.memory_space<hbm>> -> memref<220000x256xf32, #tpu.memory_space<hbm>>
          tpu.wait_indirect_dma semaphore(%arg21 : memref<!tpu.dma_semaphore, #tpu.memory_space<semaphore_mem>>) src(%dma_wait3A_208 : memref<220000x256xf32, #tpu.memory_space<hbm>>) dst(%dma_wait3A_205 : memref<16x256xf32, #tpu.memory_space<vmem>>)
          %ge3A = arith.constant 3 : i32
          %ge3A_209 = arith.cmpi sge, %add3A_156, %ge3A : i32
          %convert_element_type3A_210 = arith.extui %ge3A_209 : i1 to i32
          %cond3A_211 = arith.constant 0 : i32
          %cond3A_212 = arith.cmpi ne, %convert_element_type3A_210, %cond3A_211 : i32
          scf.if %cond3A_212 {
            %get3A_247 = arith.constant 0 : index
            %get3A_248 = tpu.vector_load %arg9[%get3A_247] {strides = array<i32>} : memref<6960xi32, #tpu.memory_space<vmem>>, vector<16xi32>,
            %dma_wait3A_249 = arith.constant 0 : i32
            %dma_wait3A_250 = arith.constant 0 : i32
            %dma_wait3A_251 = tpu.memref_slice %arg18[%dma_wait3A_249, %dma_wait3A_250] : memref<32x256xf32, #tpu.memory_space<vmem>> -> memref<16x256xf32, #tpu.memory_space<vmem>>
            %dma_wait3A_252 = arith.constant 0 : i32
            %dma_wait3A_253 = arith.constant 0 : i32
            %dma_wait3A_254 = tpu.memref_slice %arg5[%dma_wait3A_252, %dma_wait3A_253] : memref<220000x256xf32, #tpu.memory_space<hbm>> -> memref<220000x256xf32, #tpu.memory_space<hbm>>
            tpu.wait_indirect_dma semaphore(%arg24 : memref<!tpu.dma_semaphore, #tpu.memory_space<semaphore_mem>>) src(%dma_wait3A_251 : memref<16x256xf32, #tpu.memory_space<vmem>>) dst(%dma_wait3A_254 : memref<220000x256xf32, #tpu.memory_space<hbm>>)
            %get3A_255 = arith.constant 16 : index
            %get3A_256 = tpu.vector_load %arg9[%get3A_255] {strides = array<i32>} : memref<6960xi32, #tpu.memory_space<vmem>>, vector<16xi32>,
            %dma_wait3A_257 = arith.constant 16 : i32
            %dma_wait3A_258 = arith.constant 0 : i32
            %dma_wait3A_259 = tpu.memref_slice %arg18[%dma_wait3A_257, %dma_wait3A_258] : memref<32x256xf32, #tpu.memory_space<vmem>> -> memref<16x256xf32, #tpu.memory_space<vmem>>
            %dma_wait3A_260 = arith.constant 0 : i32
            %dma_wait3A_261 = arith.constant 0 : i32
            %dma_wait3A_262 = tpu.memref_slice %arg5[%dma_wait3A_260, %dma_wait3A_261] : memref<220000x256xf32, #tpu.memory_space<hbm>> -> memref<220000x256xf32, #tpu.memory_space<hbm>>
            tpu.wait_indirect_dma semaphore(%arg24 : memref<!tpu.dma_semaphore, #tpu.memory_space<semaphore_mem>>) src(%dma_wait3A_259 : memref<16x256xf32, #tpu.memory_space<vmem>>) dst(%dma_wait3A_262 : memref<220000x256xf32, #tpu.memory_space<hbm>>)
          } else {
          }
          %scan3A_213 = arith.constant 0 : i32
          %scan3A_214 = arith.constant 32 : i32
          %scan3A_215 = arith.addi %scan3A_213, %scan3A_214 : i32
          %scan3A_216 = arith.constant 1 : i32
          scf.for %scan3A_247 = %scan3A_213 to %scan3A_215 step %scan3A_216  : i32 {
            %mul3A_248 = arith.constant 1 : i32
            %mul3A_249 = arith.muli %scan3A_247, %mul3A_248 : i32
            %add3A_250 = arith.constant 0 : i32
            %add3A_251 = arith.addi %add3A_250, %mul3A_249 : i32
            %get3A_252 = arith.index_cast %add3A_251 : i32 to index
            %get3A_253 = arith.constant 0 : index
            %get3A_254 = tpu.vector_load %arg12[%get3A_252, %get3A_253] {strides = array<i32>} : memref<32x256xf32, #tpu.memory_space<vmem>>, vector<16xf32>,
            %get3A_255 = arith.index_cast %add3A_251 : i32 to index
            %get3A_256 = arith.constant 0 : index
            %get3A_257 = tpu.vector_load %arg15[%get3A_255, %get3A_256] {strides = array<i32>} : memref<32x256xf32, #tpu.memory_space<vmem>>, vector<16xf32>,
            %add3A_258 = arith.addf %get3A_254, %get3A_257 : vector<16xf32>
            %mul3A_259 = arith.constant 5.000000e-01 : f32
            %mul3A_260 = vector.broadcast %mul3A_259 : f32 to vector<16xf32>
            %mul3A_261 = arith.mulf %add3A_258, %mul3A_260 : vector<16xf32>
            %swap3A_262 = arith.index_cast %add3A_251 : i32 to index
            %swap3A_263 = arith.constant 0 : index
            %swap3A_264 = tpu.vector_load %arg18[%swap3A_262, %swap3A_263] {strides = array<i32>} : memref<32x256xf32, #tpu.memory_space<vmem>>, vector<16xf32>,
            tpu.vector_store %arg18[%swap3A_262, %swap3A_263], %mul3A_261 {strides = array<i32>} : memref<32x256xf32, #tpu.memory_space<vmem>>, vector<16xf32>,
            %get3A_265 = arith.index_cast %add3A_251 : i32 to index
            %get3A_266 = arith.constant 16 : index
            %get3A_267 = tpu.vector_load %arg12[%get3A_265, %get3A_266] {strides = array<i32>} : memref<32x256xf32, #tpu.memory_space<vmem>>, vector<16xf32>,
            %get3A_268 = arith.index_cast %add3A_251 : i32 to index
            %get3A_269 = arith.constant 16 : index
            %get3A_270 = tpu.vector_load %arg15[%get3A_268, %get3A_269] {strides = array<i32>} : memref<32x256xf32, #tpu.memory_space<vmem>>, vector<16xf32>,
            %add3A_271 = arith.addf %get3A_267, %get3A_270 : vector<16xf32>
            %mul3A_272 = arith.constant 5.000000e-01 : f32
            %mul3A_273 = vector.broadcast %mul3A_272 : f32 to vector<16xf32>
            %mul3A_274 = arith.mulf %add3A_271, %mul3A_273 : vector<16xf32>
            %swap3A_275 = arith.index_cast %add3A_251 : i32 to index
            %swap3A_276 = arith.constant 16 : index
            %swap3A_277 = tpu.vector_load %arg18[%swap3A_275, %swap3A_276] {strides = array<i32>} : memref<32x256xf32, #tpu.memory_space<vmem>>, vector<16xf32>,
            tpu.vector_store %arg18[%swap3A_275, %swap3A_276], %mul3A_274 {strides = array<i32>} : memref<32x256xf32, #tpu.memory_space<vmem>>, vector<16xf32>,
            %get3A_278 = arith.index_cast %add3A_251 : i32 to index
            %get3A_279 = arith.constant 32 : index
            %get3A_280 = tpu.vector_load %arg12[%get3A_278, %get3A_279] {strides = array<i32>} : memref<32x256xf32, #tpu.memory_space<vmem>>, vector<16xf32>,
            %get3A_281 = arith.index_cast %add3A_251 : i32 to index
            %get3A_282 = arith.constant 32 : index
            %get3A_283 = tpu.vector_load %arg15[%get3A_281, %get3A_282] {strides = array<i32>} : memref<32x256xf32, #tpu.memory_space<vmem>>, vector<16xf32>,
            %add3A_284 = arith.addf %get3A_280, %get3A_283 : vector<16xf32>
            %mul3A_285 = arith.constant 5.000000e-01 : f32
            %mul3A_286 = vector.broadcast %mul3A_285 : f32 to vector<16xf32>
            %mul3A_287 = arith.mulf %add3A_284, %mul3A_286 : vector<16xf32>
            %swap3A_288 = arith.index_cast %add3A_251 : i32 to index
            %swap3A_289 = arith.constant 32 : index
            %swap3A_290 = tpu.vector_load %arg18[%swap3A_288, %swap3A_289] {strides = array<i32>} : memref<32x256xf32, #tpu.memory_space<vmem>>, vector<16xf32>,
            tpu.vector_store %arg18[%swap3A_288, %swap3A_289], %mul3A_287 {strides = array<i32>} : memref<32x256xf32, #tpu.memory_space<vmem>>, vector<16xf32>,
            %get3A_291 = arith.index_cast %add3A_251 : i32 to index
            %get3A_292 = arith.constant 48 : index
            %get3A_293 = tpu.vector_load %arg12[%get3A_291, %get3A_292] {strides = array<i32>} : memref<32x256xf32, #tpu.memory_space<vmem>>, vector<16xf32>,
            %get3A_294 = arith.index_cast %add3A_251 : i32 to index
            %get3A_295 = arith.constant 48 : index
            %get3A_296 = tpu.vector_load %arg15[%get3A_294, %get3A_295] {strides = array<i32>} : memref<32x256xf32, #tpu.memory_space<vmem>>, vector<16xf32>,
            %add3A_297 = arith.addf %get3A_293, %get3A_296 : vector<16xf32>
            %mul3A_298 = arith.constant 5.000000e-01 : f32
            %mul3A_299 = vector.broadcast %mul3A_298 : f32 to vector<16xf32>
            %mul3A_300 = arith.mulf %add3A_297, %mul3A_299 : vector<16xf32>
            %swap3A_301 = arith.index_cast %add3A_251 : i32 to index
            %swap3A_302 = arith.constant 48 : index
            %swap3A_303 = tpu.vector_load %arg18[%swap3A_301, %swap3A_302] {strides = array<i32>} : memref<32x256xf32, #tpu.memory_space<vmem>>, vector<16xf32>,
            tpu.vector_store %arg18[%swap3A_301, %swap3A_302], %mul3A_300 {strides = array<i32>} : memref<32x256xf32, #tpu.memory_space<vmem>>, vector<16xf32>,
            %get3A_304 = arith.index_cast %add3A_251 : i32 to index
            %get3A_305 = arith.constant 64 : index
            %get3A_306 = tpu.vector_load %arg12[%get3A_304, %get3A_305] {strides = array<i32>} : memref<32x256xf32, #tpu.memory_space<vmem>>, vector<16xf32>,
            %get3A_307 = arith.index_cast %add3A_251 : i32 to index
            %get3A_308 = arith.constant 64 : index
            %get3A_309 = tpu.vector_load %arg15[%get3A_307, %get3A_308] {strides = array<i32>} : memref<32x256xf32, #tpu.memory_space<vmem>>, vector<16xf32>,
            %add3A_310 = arith.addf %get3A_306, %get3A_309 : vector<16xf32>
            %mul3A_311 = arith.constant 5.000000e-01 : f32
            %mul3A_312 = vector.broadcast %mul3A_311 : f32 to vector<16xf32>
            %mul3A_313 = arith.mulf %add3A_310, %mul3A_312 : vector<16xf32>
            %swap3A_314 = arith.index_cast %add3A_251 : i32 to index
            %swap3A_315 = arith.constant 64 : index
            %swap3A_316 = tpu.vector_load %arg18[%swap3A_314, %swap3A_315] {strides = array<i32>} : memref<32x256xf32, #tpu.memory_space<vmem>>, vector<16xf32>,
            tpu.vector_store %arg18[%swap3A_314, %swap3A_315], %mul3A_313 {strides = array<i32>} : memref<32x256xf32, #tpu.memory_space<vmem>>, vector<16xf32>,
            %get3A_317 = arith.index_cast %add3A_251 : i32 to index
            %get3A_318 = arith.constant 80 : index
            %get3A_319 = tpu.vector_load %arg12[%get3A_317, %get3A_318] {strides = array<i32>} : memref<32x256xf32, #tpu.memory_space<vmem>>, vector<16xf32>,
            %get3A_320 = arith.index_cast %add3A_251 : i32 to index
            %get3A_321 = arith.constant 80 : index
            %get3A_322 = tpu.vector_load %arg15[%get3A_320, %get3A_321] {strides = array<i32>} : memref<32x256xf32, #tpu.memory_space<vmem>>, vector<16xf32>,
            %add3A_323 = arith.addf %get3A_319, %get3A_322 : vector<16xf32>
            %mul3A_324 = arith.constant 5.000000e-01 : f32
            %mul3A_325 = vector.broadcast %mul3A_324 : f32 to vector<16xf32>
            %mul3A_326 = arith.mulf %add3A_323, %mul3A_325 : vector<16xf32>
            %swap3A_327 = arith.index_cast %add3A_251 : i32 to index
            %swap3A_328 = arith.constant 80 : index
            %swap3A_329 = tpu.vector_load %arg18[%swap3A_327, %swap3A_328] {strides = array<i32>} : memref<32x256xf32, #tpu.memory_space<vmem>>, vector<16xf32>,
            tpu.vector_store %arg18[%swap3A_327, %swap3A_328], %mul3A_326 {strides = array<i32>} : memref<32x256xf32, #tpu.memory_space<vmem>>, vector<16xf32>,
            %get3A_330 = arith.index_cast %add3A_251 : i32 to index
            %get3A_331 = arith.constant 96 : index
            %get3A_332 = tpu.vector_load %arg12[%get3A_330, %get3A_331] {strides = array<i32>} : memref<32x256xf32, #tpu.memory_space<vmem>>, vector<16xf32>,
            %get3A_333 = arith.index_cast %add3A_251 : i32 to index
            %get3A_334 = arith.constant 96 : index
            %get3A_335 = tpu.vector_load %arg15[%get3A_333, %get3A_334] {strides = array<i32>} : memref<32x256xf32, #tpu.memory_space<vmem>>, vector<16xf32>,
            %add3A_336 = arith.addf %get3A_332, %get3A_335 : vector<16xf32>
            %mul3A_337 = arith.constant 5.000000e-01 : f32
            %mul3A_338 = vector.broadcast %mul3A_337 : f32 to vector<16xf32>
            %mul3A_339 = arith.mulf %add3A_336, %mul3A_338 : vector<16xf32>
            %swap3A_340 = arith.index_cast %add3A_251 : i32 to index
            %swap3A_341 = arith.constant 96 : index
            %swap3A_342 = tpu.vector_load %arg18[%swap3A_340, %swap3A_341] {strides = array<i32>} : memref<32x256xf32, #tpu.memory_space<vmem>>, vector<16xf32>,
            tpu.vector_store %arg18[%swap3A_340, %swap3A_341], %mul3A_339 {strides = array<i32>} : memref<32x256xf32, #tpu.memory_space<vmem>>, vector<16xf32>,
            %get3A_343 = arith.index_cast %add3A_251 : i32 to index
            %get3A_344 = arith.constant 112 : index
            %get3A_345 = tpu.vector_load %arg12[%get3A_343, %get3A_344] {strides = array<i32>} : memref<32x256xf32, #tpu.memory_space<vmem>>, vector<16xf32>,
            %get3A_346 = arith.index_cast %add3A_251 : i32 to index
            %get3A_347 = arith.constant 112 : index
            %get3A_348 = tpu.vector_load %arg15[%get3A_346, %get3A_347] {strides = array<i32>} : memref<32x256xf32, #tpu.memory_space<vmem>>, vector<16xf32>,
            %add3A_349 = arith.addf %get3A_345, %get3A_348 : vector<16xf32>
            %mul3A_350 = arith.constant 5.000000e-01 : f32
            %mul3A_351 = vector.broadcast %mul3A_350 : f32 to vector<16xf32>
            %mul3A_352 = arith.mulf %add3A_349, %mul3A_351 : vector<16xf32>
            %swap3A_353 = arith.index_cast %add3A_251 : i32 to index
            %swap3A_354 = arith.constant 112 : index
            %swap3A_355 = tpu.vector_load %arg18[%swap3A_353, %swap3A_354] {strides = array<i32>} : memref<32x256xf32, #tpu.memory_space<vmem>>, vector<16xf32>,
            tpu.vector_store %arg18[%swap3A_353, %swap3A_354], %mul3A_352 {strides = array<i32>} : memref<32x256xf32, #tpu.memory_space<vmem>>, vector<16xf32>,
            %get3A_356 = arith.index_cast %add3A_251 : i32 to index
            %get3A_357 = arith.constant 128 : index
            %get3A_358 = tpu.vector_load %arg12[%get3A_356, %get3A_357] {strides = array<i32>} : memref<32x256xf32, #tpu.memory_space<vmem>>, vector<16xf32>,
            %get3A_359 = arith.index_cast %add3A_251 : i32 to index
            %get3A_360 = arith.constant 128 : index
            %get3A_361 = tpu.vector_load %arg15[%get3A_359, %get3A_360] {strides = array<i32>} : memref<32x256xf32, #tpu.memory_space<vmem>>, vector<16xf32>,
            %add3A_362 = arith.addf %get3A_358, %get3A_361 : vector<16xf32>
            %mul3A_363 = arith.constant 5.000000e-01 : f32
            %mul3A_364 = vector.broadcast %mul3A_363 : f32 to vector<16xf32>
            %mul3A_365 = arith.mulf %add3A_362, %mul3A_364 : vector<16xf32>
            %swap3A_366 = arith.index_cast %add3A_251 : i32 to index
            %swap3A_367 = arith.constant 128 : index
            %swap3A_368 = tpu.vector_load %arg18[%swap3A_366, %swap3A_367] {strides = array<i32>} : memref<32x256xf32, #tpu.memory_space<vmem>>, vector<16xf32>,
            tpu.vector_store %arg18[%swap3A_366, %swap3A_367], %mul3A_365 {strides = array<i32>} : memref<32x256xf32, #tpu.memory_space<vmem>>, vector<16xf32>,
            %get3A_369 = arith.index_cast %add3A_251 : i32 to index
            %get3A_370 = arith.constant 144 : index
            %get3A_371 = tpu.vector_load %arg12[%get3A_369, %get3A_370] {strides = array<i32>} : memref<32x256xf32, #tpu.memory_space<vmem>>, vector<16xf32>,
            %get3A_372 = arith.index_cast %add3A_251 : i32 to index
            %get3A_373 = arith.constant 144 : index
            %get3A_374 = tpu.vector_load %arg15[%get3A_372, %get3A_373] {strides = array<i32>} : memref<32x256xf32, #tpu.memory_space<vmem>>, vector<16xf32>,
            %add3A_375 = arith.addf %get3A_371, %get3A_374 : vector<16xf32>
            %mul3A_376 = arith.constant 5.000000e-01 : f32
            %mul3A_377 = vector.broadcast %mul3A_376 : f32 to vector<16xf32>
            %mul3A_378 = arith.mulf %add3A_375, %mul3A_377 : vector<16xf32>
            %swap3A_379 = arith.index_cast %add3A_251 : i32 to index
            %swap3A_380 = arith.constant 144 : index
            %swap3A_381 = tpu.vector_load %arg18[%swap3A_379, %swap3A_380] {strides = array<i32>} : memref<32x256xf32, #tpu.memory_space<vmem>>, vector<16xf32>,
            tpu.vector_store %arg18[%swap3A_379, %swap3A_380], %mul3A_378 {strides = array<i32>} : memref<32x256xf32, #tpu.memory_space<vmem>>, vector<16xf32>,
            %get3A_382 = arith.index_cast %add3A_251 : i32 to index
            %get3A_383 = arith.constant 160 : index
            %get3A_384 = tpu.vector_load %arg12[%get3A_382, %get3A_383] {strides = array<i32>} : memref<32x256xf32, #tpu.memory_space<vmem>>, vector<16xf32>,
            %get3A_385 = arith.index_cast %add3A_251 : i32 to index
            %get3A_386 = arith.constant 160 : index
            %get3A_387 = tpu.vector_load %arg15[%get3A_385, %get3A_386] {strides = array<i32>} : memref<32x256xf32, #tpu.memory_space<vmem>>, vector<16xf32>,
            %add3A_388 = arith.addf %get3A_384, %get3A_387 : vector<16xf32>
            %mul3A_389 = arith.constant 5.000000e-01 : f32
            %mul3A_390 = vector.broadcast %mul3A_389 : f32 to vector<16xf32>
            %mul3A_391 = arith.mulf %add3A_388, %mul3A_390 : vector<16xf32>
            %swap3A_392 = arith.index_cast %add3A_251 : i32 to index
            %swap3A_393 = arith.constant 160 : index
            %swap3A_394 = tpu.vector_load %arg18[%swap3A_392, %swap3A_393] {strides = array<i32>} : memref<32x256xf32, #tpu.memory_space<vmem>>, vector<16xf32>,
            tpu.vector_store %arg18[%swap3A_392, %swap3A_393], %mul3A_391 {strides = array<i32>} : memref<32x256xf32, #tpu.memory_space<vmem>>, vector<16xf32>,
            %get3A_395 = arith.index_cast %add3A_251 : i32 to index
            %get3A_396 = arith.constant 176 : index
            %get3A_397 = tpu.vector_load %arg12[%get3A_395, %get3A_396] {strides = array<i32>} : memref<32x256xf32, #tpu.memory_space<vmem>>, vector<16xf32>,
            %get3A_398 = arith.index_cast %add3A_251 : i32 to index
            %get3A_399 = arith.constant 176 : index
            %get3A_400 = tpu.vector_load %arg15[%get3A_398, %get3A_399] {strides = array<i32>} : memref<32x256xf32, #tpu.memory_space<vmem>>, vector<16xf32>,
            %add3A_401 = arith.addf %get3A_397, %get3A_400 : vector<16xf32>
            %mul3A_402 = arith.constant 5.000000e-01 : f32
            %mul3A_403 = vector.broadcast %mul3A_402 : f32 to vector<16xf32>
            %mul3A_404 = arith.mulf %add3A_401, %mul3A_403 : vector<16xf32>
            %swap3A_405 = arith.index_cast %add3A_251 : i32 to index
            %swap3A_406 = arith.constant 176 : index
            %swap3A_407 = tpu.vector_load %arg18[%swap3A_405, %swap3A_406] {strides = array<i32>} : memref<32x256xf32, #tpu.memory_space<vmem>>, vector<16xf32>,
            tpu.vector_store %arg18[%swap3A_405, %swap3A_406], %mul3A_404 {strides = array<i32>} : memref<32x256xf32, #tpu.memory_space<vmem>>, vector<16xf32>,
            %get3A_408 = arith.index_cast %add3A_251 : i32 to index
            %get3A_409 = arith.constant 192 : index
            %get3A_410 = tpu.vector_load %arg12[%get3A_408, %get3A_409] {strides = array<i32>} : memref<32x256xf32, #tpu.memory_space<vmem>>, vector<16xf32>,
            %get3A_411 = arith.index_cast %add3A_251 : i32 to index
            %get3A_412 = arith.constant 192 : index
            %get3A_413 = tpu.vector_load %arg15[%get3A_411, %get3A_412] {strides = array<i32>} : memref<32x256xf32, #tpu.memory_space<vmem>>, vector<16xf32>,
            %add3A_414 = arith.addf %get3A_410, %get3A_413 : vector<16xf32>
            %mul3A_415 = arith.constant 5.000000e-01 : f32
            %mul3A_416 = vector.broadcast %mul3A_415 : f32 to vector<16xf32>
            %mul3A_417 = arith.mulf %add3A_414, %mul3A_416 : vector<16xf32>
            %swap3A_418 = arith.index_cast %add3A_251 : i32 to index
            %swap3A_419 = arith.constant 192 : index
            %swap3A_420 = tpu.vector_load %arg18[%swap3A_418, %swap3A_419] {strides = array<i32>} : memref<32x256xf32, #tpu.memory_space<vmem>>, vector<16xf32>,
            tpu.vector_store %arg18[%swap3A_418, %swap3A_419], %mul3A_417 {strides = array<i32>} : memref<32x256xf32, #tpu.memory_space<vmem>>, vector<16xf32>,
            %get3A_421 = arith.index_cast %add3A_251 : i32 to index
            %get3A_422 = arith.constant 208 : index
            %get3A_423 = tpu.vector_load %arg12[%get3A_421, %get3A_422] {strides = array<i32>} : memref<32x256xf32, #tpu.memory_space<vmem>>, vector<16xf32>,
            %get3A_424 = arith.index_cast %add3A_251 : i32 to index
            %get3A_425 = arith.constant 208 : index
            %get3A_426 = tpu.vector_load %arg15[%get3A_424, %get3A_425] {strides = array<i32>} : memref<32x256xf32, #tpu.memory_space<vmem>>, vector<16xf32>,
            %add3A_427 = arith.addf %get3A_423, %get3A_426 : vector<16xf32>
            %mul3A_428 = arith.constant 5.000000e-01 : f32
            %mul3A_429 = vector.broadcast %mul3A_428 : f32 to vector<16xf32>
            %mul3A_430 = arith.mulf %add3A_427, %mul3A_429 : vector<16xf32>
            %swap3A_431 = arith.index_cast %add3A_251 : i32 to index
            %swap3A_432 = arith.constant 208 : index
            %swap3A_433 = tpu.vector_load %arg18[%swap3A_431, %swap3A_432] {strides = array<i32>} : memref<32x256xf32, #tpu.memory_space<vmem>>, vector<16xf32>,
            tpu.vector_store %arg18[%swap3A_431, %swap3A_432], %mul3A_430 {strides = array<i32>} : memref<32x256xf32, #tpu.memory_space<vmem>>, vector<16xf32>,
            %get3A_434 = arith.index_cast %add3A_251 : i32 to index
            %get3A_435 = arith.constant 224 : index
            %get3A_436 = tpu.vector_load %arg12[%get3A_434, %get3A_435] {strides = array<i32>} : memref<32x256xf32, #tpu.memory_space<vmem>>, vector<16xf32>,
            %get3A_437 = arith.index_cast %add3A_251 : i32 to index
            %get3A_438 = arith.constant 224 : index
            %get3A_439 = tpu.vector_load %arg15[%get3A_437, %get3A_438] {strides = array<i32>} : memref<32x256xf32, #tpu.memory_space<vmem>>, vector<16xf32>,
            %add3A_440 = arith.addf %get3A_436, %get3A_439 : vector<16xf32>
            %mul3A_441 = arith.constant 5.000000e-01 : f32
            %mul3A_442 = vector.broadcast %mul3A_441 : f32 to vector<16xf32>
            %mul3A_443 = arith.mulf %add3A_440, %mul3A_442 : vector<16xf32>
            %swap3A_444 = arith.index_cast %add3A_251 : i32 to index
            %swap3A_445 = arith.constant 224 : index
            %swap3A_446 = tpu.vector_load %arg18[%swap3A_444, %swap3A_445] {strides = array<i32>} : memref<32x256xf32, #tpu.memory_space<vmem>>, vector<16xf32>,
            tpu.vector_store %arg18[%swap3A_444, %swap3A_445], %mul3A_443 {strides = array<i32>} : memref<32x256xf32, #tpu.memory_space<vmem>>, vector<16xf32>,
            %get3A_447 = arith.index_cast %add3A_251 : i32 to index
            %get3A_448 = arith.constant 240 : index
            %get3A_449 = tpu.vector_load %arg12[%get3A_447, %get3A_448] {strides = array<i32>} : memref<32x256xf32, #tpu.memory_space<vmem>>, vector<16xf32>,
            %get3A_450 = arith.index_cast %add3A_251 : i32 to index
            %get3A_451 = arith.constant 240 : index
            %get3A_452 = tpu.vector_load %arg15[%get3A_450, %get3A_451] {strides = array<i32>} : memref<32x256xf32, #tpu.memory_space<vmem>>, vector<16xf32>,
            %add3A_453 = arith.addf %get3A_449, %get3A_452 : vector<16xf32>
            %mul3A_454 = arith.constant 5.000000e-01 : f32
            %mul3A_455 = vector.broadcast %mul3A_454 : f32 to vector<16xf32>
            %mul3A_456 = arith.mulf %add3A_453, %mul3A_455 : vector<16xf32>
            %swap3A_457 = arith.index_cast %add3A_251 : i32 to index
            %swap3A_458 = arith.constant 240 : index
            %swap3A_459 = tpu.vector_load %arg18[%swap3A_457, %swap3A_458] {strides = array<i32>} : memref<32x256xf32, #tpu.memory_space<vmem>>, vector<16xf32>,
            tpu.vector_store %arg18[%swap3A_457, %swap3A_458], %mul3A_456 {strides = array<i32>} : memref<32x256xf32, #tpu.memory_space<vmem>>, vector<16xf32>,
          }
          %scan3A_217 = arith.constant 32 : i32
          %mul3A_218 = arith.constant 32 : i32
          %mul3A_219 = arith.muli %add3A_156, %mul3A_218 : i32
          %multiple_of3A_220 = tpu.assume_multiple %mul3A_219, 32 : i32
          %add3A_221 = arith.constant 0 : i32
          %add3A_222 = arith.addi %multiple_of3A_220, %add3A_221 : i32
          %get3A_223 = arith.index_cast %add3A_222 : i32 to index
          %get3A_224 = tpu.vector_load %arg9[%get3A_223] {strides = array<i32>} : memref<6960xi32, #tpu.memory_space<vmem>>, vector<16xi32>,
          %dma_start3A_225 = arith.constant 0 : i32
          %dma_start3A_226 = arith.constant 0 : i32
          %dma_start3A_227 = tpu.memref_slice %arg18[%dma_start3A_225, %dma_start3A_226] : memref<32x256xf32, #tpu.memory_space<vmem>> -> memref<16x256xf32, #tpu.memory_space<vmem>>
          %dma_start3A_228 = arith.constant 0 : i32
          %dma_start3A_229 = arith.constant 0 : i32
          %dma_start3A_230 = tpu.memref_slice %arg5[%dma_start3A_228, %dma_start3A_229] : memref<220000x256xf32, #tpu.memory_space<hbm>> -> memref<220000x256xf32, #tpu.memory_space<hbm>>
          tpu.enqueue_indirect_dma source(%dma_start3A_227 : memref<16x256xf32, #tpu.memory_space<vmem>>) target(%dma_start3A_230 : memref<220000x256xf32, #tpu.memory_space<hbm>>) offsets(%get3A_224 : vector<16xi32>) semaphore(%arg24 : memref<!tpu.dma_semaphore, #tpu.memory_space<semaphore_mem>>)
          %add3A_231 = arith.constant 16 : i32
          %add3A_232 = arith.addi %multiple_of3A_220, %add3A_231 : i32
          %get3A_233 = arith.index_cast %add3A_232 : i32 to index
          %get3A_234 = tpu.vector_load %arg9[%get3A_233] {strides = array<i32>} : memref<6960xi32, #tpu.memory_space<vmem>>, vector<16xi32>,
          %dma_start3A_235 = arith.constant 16 : i32
          %dma_start3A_236 = arith.constant 0 : i32
          %dma_start3A_237 = tpu.memref_slice %arg18[%dma_start3A_235, %dma_start3A_236] : memref<32x256xf32, #tpu.memory_space<vmem>> -> memref<16x256xf32, #tpu.memory_space<vmem>>
          %dma_start3A_238 = arith.constant 0 : i32
          %dma_start3A_239 = arith.constant 0 : i32
          %dma_start3A_240 = tpu.memref_slice %arg5[%dma_start3A_238, %dma_start3A_239] : memref<220000x256xf32, #tpu.memory_space<hbm>> -> memref<220000x256xf32, #tpu.memory_space<hbm>>
          tpu.enqueue_indirect_dma source(%dma_start3A_237 : memref<16x256xf32, #tpu.memory_space<vmem>>) target(%dma_start3A_240 : memref<220000x256xf32, #tpu.memory_space<hbm>>) offsets(%get3A_234 : vector<16xi32>) semaphore(%arg24 : memref<!tpu.dma_semaphore, #tpu.memory_space<semaphore_mem>>)
          %add3A_241 = arith.constant 3 : i32
          %add3A_242 = arith.addi %add3A_156, %add3A_241 : i32
          %lt3A_243 = arith.cmpi slt, %add3A_242, %select_n3A : i32
          %convert_element_type3A_244 = arith.extui %lt3A_243 : i1 to i32
          %cond3A_245 = arith.constant 0 : i32
          %cond3A_246 = arith.cmpi ne, %convert_element_type3A_244, %cond3A_245 : i32
          scf.if %cond3A_246 {
            %add3A_247 = arith.constant 3 : i32
            %add3A_248 = arith.addi %add3A_156, %add3A_247 : i32
            %mul3A_249 = arith.constant 32 : i32
            %mul3A_250 = arith.muli %add3A_248, %mul3A_249 : i32
            %multiple_of3A_251 = tpu.assume_multiple %mul3A_250, 32 : i32
            %add3A_252 = arith.constant 0 : i32
            %add3A_253 = arith.addi %multiple_of3A_251, %add3A_252 : i32
            %get3A_254 = arith.index_cast %add3A_253 : i32 to index
            %get3A_255 = tpu.vector_load %arg9[%get3A_254] {strides = array<i32>} : memref<6960xi32, #tpu.memory_space<vmem>>, vector<16xi32>,
            %add3A_256 = arith.constant 0 : i32
            %add3A_257 = arith.addi %multiple_of3A_251, %add3A_256 : i32
            %get3A_258 = arith.index_cast %add3A_257 : i32 to index
            %get3A_259 = tpu.vector_load %arg10[%get3A_258] {strides = array<i32>} : memref<6960xi32, #tpu.memory_space<vmem>>, vector<16xi32>,
            %dma_start3A_260 = arith.constant 0 : i32
            %dma_start3A_261 = arith.constant 0 : i32
            %dma_start3A_262 = tpu.memref_slice %arg12[%dma_start3A_260, %dma_start3A_261] : memref<32x256xf32, #tpu.memory_space<vmem>> -> memref<16x256xf32, #tpu.memory_space<vmem>>
            %dma_start3A_263 = arith.constant 0 : i32
            %dma_start3A_264 = arith.constant 0 : i32
            %dma_start3A_265 = tpu.memref_slice %arg3[%dma_start3A_263, %dma_start3A_264] : memref<16384x256xf32, #tpu.memory_space<hbm>> -> memref<16384x256xf32, #tpu.memory_space<hbm>>
            tpu.enqueue_indirect_dma source(%dma_start3A_265 : memref<16384x256xf32, #tpu.memory_space<hbm>>) target(%dma_start3A_262 : memref<16x256xf32, #tpu.memory_space<vmem>>) offsets(%get3A_259 : vector<16xi32>) semaphore(%arg21 : memref<!tpu.dma_semaphore, #tpu.memory_space<semaphore_mem>>)
            %dma_start3A_266 = arith.constant 0 : i32
            %dma_start3A_267 = arith.constant 0 : i32
            %dma_start3A_268 = tpu.memref_slice %arg15[%dma_start3A_266, %dma_start3A_267] : memref<32x256xf32, #tpu.memory_space<vmem>> -> memref<16x256xf32, #tpu.memory_space<vmem>>
            %dma_start3A_269 = arith.constant 0 : i32
            %dma_start3A_270 = arith.constant 0 : i32
            %dma_start3A_271 = tpu.memref_slice %arg2[%dma_start3A_269, %dma_start3A_270] : memref<220000x256xf32, #tpu.memory_space<hbm>> -> memref<220000x256xf32, #tpu.memory_space<hbm>>
            tpu.enqueue_indirect_dma source(%dma_start3A_271 : memref<220000x256xf32, #tpu.memory_space<hbm>>) target(%dma_start3A_268 : memref<16x256xf32, #tpu.memory_space<vmem>>) offsets(%get3A_255 : vector<16xi32>) semaphore(%arg21 : memref<!tpu.dma_semaphore, #tpu.memory_space<semaphore_mem>>)
            %add3A_272 = arith.constant 16 : i32
            %add3A_273 = arith.addi %multiple_of3A_251, %add3A_272 : i32
            %get3A_274 = arith.index_cast %add3A_273 : i32 to index
            %get3A_275 = tpu.vector_load %arg9[%get3A_274] {strides = array<i32>} : memref<6960xi32, #tpu.memory_space<vmem>>, vector<16xi32>,
            %add3A_276 = arith.constant 16 : i32
            %add3A_277 = arith.addi %multiple_of3A_251, %add3A_276 : i32
            %get3A_278 = arith.index_cast %add3A_277 : i32 to index
            %get3A_279 = tpu.vector_load %arg10[%get3A_278] {strides = array<i32>} : memref<6960xi32, #tpu.memory_space<vmem>>, vector<16xi32>,
            %dma_start3A_280 = arith.constant 16 : i32
            %dma_start3A_281 = arith.constant 0 : i32
            %dma_start3A_282 = tpu.memref_slice %arg12[%dma_start3A_280, %dma_start3A_281] : memref<32x256xf32, #tpu.memory_space<vmem>> -> memref<16x256xf32, #tpu.memory_space<vmem>>
            %dma_start3A_283 = arith.constant 0 : i32
            %dma_start3A_284 = arith.constant 0 : i32
            %dma_start3A_285 = tpu.memref_slice %arg3[%dma_start3A_283, %dma_start3A_284] : memref<16384x256xf32, #tpu.memory_space<hbm>> -> memref<16384x256xf32, #tpu.memory_space<hbm>>
            tpu.enqueue_indirect_dma source(%dma_start3A_285 : memref<16384x256xf32, #tpu.memory_space<hbm>>) target(%dma_start3A_282 : memref<16x256xf32, #tpu.memory_space<vmem>>) offsets(%get3A_279 : vector<16xi32>) semaphore(%arg21 : memref<!tpu.dma_semaphore, #tpu.memory_space<semaphore_mem>>)
            %dma_start3A_286 = arith.constant 16 : i32
            %dma_start3A_287 = arith.constant 0 : i32
            %dma_start3A_288 = tpu.memref_slice %arg15[%dma_start3A_286, %dma_start3A_287] : memref<32x256xf32, #tpu.memory_space<vmem>> -> memref<16x256xf32, #tpu.memory_space<vmem>>
            %dma_start3A_289 = arith.constant 0 : i32
            %dma_start3A_290 = arith.constant 0 : i32
            %dma_start3A_291 = tpu.memref_slice %arg2[%dma_start3A_289, %dma_start3A_290] : memref<220000x256xf32, #tpu.memory_space<hbm>> -> memref<220000x256xf32, #tpu.memory_space<hbm>>
            tpu.enqueue_indirect_dma source(%dma_start3A_291 : memref<220000x256xf32, #tpu.memory_space<hbm>>) target(%dma_start3A_288 : memref<16x256xf32, #tpu.memory_space<vmem>>) offsets(%get3A_275 : vector<16xi32>) semaphore(%arg21 : memref<!tpu.dma_semaphore, #tpu.memory_space<semaphore_mem>>)
          } else {
          }
        } else {
        }
        %add3A_161 = arith.constant 2 : i32
        %add3A_162 = arith.addi %add3A_149, %add3A_161 : i32
        %lt3A_163 = arith.cmpi slt, %add3A_162, %select_n3A : i32
        %convert_element_type3A_164 = arith.extui %lt3A_163 : i1 to i32
        %cond3A_165 = arith.constant 0 : i32
        %cond3A_166 = arith.cmpi ne, %convert_element_type3A_164, %cond3A_165 : i32
        scf.if %cond3A_166 {
          %mul3A_167 = arith.constant 32 : i32
          %mul3A_168 = arith.muli %add3A_162, %mul3A_167 : i32
          %multiple_of3A_169 = tpu.assume_multiple %mul3A_168, 32 : i32
          %add3A_170 = arith.constant 0 : i32
          %add3A_171 = arith.addi %multiple_of3A_169, %add3A_170 : i32
          %get3A_172 = arith.index_cast %add3A_171 : i32 to index
          %get3A_173 = tpu.vector_load %arg9[%get3A_172] {strides = array<i32>} : memref<6960xi32, #tpu.memory_space<vmem>>, vector<16xi32>,
          %add3A_174 = arith.constant 0 : i32
          %add3A_175 = arith.addi %multiple_of3A_169, %add3A_174 : i32
          %get3A_176 = arith.index_cast %add3A_175 : i32 to index
          %get3A_177 = tpu.vector_load %arg10[%get3A_176] {strides = array<i32>} : memref<6960xi32, #tpu.memory_space<vmem>>, vector<16xi32>,
          %dma_wait3A = arith.constant 0 : i32
          %dma_wait3A_178 = arith.constant 0 : i32
          %dma_wait3A_179 = tpu.memref_slice %arg13[%dma_wait3A, %dma_wait3A_178] : memref<32x256xf32, #tpu.memory_space<vmem>> -> memref<16x256xf32, #tpu.memory_space<vmem>>
          %dma_wait3A_180 = arith.constant 0 : i32
          %dma_wait3A_181 = arith.constant 0 : i32
          %dma_wait3A_182 = tpu.memref_slice %arg3[%dma_wait3A_180, %dma_wait3A_181] : memref<16384x256xf32, #tpu.memory_space<hbm>> -> memref<16384x256xf32, #tpu.memory_space<hbm>>
          tpu.wait_indirect_dma semaphore(%arg22 : memref<!tpu.dma_semaphore, #tpu.memory_space<semaphore_mem>>) src(%dma_wait3A_182 : memref<16384x256xf32, #tpu.memory_space<hbm>>) dst(%dma_wait3A_179 : memref<16x256xf32, #tpu.memory_space<vmem>>)
          %dma_wait3A_183 = arith.constant 0 : i32
          %dma_wait3A_184 = arith.constant 0 : i32
          %dma_wait3A_185 = tpu.memref_slice %arg16[%dma_wait3A_183, %dma_wait3A_184] : memref<32x256xf32, #tpu.memory_space<vmem>> -> memref<16x256xf32, #tpu.memory_space<vmem>>
          %dma_wait3A_186 = arith.constant 0 : i32
          %dma_wait3A_187 = arith.constant 0 : i32
          %dma_wait3A_188 = tpu.memref_slice %arg2[%dma_wait3A_186, %dma_wait3A_187] : memref<220000x256xf32, #tpu.memory_space<hbm>> -> memref<220000x256xf32, #tpu.memory_space<hbm>>
          tpu.wait_indirect_dma semaphore(%arg22 : memref<!tpu.dma_semaphore, #tpu.memory_space<semaphore_mem>>) src(%dma_wait3A_188 : memref<220000x256xf32, #tpu.memory_space<hbm>>) dst(%dma_wait3A_185 : memref<16x256xf32, #tpu.memory_space<vmem>>)
          %add3A_189 = arith.constant 16 : i32
          %add3A_190 = arith.addi %multiple_of3A_169, %add3A_189 : i32
          %get3A_191 = arith.index_cast %add3A_190 : i32 to index
          %get3A_192 = tpu.vector_load %arg9[%get3A_191] {strides = array<i32>} : memref<6960xi32, #tpu.memory_space<vmem>>, vector<16xi32>,
          %add3A_193 = arith.constant 16 : i32
          %add3A_194 = arith.addi %multiple_of3A_169, %add3A_193 : i32
          %get3A_195 = arith.index_cast %add3A_194 : i32 to index
          %get3A_196 = tpu.vector_load %arg10[%get3A_195] {strides = array<i32>} : memref<6960xi32, #tpu.memory_space<vmem>>, vector<16xi32>,
          %dma_wait3A_197 = arith.constant 16 : i32
          %dma_wait3A_198 = arith.constant 0 : i32
          %dma_wait3A_199 = tpu.memref_slice %arg13[%dma_wait3A_197, %dma_wait3A_198] : memref<32x256xf32, #tpu.memory_space<vmem>> -> memref<16x256xf32, #tpu.memory_space<vmem>>
          %dma_wait3A_200 = arith.constant 0 : i32
          %dma_wait3A_201 = arith.constant 0 : i32
          %dma_wait3A_202 = tpu.memref_slice %arg3[%dma_wait3A_200, %dma_wait3A_201] : memref<16384x256xf32, #tpu.memory_space<hbm>> -> memref<16384x256xf32, #tpu.memory_space<hbm>>
          tpu.wait_indirect_dma semaphore(%arg22 : memref<!tpu.dma_semaphore, #tpu.memory_space<semaphore_mem>>) src(%dma_wait3A_202 : memref<16384x256xf32, #tpu.memory_space<hbm>>) dst(%dma_wait3A_199 : memref<16x256xf32, #tpu.memory_space<vmem>>)
          %dma_wait3A_203 = arith.constant 16 : i32
          %dma_wait3A_204 = arith.constant 0 : i32
          %dma_wait3A_205 = tpu.memref_slice %arg16[%dma_wait3A_203, %dma_wait3A_204] : memref<32x256xf32, #tpu.memory_space<vmem>> -> memref<16x256xf32, #tpu.memory_space<vmem>>
          %dma_wait3A_206 = arith.constant 0 : i32
          %dma_wait3A_207 = arith.constant 0 : i32
          %dma_wait3A_208 = tpu.memref_slice %arg2[%dma_wait3A_206, %dma_wait3A_207] : memref<220000x256xf32, #tpu.memory_space<hbm>> -> memref<220000x256xf32, #tpu.memory_space<hbm>>
          tpu.wait_indirect_dma semaphore(%arg22 : memref<!tpu.dma_semaphore, #tpu.memory_space<semaphore_mem>>) src(%dma_wait3A_208 : memref<220000x256xf32, #tpu.memory_space<hbm>>) dst(%dma_wait3A_205 : memref<16x256xf32, #tpu.memory_space<vmem>>)
          %ge3A = arith.constant 3 : i32
          %ge3A_209 = arith.cmpi sge, %add3A_162, %ge3A : i32
          %convert_element_type3A_210 = arith.extui %ge3A_209 : i1 to i32
          %cond3A_211 = arith.constant 0 : i32
          %cond3A_212 = arith.cmpi ne, %convert_element_type3A_210, %cond3A_211 : i32
          scf.if %cond3A_212 {
            %get3A_247 = arith.constant 0 : index
            %get3A_248 = tpu.vector_load %arg9[%get3A_247] {strides = array<i32>} : memref<6960xi32, #tpu.memory_space<vmem>>, vector<16xi32>,
            %dma_wait3A_249 = arith.constant 0 : i32
            %dma_wait3A_250 = arith.constant 0 : i32
            %dma_wait3A_251 = tpu.memref_slice %arg19[%dma_wait3A_249, %dma_wait3A_250] : memref<32x256xf32, #tpu.memory_space<vmem>> -> memref<16x256xf32, #tpu.memory_space<vmem>>
            %dma_wait3A_252 = arith.constant 0 : i32
            %dma_wait3A_253 = arith.constant 0 : i32
            %dma_wait3A_254 = tpu.memref_slice %arg5[%dma_wait3A_252, %dma_wait3A_253] : memref<220000x256xf32, #tpu.memory_space<hbm>> -> memref<220000x256xf32, #tpu.memory_space<hbm>>
            tpu.wait_indirect_dma semaphore(%arg25 : memref<!tpu.dma_semaphore, #tpu.memory_space<semaphore_mem>>) src(%dma_wait3A_251 : memref<16x256xf32, #tpu.memory_space<vmem>>) dst(%dma_wait3A_254 : memref<220000x256xf32, #tpu.memory_space<hbm>>)
            %get3A_255 = arith.constant 16 : index
            %get3A_256 = tpu.vector_load %arg9[%get3A_255] {strides = array<i32>} : memref<6960xi32, #tpu.memory_space<vmem>>, vector<16xi32>,
            %dma_wait3A_257 = arith.constant 16 : i32
            %dma_wait3A_258 = arith.constant 0 : i32
            %dma_wait3A_259 = tpu.memref_slice %arg19[%dma_wait3A_257, %dma_wait3A_258] : memref<32x256xf32, #tpu.memory_space<vmem>> -> memref<16x256xf32, #tpu.memory_space<vmem>>
            %dma_wait3A_260 = arith.constant 0 : i32
            %dma_wait3A_261 = arith.constant 0 : i32
            %dma_wait3A_262 = tpu.memref_slice %arg5[%dma_wait3A_260, %dma_wait3A_261] : memref<220000x256xf32, #tpu.memory_space<hbm>> -> memref<220000x256xf32, #tpu.memory_space<hbm>>
            tpu.wait_indirect_dma semaphore(%arg25 : memref<!tpu.dma_semaphore, #tpu.memory_space<semaphore_mem>>) src(%dma_wait3A_259 : memref<16x256xf32, #tpu.memory_space<vmem>>) dst(%dma_wait3A_262 : memref<220000x256xf32, #tpu.memory_space<hbm>>)
          } else {
          }
          %scan3A_213 = arith.constant 0 : i32
          %scan3A_214 = arith.constant 32 : i32
          %scan3A_215 = arith.addi %scan3A_213, %scan3A_214 : i32
          %scan3A_216 = arith.constant 1 : i32
          scf.for %scan3A_247 = %scan3A_213 to %scan3A_215 step %scan3A_216  : i32 {
            %mul3A_248 = arith.constant 1 : i32
            %mul3A_249 = arith.muli %scan3A_247, %mul3A_248 : i32
            %add3A_250 = arith.constant 0 : i32
            %add3A_251 = arith.addi %add3A_250, %mul3A_249 : i32
            %get3A_252 = arith.index_cast %add3A_251 : i32 to index
            %get3A_253 = arith.constant 0 : index
            %get3A_254 = tpu.vector_load %arg13[%get3A_252, %get3A_253] {strides = array<i32>} : memref<32x256xf32, #tpu.memory_space<vmem>>, vector<16xf32>,
            %get3A_255 = arith.index_cast %add3A_251 : i32 to index
            %get3A_256 = arith.constant 0 : index
            %get3A_257 = tpu.vector_load %arg16[%get3A_255, %get3A_256] {strides = array<i32>} : memref<32x256xf32, #tpu.memory_space<vmem>>, vector<16xf32>,
            %add3A_258 = arith.addf %get3A_254, %get3A_257 : vector<16xf32>
            %mul3A_259 = arith.constant 5.000000e-01 : f32
            %mul3A_260 = vector.broadcast %mul3A_259 : f32 to vector<16xf32>
            %mul3A_261 = arith.mulf %add3A_258, %mul3A_260 : vector<16xf32>
            %swap3A_262 = arith.index_cast %add3A_251 : i32 to index
            %swap3A_263 = arith.constant 0 : index
            %swap3A_264 = tpu.vector_load %arg19[%swap3A_262, %swap3A_263] {strides = array<i32>} : memref<32x256xf32, #tpu.memory_space<vmem>>, vector<16xf32>,
            tpu.vector_store %arg19[%swap3A_262, %swap3A_263], %mul3A_261 {strides = array<i32>} : memref<32x256xf32, #tpu.memory_space<vmem>>, vector<16xf32>,
            %get3A_265 = arith.index_cast %add3A_251 : i32 to index
            %get3A_266 = arith.constant 16 : index
            %get3A_267 = tpu.vector_load %arg13[%get3A_265, %get3A_266] {strides = array<i32>} : memref<32x256xf32, #tpu.memory_space<vmem>>, vector<16xf32>,
            %get3A_268 = arith.index_cast %add3A_251 : i32 to index
            %get3A_269 = arith.constant 16 : index
            %get3A_270 = tpu.vector_load %arg16[%get3A_268, %get3A_269] {strides = array<i32>} : memref<32x256xf32, #tpu.memory_space<vmem>>, vector<16xf32>,
            %add3A_271 = arith.addf %get3A_267, %get3A_270 : vector<16xf32>
            %mul3A_272 = arith.constant 5.000000e-01 : f32
            %mul3A_273 = vector.broadcast %mul3A_272 : f32 to vector<16xf32>
            %mul3A_274 = arith.mulf %add3A_271, %mul3A_273 : vector<16xf32>
            %swap3A_275 = arith.index_cast %add3A_251 : i32 to index
            %swap3A_276 = arith.constant 16 : index
            %swap3A_277 = tpu.vector_load %arg19[%swap3A_275, %swap3A_276] {strides = array<i32>} : memref<32x256xf32, #tpu.memory_space<vmem>>, vector<16xf32>,
            tpu.vector_store %arg19[%swap3A_275, %swap3A_276], %mul3A_274 {strides = array<i32>} : memref<32x256xf32, #tpu.memory_space<vmem>>, vector<16xf32>,
            %get3A_278 = arith.index_cast %add3A_251 : i32 to index
            %get3A_279 = arith.constant 32 : index
            %get3A_280 = tpu.vector_load %arg13[%get3A_278, %get3A_279] {strides = array<i32>} : memref<32x256xf32, #tpu.memory_space<vmem>>, vector<16xf32>,
            %get3A_281 = arith.index_cast %add3A_251 : i32 to index
            %get3A_282 = arith.constant 32 : index
            %get3A_283 = tpu.vector_load %arg16[%get3A_281, %get3A_282] {strides = array<i32>} : memref<32x256xf32, #tpu.memory_space<vmem>>, vector<16xf32>,
            %add3A_284 = arith.addf %get3A_280, %get3A_283 : vector<16xf32>
            %mul3A_285 = arith.constant 5.000000e-01 : f32
            %mul3A_286 = vector.broadcast %mul3A_285 : f32 to vector<16xf32>
            %mul3A_287 = arith.mulf %add3A_284, %mul3A_286 : vector<16xf32>
            %swap3A_288 = arith.index_cast %add3A_251 : i32 to index
            %swap3A_289 = arith.constant 32 : index
            %swap3A_290 = tpu.vector_load %arg19[%swap3A_288, %swap3A_289] {strides = array<i32>} : memref<32x256xf32, #tpu.memory_space<vmem>>, vector<16xf32>,
            tpu.vector_store %arg19[%swap3A_288, %swap3A_289], %mul3A_287 {strides = array<i32>} : memref<32x256xf32, #tpu.memory_space<vmem>>, vector<16xf32>,
            %get3A_291 = arith.index_cast %add3A_251 : i32 to index
            %get3A_292 = arith.constant 48 : index
            %get3A_293 = tpu.vector_load %arg13[%get3A_291, %get3A_292] {strides = array<i32>} : memref<32x256xf32, #tpu.memory_space<vmem>>, vector<16xf32>,
            %get3A_294 = arith.index_cast %add3A_251 : i32 to index
            %get3A_295 = arith.constant 48 : index
            %get3A_296 = tpu.vector_load %arg16[%get3A_294, %get3A_295] {strides = array<i32>} : memref<32x256xf32, #tpu.memory_space<vmem>>, vector<16xf32>,
            %add3A_297 = arith.addf %get3A_293, %get3A_296 : vector<16xf32>
            %mul3A_298 = arith.constant 5.000000e-01 : f32
            %mul3A_299 = vector.broadcast %mul3A_298 : f32 to vector<16xf32>
            %mul3A_300 = arith.mulf %add3A_297, %mul3A_299 : vector<16xf32>
            %swap3A_301 = arith.index_cast %add3A_251 : i32 to index
            %swap3A_302 = arith.constant 48 : index
            %swap3A_303 = tpu.vector_load %arg19[%swap3A_301, %swap3A_302] {strides = array<i32>} : memref<32x256xf32, #tpu.memory_space<vmem>>, vector<16xf32>,
            tpu.vector_store %arg19[%swap3A_301, %swap3A_302], %mul3A_300 {strides = array<i32>} : memref<32x256xf32, #tpu.memory_space<vmem>>, vector<16xf32>,
            %get3A_304 = arith.index_cast %add3A_251 : i32 to index
            %get3A_305 = arith.constant 64 : index
            %get3A_306 = tpu.vector_load %arg13[%get3A_304, %get3A_305] {strides = array<i32>} : memref<32x256xf32, #tpu.memory_space<vmem>>, vector<16xf32>,
            %get3A_307 = arith.index_cast %add3A_251 : i32 to index
            %get3A_308 = arith.constant 64 : index
            %get3A_309 = tpu.vector_load %arg16[%get3A_307, %get3A_308] {strides = array<i32>} : memref<32x256xf32, #tpu.memory_space<vmem>>, vector<16xf32>,
            %add3A_310 = arith.addf %get3A_306, %get3A_309 : vector<16xf32>
            %mul3A_311 = arith.constant 5.000000e-01 : f32
            %mul3A_312 = vector.broadcast %mul3A_311 : f32 to vector<16xf32>
            %mul3A_313 = arith.mulf %add3A_310, %mul3A_312 : vector<16xf32>
            %swap3A_314 = arith.index_cast %add3A_251 : i32 to index
            %swap3A_315 = arith.constant 64 : index
            %swap3A_316 = tpu.vector_load %arg19[%swap3A_314, %swap3A_315] {strides = array<i32>} : memref<32x256xf32, #tpu.memory_space<vmem>>, vector<16xf32>,
            tpu.vector_store %arg19[%swap3A_314, %swap3A_315], %mul3A_313 {strides = array<i32>} : memref<32x256xf32, #tpu.memory_space<vmem>>, vector<16xf32>,
            %get3A_317 = arith.index_cast %add3A_251 : i32 to index
            %get3A_318 = arith.constant 80 : index
            %get3A_319 = tpu.vector_load %arg13[%get3A_317, %get3A_318] {strides = array<i32>} : memref<32x256xf32, #tpu.memory_space<vmem>>, vector<16xf32>,
            %get3A_320 = arith.index_cast %add3A_251 : i32 to index
            %get3A_321 = arith.constant 80 : index
            %get3A_322 = tpu.vector_load %arg16[%get3A_320, %get3A_321] {strides = array<i32>} : memref<32x256xf32, #tpu.memory_space<vmem>>, vector<16xf32>,
            %add3A_323 = arith.addf %get3A_319, %get3A_322 : vector<16xf32>
            %mul3A_324 = arith.constant 5.000000e-01 : f32
            %mul3A_325 = vector.broadcast %mul3A_324 : f32 to vector<16xf32>
            %mul3A_326 = arith.mulf %add3A_323, %mul3A_325 : vector<16xf32>
            %swap3A_327 = arith.index_cast %add3A_251 : i32 to index
            %swap3A_328 = arith.constant 80 : index
            %swap3A_329 = tpu.vector_load %arg19[%swap3A_327, %swap3A_328] {strides = array<i32>} : memref<32x256xf32, #tpu.memory_space<vmem>>, vector<16xf32>,
            tpu.vector_store %arg19[%swap3A_327, %swap3A_328], %mul3A_326 {strides = array<i32>} : memref<32x256xf32, #tpu.memory_space<vmem>>, vector<16xf32>,
            %get3A_330 = arith.index_cast %add3A_251 : i32 to index
            %get3A_331 = arith.constant 96 : index
            %get3A_332 = tpu.vector_load %arg13[%get3A_330, %get3A_331] {strides = array<i32>} : memref<32x256xf32, #tpu.memory_space<vmem>>, vector<16xf32>,
            %get3A_333 = arith.index_cast %add3A_251 : i32 to index
            %get3A_334 = arith.constant 96 : index
            %get3A_335 = tpu.vector_load %arg16[%get3A_333, %get3A_334] {strides = array<i32>} : memref<32x256xf32, #tpu.memory_space<vmem>>, vector<16xf32>,
            %add3A_336 = arith.addf %get3A_332, %get3A_335 : vector<16xf32>
            %mul3A_337 = arith.constant 5.000000e-01 : f32
            %mul3A_338 = vector.broadcast %mul3A_337 : f32 to vector<16xf32>
            %mul3A_339 = arith.mulf %add3A_336, %mul3A_338 : vector<16xf32>
            %swap3A_340 = arith.index_cast %add3A_251 : i32 to index
            %swap3A_341 = arith.constant 96 : index
            %swap3A_342 = tpu.vector_load %arg19[%swap3A_340, %swap3A_341] {strides = array<i32>} : memref<32x256xf32, #tpu.memory_space<vmem>>, vector<16xf32>,
            tpu.vector_store %arg19[%swap3A_340, %swap3A_341], %mul3A_339 {strides = array<i32>} : memref<32x256xf32, #tpu.memory_space<vmem>>, vector<16xf32>,
            %get3A_343 = arith.index_cast %add3A_251 : i32 to index
            %get3A_344 = arith.constant 112 : index
            %get3A_345 = tpu.vector_load %arg13[%get3A_343, %get3A_344] {strides = array<i32>} : memref<32x256xf32, #tpu.memory_space<vmem>>, vector<16xf32>,
            %get3A_346 = arith.index_cast %add3A_251 : i32 to index
            %get3A_347 = arith.constant 112 : index
            %get3A_348 = tpu.vector_load %arg16[%get3A_346, %get3A_347] {strides = array<i32>} : memref<32x256xf32, #tpu.memory_space<vmem>>, vector<16xf32>,
            %add3A_349 = arith.addf %get3A_345, %get3A_348 : vector<16xf32>
            %mul3A_350 = arith.constant 5.000000e-01 : f32
            %mul3A_351 = vector.broadcast %mul3A_350 : f32 to vector<16xf32>
            %mul3A_352 = arith.mulf %add3A_349, %mul3A_351 : vector<16xf32>
            %swap3A_353 = arith.index_cast %add3A_251 : i32 to index
            %swap3A_354 = arith.constant 112 : index
            %swap3A_355 = tpu.vector_load %arg19[%swap3A_353, %swap3A_354] {strides = array<i32>} : memref<32x256xf32, #tpu.memory_space<vmem>>, vector<16xf32>,
            tpu.vector_store %arg19[%swap3A_353, %swap3A_354], %mul3A_352 {strides = array<i32>} : memref<32x256xf32, #tpu.memory_space<vmem>>, vector<16xf32>,
            %get3A_356 = arith.index_cast %add3A_251 : i32 to index
            %get3A_357 = arith.constant 128 : index
            %get3A_358 = tpu.vector_load %arg13[%get3A_356, %get3A_357] {strides = array<i32>} : memref<32x256xf32, #tpu.memory_space<vmem>>, vector<16xf32>,
            %get3A_359 = arith.index_cast %add3A_251 : i32 to index
            %get3A_360 = arith.constant 128 : index
            %get3A_361 = tpu.vector_load %arg16[%get3A_359, %get3A_360] {strides = array<i32>} : memref<32x256xf32, #tpu.memory_space<vmem>>, vector<16xf32>,
            %add3A_362 = arith.addf %get3A_358, %get3A_361 : vector<16xf32>
            %mul3A_363 = arith.constant 5.000000e-01 : f32
            %mul3A_364 = vector.broadcast %mul3A_363 : f32 to vector<16xf32>
            %mul3A_365 = arith.mulf %add3A_362, %mul3A_364 : vector<16xf32>
            %swap3A_366 = arith.index_cast %add3A_251 : i32 to index
            %swap3A_367 = arith.constant 128 : index
            %swap3A_368 = tpu.vector_load %arg19[%swap3A_366, %swap3A_367] {strides = array<i32>} : memref<32x256xf32, #tpu.memory_space<vmem>>, vector<16xf32>,
            tpu.vector_store %arg19[%swap3A_366, %swap3A_367], %mul3A_365 {strides = array<i32>} : memref<32x256xf32, #tpu.memory_space<vmem>>, vector<16xf32>,
            %get3A_369 = arith.index_cast %add3A_251 : i32 to index
            %get3A_370 = arith.constant 144 : index
            %get3A_371 = tpu.vector_load %arg13[%get3A_369, %get3A_370] {strides = array<i32>} : memref<32x256xf32, #tpu.memory_space<vmem>>, vector<16xf32>,
            %get3A_372 = arith.index_cast %add3A_251 : i32 to index
            %get3A_373 = arith.constant 144 : index
            %get3A_374 = tpu.vector_load %arg16[%get3A_372, %get3A_373] {strides = array<i32>} : memref<32x256xf32, #tpu.memory_space<vmem>>, vector<16xf32>,
            %add3A_375 = arith.addf %get3A_371, %get3A_374 : vector<16xf32>
            %mul3A_376 = arith.constant 5.000000e-01 : f32
            %mul3A_377 = vector.broadcast %mul3A_376 : f32 to vector<16xf32>
            %mul3A_378 = arith.mulf %add3A_375, %mul3A_377 : vector<16xf32>
            %swap3A_379 = arith.index_cast %add3A_251 : i32 to index
            %swap3A_380 = arith.constant 144 : index
            %swap3A_381 = tpu.vector_load %arg19[%swap3A_379, %swap3A_380] {strides = array<i32>} : memref<32x256xf32, #tpu.memory_space<vmem>>, vector<16xf32>,
            tpu.vector_store %arg19[%swap3A_379, %swap3A_380], %mul3A_378 {strides = array<i32>} : memref<32x256xf32, #tpu.memory_space<vmem>>, vector<16xf32>,
            %get3A_382 = arith.index_cast %add3A_251 : i32 to index
            %get3A_383 = arith.constant 160 : index
            %get3A_384 = tpu.vector_load %arg13[%get3A_382, %get3A_383] {strides = array<i32>} : memref<32x256xf32, #tpu.memory_space<vmem>>, vector<16xf32>,
            %get3A_385 = arith.index_cast %add3A_251 : i32 to index
            %get3A_386 = arith.constant 160 : index
            %get3A_387 = tpu.vector_load %arg16[%get3A_385, %get3A_386] {strides = array<i32>} : memref<32x256xf32, #tpu.memory_space<vmem>>, vector<16xf32>,
            %add3A_388 = arith.addf %get3A_384, %get3A_387 : vector<16xf32>
            %mul3A_389 = arith.constant 5.000000e-01 : f32
            %mul3A_390 = vector.broadcast %mul3A_389 : f32 to vector<16xf32>
            %mul3A_391 = arith.mulf %add3A_388, %mul3A_390 : vector<16xf32>
            %swap3A_392 = arith.index_cast %add3A_251 : i32 to index
            %swap3A_393 = arith.constant 160 : index
            %swap3A_394 = tpu.vector_load %arg19[%swap3A_392, %swap3A_393] {strides = array<i32>} : memref<32x256xf32, #tpu.memory_space<vmem>>, vector<16xf32>,
            tpu.vector_store %arg19[%swap3A_392, %swap3A_393], %mul3A_391 {strides = array<i32>} : memref<32x256xf32, #tpu.memory_space<vmem>>, vector<16xf32>,
            %get3A_395 = arith.index_cast %add3A_251 : i32 to index
            %get3A_396 = arith.constant 176 : index
            %get3A_397 = tpu.vector_load %arg13[%get3A_395, %get3A_396] {strides = array<i32>} : memref<32x256xf32, #tpu.memory_space<vmem>>, vector<16xf32>,
            %get3A_398 = arith.index_cast %add3A_251 : i32 to index
            %get3A_399 = arith.constant 176 : index
            %get3A_400 = tpu.vector_load %arg16[%get3A_398, %get3A_399] {strides = array<i32>} : memref<32x256xf32, #tpu.memory_space<vmem>>, vector<16xf32>,
            %add3A_401 = arith.addf %get3A_397, %get3A_400 : vector<16xf32>
            %mul3A_402 = arith.constant 5.000000e-01 : f32
            %mul3A_403 = vector.broadcast %mul3A_402 : f32 to vector<16xf32>
            %mul3A_404 = arith.mulf %add3A_401, %mul3A_403 : vector<16xf32>
            %swap3A_405 = arith.index_cast %add3A_251 : i32 to index
            %swap3A_406 = arith.constant 176 : index
            %swap3A_407 = tpu.vector_load %arg19[%swap3A_405, %swap3A_406] {strides = array<i32>} : memref<32x256xf32, #tpu.memory_space<vmem>>, vector<16xf32>,
            tpu.vector_store %arg19[%swap3A_405, %swap3A_406], %mul3A_404 {strides = array<i32>} : memref<32x256xf32, #tpu.memory_space<vmem>>, vector<16xf32>,
            %get3A_408 = arith.index_cast %add3A_251 : i32 to index
            %get3A_409 = arith.constant 192 : index
            %get3A_410 = tpu.vector_load %arg13[%get3A_408, %get3A_409] {strides = array<i32>} : memref<32x256xf32, #tpu.memory_space<vmem>>, vector<16xf32>,
            %get3A_411 = arith.index_cast %add3A_251 : i32 to index
            %get3A_412 = arith.constant 192 : index
            %get3A_413 = tpu.vector_load %arg16[%get3A_411, %get3A_412] {strides = array<i32>} : memref<32x256xf32, #tpu.memory_space<vmem>>, vector<16xf32>,
            %add3A_414 = arith.addf %get3A_410, %get3A_413 : vector<16xf32>
            %mul3A_415 = arith.constant 5.000000e-01 : f32
            %mul3A_416 = vector.broadcast %mul3A_415 : f32 to vector<16xf32>
            %mul3A_417 = arith.mulf %add3A_414, %mul3A_416 : vector<16xf32>
            %swap3A_418 = arith.index_cast %add3A_251 : i32 to index
            %swap3A_419 = arith.constant 192 : index
            %swap3A_420 = tpu.vector_load %arg19[%swap3A_418, %swap3A_419] {strides = array<i32>} : memref<32x256xf32, #tpu.memory_space<vmem>>, vector<16xf32>,
            tpu.vector_store %arg19[%swap3A_418, %swap3A_419], %mul3A_417 {strides = array<i32>} : memref<32x256xf32, #tpu.memory_space<vmem>>, vector<16xf32>,
            %get3A_421 = arith.index_cast %add3A_251 : i32 to index
            %get3A_422 = arith.constant 208 : index
            %get3A_423 = tpu.vector_load %arg13[%get3A_421, %get3A_422] {strides = array<i32>} : memref<32x256xf32, #tpu.memory_space<vmem>>, vector<16xf32>,
            %get3A_424 = arith.index_cast %add3A_251 : i32 to index
            %get3A_425 = arith.constant 208 : index
            %get3A_426 = tpu.vector_load %arg16[%get3A_424, %get3A_425] {strides = array<i32>} : memref<32x256xf32, #tpu.memory_space<vmem>>, vector<16xf32>,
            %add3A_427 = arith.addf %get3A_423, %get3A_426 : vector<16xf32>
            %mul3A_428 = arith.constant 5.000000e-01 : f32
            %mul3A_429 = vector.broadcast %mul3A_428 : f32 to vector<16xf32>
            %mul3A_430 = arith.mulf %add3A_427, %mul3A_429 : vector<16xf32>
            %swap3A_431 = arith.index_cast %add3A_251 : i32 to index
            %swap3A_432 = arith.constant 208 : index
            %swap3A_433 = tpu.vector_load %arg19[%swap3A_431, %swap3A_432] {strides = array<i32>} : memref<32x256xf32, #tpu.memory_space<vmem>>, vector<16xf32>,
            tpu.vector_store %arg19[%swap3A_431, %swap3A_432], %mul3A_430 {strides = array<i32>} : memref<32x256xf32, #tpu.memory_space<vmem>>, vector<16xf32>,
            %get3A_434 = arith.index_cast %add3A_251 : i32 to index
            %get3A_435 = arith.constant 224 : index
            %get3A_436 = tpu.vector_load %arg13[%get3A_434, %get3A_435] {strides = array<i32>} : memref<32x256xf32, #tpu.memory_space<vmem>>, vector<16xf32>,
            %get3A_437 = arith.index_cast %add3A_251 : i32 to index
            %get3A_438 = arith.constant 224 : index
            %get3A_439 = tpu.vector_load %arg16[%get3A_437, %get3A_438] {strides = array<i32>} : memref<32x256xf32, #tpu.memory_space<vmem>>, vector<16xf32>,
            %add3A_440 = arith.addf %get3A_436, %get3A_439 : vector<16xf32>
            %mul3A_441 = arith.constant 5.000000e-01 : f32
            %mul3A_442 = vector.broadcast %mul3A_441 : f32 to vector<16xf32>
            %mul3A_443 = arith.mulf %add3A_440, %mul3A_442 : vector<16xf32>
            %swap3A_444 = arith.index_cast %add3A_251 : i32 to index
            %swap3A_445 = arith.constant 224 : index
            %swap3A_446 = tpu.vector_load %arg19[%swap3A_444, %swap3A_445] {strides = array<i32>} : memref<32x256xf32, #tpu.memory_space<vmem>>, vector<16xf32>,
            tpu.vector_store %arg19[%swap3A_444, %swap3A_445], %mul3A_443 {strides = array<i32>} : memref<32x256xf32, #tpu.memory_space<vmem>>, vector<16xf32>,
            %get3A_447 = arith.index_cast %add3A_251 : i32 to index
            %get3A_448 = arith.constant 240 : index
            %get3A_449 = tpu.vector_load %arg13[%get3A_447, %get3A_448] {strides = array<i32>} : memref<32x256xf32, #tpu.memory_space<vmem>>, vector<16xf32>,
            %get3A_450 = arith.index_cast %add3A_251 : i32 to index
            %get3A_451 = arith.constant 240 : index
            %get3A_452 = tpu.vector_load %arg16[%get3A_450, %get3A_451] {strides = array<i32>} : memref<32x256xf32, #tpu.memory_space<vmem>>, vector<16xf32>,
            %add3A_453 = arith.addf %get3A_449, %get3A_452 : vector<16xf32>
            %mul3A_454 = arith.constant 5.000000e-01 : f32
            %mul3A_455 = vector.broadcast %mul3A_454 : f32 to vector<16xf32>
            %mul3A_456 = arith.mulf %add3A_453, %mul3A_455 : vector<16xf32>
            %swap3A_457 = arith.index_cast %add3A_251 : i32 to index
            %swap3A_458 = arith.constant 240 : index
            %swap3A_459 = tpu.vector_load %arg19[%swap3A_457, %swap3A_458] {strides = array<i32>} : memref<32x256xf32, #tpu.memory_space<vmem>>, vector<16xf32>,
            tpu.vector_store %arg19[%swap3A_457, %swap3A_458], %mul3A_456 {strides = array<i32>} : memref<32x256xf32, #tpu.memory_space<vmem>>, vector<16xf32>,
          }
          %scan3A_217 = arith.constant 32 : i32
          %mul3A_218 = arith.constant 32 : i32
          %mul3A_219 = arith.muli %add3A_162, %mul3A_218 : i32
          %multiple_of3A_220 = tpu.assume_multiple %mul3A_219, 32 : i32
          %add3A_221 = arith.constant 0 : i32
          %add3A_222 = arith.addi %multiple_of3A_220, %add3A_221 : i32
          %get3A_223 = arith.index_cast %add3A_222 : i32 to index
          %get3A_224 = tpu.vector_load %arg9[%get3A_223] {strides = array<i32>} : memref<6960xi32, #tpu.memory_space<vmem>>, vector<16xi32>,
          %dma_start3A_225 = arith.constant 0 : i32
          %dma_start3A_226 = arith.constant 0 : i32
          %dma_start3A_227 = tpu.memref_slice %arg19[%dma_start3A_225, %dma_start3A_226] : memref<32x256xf32, #tpu.memory_space<vmem>> -> memref<16x256xf32, #tpu.memory_space<vmem>>
          %dma_start3A_228 = arith.constant 0 : i32
          %dma_start3A_229 = arith.constant 0 : i32
          %dma_start3A_230 = tpu.memref_slice %arg5[%dma_start3A_228, %dma_start3A_229] : memref<220000x256xf32, #tpu.memory_space<hbm>> -> memref<220000x256xf32, #tpu.memory_space<hbm>>
          tpu.enqueue_indirect_dma source(%dma_start3A_227 : memref<16x256xf32, #tpu.memory_space<vmem>>) target(%dma_start3A_230 : memref<220000x256xf32, #tpu.memory_space<hbm>>) offsets(%get3A_224 : vector<16xi32>) semaphore(%arg25 : memref<!tpu.dma_semaphore, #tpu.memory_space<semaphore_mem>>)
          %add3A_231 = arith.constant 16 : i32
          %add3A_232 = arith.addi %multiple_of3A_220, %add3A_231 : i32
          %get3A_233 = arith.index_cast %add3A_232 : i32 to index
          %get3A_234 = tpu.vector_load %arg9[%get3A_233] {strides = array<i32>} : memref<6960xi32, #tpu.memory_space<vmem>>, vector<16xi32>,
          %dma_start3A_235 = arith.constant 16 : i32
          %dma_start3A_236 = arith.constant 0 : i32
          %dma_start3A_237 = tpu.memref_slice %arg19[%dma_start3A_235, %dma_start3A_236] : memref<32x256xf32, #tpu.memory_space<vmem>> -> memref<16x256xf32, #tpu.memory_space<vmem>>
          %dma_start3A_238 = arith.constant 0 : i32
          %dma_start3A_239 = arith.constant 0 : i32
          %dma_start3A_240 = tpu.memref_slice %arg5[%dma_start3A_238, %dma_start3A_239] : memref<220000x256xf32, #tpu.memory_space<hbm>> -> memref<220000x256xf32, #tpu.memory_space<hbm>>
          tpu.enqueue_indirect_dma source(%dma_start3A_237 : memref<16x256xf32, #tpu.memory_space<vmem>>) target(%dma_start3A_240 : memref<220000x256xf32, #tpu.memory_space<hbm>>) offsets(%get3A_234 : vector<16xi32>) semaphore(%arg25 : memref<!tpu.dma_semaphore, #tpu.memory_space<semaphore_mem>>)
          %add3A_241 = arith.constant 3 : i32
          %add3A_242 = arith.addi %add3A_162, %add3A_241 : i32
          %lt3A_243 = arith.cmpi slt, %add3A_242, %select_n3A : i32
          %convert_element_type3A_244 = arith.extui %lt3A_243 : i1 to i32
          %cond3A_245 = arith.constant 0 : i32
          %cond3A_246 = arith.cmpi ne, %convert_element_type3A_244, %cond3A_245 : i32
          scf.if %cond3A_246 {
            %add3A_247 = arith.constant 3 : i32
            %add3A_248 = arith.addi %add3A_162, %add3A_247 : i32
            %mul3A_249 = arith.constant 32 : i32
            %mul3A_250 = arith.muli %add3A_248, %mul3A_249 : i32
            %multiple_of3A_251 = tpu.assume_multiple %mul3A_250, 32 : i32
            %add3A_252 = arith.constant 0 : i32
            %add3A_253 = arith.addi %multiple_of3A_251, %add3A_252 : i32
            %get3A_254 = arith.index_cast %add3A_253 : i32 to index
            %get3A_255 = tpu.vector_load %arg9[%get3A_254] {strides = array<i32>} : memref<6960xi32, #tpu.memory_space<vmem>>, vector<16xi32>,
            %add3A_256 = arith.constant 0 : i32
            %add3A_257 = arith.addi %multiple_of3A_251, %add3A_256 : i32
            %get3A_258 = arith.index_cast %add3A_257 : i32 to index
            %get3A_259 = tpu.vector_load %arg10[%get3A_258] {strides = array<i32>} : memref<6960xi32, #tpu.memory_space<vmem>>, vector<16xi32>,
            %dma_start3A_260 = arith.constant 0 : i32
            %dma_start3A_261 = arith.constant 0 : i32
            %dma_start3A_262 = tpu.memref_slice %arg13[%dma_start3A_260, %dma_start3A_261] : memref<32x256xf32, #tpu.memory_space<vmem>> -> memref<16x256xf32, #tpu.memory_space<vmem>>
            %dma_start3A_263 = arith.constant 0 : i32
            %dma_start3A_264 = arith.constant 0 : i32
            %dma_start3A_265 = tpu.memref_slice %arg3[%dma_start3A_263, %dma_start3A_264] : memref<16384x256xf32, #tpu.memory_space<hbm>> -> memref<16384x256xf32, #tpu.memory_space<hbm>>
            tpu.enqueue_indirect_dma source(%dma_start3A_265 : memref<16384x256xf32, #tpu.memory_space<hbm>>) target(%dma_start3A_262 : memref<16x256xf32, #tpu.memory_space<vmem>>) offsets(%get3A_259 : vector<16xi32>) semaphore(%arg22 : memref<!tpu.dma_semaphore, #tpu.memory_space<semaphore_mem>>)
            %dma_start3A_266 = arith.constant 0 : i32
            %dma_start3A_267 = arith.constant 0 : i32
            %dma_start3A_268 = tpu.memref_slice %arg16[%dma_start3A_266, %dma_start3A_267] : memref<32x256xf32, #tpu.memory_space<vmem>> -> memref<16x256xf32, #tpu.memory_space<vmem>>
            %dma_start3A_269 = arith.constant 0 : i32
            %dma_start3A_270 = arith.constant 0 : i32
            %dma_start3A_271 = tpu.memref_slice %arg2[%dma_start3A_269, %dma_start3A_270] : memref<220000x256xf32, #tpu.memory_space<hbm>> -> memref<220000x256xf32, #tpu.memory_space<hbm>>
            tpu.enqueue_indirect_dma source(%dma_start3A_271 : memref<220000x256xf32, #tpu.memory_space<hbm>>) target(%dma_start3A_268 : memref<16x256xf32, #tpu.memory_space<vmem>>) offsets(%get3A_255 : vector<16xi32>) semaphore(%arg22 : memref<!tpu.dma_semaphore, #tpu.memory_space<semaphore_mem>>)
            %add3A_272 = arith.constant 16 : i32
            %add3A_273 = arith.addi %multiple_of3A_251, %add3A_272 : i32
            %get3A_274 = arith.index_cast %add3A_273 : i32 to index
            %get3A_275 = tpu.vector_load %arg9[%get3A_274] {strides = array<i32>} : memref<6960xi32, #tpu.memory_space<vmem>>, vector<16xi32>,
            %add3A_276 = arith.constant 16 : i32
            %add3A_277 = arith.addi %multiple_of3A_251, %add3A_276 : i32
            %get3A_278 = arith.index_cast %add3A_277 : i32 to index
            %get3A_279 = tpu.vector_load %arg10[%get3A_278] {strides = array<i32>} : memref<6960xi32, #tpu.memory_space<vmem>>, vector<16xi32>,
            %dma_start3A_280 = arith.constant 16 : i32
            %dma_start3A_281 = arith.constant 0 : i32
            %dma_start3A_282 = tpu.memref_slice %arg13[%dma_start3A_280, %dma_start3A_281] : memref<32x256xf32, #tpu.memory_space<vmem>> -> memref<16x256xf32, #tpu.memory_space<vmem>>
            %dma_start3A_283 = arith.constant 0 : i32
            %dma_start3A_284 = arith.constant 0 : i32
            %dma_start3A_285 = tpu.memref_slice %arg3[%dma_start3A_283, %dma_start3A_284] : memref<16384x256xf32, #tpu.memory_space<hbm>> -> memref<16384x256xf32, #tpu.memory_space<hbm>>
            tpu.enqueue_indirect_dma source(%dma_start3A_285 : memref<16384x256xf32, #tpu.memory_space<hbm>>) target(%dma_start3A_282 : memref<16x256xf32, #tpu.memory_space<vmem>>) offsets(%get3A_279 : vector<16xi32>) semaphore(%arg22 : memref<!tpu.dma_semaphore, #tpu.memory_space<semaphore_mem>>)
            %dma_start3A_286 = arith.constant 16 : i32
            %dma_start3A_287 = arith.constant 0 : i32
            %dma_start3A_288 = tpu.memref_slice %arg16[%dma_start3A_286, %dma_start3A_287] : memref<32x256xf32, #tpu.memory_space<vmem>> -> memref<16x256xf32, #tpu.memory_space<vmem>>
            %dma_start3A_289 = arith.constant 0 : i32
            %dma_start3A_290 = arith.constant 0 : i32
            %dma_start3A_291 = tpu.memref_slice %arg2[%dma_start3A_289, %dma_start3A_290] : memref<220000x256xf32, #tpu.memory_space<hbm>> -> memref<220000x256xf32, #tpu.memory_space<hbm>>
            tpu.enqueue_indirect_dma source(%dma_start3A_291 : memref<220000x256xf32, #tpu.memory_space<hbm>>) target(%dma_start3A_288 : memref<16x256xf32, #tpu.memory_space<vmem>>) offsets(%get3A_275 : vector<16xi32>) semaphore(%arg22 : memref<!tpu.dma_semaphore, #tpu.memory_space<semaphore_mem>>)
          } else {
          }
        } else {
        }
      }
      %while3A_131 = arith.constant 1 : i32
      scf.for %while3A_147 = %while3A_129 to %while3A_125 step %while3A_131  : i32 {
        %mul3A_148 = arith.muli %while3A_147, %while3A : i32
        %add3A_149 = arith.addi %while3A_122, %mul3A_148 : i32
        %add3A_150 = arith.constant 0 : i32
        %add3A_151 = arith.addi %add3A_149, %add3A_150 : i32
        %lt3A = arith.cmpi slt, %add3A_151, %select_n3A : i32
        %convert_element_type3A_152 = arith.extui %lt3A : i1 to i32
        %cond3A_153 = arith.constant 0 : i32
        %cond3A_154 = arith.cmpi ne, %convert_element_type3A_152, %cond3A_153 : i32
        scf.if %cond3A_154 {
          %mul3A_167 = arith.constant 32 : i32
          %mul3A_168 = arith.muli %add3A_151, %mul3A_167 : i32
          %multiple_of3A_169 = tpu.assume_multiple %mul3A_168, 32 : i32
          %add3A_170 = arith.constant 0 : i32
          %add3A_171 = arith.addi %multiple_of3A_169, %add3A_170 : i32
          %get3A_172 = arith.index_cast %add3A_171 : i32 to index
          %get3A_173 = tpu.vector_load %arg9[%get3A_172] {strides = array<i32>} : memref<6960xi32, #tpu.memory_space<vmem>>, vector<16xi32>,
          %add3A_174 = arith.constant 0 : i32
          %add3A_175 = arith.addi %multiple_of3A_169, %add3A_174 : i32
          %get3A_176 = arith.index_cast %add3A_175 : i32 to index
          %get3A_177 = tpu.vector_load %arg10[%get3A_176] {strides = array<i32>} : memref<6960xi32, #tpu.memory_space<vmem>>, vector<16xi32>,
          %dma_wait3A = arith.constant 0 : i32
          %dma_wait3A_178 = arith.constant 0 : i32
          %dma_wait3A_179 = tpu.memref_slice %arg11[%dma_wait3A, %dma_wait3A_178] : memref<32x256xf32, #tpu.memory_space<vmem>> -> memref<16x256xf32, #tpu.memory_space<vmem>>
          %dma_wait3A_180 = arith.constant 0 : i32
          %dma_wait3A_181 = arith.constant 0 : i32
          %dma_wait3A_182 = tpu.memref_slice %arg3[%dma_wait3A_180, %dma_wait3A_181] : memref<16384x256xf32, #tpu.memory_space<hbm>> -> memref<16384x256xf32, #tpu.memory_space<hbm>>
          tpu.wait_indirect_dma semaphore(%arg20 : memref<!tpu.dma_semaphore, #tpu.memory_space<semaphore_mem>>) src(%dma_wait3A_182 : memref<16384x256xf32, #tpu.memory_space<hbm>>) dst(%dma_wait3A_179 : memref<16x256xf32, #tpu.memory_space<vmem>>)
          %dma_wait3A_183 = arith.constant 0 : i32
          %dma_wait3A_184 = arith.constant 0 : i32
          %dma_wait3A_185 = tpu.memref_slice %arg14[%dma_wait3A_183, %dma_wait3A_184] : memref<32x256xf32, #tpu.memory_space<vmem>> -> memref<16x256xf32, #tpu.memory_space<vmem>>
          %dma_wait3A_186 = arith.constant 0 : i32
          %dma_wait3A_187 = arith.constant 0 : i32
          %dma_wait3A_188 = tpu.memref_slice %arg2[%dma_wait3A_186, %dma_wait3A_187] : memref<220000x256xf32, #tpu.memory_space<hbm>> -> memref<220000x256xf32, #tpu.memory_space<hbm>>
          tpu.wait_indirect_dma semaphore(%arg20 : memref<!tpu.dma_semaphore, #tpu.memory_space<semaphore_mem>>) src(%dma_wait3A_188 : memref<220000x256xf32, #tpu.memory_space<hbm>>) dst(%dma_wait3A_185 : memref<16x256xf32, #tpu.memory_space<vmem>>)
          %add3A_189 = arith.constant 16 : i32
          %add3A_190 = arith.addi %multiple_of3A_169, %add3A_189 : i32
          %get3A_191 = arith.index_cast %add3A_190 : i32 to index
          %get3A_192 = tpu.vector_load %arg9[%get3A_191] {strides = array<i32>} : memref<6960xi32, #tpu.memory_space<vmem>>, vector<16xi32>,
          %add3A_193 = arith.constant 16 : i32
          %add3A_194 = arith.addi %multiple_of3A_169, %add3A_193 : i32
          %get3A_195 = arith.index_cast %add3A_194 : i32 to index
          %get3A_196 = tpu.vector_load %arg10[%get3A_195] {strides = array<i32>} : memref<6960xi32, #tpu.memory_space<vmem>>, vector<16xi32>,
          %dma_wait3A_197 = arith.constant 16 : i32
          %dma_wait3A_198 = arith.constant 0 : i32
          %dma_wait3A_199 = tpu.memref_slice %arg11[%dma_wait3A_197, %dma_wait3A_198] : memref<32x256xf32, #tpu.memory_space<vmem>> -> memref<16x256xf32, #tpu.memory_space<vmem>>
          %dma_wait3A_200 = arith.constant 0 : i32
          %dma_wait3A_201 = arith.constant 0 : i32
          %dma_wait3A_202 = tpu.memref_slice %arg3[%dma_wait3A_200, %dma_wait3A_201] : memref<16384x256xf32, #tpu.memory_space<hbm>> -> memref<16384x256xf32, #tpu.memory_space<hbm>>
          tpu.wait_indirect_dma semaphore(%arg20 : memref<!tpu.dma_semaphore, #tpu.memory_space<semaphore_mem>>) src(%dma_wait3A_202 : memref<16384x256xf32, #tpu.memory_space<hbm>>) dst(%dma_wait3A_199 : memref<16x256xf32, #tpu.memory_space<vmem>>)
          %dma_wait3A_203 = arith.constant 16 : i32
          %dma_wait3A_204 = arith.constant 0 : i32
          %dma_wait3A_205 = tpu.memref_slice %arg14[%dma_wait3A_203, %dma_wait3A_204] : memref<32x256xf32, #tpu.memory_space<vmem>> -> memref<16x256xf32, #tpu.memory_space<vmem>>
          %dma_wait3A_206 = arith.constant 0 : i32
          %dma_wait3A_207 = arith.constant 0 : i32
          %dma_wait3A_208 = tpu.memref_slice %arg2[%dma_wait3A_206, %dma_wait3A_207] : memref<220000x256xf32, #tpu.memory_space<hbm>> -> memref<220000x256xf32, #tpu.memory_space<hbm>>
          tpu.wait_indirect_dma semaphore(%arg20 : memref<!tpu.dma_semaphore, #tpu.memory_space<semaphore_mem>>) src(%dma_wait3A_208 : memref<220000x256xf32, #tpu.memory_space<hbm>>) dst(%dma_wait3A_205 : memref<16x256xf32, #tpu.memory_space<vmem>>)
          %ge3A = arith.constant 3 : i32
          %ge3A_209 = arith.cmpi sge, %add3A_151, %ge3A : i32
          %convert_element_type3A_210 = arith.extui %ge3A_209 : i1 to i32
          %cond3A_211 = arith.constant 0 : i32
          %cond3A_212 = arith.cmpi ne, %convert_element_type3A_210, %cond3A_211 : i32
          scf.if %cond3A_212 {
            %get3A_247 = arith.constant 0 : index
            %get3A_248 = tpu.vector_load %arg9[%get3A_247] {strides = array<i32>} : memref<6960xi32, #tpu.memory_space<vmem>>, vector<16xi32>,
            %dma_wait3A_249 = arith.constant 0 : i32
            %dma_wait3A_250 = arith.constant 0 : i32
            %dma_wait3A_251 = tpu.memref_slice %arg17[%dma_wait3A_249, %dma_wait3A_250] : memref<32x256xf32, #tpu.memory_space<vmem>> -> memref<16x256xf32, #tpu.memory_space<vmem>>
            %dma_wait3A_252 = arith.constant 0 : i32
            %dma_wait3A_253 = arith.constant 0 : i32
            %dma_wait3A_254 = tpu.memref_slice %arg5[%dma_wait3A_252, %dma_wait3A_253] : memref<220000x256xf32, #tpu.memory_space<hbm>> -> memref<220000x256xf32, #tpu.memory_space<hbm>>
            tpu.wait_indirect_dma semaphore(%arg23 : memref<!tpu.dma_semaphore, #tpu.memory_space<semaphore_mem>>) src(%dma_wait3A_251 : memref<16x256xf32, #tpu.memory_space<vmem>>) dst(%dma_wait3A_254 : memref<220000x256xf32, #tpu.memory_space<hbm>>)
            %get3A_255 = arith.constant 16 : index
            %get3A_256 = tpu.vector_load %arg9[%get3A_255] {strides = array<i32>} : memref<6960xi32, #tpu.memory_space<vmem>>, vector<16xi32>,
            %dma_wait3A_257 = arith.constant 16 : i32
            %dma_wait3A_258 = arith.constant 0 : i32
            %dma_wait3A_259 = tpu.memref_slice %arg17[%dma_wait3A_257, %dma_wait3A_258] : memref<32x256xf32, #tpu.memory_space<vmem>> -> memref<16x256xf32, #tpu.memory_space<vmem>>
            %dma_wait3A_260 = arith.constant 0 : i32
            %dma_wait3A_261 = arith.constant 0 : i32
            %dma_wait3A_262 = tpu.memref_slice %arg5[%dma_wait3A_260, %dma_wait3A_261] : memref<220000x256xf32, #tpu.memory_space<hbm>> -> memref<220000x256xf32, #tpu.memory_space<hbm>>
            tpu.wait_indirect_dma semaphore(%arg23 : memref<!tpu.dma_semaphore, #tpu.memory_space<semaphore_mem>>) src(%dma_wait3A_259 : memref<16x256xf32, #tpu.memory_space<vmem>>) dst(%dma_wait3A_262 : memref<220000x256xf32, #tpu.memory_space<hbm>>)
          } else {
          }
          %scan3A_213 = arith.constant 0 : i32
          %scan3A_214 = arith.constant 32 : i32
          %scan3A_215 = arith.addi %scan3A_213, %scan3A_214 : i32
          %scan3A_216 = arith.constant 1 : i32
          scf.for %scan3A_247 = %scan3A_213 to %scan3A_215 step %scan3A_216  : i32 {
            %mul3A_248 = arith.constant 1 : i32
            %mul3A_249 = arith.muli %scan3A_247, %mul3A_248 : i32
            %add3A_250 = arith.constant 0 : i32
            %add3A_251 = arith.addi %add3A_250, %mul3A_249 : i32
            %get3A_252 = arith.index_cast %add3A_251 : i32 to index
            %get3A_253 = arith.constant 0 : index
            %get3A_254 = tpu.vector_load %arg11[%get3A_252, %get3A_253] {strides = array<i32>} : memref<32x256xf32, #tpu.memory_space<vmem>>, vector<16xf32>,
            %get3A_255 = arith.index_cast %add3A_251 : i32 to index
            %get3A_256 = arith.constant 0 : index
            %get3A_257 = tpu.vector_load %arg14[%get3A_255, %get3A_256] {strides = array<i32>} : memref<32x256xf32, #tpu.memory_space<vmem>>, vector<16xf32>,
            %add3A_258 = arith.addf %get3A_254, %get3A_257 : vector<16xf32>
            %mul3A_259 = arith.constant 5.000000e-01 : f32
            %mul3A_260 = vector.broadcast %mul3A_259 : f32 to vector<16xf32>
            %mul3A_261 = arith.mulf %add3A_258, %mul3A_260 : vector<16xf32>
            %swap3A_262 = arith.index_cast %add3A_251 : i32 to index
            %swap3A_263 = arith.constant 0 : index
            %swap3A_264 = tpu.vector_load %arg17[%swap3A_262, %swap3A_263] {strides = array<i32>} : memref<32x256xf32, #tpu.memory_space<vmem>>, vector<16xf32>,
            tpu.vector_store %arg17[%swap3A_262, %swap3A_263], %mul3A_261 {strides = array<i32>} : memref<32x256xf32, #tpu.memory_space<vmem>>, vector<16xf32>,
            %get3A_265 = arith.index_cast %add3A_251 : i32 to index
            %get3A_266 = arith.constant 16 : index
            %get3A_267 = tpu.vector_load %arg11[%get3A_265, %get3A_266] {strides = array<i32>} : memref<32x256xf32, #tpu.memory_space<vmem>>, vector<16xf32>,
            %get3A_268 = arith.index_cast %add3A_251 : i32 to index
            %get3A_269 = arith.constant 16 : index
            %get3A_270 = tpu.vector_load %arg14[%get3A_268, %get3A_269] {strides = array<i32>} : memref<32x256xf32, #tpu.memory_space<vmem>>, vector<16xf32>,
            %add3A_271 = arith.addf %get3A_267, %get3A_270 : vector<16xf32>
            %mul3A_272 = arith.constant 5.000000e-01 : f32
            %mul3A_273 = vector.broadcast %mul3A_272 : f32 to vector<16xf32>
            %mul3A_274 = arith.mulf %add3A_271, %mul3A_273 : vector<16xf32>
            %swap3A_275 = arith.index_cast %add3A_251 : i32 to index
            %swap3A_276 = arith.constant 16 : index
            %swap3A_277 = tpu.vector_load %arg17[%swap3A_275, %swap3A_276] {strides = array<i32>} : memref<32x256xf32, #tpu.memory_space<vmem>>, vector<16xf32>,
            tpu.vector_store %arg17[%swap3A_275, %swap3A_276], %mul3A_274 {strides = array<i32>} : memref<32x256xf32, #tpu.memory_space<vmem>>, vector<16xf32>,
            %get3A_278 = arith.index_cast %add3A_251 : i32 to index
            %get3A_279 = arith.constant 32 : index
            %get3A_280 = tpu.vector_load %arg11[%get3A_278, %get3A_279] {strides = array<i32>} : memref<32x256xf32, #tpu.memory_space<vmem>>, vector<16xf32>,
            %get3A_281 = arith.index_cast %add3A_251 : i32 to index
            %get3A_282 = arith.constant 32 : index
            %get3A_283 = tpu.vector_load %arg14[%get3A_281, %get3A_282] {strides = array<i32>} : memref<32x256xf32, #tpu.memory_space<vmem>>, vector<16xf32>,
            %add3A_284 = arith.addf %get3A_280, %get3A_283 : vector<16xf32>
            %mul3A_285 = arith.constant 5.000000e-01 : f32
            %mul3A_286 = vector.broadcast %mul3A_285 : f32 to vector<16xf32>
            %mul3A_287 = arith.mulf %add3A_284, %mul3A_286 : vector<16xf32>
            %swap3A_288 = arith.index_cast %add3A_251 : i32 to index
            %swap3A_289 = arith.constant 32 : index
            %swap3A_290 = tpu.vector_load %arg17[%swap3A_288, %swap3A_289] {strides = array<i32>} : memref<32x256xf32, #tpu.memory_space<vmem>>, vector<16xf32>,
            tpu.vector_store %arg17[%swap3A_288, %swap3A_289], %mul3A_287 {strides = array<i32>} : memref<32x256xf32, #tpu.memory_space<vmem>>, vector<16xf32>,
            %get3A_291 = arith.index_cast %add3A_251 : i32 to index
            %get3A_292 = arith.constant 48 : index
            %get3A_293 = tpu.vector_load %arg11[%get3A_291, %get3A_292] {strides = array<i32>} : memref<32x256xf32, #tpu.memory_space<vmem>>, vector<16xf32>,
            %get3A_294 = arith.index_cast %add3A_251 : i32 to index
            %get3A_295 = arith.constant 48 : index
            %get3A_296 = tpu.vector_load %arg14[%get3A_294, %get3A_295] {strides = array<i32>} : memref<32x256xf32, #tpu.memory_space<vmem>>, vector<16xf32>,
            %add3A_297 = arith.addf %get3A_293, %get3A_296 : vector<16xf32>
            %mul3A_298 = arith.constant 5.000000e-01 : f32
            %mul3A_299 = vector.broadcast %mul3A_298 : f32 to vector<16xf32>
            %mul3A_300 = arith.mulf %add3A_297, %mul3A_299 : vector<16xf32>
            %swap3A_301 = arith.index_cast %add3A_251 : i32 to index
            %swap3A_302 = arith.constant 48 : index
            %swap3A_303 = tpu.vector_load %arg17[%swap3A_301, %swap3A_302] {strides = array<i32>} : memref<32x256xf32, #tpu.memory_space<vmem>>, vector<16xf32>,
            tpu.vector_store %arg17[%swap3A_301, %swap3A_302], %mul3A_300 {strides = array<i32>} : memref<32x256xf32, #tpu.memory_space<vmem>>, vector<16xf32>,
            %get3A_304 = arith.index_cast %add3A_251 : i32 to index
            %get3A_305 = arith.constant 64 : index
            %get3A_306 = tpu.vector_load %arg11[%get3A_304, %get3A_305] {strides = array<i32>} : memref<32x256xf32, #tpu.memory_space<vmem>>, vector<16xf32>,
            %get3A_307 = arith.index_cast %add3A_251 : i32 to index
            %get3A_308 = arith.constant 64 : index
            %get3A_309 = tpu.vector_load %arg14[%get3A_307, %get3A_308] {strides = array<i32>} : memref<32x256xf32, #tpu.memory_space<vmem>>, vector<16xf32>,
            %add3A_310 = arith.addf %get3A_306, %get3A_309 : vector<16xf32>
            %mul3A_311 = arith.constant 5.000000e-01 : f32
            %mul3A_312 = vector.broadcast %mul3A_311 : f32 to vector<16xf32>
            %mul3A_313 = arith.mulf %add3A_310, %mul3A_312 : vector<16xf32>
            %swap3A_314 = arith.index_cast %add3A_251 : i32 to index
            %swap3A_315 = arith.constant 64 : index
            %swap3A_316 = tpu.vector_load %arg17[%swap3A_314, %swap3A_315] {strides = array<i32>} : memref<32x256xf32, #tpu.memory_space<vmem>>, vector<16xf32>,
            tpu.vector_store %arg17[%swap3A_314, %swap3A_315], %mul3A_313 {strides = array<i32>} : memref<32x256xf32, #tpu.memory_space<vmem>>, vector<16xf32>,
            %get3A_317 = arith.index_cast %add3A_251 : i32 to index
            %get3A_318 = arith.constant 80 : index
            %get3A_319 = tpu.vector_load %arg11[%get3A_317, %get3A_318] {strides = array<i32>} : memref<32x256xf32, #tpu.memory_space<vmem>>, vector<16xf32>,
            %get3A_320 = arith.index_cast %add3A_251 : i32 to index
            %get3A_321 = arith.constant 80 : index
            %get3A_322 = tpu.vector_load %arg14[%get3A_320, %get3A_321] {strides = array<i32>} : memref<32x256xf32, #tpu.memory_space<vmem>>, vector<16xf32>,
            %add3A_323 = arith.addf %get3A_319, %get3A_322 : vector<16xf32>
            %mul3A_324 = arith.constant 5.000000e-01 : f32
            %mul3A_325 = vector.broadcast %mul3A_324 : f32 to vector<16xf32>
            %mul3A_326 = arith.mulf %add3A_323, %mul3A_325 : vector<16xf32>
            %swap3A_327 = arith.index_cast %add3A_251 : i32 to index
            %swap3A_328 = arith.constant 80 : index
            %swap3A_329 = tpu.vector_load %arg17[%swap3A_327, %swap3A_328] {strides = array<i32>} : memref<32x256xf32, #tpu.memory_space<vmem>>, vector<16xf32>,
            tpu.vector_store %arg17[%swap3A_327, %swap3A_328], %mul3A_326 {strides = array<i32>} : memref<32x256xf32, #tpu.memory_space<vmem>>, vector<16xf32>,
            %get3A_330 = arith.index_cast %add3A_251 : i32 to index
            %get3A_331 = arith.constant 96 : index
            %get3A_332 = tpu.vector_load %arg11[%get3A_330, %get3A_331] {strides = array<i32>} : memref<32x256xf32, #tpu.memory_space<vmem>>, vector<16xf32>,
            %get3A_333 = arith.index_cast %add3A_251 : i32 to index
            %get3A_334 = arith.constant 96 : index
            %get3A_335 = tpu.vector_load %arg14[%get3A_333, %get3A_334] {strides = array<i32>} : memref<32x256xf32, #tpu.memory_space<vmem>>, vector<16xf32>,
            %add3A_336 = arith.addf %get3A_332, %get3A_335 : vector<16xf32>
            %mul3A_337 = arith.constant 5.000000e-01 : f32
            %mul3A_338 = vector.broadcast %mul3A_337 : f32 to vector<16xf32>
            %mul3A_339 = arith.mulf %add3A_336, %mul3A_338 : vector<16xf32>
            %swap3A_340 = arith.index_cast %add3A_251 : i32 to index
            %swap3A_341 = arith.constant 96 : index
            %swap3A_342 = tpu.vector_load %arg17[%swap3A_340, %swap3A_341] {strides = array<i32>} : memref<32x256xf32, #tpu.memory_space<vmem>>, vector<16xf32>,
            tpu.vector_store %arg17[%swap3A_340, %swap3A_341], %mul3A_339 {strides = array<i32>} : memref<32x256xf32, #tpu.memory_space<vmem>>, vector<16xf32>,
            %get3A_343 = arith.index_cast %add3A_251 : i32 to index
            %get3A_344 = arith.constant 112 : index
            %get3A_345 = tpu.vector_load %arg11[%get3A_343, %get3A_344] {strides = array<i32>} : memref<32x256xf32, #tpu.memory_space<vmem>>, vector<16xf32>,
            %get3A_346 = arith.index_cast %add3A_251 : i32 to index
            %get3A_347 = arith.constant 112 : index
            %get3A_348 = tpu.vector_load %arg14[%get3A_346, %get3A_347] {strides = array<i32>} : memref<32x256xf32, #tpu.memory_space<vmem>>, vector<16xf32>,
            %add3A_349 = arith.addf %get3A_345, %get3A_348 : vector<16xf32>
            %mul3A_350 = arith.constant 5.000000e-01 : f32
            %mul3A_351 = vector.broadcast %mul3A_350 : f32 to vector<16xf32>
            %mul3A_352 = arith.mulf %add3A_349, %mul3A_351 : vector<16xf32>
            %swap3A_353 = arith.index_cast %add3A_251 : i32 to index
            %swap3A_354 = arith.constant 112 : index
            %swap3A_355 = tpu.vector_load %arg17[%swap3A_353, %swap3A_354] {strides = array<i32>} : memref<32x256xf32, #tpu.memory_space<vmem>>, vector<16xf32>,
            tpu.vector_store %arg17[%swap3A_353, %swap3A_354], %mul3A_352 {strides = array<i32>} : memref<32x256xf32, #tpu.memory_space<vmem>>, vector<16xf32>,
            %get3A_356 = arith.index_cast %add3A_251 : i32 to index
            %get3A_357 = arith.constant 128 : index
            %get3A_358 = tpu.vector_load %arg11[%get3A_356, %get3A_357] {strides = array<i32>} : memref<32x256xf32, #tpu.memory_space<vmem>>, vector<16xf32>,
            %get3A_359 = arith.index_cast %add3A_251 : i32 to index
            %get3A_360 = arith.constant 128 : index
            %get3A_361 = tpu.vector_load %arg14[%get3A_359, %get3A_360] {strides = array<i32>} : memref<32x256xf32, #tpu.memory_space<vmem>>, vector<16xf32>,
            %add3A_362 = arith.addf %get3A_358, %get3A_361 : vector<16xf32>
            %mul3A_363 = arith.constant 5.000000e-01 : f32
            %mul3A_364 = vector.broadcast %mul3A_363 : f32 to vector<16xf32>
            %mul3A_365 = arith.mulf %add3A_362, %mul3A_364 : vector<16xf32>
            %swap3A_366 = arith.index_cast %add3A_251 : i32 to index
            %swap3A_367 = arith.constant 128 : index
            %swap3A_368 = tpu.vector_load %arg17[%swap3A_366, %swap3A_367] {strides = array<i32>} : memref<32x256xf32, #tpu.memory_space<vmem>>, vector<16xf32>,
            tpu.vector_store %arg17[%swap3A_366, %swap3A_367], %mul3A_365 {strides = array<i32>} : memref<32x256xf32, #tpu.memory_space<vmem>>, vector<16xf32>,
            %get3A_369 = arith.index_cast %add3A_251 : i32 to index
            %get3A_370 = arith.constant 144 : index
            %get3A_371 = tpu.vector_load %arg11[%get3A_369, %get3A_370] {strides = array<i32>} : memref<32x256xf32, #tpu.memory_space<vmem>>, vector<16xf32>,
            %get3A_372 = arith.index_cast %add3A_251 : i32 to index
            %get3A_373 = arith.constant 144 : index
            %get3A_374 = tpu.vector_load %arg14[%get3A_372, %get3A_373] {strides = array<i32>} : memref<32x256xf32, #tpu.memory_space<vmem>>, vector<16xf32>,
            %add3A_375 = arith.addf %get3A_371, %get3A_374 : vector<16xf32>
            %mul3A_376 = arith.constant 5.000000e-01 : f32
            %mul3A_377 = vector.broadcast %mul3A_376 : f32 to vector<16xf32>
            %mul3A_378 = arith.mulf %add3A_375, %mul3A_377 : vector<16xf32>
            %swap3A_379 = arith.index_cast %add3A_251 : i32 to index
            %swap3A_380 = arith.constant 144 : index
            %swap3A_381 = tpu.vector_load %arg17[%swap3A_379, %swap3A_380] {strides = array<i32>} : memref<32x256xf32, #tpu.memory_space<vmem>>, vector<16xf32>,
            tpu.vector_store %arg17[%swap3A_379, %swap3A_380], %mul3A_378 {strides = array<i32>} : memref<32x256xf32, #tpu.memory_space<vmem>>, vector<16xf32>,
            %get3A_382 = arith.index_cast %add3A_251 : i32 to index
            %get3A_383 = arith.constant 160 : index
            %get3A_384 = tpu.vector_load %arg11[%get3A_382, %get3A_383] {strides = array<i32>} : memref<32x256xf32, #tpu.memory_space<vmem>>, vector<16xf32>,
            %get3A_385 = arith.index_cast %add3A_251 : i32 to index
            %get3A_386 = arith.constant 160 : index
            %get3A_387 = tpu.vector_load %arg14[%get3A_385, %get3A_386] {strides = array<i32>} : memref<32x256xf32, #tpu.memory_space<vmem>>, vector<16xf32>,
            %add3A_388 = arith.addf %get3A_384, %get3A_387 : vector<16xf32>
            %mul3A_389 = arith.constant 5.000000e-01 : f32
            %mul3A_390 = vector.broadcast %mul3A_389 : f32 to vector<16xf32>
            %mul3A_391 = arith.mulf %add3A_388, %mul3A_390 : vector<16xf32>
            %swap3A_392 = arith.index_cast %add3A_251 : i32 to index
            %swap3A_393 = arith.constant 160 : index
            %swap3A_394 = tpu.vector_load %arg17[%swap3A_392, %swap3A_393] {strides = array<i32>} : memref<32x256xf32, #tpu.memory_space<vmem>>, vector<16xf32>,
            tpu.vector_store %arg17[%swap3A_392, %swap3A_393], %mul3A_391 {strides = array<i32>} : memref<32x256xf32, #tpu.memory_space<vmem>>, vector<16xf32>,
            %get3A_395 = arith.index_cast %add3A_251 : i32 to index
            %get3A_396 = arith.constant 176 : index
            %get3A_397 = tpu.vector_load %arg11[%get3A_395, %get3A_396] {strides = array<i32>} : memref<32x256xf32, #tpu.memory_space<vmem>>, vector<16xf32>,
            %get3A_398 = arith.index_cast %add3A_251 : i32 to index
            %get3A_399 = arith.constant 176 : index
            %get3A_400 = tpu.vector_load %arg14[%get3A_398, %get3A_399] {strides = array<i32>} : memref<32x256xf32, #tpu.memory_space<vmem>>, vector<16xf32>,
            %add3A_401 = arith.addf %get3A_397, %get3A_400 : vector<16xf32>
            %mul3A_402 = arith.constant 5.000000e-01 : f32
            %mul3A_403 = vector.broadcast %mul3A_402 : f32 to vector<16xf32>
            %mul3A_404 = arith.mulf %add3A_401, %mul3A_403 : vector<16xf32>
            %swap3A_405 = arith.index_cast %add3A_251 : i32 to index
            %swap3A_406 = arith.constant 176 : index
            %swap3A_407 = tpu.vector_load %arg17[%swap3A_405, %swap3A_406] {strides = array<i32>} : memref<32x256xf32, #tpu.memory_space<vmem>>, vector<16xf32>,
            tpu.vector_store %arg17[%swap3A_405, %swap3A_406], %mul3A_404 {strides = array<i32>} : memref<32x256xf32, #tpu.memory_space<vmem>>, vector<16xf32>,
            %get3A_408 = arith.index_cast %add3A_251 : i32 to index
            %get3A_409 = arith.constant 192 : index
            %get3A_410 = tpu.vector_load %arg11[%get3A_408, %get3A_409] {strides = array<i32>} : memref<32x256xf32, #tpu.memory_space<vmem>>, vector<16xf32>,
            %get3A_411 = arith.index_cast %add3A_251 : i32 to index
            %get3A_412 = arith.constant 192 : index
            %get3A_413 = tpu.vector_load %arg14[%get3A_411, %get3A_412] {strides = array<i32>} : memref<32x256xf32, #tpu.memory_space<vmem>>, vector<16xf32>,
            %add3A_414 = arith.addf %get3A_410, %get3A_413 : vector<16xf32>
            %mul3A_415 = arith.constant 5.000000e-01 : f32
            %mul3A_416 = vector.broadcast %mul3A_415 : f32 to vector<16xf32>
            %mul3A_417 = arith.mulf %add3A_414, %mul3A_416 : vector<16xf32>
            %swap3A_418 = arith.index_cast %add3A_251 : i32 to index
            %swap3A_419 = arith.constant 192 : index
            %swap3A_420 = tpu.vector_load %arg17[%swap3A_418, %swap3A_419] {strides = array<i32>} : memref<32x256xf32, #tpu.memory_space<vmem>>, vector<16xf32>,
            tpu.vector_store %arg17[%swap3A_418, %swap3A_419], %mul3A_417 {strides = array<i32>} : memref<32x256xf32, #tpu.memory_space<vmem>>, vector<16xf32>,
            %get3A_421 = arith.index_cast %add3A_251 : i32 to index
            %get3A_422 = arith.constant 208 : index
            %get3A_423 = tpu.vector_load %arg11[%get3A_421, %get3A_422] {strides = array<i32>} : memref<32x256xf32, #tpu.memory_space<vmem>>, vector<16xf32>,
            %get3A_424 = arith.index_cast %add3A_251 : i32 to index
            %get3A_425 = arith.constant 208 : index
            %get3A_426 = tpu.vector_load %arg14[%get3A_424, %get3A_425] {strides = array<i32>} : memref<32x256xf32, #tpu.memory_space<vmem>>, vector<16xf32>,
            %add3A_427 = arith.addf %get3A_423, %get3A_426 : vector<16xf32>
            %mul3A_428 = arith.constant 5.000000e-01 : f32
            %mul3A_429 = vector.broadcast %mul3A_428 : f32 to vector<16xf32>
            %mul3A_430 = arith.mulf %add3A_427, %mul3A_429 : vector<16xf32>
            %swap3A_431 = arith.index_cast %add3A_251 : i32 to index
            %swap3A_432 = arith.constant 208 : index
            %swap3A_433 = tpu.vector_load %arg17[%swap3A_431, %swap3A_432] {strides = array<i32>} : memref<32x256xf32, #tpu.memory_space<vmem>>, vector<16xf32>,
            tpu.vector_store %arg17[%swap3A_431, %swap3A_432], %mul3A_430 {strides = array<i32>} : memref<32x256xf32, #tpu.memory_space<vmem>>, vector<16xf32>,
            %get3A_434 = arith.index_cast %add3A_251 : i32 to index
            %get3A_435 = arith.constant 224 : index
            %get3A_436 = tpu.vector_load %arg11[%get3A_434, %get3A_435] {strides = array<i32>} : memref<32x256xf32, #tpu.memory_space<vmem>>, vector<16xf32>,
            %get3A_437 = arith.index_cast %add3A_251 : i32 to index
            %get3A_438 = arith.constant 224 : index
            %get3A_439 = tpu.vector_load %arg14[%get3A_437, %get3A_438] {strides = array<i32>} : memref<32x256xf32, #tpu.memory_space<vmem>>, vector<16xf32>,
            %add3A_440 = arith.addf %get3A_436, %get3A_439 : vector<16xf32>
            %mul3A_441 = arith.constant 5.000000e-01 : f32
            %mul3A_442 = vector.broadcast %mul3A_441 : f32 to vector<16xf32>
            %mul3A_443 = arith.mulf %add3A_440, %mul3A_442 : vector<16xf32>
            %swap3A_444 = arith.index_cast %add3A_251 : i32 to index
            %swap3A_445 = arith.constant 224 : index
            %swap3A_446 = tpu.vector_load %arg17[%swap3A_444, %swap3A_445] {strides = array<i32>} : memref<32x256xf32, #tpu.memory_space<vmem>>, vector<16xf32>,
            tpu.vector_store %arg17[%swap3A_444, %swap3A_445], %mul3A_443 {strides = array<i32>} : memref<32x256xf32, #tpu.memory_space<vmem>>, vector<16xf32>,
            %get3A_447 = arith.index_cast %add3A_251 : i32 to index
            %get3A_448 = arith.constant 240 : index
            %get3A_449 = tpu.vector_load %arg11[%get3A_447, %get3A_448] {strides = array<i32>} : memref<32x256xf32, #tpu.memory_space<vmem>>, vector<16xf32>,
            %get3A_450 = arith.index_cast %add3A_251 : i32 to index
            %get3A_451 = arith.constant 240 : index
            %get3A_452 = tpu.vector_load %arg14[%get3A_450, %get3A_451] {strides = array<i32>} : memref<32x256xf32, #tpu.memory_space<vmem>>, vector<16xf32>,
            %add3A_453 = arith.addf %get3A_449, %get3A_452 : vector<16xf32>
            %mul3A_454 = arith.constant 5.000000e-01 : f32
            %mul3A_455 = vector.broadcast %mul3A_454 : f32 to vector<16xf32>
            %mul3A_456 = arith.mulf %add3A_453, %mul3A_455 : vector<16xf32>
            %swap3A_457 = arith.index_cast %add3A_251 : i32 to index
            %swap3A_458 = arith.constant 240 : index
            %swap3A_459 = tpu.vector_load %arg17[%swap3A_457, %swap3A_458] {strides = array<i32>} : memref<32x256xf32, #tpu.memory_space<vmem>>, vector<16xf32>,
            tpu.vector_store %arg17[%swap3A_457, %swap3A_458], %mul3A_456 {strides = array<i32>} : memref<32x256xf32, #tpu.memory_space<vmem>>, vector<16xf32>,
          }
          %scan3A_217 = arith.constant 32 : i32
          %mul3A_218 = arith.constant 32 : i32
          %mul3A_219 = arith.muli %add3A_151, %mul3A_218 : i32
          %multiple_of3A_220 = tpu.assume_multiple %mul3A_219, 32 : i32
          %add3A_221 = arith.constant 0 : i32
          %add3A_222 = arith.addi %multiple_of3A_220, %add3A_221 : i32
          %get3A_223 = arith.index_cast %add3A_222 : i32 to index
          %get3A_224 = tpu.vector_load %arg9[%get3A_223] {strides = array<i32>} : memref<6960xi32, #tpu.memory_space<vmem>>, vector<16xi32>,
          %dma_start3A_225 = arith.constant 0 : i32
          %dma_start3A_226 = arith.constant 0 : i32
          %dma_start3A_227 = tpu.memref_slice %arg17[%dma_start3A_225, %dma_start3A_226] : memref<32x256xf32, #tpu.memory_space<vmem>> -> memref<16x256xf32, #tpu.memory_space<vmem>>
          %dma_start3A_228 = arith.constant 0 : i32
          %dma_start3A_229 = arith.constant 0 : i32
          %dma_start3A_230 = tpu.memref_slice %arg5[%dma_start3A_228, %dma_start3A_229] : memref<220000x256xf32, #tpu.memory_space<hbm>> -> memref<220000x256xf32, #tpu.memory_space<hbm>>
          tpu.enqueue_indirect_dma source(%dma_start3A_227 : memref<16x256xf32, #tpu.memory_space<vmem>>) target(%dma_start3A_230 : memref<220000x256xf32, #tpu.memory_space<hbm>>) offsets(%get3A_224 : vector<16xi32>) semaphore(%arg23 : memref<!tpu.dma_semaphore, #tpu.memory_space<semaphore_mem>>)
          %add3A_231 = arith.constant 16 : i32
          %add3A_232 = arith.addi %multiple_of3A_220, %add3A_231 : i32
          %get3A_233 = arith.index_cast %add3A_232 : i32 to index
          %get3A_234 = tpu.vector_load %arg9[%get3A_233] {strides = array<i32>} : memref<6960xi32, #tpu.memory_space<vmem>>, vector<16xi32>,
          %dma_start3A_235 = arith.constant 16 : i32
          %dma_start3A_236 = arith.constant 0 : i32
          %dma_start3A_237 = tpu.memref_slice %arg17[%dma_start3A_235, %dma_start3A_236] : memref<32x256xf32, #tpu.memory_space<vmem>> -> memref<16x256xf32, #tpu.memory_space<vmem>>
          %dma_start3A_238 = arith.constant 0 : i32
          %dma_start3A_239 = arith.constant 0 : i32
          %dma_start3A_240 = tpu.memref_slice %arg5[%dma_start3A_238, %dma_start3A_239] : memref<220000x256xf32, #tpu.memory_space<hbm>> -> memref<220000x256xf32, #tpu.memory_space<hbm>>
          tpu.enqueue_indirect_dma source(%dma_start3A_237 : memref<16x256xf32, #tpu.memory_space<vmem>>) target(%dma_start3A_240 : memref<220000x256xf32, #tpu.memory_space<hbm>>) offsets(%get3A_234 : vector<16xi32>) semaphore(%arg23 : memref<!tpu.dma_semaphore, #tpu.memory_space<semaphore_mem>>)
          %add3A_241 = arith.constant 3 : i32
          %add3A_242 = arith.addi %add3A_151, %add3A_241 : i32
          %lt3A_243 = arith.cmpi slt, %add3A_242, %select_n3A : i32
          %convert_element_type3A_244 = arith.extui %lt3A_243 : i1 to i32
          %cond3A_245 = arith.constant 0 : i32
          %cond3A_246 = arith.cmpi ne, %convert_element_type3A_244, %cond3A_245 : i32
          scf.if %cond3A_246 {
            %add3A_247 = arith.constant 3 : i32
            %add3A_248 = arith.addi %add3A_151, %add3A_247 : i32
            %mul3A_249 = arith.constant 32 : i32
            %mul3A_250 = arith.muli %add3A_248, %mul3A_249 : i32
            %multiple_of3A_251 = tpu.assume_multiple %mul3A_250, 32 : i32
            %add3A_252 = arith.constant 0 : i32
            %add3A_253 = arith.addi %multiple_of3A_251, %add3A_252 : i32
            %get3A_254 = arith.index_cast %add3A_253 : i32 to index
            %get3A_255 = tpu.vector_load %arg9[%get3A_254] {strides = array<i32>} : memref<6960xi32, #tpu.memory_space<vmem>>, vector<16xi32>,
            %add3A_256 = arith.constant 0 : i32
            %add3A_257 = arith.addi %multiple_of3A_251, %add3A_256 : i32
            %get3A_258 = arith.index_cast %add3A_257 : i32 to index
            %get3A_259 = tpu.vector_load %arg10[%get3A_258] {strides = array<i32>} : memref<6960xi32, #tpu.memory_space<vmem>>, vector<16xi32>,
            %dma_start3A_260 = arith.constant 0 : i32
            %dma_start3A_261 = arith.constant 0 : i32
            %dma_start3A_262 = tpu.memref_slice %arg11[%dma_start3A_260, %dma_start3A_261] : memref<32x256xf32, #tpu.memory_space<vmem>> -> memref<16x256xf32, #tpu.memory_space<vmem>>
            %dma_start3A_263 = arith.constant 0 : i32
            %dma_start3A_264 = arith.constant 0 : i32
            %dma_start3A_265 = tpu.memref_slice %arg3[%dma_start3A_263, %dma_start3A_264] : memref<16384x256xf32, #tpu.memory_space<hbm>> -> memref<16384x256xf32, #tpu.memory_space<hbm>>
            tpu.enqueue_indirect_dma source(%dma_start3A_265 : memref<16384x256xf32, #tpu.memory_space<hbm>>) target(%dma_start3A_262 : memref<16x256xf32, #tpu.memory_space<vmem>>) offsets(%get3A_259 : vector<16xi32>) semaphore(%arg20 : memref<!tpu.dma_semaphore, #tpu.memory_space<semaphore_mem>>)
            %dma_start3A_266 = arith.constant 0 : i32
            %dma_start3A_267 = arith.constant 0 : i32
            %dma_start3A_268 = tpu.memref_slice %arg14[%dma_start3A_266, %dma_start3A_267] : memref<32x256xf32, #tpu.memory_space<vmem>> -> memref<16x256xf32, #tpu.memory_space<vmem>>
            %dma_start3A_269 = arith.constant 0 : i32
            %dma_start3A_270 = arith.constant 0 : i32
            %dma_start3A_271 = tpu.memref_slice %arg2[%dma_start3A_269, %dma_start3A_270] : memref<220000x256xf32, #tpu.memory_space<hbm>> -> memref<220000x256xf32, #tpu.memory_space<hbm>>
            tpu.enqueue_indirect_dma source(%dma_start3A_271 : memref<220000x256xf32, #tpu.memory_space<hbm>>) target(%dma_start3A_268 : memref<16x256xf32, #tpu.memory_space<vmem>>) offsets(%get3A_255 : vector<16xi32>) semaphore(%arg20 : memref<!tpu.dma_semaphore, #tpu.memory_space<semaphore_mem>>)
            %add3A_272 = arith.constant 16 : i32
            %add3A_273 = arith.addi %multiple_of3A_251, %add3A_272 : i32
            %get3A_274 = arith.index_cast %add3A_273 : i32 to index
            %get3A_275 = tpu.vector_load %arg9[%get3A_274] {strides = array<i32>} : memref<6960xi32, #tpu.memory_space<vmem>>, vector<16xi32>,
            %add3A_276 = arith.constant 16 : i32
            %add3A_277 = arith.addi %multiple_of3A_251, %add3A_276 : i32
            %get3A_278 = arith.index_cast %add3A_277 : i32 to index
            %get3A_279 = tpu.vector_load %arg10[%get3A_278] {strides = array<i32>} : memref<6960xi32, #tpu.memory_space<vmem>>, vector<16xi32>,
            %dma_start3A_280 = arith.constant 16 : i32
            %dma_start3A_281 = arith.constant 0 : i32
            %dma_start3A_282 = tpu.memref_slice %arg11[%dma_start3A_280, %dma_start3A_281] : memref<32x256xf32, #tpu.memory_space<vmem>> -> memref<16x256xf32, #tpu.memory_space<vmem>>
            %dma_start3A_283 = arith.constant 0 : i32
            %dma_start3A_284 = arith.constant 0 : i32
            %dma_start3A_285 = tpu.memref_slice %arg3[%dma_start3A_283, %dma_start3A_284] : memref<16384x256xf32, #tpu.memory_space<hbm>> -> memref<16384x256xf32, #tpu.memory_space<hbm>>
            tpu.enqueue_indirect_dma source(%dma_start3A_285 : memref<16384x256xf32, #tpu.memory_space<hbm>>) target(%dma_start3A_282 : memref<16x256xf32, #tpu.memory_space<vmem>>) offsets(%get3A_279 : vector<16xi32>) semaphore(%arg20 : memref<!tpu.dma_semaphore, #tpu.memory_space<semaphore_mem>>)
            %dma_start3A_286 = arith.constant 16 : i32
            %dma_start3A_287 = arith.constant 0 : i32
            %dma_start3A_288 = tpu.memref_slice %arg14[%dma_start3A_286, %dma_start3A_287] : memref<32x256xf32, #tpu.memory_space<vmem>> -> memref<16x256xf32, #tpu.memory_space<vmem>>
            %dma_start3A_289 = arith.constant 0 : i32
            %dma_start3A_290 = arith.constant 0 : i32
            %dma_start3A_291 = tpu.memref_slice %arg2[%dma_start3A_289, %dma_start3A_290] : memref<220000x256xf32, #tpu.memory_space<hbm>> -> memref<220000x256xf32, #tpu.memory_space<hbm>>
            tpu.enqueue_indirect_dma source(%dma_start3A_291 : memref<220000x256xf32, #tpu.memory_space<hbm>>) target(%dma_start3A_288 : memref<16x256xf32, #tpu.memory_space<vmem>>) offsets(%get3A_275 : vector<16xi32>) semaphore(%arg20 : memref<!tpu.dma_semaphore, #tpu.memory_space<semaphore_mem>>)
          } else {
          }
        } else {
        }
        %add3A_155 = arith.constant 1 : i32
        %add3A_156 = arith.addi %add3A_149, %add3A_155 : i32
        %lt3A_157 = arith.cmpi slt, %add3A_156, %select_n3A : i32
        %convert_element_type3A_158 = arith.extui %lt3A_157 : i1 to i32
        %cond3A_159 = arith.constant 0 : i32
        %cond3A_160 = arith.cmpi ne, %convert_element_type3A_158, %cond3A_159 : i32
        scf.if %cond3A_160 {
          %mul3A_167 = arith.constant 32 : i32
          %mul3A_168 = arith.muli %add3A_156, %mul3A_167 : i32
          %multiple_of3A_169 = tpu.assume_multiple %mul3A_168, 32 : i32
          %add3A_170 = arith.constant 0 : i32
          %add3A_171 = arith.addi %multiple_of3A_169, %add3A_170 : i32
          %get3A_172 = arith.index_cast %add3A_171 : i32 to index
          %get3A_173 = tpu.vector_load %arg9[%get3A_172] {strides = array<i32>} : memref<6960xi32, #tpu.memory_space<vmem>>, vector<16xi32>,
          %add3A_174 = arith.constant 0 : i32
          %add3A_175 = arith.addi %multiple_of3A_169, %add3A_174 : i32
          %get3A_176 = arith.index_cast %add3A_175 : i32 to index
          %get3A_177 = tpu.vector_load %arg10[%get3A_176] {strides = array<i32>} : memref<6960xi32, #tpu.memory_space<vmem>>, vector<16xi32>,
          %dma_wait3A = arith.constant 0 : i32
          %dma_wait3A_178 = arith.constant 0 : i32
          %dma_wait3A_179 = tpu.memref_slice %arg12[%dma_wait3A, %dma_wait3A_178] : memref<32x256xf32, #tpu.memory_space<vmem>> -> memref<16x256xf32, #tpu.memory_space<vmem>>
          %dma_wait3A_180 = arith.constant 0 : i32
          %dma_wait3A_181 = arith.constant 0 : i32
          %dma_wait3A_182 = tpu.memref_slice %arg3[%dma_wait3A_180, %dma_wait3A_181] : memref<16384x256xf32, #tpu.memory_space<hbm>> -> memref<16384x256xf32, #tpu.memory_space<hbm>>
          tpu.wait_indirect_dma semaphore(%arg21 : memref<!tpu.dma_semaphore, #tpu.memory_space<semaphore_mem>>) src(%dma_wait3A_182 : memref<16384x256xf32, #tpu.memory_space<hbm>>) dst(%dma_wait3A_179 : memref<16x256xf32, #tpu.memory_space<vmem>>)
          %dma_wait3A_183 = arith.constant 0 : i32
          %dma_wait3A_184 = arith.constant 0 : i32
          %dma_wait3A_185 = tpu.memref_slice %arg15[%dma_wait3A_183, %dma_wait3A_184] : memref<32x256xf32, #tpu.memory_space<vmem>> -> memref<16x256xf32, #tpu.memory_space<vmem>>
          %dma_wait3A_186 = arith.constant 0 : i32
          %dma_wait3A_187 = arith.constant 0 : i32
          %dma_wait3A_188 = tpu.memref_slice %arg2[%dma_wait3A_186, %dma_wait3A_187] : memref<220000x256xf32, #tpu.memory_space<hbm>> -> memref<220000x256xf32, #tpu.memory_space<hbm>>
          tpu.wait_indirect_dma semaphore(%arg21 : memref<!tpu.dma_semaphore, #tpu.memory_space<semaphore_mem>>) src(%dma_wait3A_188 : memref<220000x256xf32, #tpu.memory_space<hbm>>) dst(%dma_wait3A_185 : memref<16x256xf32, #tpu.memory_space<vmem>>)
          %add3A_189 = arith.constant 16 : i32
          %add3A_190 = arith.addi %multiple_of3A_169, %add3A_189 : i32
          %get3A_191 = arith.index_cast %add3A_190 : i32 to index
          %get3A_192 = tpu.vector_load %arg9[%get3A_191] {strides = array<i32>} : memref<6960xi32, #tpu.memory_space<vmem>>, vector<16xi32>,
          %add3A_193 = arith.constant 16 : i32
          %add3A_194 = arith.addi %multiple_of3A_169, %add3A_193 : i32
          %get3A_195 = arith.index_cast %add3A_194 : i32 to index
          %get3A_196 = tpu.vector_load %arg10[%get3A_195] {strides = array<i32>} : memref<6960xi32, #tpu.memory_space<vmem>>, vector<16xi32>,
          %dma_wait3A_197 = arith.constant 16 : i32
          %dma_wait3A_198 = arith.constant 0 : i32
          %dma_wait3A_199 = tpu.memref_slice %arg12[%dma_wait3A_197, %dma_wait3A_198] : memref<32x256xf32, #tpu.memory_space<vmem>> -> memref<16x256xf32, #tpu.memory_space<vmem>>
          %dma_wait3A_200 = arith.constant 0 : i32
          %dma_wait3A_201 = arith.constant 0 : i32
          %dma_wait3A_202 = tpu.memref_slice %arg3[%dma_wait3A_200, %dma_wait3A_201] : memref<16384x256xf32, #tpu.memory_space<hbm>> -> memref<16384x256xf32, #tpu.memory_space<hbm>>
          tpu.wait_indirect_dma semaphore(%arg21 : memref<!tpu.dma_semaphore, #tpu.memory_space<semaphore_mem>>) src(%dma_wait3A_202 : memref<16384x256xf32, #tpu.memory_space<hbm>>) dst(%dma_wait3A_199 : memref<16x256xf32, #tpu.memory_space<vmem>>)
          %dma_wait3A_203 = arith.constant 16 : i32
          %dma_wait3A_204 = arith.constant 0 : i32
          %dma_wait3A_205 = tpu.memref_slice %arg15[%dma_wait3A_203, %dma_wait3A_204] : memref<32x256xf32, #tpu.memory_space<vmem>> -> memref<16x256xf32, #tpu.memory_space<vmem>>
          %dma_wait3A_206 = arith.constant 0 : i32
          %dma_wait3A_207 = arith.constant 0 : i32
          %dma_wait3A_208 = tpu.memref_slice %arg2[%dma_wait3A_206, %dma_wait3A_207] : memref<220000x256xf32, #tpu.memory_space<hbm>> -> memref<220000x256xf32, #tpu.memory_space<hbm>>
          tpu.wait_indirect_dma semaphore(%arg21 : memref<!tpu.dma_semaphore, #tpu.memory_space<semaphore_mem>>) src(%dma_wait3A_208 : memref<220000x256xf32, #tpu.memory_space<hbm>>) dst(%dma_wait3A_205 : memref<16x256xf32, #tpu.memory_space<vmem>>)
          %ge3A = arith.constant 3 : i32
          %ge3A_209 = arith.cmpi sge, %add3A_156, %ge3A : i32
          %convert_element_type3A_210 = arith.extui %ge3A_209 : i1 to i32
          %cond3A_211 = arith.constant 0 : i32
          %cond3A_212 = arith.cmpi ne, %convert_element_type3A_210, %cond3A_211 : i32
          scf.if %cond3A_212 {
            %get3A_247 = arith.constant 0 : index
            %get3A_248 = tpu.vector_load %arg9[%get3A_247] {strides = array<i32>} : memref<6960xi32, #tpu.memory_space<vmem>>, vector<16xi32>,
            %dma_wait3A_249 = arith.constant 0 : i32
            %dma_wait3A_250 = arith.constant 0 : i32
            %dma_wait3A_251 = tpu.memref_slice %arg18[%dma_wait3A_249, %dma_wait3A_250] : memref<32x256xf32, #tpu.memory_space<vmem>> -> memref<16x256xf32, #tpu.memory_space<vmem>>
            %dma_wait3A_252 = arith.constant 0 : i32
            %dma_wait3A_253 = arith.constant 0 : i32
            %dma_wait3A_254 = tpu.memref_slice %arg5[%dma_wait3A_252, %dma_wait3A_253] : memref<220000x256xf32, #tpu.memory_space<hbm>> -> memref<220000x256xf32, #tpu.memory_space<hbm>>
            tpu.wait_indirect_dma semaphore(%arg24 : memref<!tpu.dma_semaphore, #tpu.memory_space<semaphore_mem>>) src(%dma_wait3A_251 : memref<16x256xf32, #tpu.memory_space<vmem>>) dst(%dma_wait3A_254 : memref<220000x256xf32, #tpu.memory_space<hbm>>)
            %get3A_255 = arith.constant 16 : index
            %get3A_256 = tpu.vector_load %arg9[%get3A_255] {strides = array<i32>} : memref<6960xi32, #tpu.memory_space<vmem>>, vector<16xi32>,
            %dma_wait3A_257 = arith.constant 16 : i32
            %dma_wait3A_258 = arith.constant 0 : i32
            %dma_wait3A_259 = tpu.memref_slice %arg18[%dma_wait3A_257, %dma_wait3A_258] : memref<32x256xf32, #tpu.memory_space<vmem>> -> memref<16x256xf32, #tpu.memory_space<vmem>>
            %dma_wait3A_260 = arith.constant 0 : i32
            %dma_wait3A_261 = arith.constant 0 : i32
            %dma_wait3A_262 = tpu.memref_slice %arg5[%dma_wait3A_260, %dma_wait3A_261] : memref<220000x256xf32, #tpu.memory_space<hbm>> -> memref<220000x256xf32, #tpu.memory_space<hbm>>
            tpu.wait_indirect_dma semaphore(%arg24 : memref<!tpu.dma_semaphore, #tpu.memory_space<semaphore_mem>>) src(%dma_wait3A_259 : memref<16x256xf32, #tpu.memory_space<vmem>>) dst(%dma_wait3A_262 : memref<220000x256xf32, #tpu.memory_space<hbm>>)
          } else {
          }
          %scan3A_213 = arith.constant 0 : i32
          %scan3A_214 = arith.constant 32 : i32
          %scan3A_215 = arith.addi %scan3A_213, %scan3A_214 : i32
          %scan3A_216 = arith.constant 1 : i32
          scf.for %scan3A_247 = %scan3A_213 to %scan3A_215 step %scan3A_216  : i32 {
            %mul3A_248 = arith.constant 1 : i32
            %mul3A_249 = arith.muli %scan3A_247, %mul3A_248 : i32
            %add3A_250 = arith.constant 0 : i32
            %add3A_251 = arith.addi %add3A_250, %mul3A_249 : i32
            %get3A_252 = arith.index_cast %add3A_251 : i32 to index
            %get3A_253 = arith.constant 0 : index
            %get3A_254 = tpu.vector_load %arg12[%get3A_252, %get3A_253] {strides = array<i32>} : memref<32x256xf32, #tpu.memory_space<vmem>>, vector<16xf32>,
            %get3A_255 = arith.index_cast %add3A_251 : i32 to index
            %get3A_256 = arith.constant 0 : index
            %get3A_257 = tpu.vector_load %arg15[%get3A_255, %get3A_256] {strides = array<i32>} : memref<32x256xf32, #tpu.memory_space<vmem>>, vector<16xf32>,
            %add3A_258 = arith.addf %get3A_254, %get3A_257 : vector<16xf32>
            %mul3A_259 = arith.constant 5.000000e-01 : f32
            %mul3A_260 = vector.broadcast %mul3A_259 : f32 to vector<16xf32>
            %mul3A_261 = arith.mulf %add3A_258, %mul3A_260 : vector<16xf32>
            %swap3A_262 = arith.index_cast %add3A_251 : i32 to index
            %swap3A_263 = arith.constant 0 : index
            %swap3A_264 = tpu.vector_load %arg18[%swap3A_262, %swap3A_263] {strides = array<i32>} : memref<32x256xf32, #tpu.memory_space<vmem>>, vector<16xf32>,
            tpu.vector_store %arg18[%swap3A_262, %swap3A_263], %mul3A_261 {strides = array<i32>} : memref<32x256xf32, #tpu.memory_space<vmem>>, vector<16xf32>,
            %get3A_265 = arith.index_cast %add3A_251 : i32 to index
            %get3A_266 = arith.constant 16 : index
            %get3A_267 = tpu.vector_load %arg12[%get3A_265, %get3A_266] {strides = array<i32>} : memref<32x256xf32, #tpu.memory_space<vmem>>, vector<16xf32>,
            %get3A_268 = arith.index_cast %add3A_251 : i32 to index
            %get3A_269 = arith.constant 16 : index
            %get3A_270 = tpu.vector_load %arg15[%get3A_268, %get3A_269] {strides = array<i32>} : memref<32x256xf32, #tpu.memory_space<vmem>>, vector<16xf32>,
            %add3A_271 = arith.addf %get3A_267, %get3A_270 : vector<16xf32>
            %mul3A_272 = arith.constant 5.000000e-01 : f32
            %mul3A_273 = vector.broadcast %mul3A_272 : f32 to vector<16xf32>
            %mul3A_274 = arith.mulf %add3A_271, %mul3A_273 : vector<16xf32>
            %swap3A_275 = arith.index_cast %add3A_251 : i32 to index
            %swap3A_276 = arith.constant 16 : index
            %swap3A_277 = tpu.vector_load %arg18[%swap3A_275, %swap3A_276] {strides = array<i32>} : memref<32x256xf32, #tpu.memory_space<vmem>>, vector<16xf32>,
            tpu.vector_store %arg18[%swap3A_275, %swap3A_276], %mul3A_274 {strides = array<i32>} : memref<32x256xf32, #tpu.memory_space<vmem>>, vector<16xf32>,
            %get3A_278 = arith.index_cast %add3A_251 : i32 to index
            %get3A_279 = arith.constant 32 : index
            %get3A_280 = tpu.vector_load %arg12[%get3A_278, %get3A_279] {strides = array<i32>} : memref<32x256xf32, #tpu.memory_space<vmem>>, vector<16xf32>,
            %get3A_281 = arith.index_cast %add3A_251 : i32 to index
            %get3A_282 = arith.constant 32 : index
            %get3A_283 = tpu.vector_load %arg15[%get3A_281, %get3A_282] {strides = array<i32>} : memref<32x256xf32, #tpu.memory_space<vmem>>, vector<16xf32>,
            %add3A_284 = arith.addf %get3A_280, %get3A_283 : vector<16xf32>
            %mul3A_285 = arith.constant 5.000000e-01 : f32
            %mul3A_286 = vector.broadcast %mul3A_285 : f32 to vector<16xf32>
            %mul3A_287 = arith.mulf %add3A_284, %mul3A_286 : vector<16xf32>
            %swap3A_288 = arith.index_cast %add3A_251 : i32 to index
            %swap3A_289 = arith.constant 32 : index
            %swap3A_290 = tpu.vector_load %arg18[%swap3A_288, %swap3A_289] {strides = array<i32>} : memref<32x256xf32, #tpu.memory_space<vmem>>, vector<16xf32>,
            tpu.vector_store %arg18[%swap3A_288, %swap3A_289], %mul3A_287 {strides = array<i32>} : memref<32x256xf32, #tpu.memory_space<vmem>>, vector<16xf32>,
            %get3A_291 = arith.index_cast %add3A_251 : i32 to index
            %get3A_292 = arith.constant 48 : index
            %get3A_293 = tpu.vector_load %arg12[%get3A_291, %get3A_292] {strides = array<i32>} : memref<32x256xf32, #tpu.memory_space<vmem>>, vector<16xf32>,
            %get3A_294 = arith.index_cast %add3A_251 : i32 to index
            %get3A_295 = arith.constant 48 : index
            %get3A_296 = tpu.vector_load %arg15[%get3A_294, %get3A_295] {strides = array<i32>} : memref<32x256xf32, #tpu.memory_space<vmem>>, vector<16xf32>,
            %add3A_297 = arith.addf %get3A_293, %get3A_296 : vector<16xf32>
            %mul3A_298 = arith.constant 5.000000e-01 : f32
            %mul3A_299 = vector.broadcast %mul3A_298 : f32 to vector<16xf32>
            %mul3A_300 = arith.mulf %add3A_297, %mul3A_299 : vector<16xf32>
            %swap3A_301 = arith.index_cast %add3A_251 : i32 to index
            %swap3A_302 = arith.constant 48 : index
            %swap3A_303 = tpu.vector_load %arg18[%swap3A_301, %swap3A_302] {strides = array<i32>} : memref<32x256xf32, #tpu.memory_space<vmem>>, vector<16xf32>,
            tpu.vector_store %arg18[%swap3A_301, %swap3A_302], %mul3A_300 {strides = array<i32>} : memref<32x256xf32, #tpu.memory_space<vmem>>, vector<16xf32>,
            %get3A_304 = arith.index_cast %add3A_251 : i32 to index
            %get3A_305 = arith.constant 64 : index
            %get3A_306 = tpu.vector_load %arg12[%get3A_304, %get3A_305] {strides = array<i32>} : memref<32x256xf32, #tpu.memory_space<vmem>>, vector<16xf32>,
            %get3A_307 = arith.index_cast %add3A_251 : i32 to index
            %get3A_308 = arith.constant 64 : index
            %get3A_309 = tpu.vector_load %arg15[%get3A_307, %get3A_308] {strides = array<i32>} : memref<32x256xf32, #tpu.memory_space<vmem>>, vector<16xf32>,
            %add3A_310 = arith.addf %get3A_306, %get3A_309 : vector<16xf32>
            %mul3A_311 = arith.constant 5.000000e-01 : f32
            %mul3A_312 = vector.broadcast %mul3A_311 : f32 to vector<16xf32>
            %mul3A_313 = arith.mulf %add3A_310, %mul3A_312 : vector<16xf32>
            %swap3A_314 = arith.index_cast %add3A_251 : i32 to index
            %swap3A_315 = arith.constant 64 : index
            %swap3A_316 = tpu.vector_load %arg18[%swap3A_314, %swap3A_315] {strides = array<i32>} : memref<32x256xf32, #tpu.memory_space<vmem>>, vector<16xf32>,
            tpu.vector_store %arg18[%swap3A_314, %swap3A_315], %mul3A_313 {strides = array<i32>} : memref<32x256xf32, #tpu.memory_space<vmem>>, vector<16xf32>,
            %get3A_317 = arith.index_cast %add3A_251 : i32 to index
            %get3A_318 = arith.constant 80 : index
            %get3A_319 = tpu.vector_load %arg12[%get3A_317, %get3A_318] {strides = array<i32>} : memref<32x256xf32, #tpu.memory_space<vmem>>, vector<16xf32>,
            %get3A_320 = arith.index_cast %add3A_251 : i32 to index
            %get3A_321 = arith.constant 80 : index
            %get3A_322 = tpu.vector_load %arg15[%get3A_320, %get3A_321] {strides = array<i32>} : memref<32x256xf32, #tpu.memory_space<vmem>>, vector<16xf32>,
            %add3A_323 = arith.addf %get3A_319, %get3A_322 : vector<16xf32>
            %mul3A_324 = arith.constant 5.000000e-01 : f32
            %mul3A_325 = vector.broadcast %mul3A_324 : f32 to vector<16xf32>
            %mul3A_326 = arith.mulf %add3A_323, %mul3A_325 : vector<16xf32>
            %swap3A_327 = arith.index_cast %add3A_251 : i32 to index
            %swap3A_328 = arith.constant 80 : index
            %swap3A_329 = tpu.vector_load %arg18[%swap3A_327, %swap3A_328] {strides = array<i32>} : memref<32x256xf32, #tpu.memory_space<vmem>>, vector<16xf32>,
            tpu.vector_store %arg18[%swap3A_327, %swap3A_328], %mul3A_326 {strides = array<i32>} : memref<32x256xf32, #tpu.memory_space<vmem>>, vector<16xf32>,
            %get3A_330 = arith.index_cast %add3A_251 : i32 to index
            %get3A_331 = arith.constant 96 : index
            %get3A_332 = tpu.vector_load %arg12[%get3A_330, %get3A_331] {strides = array<i32>} : memref<32x256xf32, #tpu.memory_space<vmem>>, vector<16xf32>,
            %get3A_333 = arith.index_cast %add3A_251 : i32 to index
            %get3A_334 = arith.constant 96 : index
            %get3A_335 = tpu.vector_load %arg15[%get3A_333, %get3A_334] {strides = array<i32>} : memref<32x256xf32, #tpu.memory_space<vmem>>, vector<16xf32>,
            %add3A_336 = arith.addf %get3A_332, %get3A_335 : vector<16xf32>
            %mul3A_337 = arith.constant 5.000000e-01 : f32
            %mul3A_338 = vector.broadcast %mul3A_337 : f32 to vector<16xf32>
            %mul3A_339 = arith.mulf %add3A_336, %mul3A_338 : vector<16xf32>
            %swap3A_340 = arith.index_cast %add3A_251 : i32 to index
            %swap3A_341 = arith.constant 96 : index
            %swap3A_342 = tpu.vector_load %arg18[%swap3A_340, %swap3A_341] {strides = array<i32>} : memref<32x256xf32, #tpu.memory_space<vmem>>, vector<16xf32>,
            tpu.vector_store %arg18[%swap3A_340, %swap3A_341], %mul3A_339 {strides = array<i32>} : memref<32x256xf32, #tpu.memory_space<vmem>>, vector<16xf32>,
            %get3A_343 = arith.index_cast %add3A_251 : i32 to index
            %get3A_344 = arith.constant 112 : index
            %get3A_345 = tpu.vector_load %arg12[%get3A_343, %get3A_344] {strides = array<i32>} : memref<32x256xf32, #tpu.memory_space<vmem>>, vector<16xf32>,
            %get3A_346 = arith.index_cast %add3A_251 : i32 to index
            %get3A_347 = arith.constant 112 : index
            %get3A_348 = tpu.vector_load %arg15[%get3A_346, %get3A_347] {strides = array<i32>} : memref<32x256xf32, #tpu.memory_space<vmem>>, vector<16xf32>,
            %add3A_349 = arith.addf %get3A_345, %get3A_348 : vector<16xf32>
            %mul3A_350 = arith.constant 5.000000e-01 : f32
            %mul3A_351 = vector.broadcast %mul3A_350 : f32 to vector<16xf32>
            %mul3A_352 = arith.mulf %add3A_349, %mul3A_351 : vector<16xf32>
            %swap3A_353 = arith.index_cast %add3A_251 : i32 to index
            %swap3A_354 = arith.constant 112 : index
            %swap3A_355 = tpu.vector_load %arg18[%swap3A_353, %swap3A_354] {strides = array<i32>} : memref<32x256xf32, #tpu.memory_space<vmem>>, vector<16xf32>,
            tpu.vector_store %arg18[%swap3A_353, %swap3A_354], %mul3A_352 {strides = array<i32>} : memref<32x256xf32, #tpu.memory_space<vmem>>, vector<16xf32>,
            %get3A_356 = arith.index_cast %add3A_251 : i32 to index
            %get3A_357 = arith.constant 128 : index
            %get3A_358 = tpu.vector_load %arg12[%get3A_356, %get3A_357] {strides = array<i32>} : memref<32x256xf32, #tpu.memory_space<vmem>>, vector<16xf32>,
            %get3A_359 = arith.index_cast %add3A_251 : i32 to index
            %get3A_360 = arith.constant 128 : index
            %get3A_361 = tpu.vector_load %arg15[%get3A_359, %get3A_360] {strides = array<i32>} : memref<32x256xf32, #tpu.memory_space<vmem>>, vector<16xf32>,
            %add3A_362 = arith.addf %get3A_358, %get3A_361 : vector<16xf32>
            %mul3A_363 = arith.constant 5.000000e-01 : f32
            %mul3A_364 = vector.broadcast %mul3A_363 : f32 to vector<16xf32>
            %mul3A_365 = arith.mulf %add3A_362, %mul3A_364 : vector<16xf32>
            %swap3A_366 = arith.index_cast %add3A_251 : i32 to index
            %swap3A_367 = arith.constant 128 : index
            %swap3A_368 = tpu.vector_load %arg18[%swap3A_366, %swap3A_367] {strides = array<i32>} : memref<32x256xf32, #tpu.memory_space<vmem>>, vector<16xf32>,
            tpu.vector_store %arg18[%swap3A_366, %swap3A_367], %mul3A_365 {strides = array<i32>} : memref<32x256xf32, #tpu.memory_space<vmem>>, vector<16xf32>,
            %get3A_369 = arith.index_cast %add3A_251 : i32 to index
            %get3A_370 = arith.constant 144 : index
            %get3A_371 = tpu.vector_load %arg12[%get3A_369, %get3A_370] {strides = array<i32>} : memref<32x256xf32, #tpu.memory_space<vmem>>, vector<16xf32>,
            %get3A_372 = arith.index_cast %add3A_251 : i32 to index
            %get3A_373 = arith.constant 144 : index
            %get3A_374 = tpu.vector_load %arg15[%get3A_372, %get3A_373] {strides = array<i32>} : memref<32x256xf32, #tpu.memory_space<vmem>>, vector<16xf32>,
            %add3A_375 = arith.addf %get3A_371, %get3A_374 : vector<16xf32>
            %mul3A_376 = arith.constant 5.000000e-01 : f32
            %mul3A_377 = vector.broadcast %mul3A_376 : f32 to vector<16xf32>
            %mul3A_378 = arith.mulf %add3A_375, %mul3A_377 : vector<16xf32>
            %swap3A_379 = arith.index_cast %add3A_251 : i32 to index
            %swap3A_380 = arith.constant 144 : index
            %swap3A_381 = tpu.vector_load %arg18[%swap3A_379, %swap3A_380] {strides = array<i32>} : memref<32x256xf32, #tpu.memory_space<vmem>>, vector<16xf32>,
            tpu.vector_store %arg18[%swap3A_379, %swap3A_380], %mul3A_378 {strides = array<i32>} : memref<32x256xf32, #tpu.memory_space<vmem>>, vector<16xf32>,
            %get3A_382 = arith.index_cast %add3A_251 : i32 to index
            %get3A_383 = arith.constant 160 : index
            %get3A_384 = tpu.vector_load %arg12[%get3A_382, %get3A_383] {strides = array<i32>} : memref<32x256xf32, #tpu.memory_space<vmem>>, vector<16xf32>,
            %get3A_385 = arith.index_cast %add3A_251 : i32 to index
            %get3A_386 = arith.constant 160 : index
            %get3A_387 = tpu.vector_load %arg15[%get3A_385, %get3A_386] {strides = array<i32>} : memref<32x256xf32, #tpu.memory_space<vmem>>, vector<16xf32>,
            %add3A_388 = arith.addf %get3A_384, %get3A_387 : vector<16xf32>
            %mul3A_389 = arith.constant 5.000000e-01 : f32
            %mul3A_390 = vector.broadcast %mul3A_389 : f32 to vector<16xf32>
            %mul3A_391 = arith.mulf %add3A_388, %mul3A_390 : vector<16xf32>
            %swap3A_392 = arith.index_cast %add3A_251 : i32 to index
            %swap3A_393 = arith.constant 160 : index
            %swap3A_394 = tpu.vector_load %arg18[%swap3A_392, %swap3A_393] {strides = array<i32>} : memref<32x256xf32, #tpu.memory_space<vmem>>, vector<16xf32>,
            tpu.vector_store %arg18[%swap3A_392, %swap3A_393], %mul3A_391 {strides = array<i32>} : memref<32x256xf32, #tpu.memory_space<vmem>>, vector<16xf32>,
            %get3A_395 = arith.index_cast %add3A_251 : i32 to index
            %get3A_396 = arith.constant 176 : index
            %get3A_397 = tpu.vector_load %arg12[%get3A_395, %get3A_396] {strides = array<i32>} : memref<32x256xf32, #tpu.memory_space<vmem>>, vector<16xf32>,
            %get3A_398 = arith.index_cast %add3A_251 : i32 to index
            %get3A_399 = arith.constant 176 : index
            %get3A_400 = tpu.vector_load %arg15[%get3A_398, %get3A_399] {strides = array<i32>} : memref<32x256xf32, #tpu.memory_space<vmem>>, vector<16xf32>,
            %add3A_401 = arith.addf %get3A_397, %get3A_400 : vector<16xf32>
            %mul3A_402 = arith.constant 5.000000e-01 : f32
            %mul3A_403 = vector.broadcast %mul3A_402 : f32 to vector<16xf32>
            %mul3A_404 = arith.mulf %add3A_401, %mul3A_403 : vector<16xf32>
            %swap3A_405 = arith.index_cast %add3A_251 : i32 to index
            %swap3A_406 = arith.constant 176 : index
            %swap3A_407 = tpu.vector_load %arg18[%swap3A_405, %swap3A_406] {strides = array<i32>} : memref<32x256xf32, #tpu.memory_space<vmem>>, vector<16xf32>,
            tpu.vector_store %arg18[%swap3A_405, %swap3A_406], %mul3A_404 {strides = array<i32>} : memref<32x256xf32, #tpu.memory_space<vmem>>, vector<16xf32>,
            %get3A_408 = arith.index_cast %add3A_251 : i32 to index
            %get3A_409 = arith.constant 192 : index
            %get3A_410 = tpu.vector_load %arg12[%get3A_408, %get3A_409] {strides = array<i32>} : memref<32x256xf32, #tpu.memory_space<vmem>>, vector<16xf32>,
            %get3A_411 = arith.index_cast %add3A_251 : i32 to index
            %get3A_412 = arith.constant 192 : index
            %get3A_413 = tpu.vector_load %arg15[%get3A_411, %get3A_412] {strides = array<i32>} : memref<32x256xf32, #tpu.memory_space<vmem>>, vector<16xf32>,
            %add3A_414 = arith.addf %get3A_410, %get3A_413 : vector<16xf32>
            %mul3A_415 = arith.constant 5.000000e-01 : f32
            %mul3A_416 = vector.broadcast %mul3A_415 : f32 to vector<16xf32>
            %mul3A_417 = arith.mulf %add3A_414, %mul3A_416 : vector<16xf32>
            %swap3A_418 = arith.index_cast %add3A_251 : i32 to index
            %swap3A_419 = arith.constant 192 : index
            %swap3A_420 = tpu.vector_load %arg18[%swap3A_418, %swap3A_419] {strides = array<i32>} : memref<32x256xf32, #tpu.memory_space<vmem>>, vector<16xf32>,
            tpu.vector_store %arg18[%swap3A_418, %swap3A_419], %mul3A_417 {strides = array<i32>} : memref<32x256xf32, #tpu.memory_space<vmem>>, vector<16xf32>,
            %get3A_421 = arith.index_cast %add3A_251 : i32 to index
            %get3A_422 = arith.constant 208 : index
            %get3A_423 = tpu.vector_load %arg12[%get3A_421, %get3A_422] {strides = array<i32>} : memref<32x256xf32, #tpu.memory_space<vmem>>, vector<16xf32>,
            %get3A_424 = arith.index_cast %add3A_251 : i32 to index
            %get3A_425 = arith.constant 208 : index
            %get3A_426 = tpu.vector_load %arg15[%get3A_424, %get3A_425] {strides = array<i32>} : memref<32x256xf32, #tpu.memory_space<vmem>>, vector<16xf32>,
            %add3A_427 = arith.addf %get3A_423, %get3A_426 : vector<16xf32>
            %mul3A_428 = arith.constant 5.000000e-01 : f32
            %mul3A_429 = vector.broadcast %mul3A_428 : f32 to vector<16xf32>
            %mul3A_430 = arith.mulf %add3A_427, %mul3A_429 : vector<16xf32>
            %swap3A_431 = arith.index_cast %add3A_251 : i32 to index
            %swap3A_432 = arith.constant 208 : index
            %swap3A_433 = tpu.vector_load %arg18[%swap3A_431, %swap3A_432] {strides = array<i32>} : memref<32x256xf32, #tpu.memory_space<vmem>>, vector<16xf32>,
            tpu.vector_store %arg18[%swap3A_431, %swap3A_432], %mul3A_430 {strides = array<i32>} : memref<32x256xf32, #tpu.memory_space<vmem>>, vector<16xf32>,
            %get3A_434 = arith.index_cast %add3A_251 : i32 to index
            %get3A_435 = arith.constant 224 : index
            %get3A_436 = tpu.vector_load %arg12[%get3A_434, %get3A_435] {strides = array<i32>} : memref<32x256xf32, #tpu.memory_space<vmem>>, vector<16xf32>,
            %get3A_437 = arith.index_cast %add3A_251 : i32 to index
            %get3A_438 = arith.constant 224 : index
            %get3A_439 = tpu.vector_load %arg15[%get3A_437, %get3A_438] {strides = array<i32>} : memref<32x256xf32, #tpu.memory_space<vmem>>, vector<16xf32>,
            %add3A_440 = arith.addf %get3A_436, %get3A_439 : vector<16xf32>
            %mul3A_441 = arith.constant 5.000000e-01 : f32
            %mul3A_442 = vector.broadcast %mul3A_441 : f32 to vector<16xf32>
            %mul3A_443 = arith.mulf %add3A_440, %mul3A_442 : vector<16xf32>
            %swap3A_444 = arith.index_cast %add3A_251 : i32 to index
            %swap3A_445 = arith.constant 224 : index
            %swap3A_446 = tpu.vector_load %arg18[%swap3A_444, %swap3A_445] {strides = array<i32>} : memref<32x256xf32, #tpu.memory_space<vmem>>, vector<16xf32>,
            tpu.vector_store %arg18[%swap3A_444, %swap3A_445], %mul3A_443 {strides = array<i32>} : memref<32x256xf32, #tpu.memory_space<vmem>>, vector<16xf32>,
            %get3A_447 = arith.index_cast %add3A_251 : i32 to index
            %get3A_448 = arith.constant 240 : index
            %get3A_449 = tpu.vector_load %arg12[%get3A_447, %get3A_448] {strides = array<i32>} : memref<32x256xf32, #tpu.memory_space<vmem>>, vector<16xf32>,
            %get3A_450 = arith.index_cast %add3A_251 : i32 to index
            %get3A_451 = arith.constant 240 : index
            %get3A_452 = tpu.vector_load %arg15[%get3A_450, %get3A_451] {strides = array<i32>} : memref<32x256xf32, #tpu.memory_space<vmem>>, vector<16xf32>,
            %add3A_453 = arith.addf %get3A_449, %get3A_452 : vector<16xf32>
            %mul3A_454 = arith.constant 5.000000e-01 : f32
            %mul3A_455 = vector.broadcast %mul3A_454 : f32 to vector<16xf32>
            %mul3A_456 = arith.mulf %add3A_453, %mul3A_455 : vector<16xf32>
            %swap3A_457 = arith.index_cast %add3A_251 : i32 to index
            %swap3A_458 = arith.constant 240 : index
            %swap3A_459 = tpu.vector_load %arg18[%swap3A_457, %swap3A_458] {strides = array<i32>} : memref<32x256xf32, #tpu.memory_space<vmem>>, vector<16xf32>,
            tpu.vector_store %arg18[%swap3A_457, %swap3A_458], %mul3A_456 {strides = array<i32>} : memref<32x256xf32, #tpu.memory_space<vmem>>, vector<16xf32>,
          }
          %scan3A_217 = arith.constant 32 : i32
          %mul3A_218 = arith.constant 32 : i32
          %mul3A_219 = arith.muli %add3A_156, %mul3A_218 : i32
          %multiple_of3A_220 = tpu.assume_multiple %mul3A_219, 32 : i32
          %add3A_221 = arith.constant 0 : i32
          %add3A_222 = arith.addi %multiple_of3A_220, %add3A_221 : i32
          %get3A_223 = arith.index_cast %add3A_222 : i32 to index
          %get3A_224 = tpu.vector_load %arg9[%get3A_223] {strides = array<i32>} : memref<6960xi32, #tpu.memory_space<vmem>>, vector<16xi32>,
          %dma_start3A_225 = arith.constant 0 : i32
          %dma_start3A_226 = arith.constant 0 : i32
          %dma_start3A_227 = tpu.memref_slice %arg18[%dma_start3A_225, %dma_start3A_226] : memref<32x256xf32, #tpu.memory_space<vmem>> -> memref<16x256xf32, #tpu.memory_space<vmem>>
          %dma_start3A_228 = arith.constant 0 : i32
          %dma_start3A_229 = arith.constant 0 : i32
          %dma_start3A_230 = tpu.memref_slice %arg5[%dma_start3A_228, %dma_start3A_229] : memref<220000x256xf32, #tpu.memory_space<hbm>> -> memref<220000x256xf32, #tpu.memory_space<hbm>>
          tpu.enqueue_indirect_dma source(%dma_start3A_227 : memref<16x256xf32, #tpu.memory_space<vmem>>) target(%dma_start3A_230 : memref<220000x256xf32, #tpu.memory_space<hbm>>) offsets(%get3A_224 : vector<16xi32>) semaphore(%arg24 : memref<!tpu.dma_semaphore, #tpu.memory_space<semaphore_mem>>)
          %add3A_231 = arith.constant 16 : i32
          %add3A_232 = arith.addi %multiple_of3A_220, %add3A_231 : i32
          %get3A_233 = arith.index_cast %add3A_232 : i32 to index
          %get3A_234 = tpu.vector_load %arg9[%get3A_233] {strides = array<i32>} : memref<6960xi32, #tpu.memory_space<vmem>>, vector<16xi32>,
          %dma_start3A_235 = arith.constant 16 : i32
          %dma_start3A_236 = arith.constant 0 : i32
          %dma_start3A_237 = tpu.memref_slice %arg18[%dma_start3A_235, %dma_start3A_236] : memref<32x256xf32, #tpu.memory_space<vmem>> -> memref<16x256xf32, #tpu.memory_space<vmem>>
          %dma_start3A_238 = arith.constant 0 : i32
          %dma_start3A_239 = arith.constant 0 : i32
          %dma_start3A_240 = tpu.memref_slice %arg5[%dma_start3A_238, %dma_start3A_239] : memref<220000x256xf32, #tpu.memory_space<hbm>> -> memref<220000x256xf32, #tpu.memory_space<hbm>>
          tpu.enqueue_indirect_dma source(%dma_start3A_237 : memref<16x256xf32, #tpu.memory_space<vmem>>) target(%dma_start3A_240 : memref<220000x256xf32, #tpu.memory_space<hbm>>) offsets(%get3A_234 : vector<16xi32>) semaphore(%arg24 : memref<!tpu.dma_semaphore, #tpu.memory_space<semaphore_mem>>)
          %add3A_241 = arith.constant 3 : i32
          %add3A_242 = arith.addi %add3A_156, %add3A_241 : i32
          %lt3A_243 = arith.cmpi slt, %add3A_242, %select_n3A : i32
          %convert_element_type3A_244 = arith.extui %lt3A_243 : i1 to i32
          %cond3A_245 = arith.constant 0 : i32
          %cond3A_246 = arith.cmpi ne, %convert_element_type3A_244, %cond3A_245 : i32
          scf.if %cond3A_246 {
            %add3A_247 = arith.constant 3 : i32
            %add3A_248 = arith.addi %add3A_156, %add3A_247 : i32
            %mul3A_249 = arith.constant 32 : i32
            %mul3A_250 = arith.muli %add3A_248, %mul3A_249 : i32
            %multiple_of3A_251 = tpu.assume_multiple %mul3A_250, 32 : i32
            %add3A_252 = arith.constant 0 : i32
            %add3A_253 = arith.addi %multiple_of3A_251, %add3A_252 : i32
            %get3A_254 = arith.index_cast %add3A_253 : i32 to index
            %get3A_255 = tpu.vector_load %arg9[%get3A_254] {strides = array<i32>} : memref<6960xi32, #tpu.memory_space<vmem>>, vector<16xi32>,
            %add3A_256 = arith.constant 0 : i32
            %add3A_257 = arith.addi %multiple_of3A_251, %add3A_256 : i32
            %get3A_258 = arith.index_cast %add3A_257 : i32 to index
            %get3A_259 = tpu.vector_load %arg10[%get3A_258] {strides = array<i32>} : memref<6960xi32, #tpu.memory_space<vmem>>, vector<16xi32>,
            %dma_start3A_260 = arith.constant 0 : i32
            %dma_start3A_261 = arith.constant 0 : i32
            %dma_start3A_262 = tpu.memref_slice %arg12[%dma_start3A_260, %dma_start3A_261] : memref<32x256xf32, #tpu.memory_space<vmem>> -> memref<16x256xf32, #tpu.memory_space<vmem>>
            %dma_start3A_263 = arith.constant 0 : i32
            %dma_start3A_264 = arith.constant 0 : i32
            %dma_start3A_265 = tpu.memref_slice %arg3[%dma_start3A_263, %dma_start3A_264] : memref<16384x256xf32, #tpu.memory_space<hbm>> -> memref<16384x256xf32, #tpu.memory_space<hbm>>
            tpu.enqueue_indirect_dma source(%dma_start3A_265 : memref<16384x256xf32, #tpu.memory_space<hbm>>) target(%dma_start3A_262 : memref<16x256xf32, #tpu.memory_space<vmem>>) offsets(%get3A_259 : vector<16xi32>) semaphore(%arg21 : memref<!tpu.dma_semaphore, #tpu.memory_space<semaphore_mem>>)
            %dma_start3A_266 = arith.constant 0 : i32
            %dma_start3A_267 = arith.constant 0 : i32
            %dma_start3A_268 = tpu.memref_slice %arg15[%dma_start3A_266, %dma_start3A_267] : memref<32x256xf32, #tpu.memory_space<vmem>> -> memref<16x256xf32, #tpu.memory_space<vmem>>
            %dma_start3A_269 = arith.constant 0 : i32
            %dma_start3A_270 = arith.constant 0 : i32
            %dma_start3A_271 = tpu.memref_slice %arg2[%dma_start3A_269, %dma_start3A_270] : memref<220000x256xf32, #tpu.memory_space<hbm>> -> memref<220000x256xf32, #tpu.memory_space<hbm>>
            tpu.enqueue_indirect_dma source(%dma_start3A_271 : memref<220000x256xf32, #tpu.memory_space<hbm>>) target(%dma_start3A_268 : memref<16x256xf32, #tpu.memory_space<vmem>>) offsets(%get3A_255 : vector<16xi32>) semaphore(%arg21 : memref<!tpu.dma_semaphore, #tpu.memory_space<semaphore_mem>>)
            %add3A_272 = arith.constant 16 : i32
            %add3A_273 = arith.addi %multiple_of3A_251, %add3A_272 : i32
            %get3A_274 = arith.index_cast %add3A_273 : i32 to index
            %get3A_275 = tpu.vector_load %arg9[%get3A_274] {strides = array<i32>} : memref<6960xi32, #tpu.memory_space<vmem>>, vector<16xi32>,
            %add3A_276 = arith.constant 16 : i32
            %add3A_277 = arith.addi %multiple_of3A_251, %add3A_276 : i32
            %get3A_278 = arith.index_cast %add3A_277 : i32 to index
            %get3A_279 = tpu.vector_load %arg10[%get3A_278] {strides = array<i32>} : memref<6960xi32, #tpu.memory_space<vmem>>, vector<16xi32>,
            %dma_start3A_280 = arith.constant 16 : i32
            %dma_start3A_281 = arith.constant 0 : i32
            %dma_start3A_282 = tpu.memref_slice %arg12[%dma_start3A_280, %dma_start3A_281] : memref<32x256xf32, #tpu.memory_space<vmem>> -> memref<16x256xf32, #tpu.memory_space<vmem>>
            %dma_start3A_283 = arith.constant 0 : i32
            %dma_start3A_284 = arith.constant 0 : i32
            %dma_start3A_285 = tpu.memref_slice %arg3[%dma_start3A_283, %dma_start3A_284] : memref<16384x256xf32, #tpu.memory_space<hbm>> -> memref<16384x256xf32, #tpu.memory_space<hbm>>
            tpu.enqueue_indirect_dma source(%dma_start3A_285 : memref<16384x256xf32, #tpu.memory_space<hbm>>) target(%dma_start3A_282 : memref<16x256xf32, #tpu.memory_space<vmem>>) offsets(%get3A_279 : vector<16xi32>) semaphore(%arg21 : memref<!tpu.dma_semaphore, #tpu.memory_space<semaphore_mem>>)
            %dma_start3A_286 = arith.constant 16 : i32
            %dma_start3A_287 = arith.constant 0 : i32
            %dma_start3A_288 = tpu.memref_slice %arg15[%dma_start3A_286, %dma_start3A_287] : memref<32x256xf32, #tpu.memory_space<vmem>> -> memref<16x256xf32, #tpu.memory_space<vmem>>
            %dma_start3A_289 = arith.constant 0 : i32
            %dma_start3A_290 = arith.constant 0 : i32
            %dma_start3A_291 = tpu.memref_slice %arg2[%dma_start3A_289, %dma_start3A_290] : memref<220000x256xf32, #tpu.memory_space<hbm>> -> memref<220000x256xf32, #tpu.memory_space<hbm>>
            tpu.enqueue_indirect_dma source(%dma_start3A_291 : memref<220000x256xf32, #tpu.memory_space<hbm>>) target(%dma_start3A_288 : memref<16x256xf32, #tpu.memory_space<vmem>>) offsets(%get3A_275 : vector<16xi32>) semaphore(%arg21 : memref<!tpu.dma_semaphore, #tpu.memory_space<semaphore_mem>>)
          } else {
          }
        } else {
        }
        %add3A_161 = arith.constant 2 : i32
        %add3A_162 = arith.addi %add3A_149, %add3A_161 : i32
        %lt3A_163 = arith.cmpi slt, %add3A_162, %select_n3A : i32
        %convert_element_type3A_164 = arith.extui %lt3A_163 : i1 to i32
        %cond3A_165 = arith.constant 0 : i32
        %cond3A_166 = arith.cmpi ne, %convert_element_type3A_164, %cond3A_165 : i32
        scf.if %cond3A_166 {
          %mul3A_167 = arith.constant 32 : i32
          %mul3A_168 = arith.muli %add3A_162, %mul3A_167 : i32
          %multiple_of3A_169 = tpu.assume_multiple %mul3A_168, 32 : i32
          %add3A_170 = arith.constant 0 : i32
          %add3A_171 = arith.addi %multiple_of3A_169, %add3A_170 : i32
          %get3A_172 = arith.index_cast %add3A_171 : i32 to index
          %get3A_173 = tpu.vector_load %arg9[%get3A_172] {strides = array<i32>} : memref<6960xi32, #tpu.memory_space<vmem>>, vector<16xi32>,
          %add3A_174 = arith.constant 0 : i32
          %add3A_175 = arith.addi %multiple_of3A_169, %add3A_174 : i32
          %get3A_176 = arith.index_cast %add3A_175 : i32 to index
          %get3A_177 = tpu.vector_load %arg10[%get3A_176] {strides = array<i32>} : memref<6960xi32, #tpu.memory_space<vmem>>, vector<16xi32>,
          %dma_wait3A = arith.constant 0 : i32
          %dma_wait3A_178 = arith.constant 0 : i32
          %dma_wait3A_179 = tpu.memref_slice %arg13[%dma_wait3A, %dma_wait3A_178] : memref<32x256xf32, #tpu.memory_space<vmem>> -> memref<16x256xf32, #tpu.memory_space<vmem>>
          %dma_wait3A_180 = arith.constant 0 : i32
          %dma_wait3A_181 = arith.constant 0 : i32
          %dma_wait3A_182 = tpu.memref_slice %arg3[%dma_wait3A_180, %dma_wait3A_181] : memref<16384x256xf32, #tpu.memory_space<hbm>> -> memref<16384x256xf32, #tpu.memory_space<hbm>>
          tpu.wait_indirect_dma semaphore(%arg22 : memref<!tpu.dma_semaphore, #tpu.memory_space<semaphore_mem>>) src(%dma_wait3A_182 : memref<16384x256xf32, #tpu.memory_space<hbm>>) dst(%dma_wait3A_179 : memref<16x256xf32, #tpu.memory_space<vmem>>)
          %dma_wait3A_183 = arith.constant 0 : i32
          %dma_wait3A_184 = arith.constant 0 : i32
          %dma_wait3A_185 = tpu.memref_slice %arg16[%dma_wait3A_183, %dma_wait3A_184] : memref<32x256xf32, #tpu.memory_space<vmem>> -> memref<16x256xf32, #tpu.memory_space<vmem>>
          %dma_wait3A_186 = arith.constant 0 : i32
          %dma_wait3A_187 = arith.constant 0 : i32
          %dma_wait3A_188 = tpu.memref_slice %arg2[%dma_wait3A_186, %dma_wait3A_187] : memref<220000x256xf32, #tpu.memory_space<hbm>> -> memref<220000x256xf32, #tpu.memory_space<hbm>>
          tpu.wait_indirect_dma semaphore(%arg22 : memref<!tpu.dma_semaphore, #tpu.memory_space<semaphore_mem>>) src(%dma_wait3A_188 : memref<220000x256xf32, #tpu.memory_space<hbm>>) dst(%dma_wait3A_185 : memref<16x256xf32, #tpu.memory_space<vmem>>)
          %add3A_189 = arith.constant 16 : i32
          %add3A_190 = arith.addi %multiple_of3A_169, %add3A_189 : i32
          %get3A_191 = arith.index_cast %add3A_190 : i32 to index
          %get3A_192 = tpu.vector_load %arg9[%get3A_191] {strides = array<i32>} : memref<6960xi32, #tpu.memory_space<vmem>>, vector<16xi32>,
          %add3A_193 = arith.constant 16 : i32
          %add3A_194 = arith.addi %multiple_of3A_169, %add3A_193 : i32
          %get3A_195 = arith.index_cast %add3A_194 : i32 to index
          %get3A_196 = tpu.vector_load %arg10[%get3A_195] {strides = array<i32>} : memref<6960xi32, #tpu.memory_space<vmem>>, vector<16xi32>,
          %dma_wait3A_197 = arith.constant 16 : i32
          %dma_wait3A_198 = arith.constant 0 : i32
          %dma_wait3A_199 = tpu.memref_slice %arg13[%dma_wait3A_197, %dma_wait3A_198] : memref<32x256xf32, #tpu.memory_space<vmem>> -> memref<16x256xf32, #tpu.memory_space<vmem>>
          %dma_wait3A_200 = arith.constant 0 : i32
          %dma_wait3A_201 = arith.constant 0 : i32
          %dma_wait3A_202 = tpu.memref_slice %arg3[%dma_wait3A_200, %dma_wait3A_201] : memref<16384x256xf32, #tpu.memory_space<hbm>> -> memref<16384x256xf32, #tpu.memory_space<hbm>>
          tpu.wait_indirect_dma semaphore(%arg22 : memref<!tpu.dma_semaphore, #tpu.memory_space<semaphore_mem>>) src(%dma_wait3A_202 : memref<16384x256xf32, #tpu.memory_space<hbm>>) dst(%dma_wait3A_199 : memref<16x256xf32, #tpu.memory_space<vmem>>)
          %dma_wait3A_203 = arith.constant 16 : i32
          %dma_wait3A_204 = arith.constant 0 : i32
          %dma_wait3A_205 = tpu.memref_slice %arg16[%dma_wait3A_203, %dma_wait3A_204] : memref<32x256xf32, #tpu.memory_space<vmem>> -> memref<16x256xf32, #tpu.memory_space<vmem>>
          %dma_wait3A_206 = arith.constant 0 : i32
          %dma_wait3A_207 = arith.constant 0 : i32
          %dma_wait3A_208 = tpu.memref_slice %arg2[%dma_wait3A_206, %dma_wait3A_207] : memref<220000x256xf32, #tpu.memory_space<hbm>> -> memref<220000x256xf32, #tpu.memory_space<hbm>>
          tpu.wait_indirect_dma semaphore(%arg22 : memref<!tpu.dma_semaphore, #tpu.memory_space<semaphore_mem>>) src(%dma_wait3A_208 : memref<220000x256xf32, #tpu.memory_space<hbm>>) dst(%dma_wait3A_205 : memref<16x256xf32, #tpu.memory_space<vmem>>)
          %ge3A = arith.constant 3 : i32
          %ge3A_209 = arith.cmpi sge, %add3A_162, %ge3A : i32
          %convert_element_type3A_210 = arith.extui %ge3A_209 : i1 to i32
          %cond3A_211 = arith.constant 0 : i32
          %cond3A_212 = arith.cmpi ne, %convert_element_type3A_210, %cond3A_211 : i32
          scf.if %cond3A_212 {
            %get3A_247 = arith.constant 0 : index
            %get3A_248 = tpu.vector_load %arg9[%get3A_247] {strides = array<i32>} : memref<6960xi32, #tpu.memory_space<vmem>>, vector<16xi32>,
            %dma_wait3A_249 = arith.constant 0 : i32
            %dma_wait3A_250 = arith.constant 0 : i32
            %dma_wait3A_251 = tpu.memref_slice %arg19[%dma_wait3A_249, %dma_wait3A_250] : memref<32x256xf32, #tpu.memory_space<vmem>> -> memref<16x256xf32, #tpu.memory_space<vmem>>
            %dma_wait3A_252 = arith.constant 0 : i32
            %dma_wait3A_253 = arith.constant 0 : i32
            %dma_wait3A_254 = tpu.memref_slice %arg5[%dma_wait3A_252, %dma_wait3A_253] : memref<220000x256xf32, #tpu.memory_space<hbm>> -> memref<220000x256xf32, #tpu.memory_space<hbm>>
            tpu.wait_indirect_dma semaphore(%arg25 : memref<!tpu.dma_semaphore, #tpu.memory_space<semaphore_mem>>) src(%dma_wait3A_251 : memref<16x256xf32, #tpu.memory_space<vmem>>) dst(%dma_wait3A_254 : memref<220000x256xf32, #tpu.memory_space<hbm>>)
            %get3A_255 = arith.constant 16 : index
            %get3A_256 = tpu.vector_load %arg9[%get3A_255] {strides = array<i32>} : memref<6960xi32, #tpu.memory_space<vmem>>, vector<16xi32>,
            %dma_wait3A_257 = arith.constant 16 : i32
            %dma_wait3A_258 = arith.constant 0 : i32
            %dma_wait3A_259 = tpu.memref_slice %arg19[%dma_wait3A_257, %dma_wait3A_258] : memref<32x256xf32, #tpu.memory_space<vmem>> -> memref<16x256xf32, #tpu.memory_space<vmem>>
            %dma_wait3A_260 = arith.constant 0 : i32
            %dma_wait3A_261 = arith.constant 0 : i32
            %dma_wait3A_262 = tpu.memref_slice %arg5[%dma_wait3A_260, %dma_wait3A_261] : memref<220000x256xf32, #tpu.memory_space<hbm>> -> memref<220000x256xf32, #tpu.memory_space<hbm>>
            tpu.wait_indirect_dma semaphore(%arg25 : memref<!tpu.dma_semaphore, #tpu.memory_space<semaphore_mem>>) src(%dma_wait3A_259 : memref<16x256xf32, #tpu.memory_space<vmem>>) dst(%dma_wait3A_262 : memref<220000x256xf32, #tpu.memory_space<hbm>>)
          } else {
          }
          %scan3A_213 = arith.constant 0 : i32
          %scan3A_214 = arith.constant 32 : i32
          %scan3A_215 = arith.addi %scan3A_213, %scan3A_214 : i32
          %scan3A_216 = arith.constant 1 : i32
          scf.for %scan3A_247 = %scan3A_213 to %scan3A_215 step %scan3A_216  : i32 {
            %mul3A_248 = arith.constant 1 : i32
            %mul3A_249 = arith.muli %scan3A_247, %mul3A_248 : i32
            %add3A_250 = arith.constant 0 : i32
            %add3A_251 = arith.addi %add3A_250, %mul3A_249 : i32
            %get3A_252 = arith.index_cast %add3A_251 : i32 to index
            %get3A_253 = arith.constant 0 : index
            %get3A_254 = tpu.vector_load %arg13[%get3A_252, %get3A_253] {strides = array<i32>} : memref<32x256xf32, #tpu.memory_space<vmem>>, vector<16xf32>,
            %get3A_255 = arith.index_cast %add3A_251 : i32 to index
            %get3A_256 = arith.constant 0 : index
            %get3A_257 = tpu.vector_load %arg16[%get3A_255, %get3A_256] {strides = array<i32>} : memref<32x256xf32, #tpu.memory_space<vmem>>, vector<16xf32>,
            %add3A_258 = arith.addf %get3A_254, %get3A_257 : vector<16xf32>
            %mul3A_259 = arith.constant 5.000000e-01 : f32
            %mul3A_260 = vector.broadcast %mul3A_259 : f32 to vector<16xf32>
            %mul3A_261 = arith.mulf %add3A_258, %mul3A_260 : vector<16xf32>
            %swap3A_262 = arith.index_cast %add3A_251 : i32 to index
            %swap3A_263 = arith.constant 0 : index
            %swap3A_264 = tpu.vector_load %arg19[%swap3A_262, %swap3A_263] {strides = array<i32>} : memref<32x256xf32, #tpu.memory_space<vmem>>, vector<16xf32>,
            tpu.vector_store %arg19[%swap3A_262, %swap3A_263], %mul3A_261 {strides = array<i32>} : memref<32x256xf32, #tpu.memory_space<vmem>>, vector<16xf32>,
            %get3A_265 = arith.index_cast %add3A_251 : i32 to index
            %get3A_266 = arith.constant 16 : index
            %get3A_267 = tpu.vector_load %arg13[%get3A_265, %get3A_266] {strides = array<i32>} : memref<32x256xf32, #tpu.memory_space<vmem>>, vector<16xf32>,
            %get3A_268 = arith.index_cast %add3A_251 : i32 to index
            %get3A_269 = arith.constant 16 : index
            %get3A_270 = tpu.vector_load %arg16[%get3A_268, %get3A_269] {strides = array<i32>} : memref<32x256xf32, #tpu.memory_space<vmem>>, vector<16xf32>,
            %add3A_271 = arith.addf %get3A_267, %get3A_270 : vector<16xf32>
            %mul3A_272 = arith.constant 5.000000e-01 : f32
            %mul3A_273 = vector.broadcast %mul3A_272 : f32 to vector<16xf32>
            %mul3A_274 = arith.mulf %add3A_271, %mul3A_273 : vector<16xf32>
            %swap3A_275 = arith.index_cast %add3A_251 : i32 to index
            %swap3A_276 = arith.constant 16 : index
            %swap3A_277 = tpu.vector_load %arg19[%swap3A_275, %swap3A_276] {strides = array<i32>} : memref<32x256xf32, #tpu.memory_space<vmem>>, vector<16xf32>,
            tpu.vector_store %arg19[%swap3A_275, %swap3A_276], %mul3A_274 {strides = array<i32>} : memref<32x256xf32, #tpu.memory_space<vmem>>, vector<16xf32>,
            %get3A_278 = arith.index_cast %add3A_251 : i32 to index
            %get3A_279 = arith.constant 32 : index
            %get3A_280 = tpu.vector_load %arg13[%get3A_278, %get3A_279] {strides = array<i32>} : memref<32x256xf32, #tpu.memory_space<vmem>>, vector<16xf32>,
            %get3A_281 = arith.index_cast %add3A_251 : i32 to index
            %get3A_282 = arith.constant 32 : index
            %get3A_283 = tpu.vector_load %arg16[%get3A_281, %get3A_282] {strides = array<i32>} : memref<32x256xf32, #tpu.memory_space<vmem>>, vector<16xf32>,
            %add3A_284 = arith.addf %get3A_280, %get3A_283 : vector<16xf32>
            %mul3A_285 = arith.constant 5.000000e-01 : f32
            %mul3A_286 = vector.broadcast %mul3A_285 : f32 to vector<16xf32>
            %mul3A_287 = arith.mulf %add3A_284, %mul3A_286 : vector<16xf32>
            %swap3A_288 = arith.index_cast %add3A_251 : i32 to index
            %swap3A_289 = arith.constant 32 : index
            %swap3A_290 = tpu.vector_load %arg19[%swap3A_288, %swap3A_289] {strides = array<i32>} : memref<32x256xf32, #tpu.memory_space<vmem>>, vector<16xf32>,
            tpu.vector_store %arg19[%swap3A_288, %swap3A_289], %mul3A_287 {strides = array<i32>} : memref<32x256xf32, #tpu.memory_space<vmem>>, vector<16xf32>,
            %get3A_291 = arith.index_cast %add3A_251 : i32 to index
            %get3A_292 = arith.constant 48 : index
            %get3A_293 = tpu.vector_load %arg13[%get3A_291, %get3A_292] {strides = array<i32>} : memref<32x256xf32, #tpu.memory_space<vmem>>, vector<16xf32>,
            %get3A_294 = arith.index_cast %add3A_251 : i32 to index
            %get3A_295 = arith.constant 48 : index
            %get3A_296 = tpu.vector_load %arg16[%get3A_294, %get3A_295] {strides = array<i32>} : memref<32x256xf32, #tpu.memory_space<vmem>>, vector<16xf32>,
            %add3A_297 = arith.addf %get3A_293, %get3A_296 : vector<16xf32>
            %mul3A_298 = arith.constant 5.000000e-01 : f32
            %mul3A_299 = vector.broadcast %mul3A_298 : f32 to vector<16xf32>
            %mul3A_300 = arith.mulf %add3A_297, %mul3A_299 : vector<16xf32>
            %swap3A_301 = arith.index_cast %add3A_251 : i32 to index
            %swap3A_302 = arith.constant 48 : index
            %swap3A_303 = tpu.vector_load %arg19[%swap3A_301, %swap3A_302] {strides = array<i32>} : memref<32x256xf32, #tpu.memory_space<vmem>>, vector<16xf32>,
            tpu.vector_store %arg19[%swap3A_301, %swap3A_302], %mul3A_300 {strides = array<i32>} : memref<32x256xf32, #tpu.memory_space<vmem>>, vector<16xf32>,
            %get3A_304 = arith.index_cast %add3A_251 : i32 to index
            %get3A_305 = arith.constant 64 : index
            %get3A_306 = tpu.vector_load %arg13[%get3A_304, %get3A_305] {strides = array<i32>} : memref<32x256xf32, #tpu.memory_space<vmem>>, vector<16xf32>,
            %get3A_307 = arith.index_cast %add3A_251 : i32 to index
            %get3A_308 = arith.constant 64 : index
            %get3A_309 = tpu.vector_load %arg16[%get3A_307, %get3A_308] {strides = array<i32>} : memref<32x256xf32, #tpu.memory_space<vmem>>, vector<16xf32>,
            %add3A_310 = arith.addf %get3A_306, %get3A_309 : vector<16xf32>
            %mul3A_311 = arith.constant 5.000000e-01 : f32
            %mul3A_312 = vector.broadcast %mul3A_311 : f32 to vector<16xf32>
            %mul3A_313 = arith.mulf %add3A_310, %mul3A_312 : vector<16xf32>
            %swap3A_314 = arith.index_cast %add3A_251 : i32 to index
            %swap3A_315 = arith.constant 64 : index
            %swap3A_316 = tpu.vector_load %arg19[%swap3A_314, %swap3A_315] {strides = array<i32>} : memref<32x256xf32, #tpu.memory_space<vmem>>, vector<16xf32>,
            tpu.vector_store %arg19[%swap3A_314, %swap3A_315], %mul3A_313 {strides = array<i32>} : memref<32x256xf32, #tpu.memory_space<vmem>>, vector<16xf32>,
            %get3A_317 = arith.index_cast %add3A_251 : i32 to index
            %get3A_318 = arith.constant 80 : index
            %get3A_319 = tpu.vector_load %arg13[%get3A_317, %get3A_318] {strides = array<i32>} : memref<32x256xf32, #tpu.memory_space<vmem>>, vector<16xf32>,
            %get3A_320 = arith.index_cast %add3A_251 : i32 to index
            %get3A_321 = arith.constant 80 : index
            %get3A_322 = tpu.vector_load %arg16[%get3A_320, %get3A_321] {strides = array<i32>} : memref<32x256xf32, #tpu.memory_space<vmem>>, vector<16xf32>,
            %add3A_323 = arith.addf %get3A_319, %get3A_322 : vector<16xf32>
            %mul3A_324 = arith.constant 5.000000e-01 : f32
            %mul3A_325 = vector.broadcast %mul3A_324 : f32 to vector<16xf32>
            %mul3A_326 = arith.mulf %add3A_323, %mul3A_325 : vector<16xf32>
            %swap3A_327 = arith.index_cast %add3A_251 : i32 to index
            %swap3A_328 = arith.constant 80 : index
            %swap3A_329 = tpu.vector_load %arg19[%swap3A_327, %swap3A_328] {strides = array<i32>} : memref<32x256xf32, #tpu.memory_space<vmem>>, vector<16xf32>,
            tpu.vector_store %arg19[%swap3A_327, %swap3A_328], %mul3A_326 {strides = array<i32>} : memref<32x256xf32, #tpu.memory_space<vmem>>, vector<16xf32>,
            %get3A_330 = arith.index_cast %add3A_251 : i32 to index
            %get3A_331 = arith.constant 96 : index
            %get3A_332 = tpu.vector_load %arg13[%get3A_330, %get3A_331] {strides = array<i32>} : memref<32x256xf32, #tpu.memory_space<vmem>>, vector<16xf32>,
            %get3A_333 = arith.index_cast %add3A_251 : i32 to index
            %get3A_334 = arith.constant 96 : index
            %get3A_335 = tpu.vector_load %arg16[%get3A_333, %get3A_334] {strides = array<i32>} : memref<32x256xf32, #tpu.memory_space<vmem>>, vector<16xf32>,
            %add3A_336 = arith.addf %get3A_332, %get3A_335 : vector<16xf32>
            %mul3A_337 = arith.constant 5.000000e-01 : f32
            %mul3A_338 = vector.broadcast %mul3A_337 : f32 to vector<16xf32>
            %mul3A_339 = arith.mulf %add3A_336, %mul3A_338 : vector<16xf32>
            %swap3A_340 = arith.index_cast %add3A_251 : i32 to index
            %swap3A_341 = arith.constant 96 : index
            %swap3A_342 = tpu.vector_load %arg19[%swap3A_340, %swap3A_341] {strides = array<i32>} : memref<32x256xf32, #tpu.memory_space<vmem>>, vector<16xf32>,
            tpu.vector_store %arg19[%swap3A_340, %swap3A_341], %mul3A_339 {strides = array<i32>} : memref<32x256xf32, #tpu.memory_space<vmem>>, vector<16xf32>,
            %get3A_343 = arith.index_cast %add3A_251 : i32 to index
            %get3A_344 = arith.constant 112 : index
            %get3A_345 = tpu.vector_load %arg13[%get3A_343, %get3A_344] {strides = array<i32>} : memref<32x256xf32, #tpu.memory_space<vmem>>, vector<16xf32>,
            %get3A_346 = arith.index_cast %add3A_251 : i32 to index
            %get3A_347 = arith.constant 112 : index
            %get3A_348 = tpu.vector_load %arg16[%get3A_346, %get3A_347] {strides = array<i32>} : memref<32x256xf32, #tpu.memory_space<vmem>>, vector<16xf32>,
            %add3A_349 = arith.addf %get3A_345, %get3A_348 : vector<16xf32>
            %mul3A_350 = arith.constant 5.000000e-01 : f32
            %mul3A_351 = vector.broadcast %mul3A_350 : f32 to vector<16xf32>
            %mul3A_352 = arith.mulf %add3A_349, %mul3A_351 : vector<16xf32>
            %swap3A_353 = arith.index_cast %add3A_251 : i32 to index
            %swap3A_354 = arith.constant 112 : index
            %swap3A_355 = tpu.vector_load %arg19[%swap3A_353, %swap3A_354] {strides = array<i32>} : memref<32x256xf32, #tpu.memory_space<vmem>>, vector<16xf32>,
            tpu.vector_store %arg19[%swap3A_353, %swap3A_354], %mul3A_352 {strides = array<i32>} : memref<32x256xf32, #tpu.memory_space<vmem>>, vector<16xf32>,
            %get3A_356 = arith.index_cast %add3A_251 : i32 to index
            %get3A_357 = arith.constant 128 : index
            %get3A_358 = tpu.vector_load %arg13[%get3A_356, %get3A_357] {strides = array<i32>} : memref<32x256xf32, #tpu.memory_space<vmem>>, vector<16xf32>,
            %get3A_359 = arith.index_cast %add3A_251 : i32 to index
            %get3A_360 = arith.constant 128 : index
            %get3A_361 = tpu.vector_load %arg16[%get3A_359, %get3A_360] {strides = array<i32>} : memref<32x256xf32, #tpu.memory_space<vmem>>, vector<16xf32>,
            %add3A_362 = arith.addf %get3A_358, %get3A_361 : vector<16xf32>
            %mul3A_363 = arith.constant 5.000000e-01 : f32
            %mul3A_364 = vector.broadcast %mul3A_363 : f32 to vector<16xf32>
            %mul3A_365 = arith.mulf %add3A_362, %mul3A_364 : vector<16xf32>
            %swap3A_366 = arith.index_cast %add3A_251 : i32 to index
            %swap3A_367 = arith.constant 128 : index
            %swap3A_368 = tpu.vector_load %arg19[%swap3A_366, %swap3A_367] {strides = array<i32>} : memref<32x256xf32, #tpu.memory_space<vmem>>, vector<16xf32>,
            tpu.vector_store %arg19[%swap3A_366, %swap3A_367], %mul3A_365 {strides = array<i32>} : memref<32x256xf32, #tpu.memory_space<vmem>>, vector<16xf32>,
            %get3A_369 = arith.index_cast %add3A_251 : i32 to index
            %get3A_370 = arith.constant 144 : index
            %get3A_371 = tpu.vector_load %arg13[%get3A_369, %get3A_370] {strides = array<i32>} : memref<32x256xf32, #tpu.memory_space<vmem>>, vector<16xf32>,
            %get3A_372 = arith.index_cast %add3A_251 : i32 to index
            %get3A_373 = arith.constant 144 : index
            %get3A_374 = tpu.vector_load %arg16[%get3A_372, %get3A_373] {strides = array<i32>} : memref<32x256xf32, #tpu.memory_space<vmem>>, vector<16xf32>,
            %add3A_375 = arith.addf %get3A_371, %get3A_374 : vector<16xf32>
            %mul3A_376 = arith.constant 5.000000e-01 : f32
            %mul3A_377 = vector.broadcast %mul3A_376 : f32 to vector<16xf32>
            %mul3A_378 = arith.mulf %add3A_375, %mul3A_377 : vector<16xf32>
            %swap3A_379 = arith.index_cast %add3A_251 : i32 to index
            %swap3A_380 = arith.constant 144 : index
            %swap3A_381 = tpu.vector_load %arg19[%swap3A_379, %swap3A_380] {strides = array<i32>} : memref<32x256xf32, #tpu.memory_space<vmem>>, vector<16xf32>,
            tpu.vector_store %arg19[%swap3A_379, %swap3A_380], %mul3A_378 {strides = array<i32>} : memref<32x256xf32, #tpu.memory_space<vmem>>, vector<16xf32>,
            %get3A_382 = arith.index_cast %add3A_251 : i32 to index
            %get3A_383 = arith.constant 160 : index
            %get3A_384 = tpu.vector_load %arg13[%get3A_382, %get3A_383] {strides = array<i32>} : memref<32x256xf32, #tpu.memory_space<vmem>>, vector<16xf32>,
            %get3A_385 = arith.index_cast %add3A_251 : i32 to index
            %get3A_386 = arith.constant 160 : index
            %get3A_387 = tpu.vector_load %arg16[%get3A_385, %get3A_386] {strides = array<i32>} : memref<32x256xf32, #tpu.memory_space<vmem>>, vector<16xf32>,
            %add3A_388 = arith.addf %get3A_384, %get3A_387 : vector<16xf32>
            %mul3A_389 = arith.constant 5.000000e-01 : f32
            %mul3A_390 = vector.broadcast %mul3A_389 : f32 to vector<16xf32>
            %mul3A_391 = arith.mulf %add3A_388, %mul3A_390 : vector<16xf32>
            %swap3A_392 = arith.index_cast %add3A_251 : i32 to index
            %swap3A_393 = arith.constant 160 : index
            %swap3A_394 = tpu.vector_load %arg19[%swap3A_392, %swap3A_393] {strides = array<i32>} : memref<32x256xf32, #tpu.memory_space<vmem>>, vector<16xf32>,
            tpu.vector_store %arg19[%swap3A_392, %swap3A_393], %mul3A_391 {strides = array<i32>} : memref<32x256xf32, #tpu.memory_space<vmem>>, vector<16xf32>,
            %get3A_395 = arith.index_cast %add3A_251 : i32 to index
            %get3A_396 = arith.constant 176 : index
            %get3A_397 = tpu.vector_load %arg13[%get3A_395, %get3A_396] {strides = array<i32>} : memref<32x256xf32, #tpu.memory_space<vmem>>, vector<16xf32>,
            %get3A_398 = arith.index_cast %add3A_251 : i32 to index
            %get3A_399 = arith.constant 176 : index
            %get3A_400 = tpu.vector_load %arg16[%get3A_398, %get3A_399] {strides = array<i32>} : memref<32x256xf32, #tpu.memory_space<vmem>>, vector<16xf32>,
            %add3A_401 = arith.addf %get3A_397, %get3A_400 : vector<16xf32>
            %mul3A_402 = arith.constant 5.000000e-01 : f32
            %mul3A_403 = vector.broadcast %mul3A_402 : f32 to vector<16xf32>
            %mul3A_404 = arith.mulf %add3A_401, %mul3A_403 : vector<16xf32>
            %swap3A_405 = arith.index_cast %add3A_251 : i32 to index
            %swap3A_406 = arith.constant 176 : index
            %swap3A_407 = tpu.vector_load %arg19[%swap3A_405, %swap3A_406] {strides = array<i32>} : memref<32x256xf32, #tpu.memory_space<vmem>>, vector<16xf32>,
            tpu.vector_store %arg19[%swap3A_405, %swap3A_406], %mul3A_404 {strides = array<i32>} : memref<32x256xf32, #tpu.memory_space<vmem>>, vector<16xf32>,
            %get3A_408 = arith.index_cast %add3A_251 : i32 to index
            %get3A_409 = arith.constant 192 : index
            %get3A_410 = tpu.vector_load %arg13[%get3A_408, %get3A_409] {strides = array<i32>} : memref<32x256xf32, #tpu.memory_space<vmem>>, vector<16xf32>,
            %get3A_411 = arith.index_cast %add3A_251 : i32 to index
            %get3A_412 = arith.constant 192 : index
            %get3A_413 = tpu.vector_load %arg16[%get3A_411, %get3A_412] {strides = array<i32>} : memref<32x256xf32, #tpu.memory_space<vmem>>, vector<16xf32>,
            %add3A_414 = arith.addf %get3A_410, %get3A_413 : vector<16xf32>
            %mul3A_415 = arith.constant 5.000000e-01 : f32
            %mul3A_416 = vector.broadcast %mul3A_415 : f32 to vector<16xf32>
            %mul3A_417 = arith.mulf %add3A_414, %mul3A_416 : vector<16xf32>
            %swap3A_418 = arith.index_cast %add3A_251 : i32 to index
            %swap3A_419 = arith.constant 192 : index
            %swap3A_420 = tpu.vector_load %arg19[%swap3A_418, %swap3A_419] {strides = array<i32>} : memref<32x256xf32, #tpu.memory_space<vmem>>, vector<16xf32>,
            tpu.vector_store %arg19[%swap3A_418, %swap3A_419], %mul3A_417 {strides = array<i32>} : memref<32x256xf32, #tpu.memory_space<vmem>>, vector<16xf32>,
            %get3A_421 = arith.index_cast %add3A_251 : i32 to index
            %get3A_422 = arith.constant 208 : index
            %get3A_423 = tpu.vector_load %arg13[%get3A_421, %get3A_422] {strides = array<i32>} : memref<32x256xf32, #tpu.memory_space<vmem>>, vector<16xf32>,
            %get3A_424 = arith.index_cast %add3A_251 : i32 to index
            %get3A_425 = arith.constant 208 : index
            %get3A_426 = tpu.vector_load %arg16[%get3A_424, %get3A_425] {strides = array<i32>} : memref<32x256xf32, #tpu.memory_space<vmem>>, vector<16xf32>,
            %add3A_427 = arith.addf %get3A_423, %get3A_426 : vector<16xf32>
            %mul3A_428 = arith.constant 5.000000e-01 : f32
            %mul3A_429 = vector.broadcast %mul3A_428 : f32 to vector<16xf32>
            %mul3A_430 = arith.mulf %add3A_427, %mul3A_429 : vector<16xf32>
            %swap3A_431 = arith.index_cast %add3A_251 : i32 to index
            %swap3A_432 = arith.constant 208 : index
            %swap3A_433 = tpu.vector_load %arg19[%swap3A_431, %swap3A_432] {strides = array<i32>} : memref<32x256xf32, #tpu.memory_space<vmem>>, vector<16xf32>,
            tpu.vector_store %arg19[%swap3A_431, %swap3A_432], %mul3A_430 {strides = array<i32>} : memref<32x256xf32, #tpu.memory_space<vmem>>, vector<16xf32>,
            %get3A_434 = arith.index_cast %add3A_251 : i32 to index
            %get3A_435 = arith.constant 224 : index
            %get3A_436 = tpu.vector_load %arg13[%get3A_434, %get3A_435] {strides = array<i32>} : memref<32x256xf32, #tpu.memory_space<vmem>>, vector<16xf32>,
            %get3A_437 = arith.index_cast %add3A_251 : i32 to index
            %get3A_438 = arith.constant 224 : index
            %get3A_439 = tpu.vector_load %arg16[%get3A_437, %get3A_438] {strides = array<i32>} : memref<32x256xf32, #tpu.memory_space<vmem>>, vector<16xf32>,
            %add3A_440 = arith.addf %get3A_436, %get3A_439 : vector<16xf32>
            %mul3A_441 = arith.constant 5.000000e-01 : f32
            %mul3A_442 = vector.broadcast %mul3A_441 : f32 to vector<16xf32>
            %mul3A_443 = arith.mulf %add3A_440, %mul3A_442 : vector<16xf32>
            %swap3A_444 = arith.index_cast %add3A_251 : i32 to index
            %swap3A_445 = arith.constant 224 : index
            %swap3A_446 = tpu.vector_load %arg19[%swap3A_444, %swap3A_445] {strides = array<i32>} : memref<32x256xf32, #tpu.memory_space<vmem>>, vector<16xf32>,
            tpu.vector_store %arg19[%swap3A_444, %swap3A_445], %mul3A_443 {strides = array<i32>} : memref<32x256xf32, #tpu.memory_space<vmem>>, vector<16xf32>,
            %get3A_447 = arith.index_cast %add3A_251 : i32 to index
            %get3A_448 = arith.constant 240 : index
            %get3A_449 = tpu.vector_load %arg13[%get3A_447, %get3A_448] {strides = array<i32>} : memref<32x256xf32, #tpu.memory_space<vmem>>, vector<16xf32>,
            %get3A_450 = arith.index_cast %add3A_251 : i32 to index
            %get3A_451 = arith.constant 240 : index
            %get3A_452 = tpu.vector_load %arg16[%get3A_450, %get3A_451] {strides = array<i32>} : memref<32x256xf32, #tpu.memory_space<vmem>>, vector<16xf32>,
            %add3A_453 = arith.addf %get3A_449, %get3A_452 : vector<16xf32>
            %mul3A_454 = arith.constant 5.000000e-01 : f32
            %mul3A_455 = vector.broadcast %mul3A_454 : f32 to vector<16xf32>
            %mul3A_456 = arith.mulf %add3A_453, %mul3A_455 : vector<16xf32>
            %swap3A_457 = arith.index_cast %add3A_251 : i32 to index
            %swap3A_458 = arith.constant 240 : index
            %swap3A_459 = tpu.vector_load %arg19[%swap3A_457, %swap3A_458] {strides = array<i32>} : memref<32x256xf32, #tpu.memory_space<vmem>>, vector<16xf32>,
            tpu.vector_store %arg19[%swap3A_457, %swap3A_458], %mul3A_456 {strides = array<i32>} : memref<32x256xf32, #tpu.memory_space<vmem>>, vector<16xf32>,
          }
          %scan3A_217 = arith.constant 32 : i32
          %mul3A_218 = arith.constant 32 : i32
          %mul3A_219 = arith.muli %add3A_162, %mul3A_218 : i32
          %multiple_of3A_220 = tpu.assume_multiple %mul3A_219, 32 : i32
          %add3A_221 = arith.constant 0 : i32
          %add3A_222 = arith.addi %multiple_of3A_220, %add3A_221 : i32
          %get3A_223 = arith.index_cast %add3A_222 : i32 to index
          %get3A_224 = tpu.vector_load %arg9[%get3A_223] {strides = array<i32>} : memref<6960xi32, #tpu.memory_space<vmem>>, vector<16xi32>,
          %dma_start3A_225 = arith.constant 0 : i32
          %dma_start3A_226 = arith.constant 0 : i32
          %dma_start3A_227 = tpu.memref_slice %arg19[%dma_start3A_225, %dma_start3A_226] : memref<32x256xf32, #tpu.memory_space<vmem>> -> memref<16x256xf32, #tpu.memory_space<vmem>>
          %dma_start3A_228 = arith.constant 0 : i32
          %dma_start3A_229 = arith.constant 0 : i32
          %dma_start3A_230 = tpu.memref_slice %arg5[%dma_start3A_228, %dma_start3A_229] : memref<220000x256xf32, #tpu.memory_space<hbm>> -> memref<220000x256xf32, #tpu.memory_space<hbm>>
          tpu.enqueue_indirect_dma source(%dma_start3A_227 : memref<16x256xf32, #tpu.memory_space<vmem>>) target(%dma_start3A_230 : memref<220000x256xf32, #tpu.memory_space<hbm>>) offsets(%get3A_224 : vector<16xi32>) semaphore(%arg25 : memref<!tpu.dma_semaphore, #tpu.memory_space<semaphore_mem>>)
          %add3A_231 = arith.constant 16 : i32
          %add3A_232 = arith.addi %multiple_of3A_220, %add3A_231 : i32
          %get3A_233 = arith.index_cast %add3A_232 : i32 to index
          %get3A_234 = tpu.vector_load %arg9[%get3A_233] {strides = array<i32>} : memref<6960xi32, #tpu.memory_space<vmem>>, vector<16xi32>,
          %dma_start3A_235 = arith.constant 16 : i32
          %dma_start3A_236 = arith.constant 0 : i32
          %dma_start3A_237 = tpu.memref_slice %arg19[%dma_start3A_235, %dma_start3A_236] : memref<32x256xf32, #tpu.memory_space<vmem>> -> memref<16x256xf32, #tpu.memory_space<vmem>>
          %dma_start3A_238 = arith.constant 0 : i32
          %dma_start3A_239 = arith.constant 0 : i32
          %dma_start3A_240 = tpu.memref_slice %arg5[%dma_start3A_238, %dma_start3A_239] : memref<220000x256xf32, #tpu.memory_space<hbm>> -> memref<220000x256xf32, #tpu.memory_space<hbm>>
          tpu.enqueue_indirect_dma source(%dma_start3A_237 : memref<16x256xf32, #tpu.memory_space<vmem>>) target(%dma_start3A_240 : memref<220000x256xf32, #tpu.memory_space<hbm>>) offsets(%get3A_234 : vector<16xi32>) semaphore(%arg25 : memref<!tpu.dma_semaphore, #tpu.memory_space<semaphore_mem>>)
          %add3A_241 = arith.constant 3 : i32
          %add3A_242 = arith.addi %add3A_162, %add3A_241 : i32
          %lt3A_243 = arith.cmpi slt, %add3A_242, %select_n3A : i32
          %convert_element_type3A_244 = arith.extui %lt3A_243 : i1 to i32
          %cond3A_245 = arith.constant 0 : i32
          %cond3A_246 = arith.cmpi ne, %convert_element_type3A_244, %cond3A_245 : i32
          scf.if %cond3A_246 {
            %add3A_247 = arith.constant 3 : i32
            %add3A_248 = arith.addi %add3A_162, %add3A_247 : i32
            %mul3A_249 = arith.constant 32 : i32
            %mul3A_250 = arith.muli %add3A_248, %mul3A_249 : i32
            %multiple_of3A_251 = tpu.assume_multiple %mul3A_250, 32 : i32
            %add3A_252 = arith.constant 0 : i32
            %add3A_253 = arith.addi %multiple_of3A_251, %add3A_252 : i32
            %get3A_254 = arith.index_cast %add3A_253 : i32 to index
            %get3A_255 = tpu.vector_load %arg9[%get3A_254] {strides = array<i32>} : memref<6960xi32, #tpu.memory_space<vmem>>, vector<16xi32>,
            %add3A_256 = arith.constant 0 : i32
            %add3A_257 = arith.addi %multiple_of3A_251, %add3A_256 : i32
            %get3A_258 = arith.index_cast %add3A_257 : i32 to index
            %get3A_259 = tpu.vector_load %arg10[%get3A_258] {strides = array<i32>} : memref<6960xi32, #tpu.memory_space<vmem>>, vector<16xi32>,
            %dma_start3A_260 = arith.constant 0 : i32
            %dma_start3A_261 = arith.constant 0 : i32
            %dma_start3A_262 = tpu.memref_slice %arg13[%dma_start3A_260, %dma_start3A_261] : memref<32x256xf32, #tpu.memory_space<vmem>> -> memref<16x256xf32, #tpu.memory_space<vmem>>
            %dma_start3A_263 = arith.constant 0 : i32
            %dma_start3A_264 = arith.constant 0 : i32
            %dma_start3A_265 = tpu.memref_slice %arg3[%dma_start3A_263, %dma_start3A_264] : memref<16384x256xf32, #tpu.memory_space<hbm>> -> memref<16384x256xf32, #tpu.memory_space<hbm>>
            tpu.enqueue_indirect_dma source(%dma_start3A_265 : memref<16384x256xf32, #tpu.memory_space<hbm>>) target(%dma_start3A_262 : memref<16x256xf32, #tpu.memory_space<vmem>>) offsets(%get3A_259 : vector<16xi32>) semaphore(%arg22 : memref<!tpu.dma_semaphore, #tpu.memory_space<semaphore_mem>>)
            %dma_start3A_266 = arith.constant 0 : i32
            %dma_start3A_267 = arith.constant 0 : i32
            %dma_start3A_268 = tpu.memref_slice %arg16[%dma_start3A_266, %dma_start3A_267] : memref<32x256xf32, #tpu.memory_space<vmem>> -> memref<16x256xf32, #tpu.memory_space<vmem>>
            %dma_start3A_269 = arith.constant 0 : i32
            %dma_start3A_270 = arith.constant 0 : i32
            %dma_start3A_271 = tpu.memref_slice %arg2[%dma_start3A_269, %dma_start3A_270] : memref<220000x256xf32, #tpu.memory_space<hbm>> -> memref<220000x256xf32, #tpu.memory_space<hbm>>
            tpu.enqueue_indirect_dma source(%dma_start3A_271 : memref<220000x256xf32, #tpu.memory_space<hbm>>) target(%dma_start3A_268 : memref<16x256xf32, #tpu.memory_space<vmem>>) offsets(%get3A_255 : vector<16xi32>) semaphore(%arg22 : memref<!tpu.dma_semaphore, #tpu.memory_space<semaphore_mem>>)
            %add3A_272 = arith.constant 16 : i32
            %add3A_273 = arith.addi %multiple_of3A_251, %add3A_272 : i32
            %get3A_274 = arith.index_cast %add3A_273 : i32 to index
            %get3A_275 = tpu.vector_load %arg9[%get3A_274] {strides = array<i32>} : memref<6960xi32, #tpu.memory_space<vmem>>, vector<16xi32>,
            %add3A_276 = arith.constant 16 : i32
            %add3A_277 = arith.addi %multiple_of3A_251, %add3A_276 : i32
            %get3A_278 = arith.index_cast %add3A_277 : i32 to index
            %get3A_279 = tpu.vector_load %arg10[%get3A_278] {strides = array<i32>} : memref<6960xi32, #tpu.memory_space<vmem>>, vector<16xi32>,
            %dma_start3A_280 = arith.constant 16 : i32
            %dma_start3A_281 = arith.constant 0 : i32
            %dma_start3A_282 = tpu.memref_slice %arg13[%dma_start3A_280, %dma_start3A_281] : memref<32x256xf32, #tpu.memory_space<vmem>> -> memref<16x256xf32, #tpu.memory_space<vmem>>
            %dma_start3A_283 = arith.constant 0 : i32
            %dma_start3A_284 = arith.constant 0 : i32
            %dma_start3A_285 = tpu.memref_slice %arg3[%dma_start3A_283, %dma_start3A_284] : memref<16384x256xf32, #tpu.memory_space<hbm>> -> memref<16384x256xf32, #tpu.memory_space<hbm>>
            tpu.enqueue_indirect_dma source(%dma_start3A_285 : memref<16384x256xf32, #tpu.memory_space<hbm>>) target(%dma_start3A_282 : memref<16x256xf32, #tpu.memory_space<vmem>>) offsets(%get3A_279 : vector<16xi32>) semaphore(%arg22 : memref<!tpu.dma_semaphore, #tpu.memory_space<semaphore_mem>>)
            %dma_start3A_286 = arith.constant 16 : i32
            %dma_start3A_287 = arith.constant 0 : i32
            %dma_start3A_288 = tpu.memref_slice %arg16[%dma_start3A_286, %dma_start3A_287] : memref<32x256xf32, #tpu.memory_space<vmem>> -> memref<16x256xf32, #tpu.memory_space<vmem>>
            %dma_start3A_289 = arith.constant 0 : i32
            %dma_start3A_290 = arith.constant 0 : i32
            %dma_start3A_291 = tpu.memref_slice %arg2[%dma_start3A_289, %dma_start3A_290] : memref<220000x256xf32, #tpu.memory_space<hbm>> -> memref<220000x256xf32, #tpu.memory_space<hbm>>
            tpu.enqueue_indirect_dma source(%dma_start3A_291 : memref<220000x256xf32, #tpu.memory_space<hbm>>) target(%dma_start3A_288 : memref<16x256xf32, #tpu.memory_space<vmem>>) offsets(%get3A_275 : vector<16xi32>) semaphore(%arg22 : memref<!tpu.dma_semaphore, #tpu.memory_space<semaphore_mem>>)
          } else {
          }
        } else {
        }
      }
      %gt3A_132 = arith.constant 0 : i32
      %gt3A_133 = arith.cmpi sgt, %select_n3A, %gt3A_132 : i32
      %convert_element_type3A_134 = arith.extui %gt3A_133 : i1 to i32
      %cond3A_135 = arith.constant 0 : i32
      %cond3A_136 = arith.cmpi ne, %convert_element_type3A_134, %cond3A_135 : i32
      scf.if %cond3A_136 {
        %get3A_147 = arith.constant 0 : index
        %get3A_148 = tpu.vector_load %arg9[%get3A_147] {strides = array<i32>} : memref<6960xi32, #tpu.memory_space<vmem>>, vector<16xi32>,
        %dma_wait3A = arith.constant 0 : i32
        %dma_wait3A_149 = arith.constant 0 : i32
        %dma_wait3A_150 = tpu.memref_slice %arg17[%dma_wait3A, %dma_wait3A_149] : memref<32x256xf32, #tpu.memory_space<vmem>> -> memref<16x256xf32, #tpu.memory_space<vmem>>
        %dma_wait3A_151 = arith.constant 0 : i32
        %dma_wait3A_152 = arith.constant 0 : i32
        %dma_wait3A_153 = tpu.memref_slice %arg5[%dma_wait3A_151, %dma_wait3A_152] : memref<220000x256xf32, #tpu.memory_space<hbm>> -> memref<220000x256xf32, #tpu.memory_space<hbm>>
        tpu.wait_indirect_dma semaphore(%arg23 : memref<!tpu.dma_semaphore, #tpu.memory_space<semaphore_mem>>) src(%dma_wait3A_150 : memref<16x256xf32, #tpu.memory_space<vmem>>) dst(%dma_wait3A_153 : memref<220000x256xf32, #tpu.memory_space<hbm>>)
        %get3A_154 = arith.constant 16 : index
        %get3A_155 = tpu.vector_load %arg9[%get3A_154] {strides = array<i32>} : memref<6960xi32, #tpu.memory_space<vmem>>, vector<16xi32>,
        %dma_wait3A_156 = arith.constant 16 : i32
        %dma_wait3A_157 = arith.constant 0 : i32
        %dma_wait3A_158 = tpu.memref_slice %arg17[%dma_wait3A_156, %dma_wait3A_157] : memref<32x256xf32, #tpu.memory_space<vmem>> -> memref<16x256xf32, #tpu.memory_space<vmem>>
        %dma_wait3A_159 = arith.constant 0 : i32
        %dma_wait3A_160 = arith.constant 0 : i32
        %dma_wait3A_161 = tpu.memref_slice %arg5[%dma_wait3A_159, %dma_wait3A_160] : memref<220000x256xf32, #tpu.memory_space<hbm>> -> memref<220000x256xf32, #tpu.memory_space<hbm>>
        tpu.wait_indirect_dma semaphore(%arg23 : memref<!tpu.dma_semaphore, #tpu.memory_space<semaphore_mem>>) src(%dma_wait3A_158 : memref<16x256xf32, #tpu.memory_space<vmem>>) dst(%dma_wait3A_161 : memref<220000x256xf32, #tpu.memory_space<hbm>>)
      } else {
      }
      %gt3A_137 = arith.constant 1 : i32
      %gt3A_138 = arith.cmpi sgt, %select_n3A, %gt3A_137 : i32
      %convert_element_type3A_139 = arith.extui %gt3A_138 : i1 to i32
      %cond3A_140 = arith.constant 0 : i32
      %cond3A_141 = arith.cmpi ne, %convert_element_type3A_139, %cond3A_140 : i32
      scf.if %cond3A_141 {
        %get3A_147 = arith.constant 0 : index
        %get3A_148 = tpu.vector_load %arg9[%get3A_147] {strides = array<i32>} : memref<6960xi32, #tpu.memory_space<vmem>>, vector<16xi32>,
        %dma_wait3A = arith.constant 0 : i32
        %dma_wait3A_149 = arith.constant 0 : i32
        %dma_wait3A_150 = tpu.memref_slice %arg18[%dma_wait3A, %dma_wait3A_149] : memref<32x256xf32, #tpu.memory_space<vmem>> -> memref<16x256xf32, #tpu.memory_space<vmem>>
        %dma_wait3A_151 = arith.constant 0 : i32
        %dma_wait3A_152 = arith.constant 0 : i32
        %dma_wait3A_153 = tpu.memref_slice %arg5[%dma_wait3A_151, %dma_wait3A_152] : memref<220000x256xf32, #tpu.memory_space<hbm>> -> memref<220000x256xf32, #tpu.memory_space<hbm>>
        tpu.wait_indirect_dma semaphore(%arg24 : memref<!tpu.dma_semaphore, #tpu.memory_space<semaphore_mem>>) src(%dma_wait3A_150 : memref<16x256xf32, #tpu.memory_space<vmem>>) dst(%dma_wait3A_153 : memref<220000x256xf32, #tpu.memory_space<hbm>>)
        %get3A_154 = arith.constant 16 : index
        %get3A_155 = tpu.vector_load %arg9[%get3A_154] {strides = array<i32>} : memref<6960xi32, #tpu.memory_space<vmem>>, vector<16xi32>,
        %dma_wait3A_156 = arith.constant 16 : i32
        %dma_wait3A_157 = arith.constant 0 : i32
        %dma_wait3A_158 = tpu.memref_slice %arg18[%dma_wait3A_156, %dma_wait3A_157] : memref<32x256xf32, #tpu.memory_space<vmem>> -> memref<16x256xf32, #tpu.memory_space<vmem>>
        %dma_wait3A_159 = arith.constant 0 : i32
        %dma_wait3A_160 = arith.constant 0 : i32
        %dma_wait3A_161 = tpu.memref_slice %arg5[%dma_wait3A_159, %dma_wait3A_160] : memref<220000x256xf32, #tpu.memory_space<hbm>> -> memref<220000x256xf32, #tpu.memory_space<hbm>>
        tpu.wait_indirect_dma semaphore(%arg24 : memref<!tpu.dma_semaphore, #tpu.memory_space<semaphore_mem>>) src(%dma_wait3A_158 : memref<16x256xf32, #tpu.memory_space<vmem>>) dst(%dma_wait3A_161 : memref<220000x256xf32, #tpu.memory_space<hbm>>)
      } else {
      }
      %gt3A_142 = arith.constant 2 : i32
      %gt3A_143 = arith.cmpi sgt, %select_n3A, %gt3A_142 : i32
      %convert_element_type3A_144 = arith.extui %gt3A_143 : i1 to i32
      %cond3A_145 = arith.constant 0 : i32
      %cond3A_146 = arith.cmpi ne, %convert_element_type3A_144, %cond3A_145 : i32
      scf.if %cond3A_146 {
        %get3A_147 = arith.constant 0 : index
        %get3A_148 = tpu.vector_load %arg9[%get3A_147] {strides = array<i32>} : memref<6960xi32, #tpu.memory_space<vmem>>, vector<16xi32>,
        %dma_wait3A = arith.constant 0 : i32
        %dma_wait3A_149 = arith.constant 0 : i32
        %dma_wait3A_150 = tpu.memref_slice %arg19[%dma_wait3A, %dma_wait3A_149] : memref<32x256xf32, #tpu.memory_space<vmem>> -> memref<16x256xf32, #tpu.memory_space<vmem>>
        %dma_wait3A_151 = arith.constant 0 : i32
        %dma_wait3A_152 = arith.constant 0 : i32
        %dma_wait3A_153 = tpu.memref_slice %arg5[%dma_wait3A_151, %dma_wait3A_152] : memref<220000x256xf32, #tpu.memory_space<hbm>> -> memref<220000x256xf32, #tpu.memory_space<hbm>>
        tpu.wait_indirect_dma semaphore(%arg25 : memref<!tpu.dma_semaphore, #tpu.memory_space<semaphore_mem>>) src(%dma_wait3A_150 : memref<16x256xf32, #tpu.memory_space<vmem>>) dst(%dma_wait3A_153 : memref<220000x256xf32, #tpu.memory_space<hbm>>)
        %get3A_154 = arith.constant 16 : index
        %get3A_155 = tpu.vector_load %arg9[%get3A_154] {strides = array<i32>} : memref<6960xi32, #tpu.memory_space<vmem>>, vector<16xi32>,
        %dma_wait3A_156 = arith.constant 16 : i32
        %dma_wait3A_157 = arith.constant 0 : i32
        %dma_wait3A_158 = tpu.memref_slice %arg19[%dma_wait3A_156, %dma_wait3A_157] : memref<32x256xf32, #tpu.memory_space<vmem>> -> memref<16x256xf32, #tpu.memory_space<vmem>>
        %dma_wait3A_159 = arith.constant 0 : i32
        %dma_wait3A_160 = arith.constant 0 : i32
        %dma_wait3A_161 = tpu.memref_slice %arg5[%dma_wait3A_159, %dma_wait3A_160] : memref<220000x256xf32, #tpu.memory_space<hbm>> -> memref<220000x256xf32, #tpu.memory_space<hbm>>
        tpu.wait_indirect_dma semaphore(%arg25 : memref<!tpu.dma_semaphore, #tpu.memory_space<semaphore_mem>>) src(%dma_wait3A_158 : memref<16x256xf32, #tpu.memory_space<vmem>>) dst(%dma_wait3A_161 : memref<220000x256xf32, #tpu.memory_space<hbm>>)
      } else {
      }
    } else {
    }
    return
  }
}

</mosaic_0001>

<sc_bundles>
// kernel: feature_memory_update.3.cloned.1.call-start
scs
__scs_entry_jumppad:
0x0: {  	(pc) =	sbr.rel $0x88, $3  }
0x1: {  	(tag) =	ssettag $0x0;
	lr =	simm.s32 $0x1  }
0x2: {  	[smem:$0x3F9E] =	sst lr;
	_ =	strace $0xD0000000  }
0x3: {  	_ = 	snop  }
0x4: {  	_ = 	snop  }
0x5: {  	_ = 	snop  }
0x6: {  	_ = 	snop  }
0x7: {  	_ = 	snop  }
__scs_overlays_trampoline_lowered:
0x8: {  	[smem:$0x3FAD] =	sst s0  }
0x9: {  	[smem:$0x3FAE] =	sst s1  }
0xa: {  	[smem:$0x3FAF] =	sst s2  }
0xb: {  	[smem:$0x3FB0] =	sst s3  }
0xc: {  	[smem:$0x3FB1] =	sst s4  }
0xd: {  	[smem:$0x3FB2] =	sst s5  }
0xe: {  	[smem:$0x3FB3] =	sst s6  }
0xf: {  	[smem:$0x3FB4] =	sst s7  }
0x10: {  	[smem:$0x3FB5] =	sst s8  }
0x11: {  	[smem:$0x3FB6] =	sst s9;
	s0 =	simm.s32 @!p0 $0x0  }
0x12: {  	s1 =	sld [smem:$0x3F9C];
	s0 =	simm.s32 @p0 $0x1  }
0x13: {  	[smem:$0x3FB7] =	sst s0;
	s0 =	simm.s32 @!p1 $0x0  }
0x14: {  	s2 =	sld [smem:$0x3F9B];
	s0 =	simm.s32 @p1 $0x1  }
0x15: {  	[smem:$0x3FB8] =	sst s0;
	s0 =	simm.s32 @!p2 $0x0  }
0x16: {  	s3 =	sld [smem:$0x3FDB];
	s0 =	simm.s32 @p2 $0x1  }
0x17: {  	s4 =	simm.s32 $0x1BF5;
	[smem:$0x3FBA] =	sst s0  }
0x18: {  	s0 =	sld [smem:$0x3F9D];
	_ =	swait.ge [sflag:s4], $0x0  }
0x19: {  	s7 =	sld [smem:$0x3F9E]  }
0x1a: {  	s8 =	sadd.s32 $0xFFFFE003, lr  }
0x1b: {  	s9 =	sadd.s32 $0xFFFFFEF7, lr;
	s5 =	simm.s32 $0xFFFFFFFF;
	p2 =	slt.u32 s8, $0xFFFFF086  }
0x1c: {  	p1 =	slt.u32 s9, $0xF7A;
	s5 =	simm.s32 @!p2 $0x0  }
0x1d: {  	s5 =	simm.s32 @p1 $0x1;
	p0 =	seq.s32 s7, s2  }
0x1e: {  	s7 =	smul.u32 @!p0 $0xF7A, s2;
	p2 =	seq.s32 @!p0 s5, $0x0  }
0x1f: {  	s9 =	smul.u32 $0xF7A, s1;
	s8 =	simm.s32 @!p0 $0x1BF5;
	p2 =	por !p2, p0  }
0x20: {  	[sflag:s8] =	ssyncset.s32 @!p0 $0xFFFFF086;
	s6 =	sadd.s32 @!p0 s3, s7;
	s7 =	simm.s32 @!p0 $0x108  }
0x21: {  	s3 =	sadd.s32 s3, s9;
	s6 =	sadd.s32 @!p0 $0x88, s6;
	s7 =	simm.s32 @p2 $0x1082  }
0x22: {  	[simem:s7], [sflag:s8] =	dma.local @!p0 [hbm:s6], $0xF7A  }
0x23: {  	s9 =	sor.u32 $0xD0000000, s2;
	s6 =	simm.s32 $0x108;
	_ =	swait.ge @!p0 [sflag:s8], $0x0  }
0x24: {  	s3 =	sadd.s32 $0x88, s3;
	s6 =	simm.s32 @!p1 $0x1082;
	[sflag:s4] =	ssyncset.s32 $0xFFFFF086  }
0x25: {  	[simem:s6], [sflag:s4] =	dma.local [hbm:s3], $0xF7A  }
0x26: {  	[smem:$0x3F9E] =	sst s1;
	(tag) =	ssettag s2;
	_ =	strace s9  }
0x27: {  	s1 =	sld [smem:$0x3FAE]  }
0x28: {  	s2 =	sld [smem:$0x3FAF]  }
0x29: {  	s4 =	sld [smem:$0x3FB1]  }
0x2a: {  	p0 =	seq.s32 s5, $0x0;
	s5 =	sld [smem:$0x3FB2]  }
0x2b: {  	s6 =	sld [smem:$0x3FB3]  }
0x2c: {  	s7 =	sld [smem:$0x3FB4]  }
0x2d: {  	s3 =	simm.s32 $0x108;
	s8 =	sld [smem:$0x3FB5]  }
0x2e: {  	s3 =	simm.s32 @!p0 $0x1082;
	s9 =	sld [smem:$0x3FB6]  }
0x2f: {  	lr =	sadd.s32 s0, s3;
	s0 =	sld [smem:$0x3FAD]  }
0x30: {  	s3 =	sld [smem:$0x3FB0]  }
0x31: {  	[smem:$0x3FB9] =	sst s10  }
0x32: {  	s10 =	sld [smem:$0x3FB7];
	_ =	sdelay $0x3  }
0x33: {  	p0 =	seq.s32 s10, $0x1;
	s10 =	sld [smem:$0x3FB9];
	_ =	sdelay $0x3  }
0x34: {  	[smem:$0x3FB9] =	sst s10  }
0x35: {  	s10 =	sld [smem:$0x3FB8];
	_ =	sdelay $0x3  }
0x36: {  	p1 =	seq.s32 s10, $0x1;
	s10 =	sld [smem:$0x3FB9];
	_ =	sdelay $0x3  }
0x37: {  	[smem:$0x3FB9] =	sst s10  }
0x38: {  	s10 =	sld [smem:$0x3FBA]  }
0x39: {  	_ = 	snop;
	(pc) =	sbr.ind lr, $3  }
0x3a: {  	_ = 	snop  }
0x3b: {  	_ = 	snop  }
0x3c: {  	p2 =	seq.s32 s10, $0x1;
	s10 =	sld [smem:$0x3FB9]  }
0x3d: {  	_ =	shalt  }
0x3e: {  	_ =	shalt  }
0x3f: {  	_ =	shalt  }
0x40: {  	_ =	shalt  }
0x41: {  	_ =	shalt  }
0x42: {  	_ =	shalt  }
0x43: {  	_ =	shalt  }
0x44: {  	_ =	shalt  }
0x45: {  	_ =	shalt  }
0x46: {  	_ =	shalt  }
0x47: {  	_ =	shalt  }
0x48: {  	_ =	shalt  }
0x49: {  	_ =	shalt  }
0x4a: {  	_ =	shalt  }
0x4b: {  	_ =	shalt  }
0x4c: {  	_ =	shalt  }
0x4d: {  	_ =	shalt  }
0x4e: {  	_ =	shalt  }
0x4f: {  	_ =	shalt  }
0x50: {  	_ =	shalt  }
0x51: {  	_ =	shalt  }
0x52: {  	_ =	shalt  }
0x53: {  	_ =	shalt  }
0x54: {  	_ =	shalt  }
0x55: {  	_ =	shalt  }
0x56: {  	_ =	shalt  }
0x57: {  	_ =	shalt  }
0x58: {  	_ =	shalt  }
0x59: {  	_ =	shalt  }
0x5a: {  	_ =	shalt  }
0x5b: {  	_ =	shalt  }
0x5c: {  	_ =	shalt  }
0x5d: {  	_ =	shalt  }
0x5e: {  	_ =	shalt  }
0x5f: {  	_ =	shalt  }
0x60: {  	_ =	shalt  }
0x61: {  	_ =	shalt  }
0x62: {  	_ =	shalt  }
0x63: {  	_ =	shalt  }
0x64: {  	_ =	shalt  }
0x65: {  	_ =	shalt  }
0x66: {  	_ =	shalt  }
0x67: {  	_ =	shalt  }
0x68: {  	_ =	shalt  }
0x69: {  	_ =	shalt  }
0x6a: {  	_ =	shalt  }
0x6b: {  	_ =	shalt  }
0x6c: {  	_ =	shalt  }
0x6d: {  	_ =	shalt  }
0x6e: {  	_ =	shalt  }
0x6f: {  	_ =	shalt  }
0x70: {  	_ =	shalt  }
0x71: {  	_ =	shalt  }
0x72: {  	_ =	shalt  }
0x73: {  	_ =	shalt  }
0x74: {  	_ =	shalt  }
0x75: {  	_ =	shalt  }
0x76: {  	_ =	shalt  }
0x77: {  	_ =	shalt  }
0x78: {  	_ =	shalt  }
0x79: {  	_ =	shalt  }
0x7a: {  	_ =	shalt  }
0x7b: {  	_ =	shalt  }
0x7c: {  	_ =	shalt  }
0x7d: {  	_ =	shalt  }
0x7e: {  	_ =	shalt  }
0x7f: {  	_ =	shalt  }
0x80: {  	_ =	shalt  }
0x81: {  	_ =	shalt  }
0x82: {  	_ =	shalt  }
0x83: {  	_ =	shalt  }
0x84: {  	_ =	shalt  }
0x85: {  	_ =	shalt  }
0x86: {  	_ =	shalt  }
0x87: {  	_ =	shalt  }
.Lfunc_end0:
.L_simem_size_0:
called_computation_lowered:
.L_overlay_start_0:
0x88: {  	s2 =	sld [smem:$0x3FD9]  }
0x89: {  	s3 =	sld [smem:$0x3FFE];
	_ =	sdelay $0x1  }
0x8a: {  	s1 =	srdreg.scid  }
0x8b: {  	s0 =	sand.u32 $0x1, s1  }
0x8c: {  	s18 =	sshll.u32 s0, $0xA;
	s2 =	sadd.s32 s3, s2  }
0x8d: {  	s2 =	sadd.s32 s2, s18  }
0x8e: {  	[smem:$0x3FC5] =	sst s2  }
0x8f: {  	_ = 	snop  }
0x90: {  	s2 =	sld [smem:$0x3FC9]  }
0x91: {  	s19 =	sld [smem:$0x3FC8]  }
0x92: {  	s4 =	sld [smem:$0x3FC7]  }
0x93: {  	s5 =	sld [smem:$0x3FD0];
	(tm) =	ssettm $0x1  }
0x94: {  	s6 =	sld [smem:$0x3FFB];
	_ =	sdelay $0x3  }
0x95: {  	_ =	strace s6  }
0x96: {  	s6 =	sld [smem:$0x3FFC];
	_ =	sdelay $0x3  }
0x97: {  	_ =	strace s6  }
0x98: {  	s6 =	sld [smem:$0x3FFD];
	_ =	sdelay $0x3  }
0x99: {  	_ =	strace s6  }
0x9a: {  	_ =	strace $0x8FFFFFFF  }
0x9b: {  	s20 =	sld [smem:$0x3FDB];
	_ =	sdelay $0x1  }
0x9c: {  	s7 =	simm.s32 $_scs_section_size  }
0x9d: {  	s8 =	simm.s32 $_size__tile_overlayer_lowered;
	s9 =	simm.s32 $_tile_overlayer_lowered  }
0x9e: {  	s23 =	simm.s32 $0x1BFF;
	s22 =	sshll.u32 s9, $0x1;
	s6 =	sadd.s32 s7, s20  }
0x9f: {  	s10 =	simm.s32 $0x0;
	s21 =	sshll.u32 s8, $0x1;
	s8 =	sadd.s32 s22, s6  }
0xa0: {  	[timem:s10], [sflag:s23] =	dma.local [hbm:s8], s21  }
0xa1: {  	_ =	swait.ge [sflag:s23], s21  }
0xa2: {  	s7 =	ssub.s32 $0x0, s21;
	[sflag:s23] =	ssyncset.done $0x0  }
0xa3: {  	[sflag:s23] =	ssyncadd.s32 s7;
	_ =	sdelay $0x1  }
0xa4: {  	s24 =	simm.s32 $0x1B8B  }
0xa5: {  	_ =	swait.ge [sflag:s24], $0x1  }
0xa6: {  	[sflag:s24] =	ssyncset.done $0x0  }
0xa7: {  	s25 =	simm.s32 $0x1B8E;
	[sflag:s24] =	ssyncadd.s32 $0xFFFFFFFF  }
0xa8: {  	s26 =	simm.s32 $execute0_lowered;
	[smem:$0x3FD2] =	sst s25  }
0xa9: {  	s7 =	sshll.u32 s26, $0x1;
	_ =	strace $0x80000046;
	[dreg:$0x1] =	wrdreg $0xFFFFFFFF  }
0xaa: {  	s28 =	simm.s32 $_size_execute0_lowered;
	s6 =	sadd.s32 s6, s7;
	[dreg:$0x0] =	wrdreg $0x0  }
0xab: {  	s7 =	sshll.u32 s28, $0x1;
	[dreg:$0x2] =	wrdreg s6  }
0xac: {  	[dreg:$0x3] =	wrdreg s7  }
0xad: {  	[dreg:$0x4] =	wrdreg $0xC0  }
0xae: {  	_ =	task [dreg:s10], $0x5FFFF  }
0xaf: {  	[dreg:$0x1] =	wrdreg $0xFFFFFFFF  }
0xb0: {  	[dreg:$0x0] =	wrdreg $0x60  }
0xb1: {  	[dreg:$0x2] =	wrdreg s2  }
0xb2: {  	[dreg:$0x3] =	wrdreg s19  }
0xb3: {  	[dreg:$0x4] =	wrdreg s4  }
0xb4: {  	[dreg:$0x5] =	wrdreg s5  }
0xb5: {  	[dreg:$0x6] =	wrdreg $0x9  }
0xb6: {  	_ =	task.clear_ibuf [dreg:s10], $0x7FFFF;
	_ =	strace $0x90000046  }
0xb7: {  	s29 =	simm.s32 $0x9;
	_ =	strace $0x80000048  }
0xb8: {  	_ =	swait.ge [sflag:s29], $0x1  }
0xb9: {  	[sflag:s29] =	ssyncadd.s32 $0xFFFFFFFF  }
0xba: {  	_ =	strace $0x90000048  }
0xbb: {  	_ =	sfence  }
0xbc: {  	s30 =	sld [smem:$0x0];
	_ =	sdelay $0x2  }
0xbd: {  	s31 =	sshll.u32 s1, $0xD;
	s1 =	sshrl.u32 s1, $0x2  }
0xbe: {  	s3 =	sand.u32 $0x4000, s31;
	s1 =	sadd.s32 s1, s30  }
0xbf: {  	s0 =	sor.u32 s3, s0;
	s1 =	sshll.u32 s1, $0x11  }
0xc0: {  	s0 =	sor.u32 s1, s0  }
0xc1: {  	s0 =	sadd.s32 $0x8F2B, s0  }
0xc2: {  	[sflag:s0] =	ssyncadd.remote.s32 $0x1  }
0xc3: {  	_ =	sfence.sel $0xFFFF  }
0xc4: {  	[dreg:$0x0] =	wrdreg $0xFFFFFFFF;
	(pc) =	sbr.abs _section_cstart, $3  }
0xc5: {  	[dreg:$0x1] =	wrdreg $0xFFFFFFFF  }
0xc6: {  	_ =	task.clear_ibuf [dreg:s10], $0x2FFFF;
	_ =	strace $0x9FFFFFFF  }
0xc7: {  	(tm) =	ssettm $0x7FFFFFFF  }
tec
execute0_lowered:
.L_overlay_start_1:
0x0: {  	(tag) =	ssettag $0x1  }
0x1: {  	s1 =	rddreg [dreg:$0x0]  }
0x2: {  	s0 =	srdreg.scid;
	s2 =	rddreg [dreg:$0x1]  }
0x3: {  	s7 =	stileid.u32;
	s20 =	rddreg [dreg:$0x2]  }
0x4: {  	s5 =	rddreg [dreg:$0x3];
	_ =	strace $0x80000047;
	s8 =	simm.s32 $0x0  }
0x5: {  	s10 =	simm.s32 $0x4000;
	s13 =	simm.s32 $0x1;
	s22 =	simm.s32 $0x16A00  }
0x6: {  	s23 =	simm.s32 $0x2;
	s24 =	simm.s32 $0x17200;
	s25 =	simm.s32 $0x17A00  }
0x7: {  	s28 =	simm.s32 $0x18A00;
	s29 =	simm.s32 $0x3;
	s0 =	sand.u32 $0x1, s0  }
0x8: {  	s3 =	sshll.u32 s0, $0x4;
	s26 =	ssub.s32 $0x2, s0;
	s0 =	smul.u32 $0x1AE00, s0  }
0x9: {  	s30 =	simm.s32 $0x19200;
	s3 =	sor.u32 s7, s3;
	s7 =	smul.u32 $0x1AE0, s7  }
.Ltmp0:
0xa: {  	s11 =	simm.s32 $0x19A00;
	s12 =	simm.s32 $0x1A200;
	(pc) =	sbr.rel .LBB2_1-.Ltmp0, $4  }
0xb: {  	s14 =	simm.s32 $0x1AA00;
	s6 =	sshrl.u32 s26, $0x1;
	s4 =	smul.u32 $0x1AE0, s3  }
0xc: {  	v1 =	vlaneseq.u32;
	v3 =	vimm.s32 $0xFFFFFFFF;
	s18 =	simm.s32 $0x0;
	s3 =	ssub.s32 s26, s6;
	s26 =	simm.s32 $0x18200  }
0xd: {  	vm0 =	vmmov $0xffff;
	v5 =	vshrl.u32 v1, $0x3;
	v4 =	vand.u32 $0x7, v1;
	s21 =	smax.u32 s3, $0x1;
	s7 =	sadd.s32 s7, s0;
	s31 =	sadd.s32 $0x1AE0, s4  }
0xe: {  	v5 =	vmul.u32 $0x8, v5;
	s3 =	simm.s32 $0x15A00;
	s0 =	simm.s32 $0x16200;
	v0 =	vmov s4;
	[dreg:$0x5] =	wrdreg s21;
	v2 =	vmov s31  }
.LBB2_29:
0xf: {  	s4 =	simm.s32 $0x6  }
0x10: {  	_ =	swait.ge [sflag:s4], $0x1000  }
0x11: {  	[sflag:s4] =	ssyncset.done $0x0  }
0x12: {  	[sflag:s4] =	ssyncadd.s32 $0xFFFFF000  }
0x13: {  	_ =	swait.ge [sflag:s4], $0x1000  }
0x14: {  	[sflag:s4] =	ssyncset.done $0x0  }
0x15: {  	[sflag:s4] =	ssyncadd.s32 $0xFFFFF000  }
.LBB2_30:
0x16: {  	s18 =	sadd.s32 $0x1, s18  }
0x17: {  	p0 =	sne.s32 s18, s21  }
.Ltmp1:
0x18: {  	_ = 	snop;
	(pc) =	sbr.rel @!p0 .LBB2_31-.Ltmp1, $1  }
0x19: {  	_ =	sdelay $0x3  }
.LBB2_1:
0x1a: {  	[tilespmem:s8], [sflag:$0x7] =	stream.linear.gather [hbm4b:s20+s8], $0x4000, $0x38;
	[tilespmem:$0x1B200] =	vst v63  }
0x1b: {  	s4 =	simm.s32 $0x7  }
0x1c: {  	_ =	swait.ge [sflag:s4], $0x4000  }
0x1d: {  	[sflag:s4] =	ssyncset.done $0x0  }
0x1e: {  	s6 =	simm.s32 $0x4020;
	[sflag:s4] =	ssyncadd.s32 $0xFFFFC000  }
0x1f: {  	[tilespmem:s6+$0xFFFFFFE0] =	vst v3  }
0x20: {  	[tilespmem:s6+$0x20] =	vst v3  }
0x21: {  	[tilespmem:s6+$0x10] =	vst v3  }
0x22: {  	s9 =	simm.s32 $0x0;
	s16 =	simm.s32 $0x40;
	s4 =	simm.s32 $0x70;
	[tilespmem:s6+$0x0] =	vst v3  }
.LBB2_2:
0x23: {  	s9 =	sadd.s32 $0x5, s9  }
0x24: {  	[tilespmem:s6+$0xFFFFFFF0] =	vst v3;
	s6 =	sadd.s32 $0x50, s6;
	s19 =	simm.s32 $0xFFFFFFF8;
	p0 =	slt.u32 s9, $0x1A9  }
.Ltmp2:
0x25: {  	[tilespmem:s6+$0xFFFFFFE0] =	vst v3;
	(pc) =	sbr.rel @p0 .LBB2_2-.Ltmp2, $4  }
0x26: {  	_ = 	snop  }
0x27: {  	[tilespmem:s6+$0x20] =	vst v3  }
0x28: {  	[tilespmem:s6+$0x10] =	vst v3  }
0x29: {  	[tilespmem:s6+$0x0] =	vst v3  }
0x2a: {  	[tilespmem:s6+$0xFFFFFFF0] =	vst v3;
	s6 =	simm.s32 $0x40;
	s9 =	simm.s32 $0x70;
	s15 =	simm.s32 $0xFFFFFFF8  }
.LBB2_4:
0x2b: {  	v6 =	vld [tilespmem:s6+$0xFFFFFFC0];
	_ =	sdelay $0x4  }
0x2c: {  	v7 =	vsub.s32 v6, v0  }
0x2d: {  	vm1 =	vge.s32 v6, v0;
	vm2 =	vlt.s32 v6, v2;
	vm3 =	vgt.s32 v7, $0x0  }
0x2e: {  	vm1 =	vmand vm1, vm2;
	v6 =	vnsel vm3, $0x0, v7  }
0x2f: {  	v6 =	vmin.u32 v6, $0x1ADF;
	_ =	sdelay $0x2  }
0x30: {  	s17 =	sadd.s32 $0xFFFFFF90, s9  }
0x31: {  	v7 =	vor.u32 s17, v1  }
0x32: {  	[tilespmem:v6+s10+$0x0] =	vst.idx.msk vm1, v7  }
0x33: {  	v6 =	vld [tilespmem:s6+$0xFFFFFFD0];
	_ =	sdelay $0x4  }
0x34: {  	v7 =	vsub.s32 v6, v0  }
0x35: {  	vm1 =	vge.s32 v6, v0;
	vm2 =	vlt.s32 v6, v2;
	vm3 =	vgt.s32 v7, $0x0  }
0x36: {  	vm1 =	vmand vm1, vm2;
	v6 =	vnsel vm3, $0x0, v7  }
0x37: {  	v6 =	vmin.u32 v6, $0x1ADF;
	_ =	sdelay $0x2  }
0x38: {  	s31 =	sadd.s32 $0xFFFFFFA0, s9  }
0x39: {  	v7 =	vor.u32 s31, v1  }
0x3a: {  	[tilespmem:v6+s10+$0x0] =	vst.idx.msk vm1, v7  }
0x3b: {  	v6 =	vld [tilespmem:s6+$0xFFFFFFE0];
	_ =	sdelay $0x4  }
0x3c: {  	v7 =	vsub.s32 v6, v0  }
0x3d: {  	vm1 =	vge.s32 v6, v0;
	vm2 =	vlt.s32 v6, v2;
	vm3 =	vgt.s32 v7, $0x0  }
0x3e: {  	vm1 =	vmand vm1, vm2;
	v6 =	vnsel vm3, $0x0, v7  }
0x3f: {  	v6 =	vmin.u32 v6, $0x1ADF;
	_ =	sdelay $0x2  }
0x40: {  	s31 =	sadd.s32 $0xFFFFFFB0, s9  }
0x41: {  	v7 =	vor.u32 s31, v1  }
0x42: {  	[tilespmem:v6+s10+$0x0] =	vst.idx.msk vm1, v7  }
0x43: {  	v6 =	vld [tilespmem:s6+$0xFFFFFFF0];
	_ =	sdelay $0x4  }
0x44: {  	v7 =	vsub.s32 v6, v0  }
0x45: {  	vm1 =	vge.s32 v6, v0;
	vm2 =	vlt.s32 v6, v2;
	vm3 =	vgt.s32 v7, $0x0  }
0x46: {  	vm1 =	vmand vm1, vm2;
	v6 =	vnsel vm3, $0x0, v7  }
0x47: {  	v6 =	vmin.u32 v6, $0x1ADF;
	_ =	sdelay $0x2  }
0x48: {  	s31 =	sadd.s32 $0xFFFFFFC0, s9  }
0x49: {  	v7 =	vor.u32 s31, v1  }
0x4a: {  	[tilespmem:v6+s10+$0x0] =	vst.idx.msk vm1, v7  }
0x4b: {  	v6 =	vld [tilespmem:s6+$0x0];
	_ =	sdelay $0x4  }
0x4c: {  	v7 =	vsub.s32 v6, v0  }
0x4d: {  	vm1 =	vge.s32 v6, v0;
	vm2 =	vlt.s32 v6, v2;
	vm3 =	vgt.s32 v7, $0x0  }
0x4e: {  	vm1 =	vmand vm1, vm2;
	v6 =	vnsel vm3, $0x0, v7  }
0x4f: {  	v6 =	vmin.u32 v6, $0x1ADF;
	_ =	sdelay $0x2  }
0x50: {  	s31 =	sadd.s32 $0xFFFFFFD0, s9  }
0x51: {  	v7 =	vor.u32 s31, v1  }
0x52: {  	[tilespmem:v6+s10+$0x0] =	vst.idx.msk vm1, v7  }
0x53: {  	v6 =	vld [tilespmem:s6+$0x10];
	_ =	sdelay $0x4  }
0x54: {  	v7 =	vsub.s32 v6, v0  }
0x55: {  	vm1 =	vge.s32 v6, v0;
	vm2 =	vlt.s32 v6, v2;
	vm3 =	vgt.s32 v7, $0x0  }
0x56: {  	vm1 =	vmand vm1, vm2;
	v6 =	vnsel vm3, $0x0, v7  }
0x57: {  	v6 =	vmin.u32 v6, $0x1ADF;
	_ =	sdelay $0x2  }
0x58: {  	s31 =	sadd.s32 $0xFFFFFFE0, s9  }
0x59: {  	v7 =	vor.u32 s31, v1  }
0x5a: {  	[tilespmem:v6+s10+$0x0] =	vst.idx.msk vm1, v7  }
0x5b: {  	v6 =	vld [tilespmem:s6+$0x20];
	_ =	sdelay $0x4  }
0x5c: {  	v7 =	vsub.s32 v6, v0  }
0x5d: {  	vm1 =	vge.s32 v6, v0;
	vm2 =	vlt.s32 v6, v2;
	vm3 =	vgt.s32 v7, $0x0  }
0x5e: {  	vm1 =	vmand vm1, vm2;
	v6 =	vnsel vm3, $0x0, v7  }
0x5f: {  	v6 =	vmin.u32 v6, $0x1ADF;
	_ =	sdelay $0x2  }
0x60: {  	s31 =	sadd.s32 $0xFFFFFFF0, s9  }
0x61: {  	v7 =	vor.u32 s31, v1  }
0x62: {  	[tilespmem:v6+s10+$0x0] =	vst.idx.msk vm1, v7  }
0x63: {  	v6 =	vld [tilespmem:s6+$0x30];
	_ =	sdelay $0x4  }
0x64: {  	v7 =	vsub.s32 v6, v0  }
0x65: {  	vm1 =	vge.s32 v6, v0;
	vm2 =	vlt.s32 v6, v2;
	vm3 =	vgt.s32 v7, $0x0  }
0x66: {  	s15 =	sadd.s32 $0x8, s15;
	vm1 =	vmand vm1, vm2;
	v6 =	vnsel vm3, $0x0, v7  }
0x67: {  	p0 =	slt.u32 s15, $0x3F8;
	v6 =	vmin.u32 v6, $0x1ADF  }
.Ltmp3:
0x68: {  	_ = 	snop;
	(pc) =	sbr.rel @p0 .LBB2_4-.Ltmp3, $3  }
0x69: {  	_ =	sdelay $0x1  }
0x6a: {  	v7 =	vor.u32 s9, v1  }
0x6b: {  	s6 =	sadd.s32 $0x80, s6;
	s9 =	sadd.s32 $0x80, s9;
	[tilespmem:v6+s10+$0x0] =	vst.idx.msk vm1, v7  }
.LBB2_5:
0x6c: {  	v6 =	vld [tilespmem:s16+$0xFFFFFFC0];
	_ =	sdelay $0x4  }
0x6d: {  	v7 =	vsub.s32 v6, v0  }
0x6e: {  	vm1 =	vge.s32 v6, v0;
	vm2 =	vlt.s32 v6, v2;
	vm3 =	vgt.s32 v7, $0x0  }
0x6f: {  	vm1 =	vmand vm1, vm2;
	v6 =	vnsel vm3, $0x0, v7  }
0x70: {  	v6 =	vmin.u32 v6, $0x1ADF;
	_ =	sdelay $0x4  }
0x71: {  	v7 =	vld.idx.msk [tilespmem:v6+s10+$0x0], vm1;
	_ =	sdelay $0x2  }
0x72: {  	s6 =	sadd.s32 $0xFFFFFF90, s4  }
0x73: {  	v8 =	vor.u32 s6, v1  }
0x74: {  	vm2 =	vgt.s32 v8, v7  }
0x75: {  	vm1 =	vmand vm1, vm2;
	_ =	sdelay $0x5  }
0x76: {  	[tilespmem:v6+s10+$0x0] =	vst.idx.msk vm1, v8  }
0x77: {  	v6 =	vld [tilespmem:s16+$0xFFFFFFD0];
	_ =	sdelay $0x4  }
0x78: {  	v7 =	vsub.s32 v6, v0  }
0x79: {  	vm1 =	vge.s32 v6, v0;
	vm2 =	vlt.s32 v6, v2;
	vm3 =	vgt.s32 v7, $0x0  }
0x7a: {  	vm1 =	vmand vm1, vm2;
	v6 =	vnsel vm3, $0x0, v7  }
0x7b: {  	v6 =	vmin.u32 v6, $0x1ADF;
	_ =	sdelay $0x4  }
0x7c: {  	v7 =	vld.idx.msk [tilespmem:v6+s10+$0x0], vm1;
	_ =	sdelay $0x2  }
0x7d: {  	s17 =	sadd.s32 $0xFFFFFFA0, s4  }
0x7e: {  	v57 =	vor.u32 s17, v1  }
0x7f: {  	vm2 =	vgt.s32 v57, v7  }
0x80: {  	vm1 =	vmand vm1, vm2;
	_ =	sdelay $0x5  }
0x81: {  	[tilespmem:v6+s10+$0x0] =	vst.idx.msk vm1, v57  }
0x82: {  	v6 =	vld [tilespmem:s16+$0xFFFFFFE0];
	_ =	sdelay $0x4  }
0x83: {  	v7 =	vsub.s32 v6, v0  }
0x84: {  	vm1 =	vge.s32 v6, v0;
	vm2 =	vlt.s32 v6, v2;
	vm3 =	vgt.s32 v7, $0x0  }
0x85: {  	vm1 =	vmand vm1, vm2;
	v6 =	vnsel vm3, $0x0, v7  }
0x86: {  	v6 =	vmin.u32 v6, $0x1ADF;
	_ =	sdelay $0x4  }
0x87: {  	v7 =	vld.idx.msk [tilespmem:v6+s10+$0x0], vm1;
	_ =	sdelay $0x2  }
0x88: {  	s31 =	sadd.s32 $0xFFFFFFB0, s4  }
0x89: {  	v58 =	vor.u32 s31, v1  }
0x8a: {  	vm2 =	vgt.s32 v58, v7  }
0x8b: {  	vm1 =	vmand vm1, vm2;
	_ =	sdelay $0x5  }
0x8c: {  	[tilespmem:v6+s10+$0x0] =	vst.idx.msk vm1, v58  }
0x8d: {  	v6 =	vld [tilespmem:s16+$0xFFFFFFF0];
	_ =	sdelay $0x4  }
0x8e: {  	v7 =	vsub.s32 v6, v0  }
0x8f: {  	vm1 =	vge.s32 v6, v0;
	vm2 =	vlt.s32 v6, v2;
	vm3 =	vgt.s32 v7, $0x0  }
0x90: {  	vm1 =	vmand vm1, vm2;
	v6 =	vnsel vm3, $0x0, v7  }
0x91: {  	v6 =	vmin.u32 v6, $0x1ADF;
	_ =	sdelay $0x4  }
0x92: {  	v7 =	vld.idx.msk [tilespmem:v6+s10+$0x0], vm1;
	_ =	sdelay $0x2  }
0x93: {  	s9 =	sadd.s32 $0xFFFFFFC0, s4  }
0x94: {  	v59 =	vor.u32 s9, v1  }
0x95: {  	vm2 =	vgt.s32 v59, v7  }
0x96: {  	vm1 =	vmand vm1, vm2;
	_ =	sdelay $0x5  }
0x97: {  	[tilespmem:v6+s10+$0x0] =	vst.idx.msk vm1, v59  }
0x98: {  	v6 =	vld [tilespmem:s16+$0x0];
	_ =	sdelay $0x4  }
0x99: {  	v7 =	vsub.s32 v6, v0  }
0x9a: {  	vm1 =	vge.s32 v6, v0;
	vm2 =	vlt.s32 v6, v2;
	vm3 =	vgt.s32 v7, $0x0  }
0x9b: {  	vm1 =	vmand vm1, vm2;
	v6 =	vnsel vm3, $0x0, v7  }
0x9c: {  	v6 =	vmin.u32 v6, $0x1ADF;
	_ =	sdelay $0x4  }
0x9d: {  	v7 =	vld.idx.msk [tilespmem:v6+s10+$0x0], vm1;
	_ =	sdelay $0x2  }
0x9e: {  	s15 =	sadd.s32 $0xFFFFFFD0, s4  }
0x9f: {  	v60 =	vor.u32 s15, v1  }
0xa0: {  	vm2 =	vgt.s32 v60, v7  }
0xa1: {  	vm1 =	vmand vm1, vm2;
	_ =	sdelay $0x5  }
0xa2: {  	[tilespmem:v6+s10+$0x0] =	vst.idx.msk vm1, v60  }
0xa3: {  	v6 =	vld [tilespmem:s16+$0x10];
	_ =	sdelay $0x4  }
0xa4: {  	v7 =	vsub.s32 v6, v0  }
0xa5: {  	vm1 =	vge.s32 v6, v0;
	vm2 =	vlt.s32 v6, v2;
	vm3 =	vgt.s32 v7, $0x0  }
0xa6: {  	vm1 =	vmand vm1, vm2;
	v6 =	vnsel vm3, $0x0, v7  }
0xa7: {  	v6 =	vmin.u32 v6, $0x1ADF;
	_ =	sdelay $0x4  }
0xa8: {  	v7 =	vld.idx.msk [tilespmem:v6+s10+$0x0], vm1;
	_ =	sdelay $0x2  }
0xa9: {  	s17 =	sadd.s32 $0xFFFFFFE0, s4  }
0xaa: {  	v61 =	vor.u32 s17, v1  }
0xab: {  	vm2 =	vgt.s32 v61, v7  }
0xac: {  	vm1 =	vmand vm1, vm2;
	_ =	sdelay $0x5  }
0xad: {  	[tilespmem:v6+s10+$0x0] =	vst.idx.msk vm1, v61  }
0xae: {  	v6 =	vld [tilespmem:s16+$0x20];
	_ =	sdelay $0x4  }
0xaf: {  	v7 =	vsub.s32 v6, v0  }
0xb0: {  	vm1 =	vge.s32 v6, v0;
	vm2 =	vlt.s32 v6, v2;
	vm3 =	vgt.s32 v7, $0x0  }
0xb1: {  	vm1 =	vmand vm1, vm2;
	v6 =	vnsel vm3, $0x0, v7  }
0xb2: {  	v6 =	vmin.u32 v6, $0x1ADF;
	_ =	sdelay $0x4  }
0xb3: {  	v7 =	vld.idx.msk [tilespmem:v6+s10+$0x0], vm1;
	_ =	sdelay $0x2  }
0xb4: {  	s31 =	sadd.s32 $0xFFFFFFF0, s4  }
0xb5: {  	v62 =	vor.u32 s31, v1  }
0xb6: {  	vm2 =	vgt.s32 v62, v7  }
0xb7: {  	vm1 =	vmand vm1, vm2;
	_ =	sdelay $0x5  }
0xb8: {  	[tilespmem:v6+s10+$0x0] =	vst.idx.msk vm1, v62  }
0xb9: {  	v6 =	vld [tilespmem:s16+$0x30];
	_ =	sdelay $0x4  }
0xba: {  	v7 =	vsub.s32 v6, v0  }
0xbb: {  	vm1 =	vge.s32 v6, v0;
	vm2 =	vlt.s32 v6, v2;
	vm3 =	vgt.s32 v7, $0x0  }
0xbc: {  	vm1 =	vmand vm1, vm2;
	v6 =	vnsel vm3, $0x0, v7  }
0xbd: {  	v6 =	vmin.u32 v6, $0x1ADF;
	_ =	sdelay $0x4  }
0xbe: {  	v7 =	vld.idx.msk [tilespmem:v6+s10+$0x0], vm1;
	_ =	sdelay $0x3  }
0xbf: {  	v63 =	vor.u32 s4, v1  }
0xc0: {  	vm2 =	vgt.s32 v63, v7  }
0xc1: {  	s19 =	sadd.s32 $0x8, s19;
	vm1 =	vmand vm1, vm2  }
0xc2: {  	p0 =	slt.u32 s19, $0x3F8  }
.Ltmp4:
0xc3: {  	_ = 	snop;
	(pc) =	sbr.rel @p0 .LBB2_5-.Ltmp4, $3  }
0xc4: {  	_ =	sdelay $0x1  }
0xc5: {  	s4 =	sadd.s32 $0x80, s4  }
0xc6: {  	s9 =	simm.s32 $0x0;
	s6 =	simm.s32 $0x4020;
	s16 =	sadd.s32 $0x80, s16;
	[tilespmem:v6+s10+$0x0] =	vst.idx.msk vm1, v63  }
0xc7: {  	v6 =	vld [tilespmem:s6+$0xFFFFFFE0];
	_ =	sdelay $0x4  }
0xc8: {  	vm1 =	vgt.s32 v6, $0xFFFFFFFF  }
0xc9: {  	v7 =	vmpcnt.ones.xlane vm1;
	_ =	sdelay $0x1  }
0xca: {  	v7 =	vxor.u32 $0x80000000, v7  }
0xcb: {  	(xrf0) =	vmax.scan.msk.u32 $0xffff, v7;
	_ =	sdelay $0x5  }
0xcc: {  	vm2 =	vgt.s32 v6, $0x0;
	v7, _, _ =	vpop (xrf0)  }
0xcd: {  	v6 =	vnsel vm2, $0x0, v6;
	(v2sf) =	vpush v7, $0xF;
	v7 =	vor.u32 s7, v1  }
0xce: {  	v6 =	vmin.u32 v6, $0x3FFF;
	[tilespmem:s9+$0x5B00] =	vst.msk vm1, v7  }
0xcf: {  	[tilespmem:s9+$0x7680] =	vst.msk vm1, v6  }
0xd0: {  	v6 =	vld [tilespmem:s6+$0xFFFFFFF0];
	_ =	sdelay $0x4  }
0xd1: {  	vm1 =	vgt.s32 v6, $0xFFFFFFFF  }
0xd2: {  	v7 =	vmpcnt.ones.xlane vm1;
	_ =	sdelay $0x1  }
0xd3: {  	v7 =	vxor.u32 $0x80000000, v7  }
0xd4: {  	(xrf0) =	vmax.scan.msk.u32 $0xffff, v7;
	_ =	sdelay $0x1  }
0xd5: {  	s31 =	sadd.s32 $0x10, s7  }
0xd6: {  	v7 =	vor.u32 s31, v1;
	s4 =	spop (v2sf)  }
0xd7: {  	vm2 =	vgt.s32 v6, $0x0;
	s4 =	sadd.s32 $0x0, s4  }
0xd8: {  	v6 =	vnsel vm2, $0x0, v6;
	s4 =	sadd.s32 $0x80000000, s4  }
0xd9: {  	v6 =	vmin.u32 v6, $0x3FFF;
	[tilespmem:s4+$0x5B00] =	vst.msk vm1, v7;
	v7, _, _ =	vpop (xrf0)  }
0xda: {  	[tilespmem:s4+$0x7680] =	vst.msk vm1, v6;
	(v2sf) =	vpush v7, $0xF  }
0xdb: {  	v6 =	vld [tilespmem:s6+$0x0];
	_ =	sdelay $0x4  }
0xdc: {  	vm1 =	vgt.s32 v6, $0xFFFFFFFF  }
0xdd: {  	v7 =	vmpcnt.ones.xlane vm1;
	_ =	sdelay $0x1  }
0xde: {  	v7 =	vxor.u32 $0x80000000, v7  }
0xdf: {  	(xrf0) =	vmax.scan.msk.u32 $0xffff, v7;
	_ =	sdelay $0x4  }
0xe0: {  	s15 =	spop (v2sf)  }
0xe1: {  	s16 =	sadd.s32 $0x20, s7;
	vm2 =	vgt.s32 v6, $0x0;
	v7, _, _ =	vpop (xrf0);
	s4 =	sadd.s32 s15, s4  }
0xe2: {  	v6 =	vnsel vm2, $0x0, v6;
	(v2sf) =	vpush v7, $0xF;
	s4 =	sadd.s32 $0x80000000, s4;
	v7 =	vor.u32 s16, v1  }
0xe3: {  	v6 =	vmin.u32 v6, $0x3FFF;
	[tilespmem:s4+$0x5B00] =	vst.msk vm1, v7  }
0xe4: {  	[tilespmem:s4+$0x7680] =	vst.msk vm1, v6  }
0xe5: {  	v6 =	vld [tilespmem:s6+$0x10];
	_ =	sdelay $0x4  }
0xe6: {  	vm1 =	vgt.s32 v6, $0xFFFFFFFF  }
0xe7: {  	v7 =	vmpcnt.ones.xlane vm1;
	_ =	sdelay $0x1  }
0xe8: {  	v7 =	vxor.u32 $0x80000000, v7  }
0xe9: {  	(xrf0) =	vmax.scan.msk.u32 $0xffff, v7;
	_ =	sdelay $0x1  }
0xea: {  	s19 =	sadd.s32 $0x30, s7  }
0xeb: {  	v7 =	vor.u32 s19, v1;
	s17 =	spop (v2sf)  }
0xec: {  	vm2 =	vgt.s32 v6, $0x0;
	s4 =	sadd.s32 s17, s4  }
0xed: {  	v6 =	vnsel vm2, $0x0, v6;
	s4 =	sadd.s32 $0x80000000, s4  }
0xee: {  	v6 =	vmin.u32 v6, $0x3FFF;
	[tilespmem:s4+$0x5B00] =	vst.msk vm1, v7;
	v7, _, _ =	vpop (xrf0)  }
0xef: {  	[tilespmem:s4+$0x7680] =	vst.msk vm1, v6;
	(v2sf) =	vpush v7, $0xF  }
0xf0: {  	v6 =	vld [tilespmem:s6+$0x20];
	_ =	sdelay $0x4  }
0xf1: {  	vm1 =	vgt.s32 v6, $0xFFFFFFFF  }
0xf2: {  	v7 =	vmpcnt.ones.xlane vm1;
	_ =	sdelay $0x1  }
0xf3: {  	v7 =	vxor.u32 $0x80000000, v7  }
0xf4: {  	(xrf0) =	vmax.scan.msk.u32 $0xffff, v7;
	_ =	sdelay $0x4  }
0xf5: {  	s31 =	spop (v2sf)  }
0xf6: {  	s9 =	sadd.s32 $0x40, s7;
	vm2 =	vgt.s32 v6, $0x0;
	v7, _, _ =	vpop (xrf0);
	s4 =	sadd.s32 s31, s4  }
0xf7: {  	v6 =	vnsel vm2, $0x0, v6;
	(v2sf) =	vpush v7, $0xF;
	s15 =	sadd.s32 $0x80000000, s4;
	v7 =	vor.u32 s9, v1  }
0xf8: {  	v6 =	vmin.u32 v6, $0x3FFF;
	[tilespmem:s15+$0x5B00] =	vst.msk vm1, v7  }
0xf9: {  	s16 =	simm.s32 $0x4070;
	[tilespmem:s15+$0x7680] =	vst.msk vm1, v6  }
0xfa: {  	v7 =	vld [tilespmem:s16+$0xFFFFFFE0];
	_ =	sdelay $0x4  }
0xfb: {  	vm1 =	vgt.s32 v7, $0xFFFFFFFF  }
0xfc: {  	v6 =	vmpcnt.ones.xlane vm1;
	_ =	sdelay $0x1  }
0xfd: {  	v8 =	vxor.u32 $0x80000000, v6  }
0xfe: {  	(xrf0) =	vmax.scan.msk.u32 $0xffff, v8;
	_ =	sdelay $0x3  }
0xff: {  	s4 =	sadd.s32 $0x50, s7;
	vm2 =	vgt.s32 v7, $0x0;
	s31 =	spop (v2sf)  }
0x100: {  	s17 =	simm.s32 $0x5;
	s19 =	sadd.s32 $0x50, s4;
	v7 =	vnsel vm2, $0x0, v7;
	v6 =	vor.u32 s4, v1;
	s6 =	sadd.s32 s31, s15  }
.LBB2_7:
0x101: {  	v8 =	vor.u32 s19, v1;
	s17 =	sadd.s32 $0x5, s17;
	v9, _, _ =	vpop (xrf0);
	s6 =	sadd.s32 $0x80000000, s6  }
0x102: {  	v7 =	vmin.u32 v7, $0x3FFF;
	p0 =	slt.u32 s17, $0x1A9;
	[tilespmem:s6+$0x5B00] =	vst.msk vm1, v6;
	(v2sf) =	vpush v9, $0xF;
	v6 =	vmov v8  }
0x103: {  	[tilespmem:s6+$0x7680] =	vst.msk vm1, v7  }
0x104: {  	v7 =	vld [tilespmem:s16+$0xFFFFFFF0];
	_ =	sdelay $0x4  }
0x105: {  	vm1 =	vgt.s32 v7, $0xFFFFFFFF;
	vm2 =	vgt.s32 v7, $0x0  }
0x106: {  	v7 =	vnsel vm2, $0x0, v7;
	v8 =	vmpcnt.ones.xlane vm1;
	_ =	sdelay $0x1  }
0x107: {  	v8 =	vxor.u32 $0x80000000, v8  }
0x108: {  	(xrf0) =	vmax.scan.msk.u32 $0xffff, v8;
	_ =	sdelay $0x3  }
0x109: {  	s9 =	spop (v2sf)  }
0x10a: {  	s6 =	sadd.s32 s9, s6;
	s9 =	sadd.s32 $0x10, s4  }
0x10b: {  	s6 =	sadd.s32 $0x80000000, s6;
	v8 =	vor.u32 s9, v1;
	v9, _, _ =	vpop (xrf0)  }
0x10c: {  	v7 =	vmin.u32 v7, $0x3FFF;
	[tilespmem:s6+$0x5B00] =	vst.msk vm1, v8;
	(v2sf) =	vpush v9, $0xF  }
0x10d: {  	[tilespmem:s6+$0x7680] =	vst.msk vm1, v7  }
0x10e: {  	v7 =	vld [tilespmem:s16+$0x0];
	_ =	sdelay $0x4  }
0x10f: {  	vm1 =	vgt.s32 v7, $0xFFFFFFFF;
	vm2 =	vgt.s32 v7, $0x0  }
0x110: {  	v7 =	vnsel vm2, $0x0, v7;
	v8 =	vmpcnt.ones.xlane vm1;
	_ =	sdelay $0x1  }
0x111: {  	v8 =	vxor.u32 $0x80000000, v8  }
0x112: {  	(xrf0) =	vmax.scan.msk.u32 $0xffff, v8;
	_ =	sdelay $0x3  }
0x113: {  	s9 =	spop (v2sf)  }
0x114: {  	s6 =	sadd.s32 s9, s6;
	s9 =	sadd.s32 $0x20, s4  }
0x115: {  	s6 =	sadd.s32 $0x80000000, s6;
	v8 =	vor.u32 s9, v1;
	v9, _, _ =	vpop (xrf0)  }
0x116: {  	v7 =	vmin.u32 v7, $0x3FFF;
	[tilespmem:s6+$0x5B00] =	vst.msk vm1, v8;
	(v2sf) =	vpush v9, $0xF  }
0x117: {  	[tilespmem:s6+$0x7680] =	vst.msk vm1, v7  }
0x118: {  	v7 =	vld [tilespmem:s16+$0x10];
	_ =	sdelay $0x4  }
0x119: {  	vm1 =	vgt.s32 v7, $0xFFFFFFFF;
	vm2 =	vgt.s32 v7, $0x0  }
0x11a: {  	v7 =	vnsel vm2, $0x0, v7;
	v8 =	vmpcnt.ones.xlane vm1;
	_ =	sdelay $0x1  }
0x11b: {  	v8 =	vxor.u32 $0x80000000, v8  }
0x11c: {  	(xrf0) =	vmax.scan.msk.u32 $0xffff, v8;
	_ =	sdelay $0x3  }
0x11d: {  	s9 =	spop (v2sf)  }
0x11e: {  	s6 =	sadd.s32 s9, s6;
	s9 =	sadd.s32 $0x30, s4  }
0x11f: {  	s6 =	sadd.s32 $0x80000000, s6;
	v8 =	vor.u32 s9, v1;
	v9, _, _ =	vpop (xrf0)  }
0x120: {  	v7 =	vmin.u32 v7, $0x3FFF;
	[tilespmem:s6+$0x5B00] =	vst.msk vm1, v8;
	(v2sf) =	vpush v9, $0xF  }
0x121: {  	[tilespmem:s6+$0x7680] =	vst.msk vm1, v7  }
0x122: {  	v7 =	vld [tilespmem:s16+$0x20];
	_ =	sdelay $0x4  }
0x123: {  	vm1 =	vgt.s32 v7, $0xFFFFFFFF;
	vm2 =	vgt.s32 v7, $0x0  }
0x124: {  	v7 =	vnsel vm2, $0x0, v7;
	v8 =	vmpcnt.ones.xlane vm1;
	_ =	sdelay $0x1  }
0x125: {  	v8 =	vxor.u32 $0x80000000, v8  }
0x126: {  	(xrf0) =	vmax.scan.msk.u32 $0xffff, v8;
	_ =	sdelay $0x3  }
0x127: {  	s9 =	spop (v2sf)  }
0x128: {  	s6 =	sadd.s32 s9, s6;
	s9 =	sadd.s32 $0x40, s4;
	s4 =	smov.u32 s19  }
0x129: {  	s6 =	sadd.s32 $0x80000000, s6;
	v8 =	vor.u32 s9, v1;
	v9, _, _ =	vpop (xrf0)  }
0x12a: {  	v7 =	vmin.u32 v7, $0x3FFF;
	[tilespmem:s6+$0x5B00] =	vst.msk vm1, v8;
	(v2sf) =	vpush v9, $0xF  }
0x12b: {  	s16 =	sadd.s32 $0x50, s16;
	[tilespmem:s6+$0x7680] =	vst.msk vm1, v7  }
0x12c: {  	v7 =	vld [tilespmem:s16+$0xFFFFFFE0];
	_ =	sdelay $0x4  }
0x12d: {  	vm1 =	vgt.s32 v7, $0xFFFFFFFF;
	vm2 =	vgt.s32 v7, $0x0  }
0x12e: {  	v7 =	vnsel vm2, $0x0, v7;
	v8 =	vmpcnt.ones.xlane vm1;
	_ =	sdelay $0x1  }
0x12f: {  	v8 =	vxor.u32 $0x80000000, v8  }
0x130: {  	(xrf0) =	vmax.scan.msk.u32 $0xffff, v8  }
.Ltmp5:
0x131: {  	(pc) =	sbr.rel @p0 .LBB2_7-.Ltmp5, $3  }
0x132: {  	_ =	sdelay $0x1  }
0x133: {  	s9 =	spop (v2sf)  }
0x134: {  	s19 =	sadd.s32 $0x50, s19;
	s6 =	sadd.s32 s9, s6  }
0x135: {  	v8, _, _ =	vpop (xrf0)  }
0x136: {  	(v2sf) =	vpush v8, $0xF;
	_ =	sdelay $0x7  }
0x137: {  	s6 =	sadd.s32 $0x80000000, s6  }
0x138: {  	[tilespmem:s6+$0x5B00] =	vst.msk vm1, v6;
	v6 =	vmin.u32 v7, $0x3FFF  }
0x139: {  	[tilespmem:s6+$0x7680] =	vst.msk vm1, v6  }
0x13a: {  	v6 =	vld [tilespmem:s16+$0xFFFFFFF0];
	_ =	sdelay $0x3  }
0x13b: {  	s9 =	spop (v2sf)  }
0x13c: {  	s15 =	sadd.s32 $0x10, s4;
	vm1 =	vgt.s32 v6, $0xFFFFFFFF;
	vm2 =	vgt.s32 v6, $0x0;
	s6 =	sadd.s32 s9, s6  }
0x13d: {  	v61 =	vor.u32 s15, v1;
	v6 =	vnsel vm2, $0x0, v6;
	v7 =	vmpcnt.ones.xlane vm1;
	s6 =	sadd.s32 $0x80000000, s6  }
0x13e: {  	v6 =	vmin.u32 v6, $0x3FFF;
	[tilespmem:s6+$0x5B00] =	vst.msk vm1, v61  }
0x13f: {  	v7 =	vxor.u32 $0x80000000, v7;
	[tilespmem:s6+$0x7680] =	vst.msk vm1, v6  }
0x140: {  	(xrf0) =	vmax.scan.msk.u32 $0xffff, v7;
	v6 =	vld [tilespmem:s16+$0x0];
	_ =	sdelay $0x4  }
0x141: {  	vm1 =	vgt.s32 v6, $0xFFFFFFFF  }
0x142: {  	v7, _, _ =	vpop (xrf0);
	v62 =	vmpcnt.ones.xlane vm1  }
0x143: {  	(v2sf) =	vpush v7, $0xF  }
0x144: {  	v7 =	vxor.u32 $0x80000000, v62  }
0x145: {  	(xrf0) =	vmax.scan.msk.u32 $0xffff, v7;
	_ =	sdelay $0x5  }
0x146: {  	v7, _, _ =	vpop (xrf0)  }
0x147: {  	(v2sf) =	vpush v7, $0xF;
	_ =	sdelay $0x5  }
0x148: {  	s17 =	spop (v2sf)  }
0x149: {  	s19 =	sadd.s32 $0x20, s4;
	vm2 =	vgt.s32 v6, $0x0;
	s6 =	sadd.s32 s17, s6  }
0x14a: {  	v6 =	vnsel vm2, $0x0, v6;
	s6 =	sadd.s32 $0x80000000, s6;
	v7 =	vor.u32 s19, v1  }
0x14b: {  	v6 =	vmin.u32 v6, $0x3FFF;
	[tilespmem:s6+$0x5B00] =	vst.msk vm1, v7  }
0x14c: {  	[tilespmem:s6+$0x7680] =	vst.msk vm1, v6  }
0x14d: {  	v6 =	vld [tilespmem:s16+$0x10];
	_ =	sdelay $0x3  }
0x14e: {  	s31 =	spop (v2sf)  }
0x14f: {  	s15 =	sadd.s32 $0x30, s4;
	vm1 =	vgt.s32 v6, $0x0;
	s6 =	sadd.s32 s31, s6  }
0x150: {  	v7 =	vor.u32 s15, v1;
	vm2 =	vgt.s32 v6, $0xFFFFFFFF;
	v6 =	vnsel vm1, $0x0, v6;
	s6 =	sadd.s32 $0x80000000, s6  }
0x151: {  	v6 =	vmin.u32 v6, $0x3FFF;
	[tilespmem:s6+$0x5B00] =	vst.msk vm2, v7  }
0x152: {  	[tilespmem:s6+$0x7680] =	vst.msk vm2, v6  }
0x153: {  	v6 =	vld [tilespmem:s16+$0x20];
	_ =	sdelay $0x3  }
0x154: {  	v7 =	vmpcnt.ones.xlane vm2  }
0x155: {  	vm1 =	vgt.s32 v6, $0xFFFFFFFF  }
0x156: {  	v7 =	vxor.u32 $0x80000000, v7;
	v63 =	vmpcnt.ones.xlane vm1  }
0x157: {  	(xrf0) =	vmax.scan.msk.u32 $0xffff, v7  }
0x158: {  	v7 =	vxor.u32 $0x80000000, v63  }
0x159: {  	(xrf0) =	vmax.scan.msk.u32 $0xffff, v7;
	_ =	sdelay $0x3  }
0x15a: {  	v7, _, _ =	vpop (xrf0)  }
0x15b: {  	(v2sf) =	vpush v7, $0xF  }
0x15c: {  	v7, _, _ =	vpop (xrf0)  }
0x15d: {  	(v2sf) =	vpush v7, $0xF;
	_ =	sdelay $0xc  }
0x15e: {  	s17 =	spop (v2sf)  }
0x15f: {  	s6 =	sadd.s32 s17, s6  }
0x160: {  	s6 =	sadd.s32 $0x80000000, s6;
	s19 =	spop (v2sf)  }
0x161: {  	s9 =	sadd.s32 s19, s6  }
0x162: {  	s31 =	sadd.s32 $0x40, s4;
	s4 =	sadd.s32 $0x80000000, s9  }
0x163: {  	p0 =	slt.s32 s4, $0x1  }
.Ltmp6:
0x164: {  	_ = 	snop;
	(pc) =	sbr.rel @p0 .LBB2_30-.Ltmp6, $4  }
0x165: {  	vm2 =	vgt.s32 v6, $0x0  }
0x166: {  	v6 =	vnsel vm2, $0x0, v6;
	v7 =	vor.u32 s31, v1  }
0x167: {  	v6 =	vmin.u32 v6, $0x3FFF;
	[tilespmem:s6+$0x5B00] =	vst.msk vm1, v7  }
0x168: {  	[tilespmem:s6+$0x7680] =	vst.msk vm1, v6  }
0x169: {  	s6 =	simm.s32 $0x5B00  }
0x16a: {  	s15 =	simm.s32 $0x7680;
	v6 =	vld.msk [tilespmem:s6+$0x0], $0xffff  }
0x16b: {  	v7 =	vld.msk [tilespmem:s15+$0x0], $0xffff;
	_ =	sdelay $0x3  }
0x16c: {  	[tilespmem:s4+$0x5B00] =	vst v6  }
0x16d: {  	[tilespmem:s4+$0x7680] =	vst v7  }
0x16e: {  	[tilespmem:s4+$0x5B10] =	vst v6  }
0x16f: {  	[tilespmem:s4+$0x7690] =	vst v7  }
0x170: {  	v6 =	vld [tilespmem:$0x7680];
	_ =	sdelay $0x4  }
0x171: {  	v7 =	vld [tilespmem:$0x5B00];
	v8 =	vshll.u32 v6, $0x1  }
0x172: {  	v6 =	vand.u32 $0x7, v6;
	v8 =	vand.u32 $0xFFFFFFF0, v8  }
0x173: {  	v8 =	vor.u32 v6, v8  }
0x174: {  	v6 =	vperm.xlane v8, v4;
	_ =	sdelay $0x1  }
0x175: {  	v10 =	vshll.u32 v7, $0x1;
	v9 =	vadd.s32 v5, v6;
	v6 =	vor.u32 $0x8, v1  }
0x176: {  	v7 =	vand.u32 $0x7, v7;
	v10 =	vand.u32 $0xFFFFFFF0, v10;
	v8 =	vperm.xlane v8, v6  }
0x177: {  	v7 =	vor.u32 v7, v10  }
0x178: {  	v10 =	vperm.xlane v7, v4;
	v8 =	vadd.s32 v5, v8;
	_ =	sdelay $0x1  }
0x179: {  	s16 =	simm.s32 $0x9200;
	v10 =	vadd.s32 v5, v10;
	v7 =	vperm.xlane v7, v6  }
0x17a: {  	[tilespmem:s16], [sflag:$0x1] =	stream.indirect_vreg.gather [hbm4b:s2+s8], $0x80, v9, vm0, $0xb8;
	[tilespmem:$0x1B200] =	vst v63  }
0x17b: {  	s17 =	simm.s32 $0x9A00;
	v7 =	vadd.s32 v5, v7  }
0x17c: {  	[tilespmem:s17], [sflag:$0x1] =	stream.indirect_vreg.gather [hbm4b:s2+s8], $0x80, v8, vm0, $0xb8;
	[tilespmem:$0x1B200] =	vst v63  }
0x17d: {  	s19 =	simm.s32 $0xF200  }
0x17e: {  	[tilespmem:s19], [sflag:$0x1] =	stream.indirect_vreg.gather [hbm4b:s1+s8], $0x80, v10, vm0, $0xb8;
	[tilespmem:$0x1B200] =	vst v63  }
0x17f: {  	s31 =	simm.s32 $0xFA00  }
0x180: {  	[tilespmem:s31], [sflag:$0x1] =	stream.indirect_vreg.gather [hbm4b:s1+s8], $0x80, v7, vm0, $0xb8;
	[tilespmem:$0x1B200] =	vst v63  }
0x181: {  	v7 =	vld [tilespmem:$0x7690];
	_ =	sdelay $0x4  }
0x182: {  	v8 =	vshll.u32 v7, $0x1  }
0x183: {  	v7 =	vand.u32 $0x7, v7;
	v8 =	vand.u32 $0xFFFFFFF0, v8  }
0x184: {  	v9 =	vld [tilespmem:$0x5B10];
	v7 =	vor.u32 v7, v8  }
0x185: {  	v8 =	vperm.xlane v7, v4;
	_ =	sdelay $0x1  }
0x186: {  	v8 =	vadd.s32 v5, v8;
	_ =	sdelay $0x1  }
0x187: {  	v63 =	vshll.u32 v9, $0x1  }
0x188: {  	s9 =	sadd.s32 $0x1F, s4;
	v9 =	vand.u32 $0x7, v9;
	v10 =	vand.u32 $0xFFFFFFF0, v63;
	v7 =	vperm.xlane v7, v6  }
0x189: {  	s15 =	simm.s32 $0xA200;
	s16 =	sand.u32 $0x1F, s9;
	v9 =	vor.u32 v9, v10  }
0x18a: {  	v7 =	vadd.s32 v5, v7;
	[tilespmem:s15], [sflag:$0x1] =	stream.indirect_vreg.gather [hbm4b:s2+s8], $0x80, v8, vm0, $0xb8;
	v8 =	vperm.xlane v9, v4;
	[tilespmem:$0x1B200] =	vst v63  }
0x18b: {  	p1 =	slt.s32 s9, $0x0;
	p0 =	sne.s32 s16, $0x0  }
0x18c: {  	p0 =	por !p1, !p0;
	s17 =	sshra.s32 s9, $0x1F;
	v8 =	vadd.s32 v5, v8  }
0x18d: {  	p0 =	por !p0, !p0;
	s6 =	sshrl.u32 s17, $0x1B  }
0x18e: {  	s4 =	sadd.s32 s6, s9;
	s6 =	simm.s32 $0x1;
	s9 =	simm.s32 $0xAA00  }
0x18f: {  	[tilespmem:s9], [sflag:$0x1] =	stream.indirect_vreg.gather [hbm4b:s2+s8], $0x80, v7, vm0, $0xb8;
	[tilespmem:$0x1B200] =	vst v63  }
0x190: {  	s19 =	simm.s32 $0x10200;
	s4 =	sshra.s32 s4, $0x5;
	s6 =	simm.s32 @!p0 $0x0  }
0x191: {  	v9 =	vperm.xlane v9, v6;
	[tilespmem:s19], [sflag:$0x1] =	stream.indirect_vreg.gather [hbm4b:s1+s8], $0x80, v8, vm0, $0xb8;
	[tilespmem:$0x1B200] =	vst v63  }
0x192: {  	s19 =	ssub.s32 s4, s6  }
0x193: {  	v9 =	vadd.s32 v5, v9;
	p0 =	slt.s32 s19, $0x2  }
.Ltmp7:
0x194: {  	_ = 	snop;
	(pc) =	sbr.rel @p0 .LBB2_11-.Ltmp7, $3  }
0x195: {  	_ =	sdelay $0x1  }
0x196: {  	s31 =	simm.s32 $0x10A00  }
0x197: {  	[tilespmem:s31], [sflag:$0x1] =	stream.indirect_vreg.gather [hbm4b:s1+s8], $0x80, v9, vm0, $0xb8;
	[tilespmem:$0x1B200] =	vst v63  }
0x198: {  	v7 =	vld [tilespmem:$0x76A0];
	_ =	sdelay $0x3  }
0x199: {  	v8 =	vld [tilespmem:$0x5B20]  }
0x19a: {  	v9 =	vshll.u32 v7, $0x1  }
0x19b: {  	v7 =	vand.u32 $0x7, v7;
	v9 =	vand.u32 $0xFFFFFFF0, v9  }
0x19c: {  	v7 =	vor.u32 v7, v9  }
0x19d: {  	v9 =	vperm.xlane v7, v4  }
0x19e: {  	v10 =	vshll.u32 v8, $0x1;
	v8 =	vand.u32 $0x7, v8  }
0x19f: {  	v10 =	vand.u32 $0xFFFFFFF0, v10;
	v7 =	vperm.xlane v7, v6;
	v9 =	vadd.s32 v5, v9  }
0x1a0: {  	v8 =	vor.u32 v8, v10  }
0x1a1: {  	v10 =	vperm.xlane v8, v4;
	v7 =	vadd.s32 v5, v7;
	_ =	sdelay $0x1  }
0x1a2: {  	s4 =	simm.s32 $0xB200;
	v8 =	vperm.xlane v8, v6;
	v10 =	vadd.s32 v5, v10  }
0x1a3: {  	[tilespmem:s4], [sflag:$0x2] =	stream.indirect_vreg.gather [hbm4b:s2+s8], $0x80, v9, vm0, $0xb8;
	[tilespmem:$0x1B200] =	vst v63  }
0x1a4: {  	s9 =	simm.s32 $0xBA00;
	v8 =	vadd.s32 v5, v8  }
0x1a5: {  	[tilespmem:s9], [sflag:$0x2] =	stream.indirect_vreg.gather [hbm4b:s2+s8], $0x80, v7, vm0, $0xb8;
	[tilespmem:$0x1B200] =	vst v63  }
0x1a6: {  	s15 =	simm.s32 $0x11200  }
0x1a7: {  	[tilespmem:s15], [sflag:$0x2] =	stream.indirect_vreg.gather [hbm4b:s1+s8], $0x80, v10, vm0, $0xb8;
	[tilespmem:$0x1B200] =	vst v63  }
0x1a8: {  	s16 =	simm.s32 $0x11A00  }
0x1a9: {  	[tilespmem:s16], [sflag:$0x2] =	stream.indirect_vreg.gather [hbm4b:s1+s8], $0x80, v8, vm0, $0xb8;
	[tilespmem:$0x1B200] =	vst v63  }
0x1aa: {  	v7 =	vld [tilespmem:$0x76B0];
	_ =	sdelay $0x3  }
0x1ab: {  	v8 =	vld [tilespmem:$0x5B30]  }
0x1ac: {  	v62 =	vshll.u32 v7, $0x1  }
0x1ad: {  	v7 =	vand.u32 $0x7, v7;
	v9 =	vand.u32 $0xFFFFFFF0, v62  }
0x1ae: {  	v7 =	vor.u32 v7, v9  }
0x1af: {  	v9 =	vperm.xlane v7, v4  }
0x1b0: {  	v63 =	vshll.u32 v8, $0x1;
	v8 =	vand.u32 $0x7, v8  }
0x1b1: {  	v10 =	vand.u32 $0xFFFFFFF0, v63;
	v7 =	vperm.xlane v7, v6;
	v9 =	vadd.s32 v5, v9  }
0x1b2: {  	v8 =	vor.u32 v8, v10  }
0x1b3: {  	v10 =	vperm.xlane v8, v4;
	v7 =	vadd.s32 v5, v7;
	_ =	sdelay $0x1  }
0x1b4: {  	s17 =	simm.s32 $0xC200;
	v8 =	vperm.xlane v8, v6;
	v10 =	vadd.s32 v5, v10  }
0x1b5: {  	[tilespmem:s17], [sflag:$0x2] =	stream.indirect_vreg.gather [hbm4b:s2+s8], $0x80, v9, vm0, $0xb8;
	[tilespmem:$0x1B200] =	vst v63  }
0x1b6: {  	s20 =	simm.s32 $0xCA00;
	v8 =	vadd.s32 v5, v8  }
0x1b7: {  	[tilespmem:s20], [sflag:$0x2] =	stream.indirect_vreg.gather [hbm4b:s2+s8], $0x80, v7, vm0, $0xb8;
	[tilespmem:$0x1B200] =	vst v63  }
0x1b8: {  	s21 =	simm.s32 $0x12200  }
0x1b9: {  	[tilespmem:s21], [sflag:$0x2] =	stream.indirect_vreg.gather [hbm4b:s1+s8], $0x80, v10, vm0, $0xb8;
	[tilespmem:$0x1B200] =	vst v63  }
0x1ba: {  	s31 =	simm.s32 $0x12A00;
	p2 =	seq.s32 s19, $0x2  }
0x1bb: {  	[tilespmem:s31], [sflag:$0x2] =	stream.indirect_vreg.gather [hbm4b:s1+s8], $0x80, v8, vm0, $0xb8;
	[tilespmem:$0x1B200] =	vst v63  }
0x1bc: {  	v7 =	vld @!p2 [tilespmem:$0x76C0];
	_ =	sdelay $0x3  }
0x1bd: {  	v8 =	vld @!p2 [tilespmem:$0x5B40]  }
0x1be: {  	v9 =	vshll.u32 @!p2 v7, $0x1  }
0x1bf: {  	v10 =	vlaneseq.u32 @!p2;
	v7 =	vand.u32 @!p2 $0x7, v7;
	v9 =	vand.u32 @!p2 $0xFFFFFFF0, v9  }
0x1c0: {  	v11 =	vshrl.u32 @!p2 v10, $0x3;
	v7 =	vor.u32 @!p2 v7, v9;
	v9 =	vand.u32 @!p2 $0x7, v10  }
0x1c1: {  	v11 =	vmul.u32 @!p2 $0x8, v11;
	v12 =	vperm.xlane @!p2 v7, v9  }
0x1c2: {  	v13 =	vshll.u32 @!p2 v8, $0x1;
	v8 =	vand.u32 @!p2 $0x7, v8;
	v10 =	vor.u32 @!p2 $0x8, v10  }
0x1c3: {  	v13 =	vand.u32 @!p2 $0xFFFFFFF0, v13;
	v7 =	vperm.xlane @!p2 v7, v10;
	v12 =	vadd.s32 @!p2 v11, v12  }
0x1c4: {  	v8 =	vor.u32 @!p2 v8, v13  }
0x1c5: {  	v13 =	vperm.xlane @!p2 v8, v9;
	v7 =	vadd.s32 @!p2 v11, v7;
	_ =	sdelay $0x1  }
0x1c6: {  	vm1 =	vmmov @!p2 $0xffff;
	s6 =	simm.s32 @!p2 $0xD200;
	s4 =	simm.s32 @!p2 $0x0;
	v8 =	vperm.xlane @!p2 v8, v10;
	v13 =	vadd.s32 @!p2 v11, v13  }
0x1c7: {  	[tilespmem:s6], [sflag:$0x3] =	stream.indirect_vreg.gather @!p2 [hbm4b:s2+s4], $0x80, v12, vm1, $0xb8;
	[tilespmem:$0x1B200] =	vst v63  }
0x1c8: {  	v8 =	vadd.s32 @!p2 v11, v8;
	s6 =	simm.s32 @!p2 $0xDA00  }
0x1c9: {  	[tilespmem:s6], [sflag:$0x3] =	stream.indirect_vreg.gather @!p2 [hbm4b:s2+s4], $0x80, v7, vm1, $0xb8;
	[tilespmem:$0x1B200] =	vst v63  }
0x1ca: {  	s6 =	simm.s32 @!p2 $0x13200  }
0x1cb: {  	[tilespmem:s6], [sflag:$0x3] =	stream.indirect_vreg.gather @!p2 [hbm4b:s1+s4], $0x80, v13, vm1, $0xb8;
	[tilespmem:$0x1B200] =	vst v63  }
0x1cc: {  	s6 =	simm.s32 @!p2 $0x13A00  }
0x1cd: {  	[tilespmem:s6], [sflag:$0x3] =	stream.indirect_vreg.gather @!p2 [hbm4b:s1+s4], $0x80, v8, vm1, $0xb8;
	[tilespmem:$0x1B200] =	vst v63  }
0x1ce: {  	v7 =	vld @!p2 [tilespmem:$0x76D0];
	_ =	sdelay $0x4  }
0x1cf: {  	v8 =	vld @!p2 [tilespmem:$0x5B50];
	v12 =	vshll.u32 @!p2 v7, $0x1  }
0x1d0: {  	v7 =	vand.u32 @!p2 $0x7, v7;
	v12 =	vand.u32 @!p2 $0xFFFFFFF0, v12  }
0x1d1: {  	v7 =	vor.u32 @!p2 v7, v12  }
0x1d2: {  	v12 =	vperm.xlane @!p2 v7, v9;
	_ =	sdelay $0x1  }
0x1d3: {  	v13 =	vshll.u32 @!p2 v8, $0x1;
	v7 =	vperm.xlane @!p2 v7, v10;
	v12 =	vadd.s32 @!p2 v11, v12  }
0x1d4: {  	v8 =	vand.u32 @!p2 $0x7, v8;
	v13 =	vand.u32 @!p2 $0xFFFFFFF0, v13  }
0x1d5: {  	v8 =	vor.u32 @!p2 v8, v13;
	v7 =	vadd.s32 @!p2 v11, v7  }
0x1d6: {  	v9 =	vperm.xlane @!p2 v8, v9  }
0x1d7: {  	s6 =	simm.s32 @!p2 $0xE200  }
0x1d8: {  	v8 =	vperm.xlane @!p2 v8, v10;
	v9 =	vadd.s32 @!p2 v11, v9;
	[tilespmem:s6], [sflag:$0x3] =	stream.indirect_vreg.gather @!p2 [hbm4b:s2+s4], $0x80, v12, vm1, $0xb8;
	[tilespmem:$0x1B200] =	vst v63  }
0x1d9: {  	s6 =	simm.s32 @!p2 $0xEA00  }
0x1da: {  	v8 =	vadd.s32 @!p2 v11, v8;
	[tilespmem:s6], [sflag:$0x3] =	stream.indirect_vreg.gather @!p2 [hbm4b:s2+s4], $0x80, v7, vm1, $0xb8;
	[tilespmem:$0x1B200] =	vst v63  }
.Ltmp8:
0x1db: {  	_ = 	snop;
	(pc) =	sbr.rel .LBB2_12-.Ltmp8, $4  }
0x1dc: {  	p1 =	por $0x0, $0x0;
	p3 =	por @!p2 $0x1, $0x1;
	s6 =	simm.s32 @!p2 $0x14200  }
0x1dd: {  	[tilespmem:s6], [sflag:$0x3] =	stream.indirect_vreg.gather @!p2 [hbm4b:s1+s4], $0x80, v9, vm1, $0xb8;
	[tilespmem:$0x1B200] =	vst v63  }
0x1de: {  	p1 =	por @!p2 p3, p3;
	s6 =	simm.s32 @!p2 $0x14A00  }
0x1df: {  	[tilespmem:s6], [sflag:$0x3] =	stream.indirect_vreg.gather @!p2 [hbm4b:s1+s4], $0x80, v8, vm1, $0xb8;
	[tilespmem:$0x1B200] =	vst v63  }
.LBB2_11:
0x1e0: {  	p2 =	sne.s32 s19, $0x1  }
.Ltmp9:
0x1e1: {  	_ = 	snop;
	(pc) =	sbr.rel @p2 .LBB2_30-.Ltmp9, $2  }
0x1e2: {  	_ =	sdelay $0x2  }
0x1e3: {  	p1 =	por $0x0, $0x0  }
.LBB2_12:
.Ltmp10:
0x1e4: {  	(pc) =	sbr.rel .LBB2_13-.Ltmp10, $3  }
0x1e5: {  	s4 =	sadd.s32 $0x2, s19  }
0x1e6: {  	s4 =	smulhi.u32 $0xAAAAAAAB, s4;
	_ =	sdelay $0x1  }
0x1e7: {  	s21 =	simm.s32 $0x0;
	s20 =	sshrl.u32 s4, $0x1  }
.LBB2_25:
0x1e8: {  	s21 =	sadd.s32 $0x1, s21  }
0x1e9: {  	p2 =	sne.s32 s21, s20  }
.Ltmp11:
0x1ea: {  	_ = 	snop;
	(pc) =	sbr.rel @!p2 .LBB2_26-.Ltmp11, $1  }
0x1eb: {  	_ =	sdelay $0x3  }
.LBB2_13:
0x1ec: {  	s4 =	smul.u32 $0x3, s21;
	_ =	sdelay $0x1  }
0x1ed: {  	p2 =	sge.s32 s4, s19  }
.Ltmp12:
0x1ee: {  	_ = 	snop;
	(pc) =	sbr.rel @p2 .LBB2_17-.Ltmp12, $1  }
0x1ef: {  	_ =	sdelay $0x3  }
0x1f0: {  	_ =	swait.ge [sflag:s13], $0x1000  }
0x1f1: {  	[sflag:s13] =	ssyncset.done $0x0  }
0x1f2: {  	[sflag:s13] =	ssyncadd.s32 $0xFFFFF000  }
0x1f3: {  	_ =	swait.ge [sflag:s13], $0x1000  }
0x1f4: {  	[sflag:s13] =	ssyncset.done $0x0  }
0x1f5: {  	[sflag:s13] =	ssyncadd.s32 $0xFFFFF000  }
0x1f6: {  	_ =	swait.ge [sflag:s13], $0x1000  }
0x1f7: {  	[sflag:s13] =	ssyncset.done $0x0  }
0x1f8: {  	[sflag:s13] =	ssyncadd.s32 $0xFFFFF000  }
0x1f9: {  	_ =	swait.ge [sflag:s13], $0x1000  }
0x1fa: {  	p2 =	seq.s32 s21, $0x0;
	[sflag:s13] =	ssyncset.done $0x0  }
0x1fb: {  	s6 =	simm.s32 @!p2 $0x4;
	[sflag:s13] =	ssyncadd.s32 $0xFFFFF000  }
0x1fc: {  	_ =	swait.ge @!p2 [sflag:s6], $0x1000  }
0x1fd: {  	[sflag:s6] =	ssyncset.done @!p2 $0x0  }
0x1fe: {  	[sflag:s6] =	ssyncadd.s32 @!p2 $0xFFFFF000  }
0x1ff: {  	s9 =	simm.s32 $0x0;
	_ =	swait.ge @!p2 [sflag:s6], $0x1000  }
0x200: {  	s15 =	sand.u32 $0x1800, s9;
	s9 =	sand.u32 $0x380, s9;
	[sflag:s6] =	ssyncset.done @!p2 $0x0  }
0x201: {  	s16 =	sor.u32 s9, s15;
	[sflag:s6] =	ssyncadd.s32 @!p2 $0xFFFFF000  }
0x202: {  	v7 =	vld [tilespmem:s16+$0x9670]  }
0x203: {  	v8 =	vld [tilespmem:s16+$0xF670]  }
0x204: {  	v9 =	vld [tilespmem:s16+$0x9200]  }
0x205: {  	v10 =	vld [tilespmem:s16+$0xF200]  }
0x206: {  	v11 =	vld [tilespmem:s16+$0x9210]  }
0x207: {  	v12 =	vld [tilespmem:s16+$0xF210]  }
0x208: {  	v13 =	vld [tilespmem:s16+$0x9220]  }
0x209: {  	v14 =	vld [tilespmem:s16+$0x9230];
	v7 =	vadd.f32 v8, v7  }
0x20a: {  	v15 =	vld [tilespmem:s16+$0x9240];
	v9 =	vadd.f32 v10, v9  }
0x20b: {  	v8 =	vld [tilespmem:s16+$0xF220];
	v7 =	vmul.f32 $5.000000000e-01, v7  }
0x20c: {  	v10 =	vld [tilespmem:s16+$0xF230];
	v9 =	vmul.f32 $5.000000000e-01, v9  }
0x20d: {  	[tilespmem:s16+$0x15670] =	vst v7;
	v7 =	vadd.f32 v12, v11;
	v11 =	vld [tilespmem:s16+$0xF240]  }
0x20e: {  	[tilespmem:s16+$0x15200] =	vst v9;
	v9 =	vld [tilespmem:s16+$0x9250]  }
0x20f: {  	v12 =	vld [tilespmem:s16+$0xF250]  }
0x210: {  	v8 =	vadd.f32 v8, v13;
	v7 =	vmul.f32 $5.000000000e-01, v7  }
0x211: {  	v13 =	vld [tilespmem:s16+$0xF260]  }
0x212: {  	v10 =	vadd.f32 v10, v14;
	[tilespmem:s16+$0x15210] =	vst v7;
	v7 =	vmul.f32 $5.000000000e-01, v8;
	v8 =	vld [tilespmem:s16+$0x9260]  }
0x213: {  	v14 =	vld [tilespmem:s16+$0xF270]  }
0x214: {  	v11 =	vadd.f32 v11, v15;
	v9 =	vadd.f32 v12, v9;
	v12 =	vld [tilespmem:s16+$0xF600];
	[tilespmem:s16+$0x15220] =	vst v7;
	v7 =	vmul.f32 $5.000000000e-01, v10  }
0x215: {  	v10 =	vld [tilespmem:s16+$0x9270]  }
0x216: {  	[tilespmem:s16+$0x15230] =	vst v7;
	v7 =	vmul.f32 $5.000000000e-01, v11;
	v11 =	vld [tilespmem:s16+$0x9600]  }
0x217: {  	v8 =	vadd.f32 v13, v8;
	v13 =	vld [tilespmem:s16+$0xF610]  }
0x218: {  	[tilespmem:s16+$0x15240] =	vst v7;
	v7 =	vmul.f32 $5.000000000e-01, v9;
	v9 =	vld [tilespmem:s16+$0x9610]  }
0x219: {  	v15 =	vld [tilespmem:s16+$0x9620]  }
0x21a: {  	[tilespmem:s16+$0x15250] =	vst v7;
	v7 =	vmul.f32 $5.000000000e-01, v8;
	v8 =	vadd.f32 v14, v10;
	v14 =	vld [tilespmem:s16+$0xF620]  }
0x21b: {  	v16 =	vld [tilespmem:s16+$0x9630]  }
0x21c: {  	[tilespmem:s16+$0x15260] =	vst v7;
	v7 =	vmul.f32 $5.000000000e-01, v8;
	v8 =	vadd.f32 v12, v11;
	v12 =	vld [tilespmem:s16+$0xF630]  }
0x21d: {  	v10 =	vld [tilespmem:s16+$0xF640];
	v9 =	vadd.f32 v13, v9  }
0x21e: {  	[tilespmem:s16+$0x15270] =	vst v7;
	v8 =	vmul.f32 $5.000000000e-01, v8;
	v7 =	vld [tilespmem:s16+$0x9640]  }
0x21f: {  	v11 =	vmul.f32 $5.000000000e-01, v9;
	v9 =	vld [tilespmem:s16+$0xF650];
	v13 =	vadd.f32 v14, v15  }
0x220: {  	s17 =	simm.s32 $0x100;
	s6 =	simm.s32 $0x80;
	[tilespmem:s16+$0x15600] =	vst v8;
	v8 =	vld [tilespmem:s16+$0x9650]  }
0x221: {  	s9 =	sand.u32 $0x1800, s17;
	s31 =	sand.u32 $0x380, s6;
	[tilespmem:s16+$0x15610] =	vst v11;
	v11 =	vld [tilespmem:s16+$0x9660];
	v13 =	vmul.f32 $5.000000000e-01, v13;
	v14 =	vadd.f32 v12, v16  }
0x222: {  	s15 =	simm.s32 $0x200;
	s17 =	sor.u32 s31, s9;
	v12 =	vld [tilespmem:s16+$0xF660]  }
.LBB2_15:
0x223: {  	p2 =	sne.s32 s15, $0x1F00;
	v15 =	vld [tilespmem:s17+$0x9670];
	[tilespmem:s16+$0x15620] =	vst v13;
	v13 =	vmul.f32 $5.000000000e-01, v14;
	v7 =	vadd.f32 v10, v7  }
0x224: {  	v10 =	vld [tilespmem:s17+$0xF670]  }
0x225: {  	v14 =	vld [tilespmem:s17+$0x9200];
	[tilespmem:s16+$0x15630] =	vst v13;
	v7 =	vmul.f32 $5.000000000e-01, v7;
	v8 =	vadd.f32 v9, v8  }
0x226: {  	v9 =	vld [tilespmem:s17+$0xF200]  }
0x227: {  	v13 =	vld [tilespmem:s17+$0x9210];
	[tilespmem:s16+$0x15640] =	vst v7;
	v7 =	vmul.f32 $5.000000000e-01, v8;
	v8 =	vadd.f32 v12, v11  }
0x228: {  	v11 =	vld [tilespmem:s17+$0xF210]  }
0x229: {  	v12 =	vld [tilespmem:s17+$0x9220];
	v10 =	vadd.f32 v10, v15;
	[tilespmem:s16+$0x15650] =	vst v7;
	v7 =	vmul.f32 $5.000000000e-01, v8  }
0x22a: {  	v8 =	vld [tilespmem:s17+$0xF220]  }
0x22b: {  	v9 =	vadd.f32 v9, v14;
	v14 =	vld [tilespmem:s17+$0x9230];
	v10 =	vmul.f32 $5.000000000e-01, v10;
	[tilespmem:s16+$0x15660] =	vst v7;
	s16 =	smov.u32 s17  }
0x22c: {  	v7 =	vld [tilespmem:s16+$0xF230]  }
0x22d: {  	v9 =	vmul.f32 $5.000000000e-01, v9;
	v11 =	vadd.f32 v11, v13;
	v13 =	vld [tilespmem:s16+$0x9240];
	[tilespmem:s16+$0x15670] =	vst v10  }
0x22e: {  	v10 =	vld [tilespmem:s16+$0xF240]  }
0x22f: {  	[tilespmem:s16+$0x15200] =	vst v9;
	v9 =	vmul.f32 $5.000000000e-01, v11;
	v8 =	vadd.f32 v8, v12;
	v11 =	vld [tilespmem:s16+$0x9250]  }
0x230: {  	v12 =	vld [tilespmem:s16+$0xF250]  }
0x231: {  	[tilespmem:s16+$0x15210] =	vst v9;
	v8 =	vmul.f32 $5.000000000e-01, v8;
	v7 =	vadd.f32 v7, v14;
	v9 =	vld [tilespmem:s16+$0x9260]  }
0x232: {  	v14 =	vld [tilespmem:s16+$0xF260]  }
0x233: {  	[tilespmem:s16+$0x15220] =	vst v8;
	v7 =	vmul.f32 $5.000000000e-01, v7;
	v8 =	vadd.f32 v10, v13;
	v10 =	vld [tilespmem:s16+$0x9270]  }
0x234: {  	v13 =	vld [tilespmem:s16+$0xF270]  }
0x235: {  	[tilespmem:s16+$0x15230] =	vst v7;
	v7 =	vmul.f32 $5.000000000e-01, v8;
	v8 =	vadd.f32 v12, v11;
	v11 =	vld [tilespmem:s16+$0x9600]  }
0x236: {  	v12 =	vld [tilespmem:s16+$0xF600]  }
0x237: {  	[tilespmem:s16+$0x15240] =	vst v7;
	v7 =	vmul.f32 $5.000000000e-01, v8;
	v8 =	vadd.f32 v14, v9;
	v9 =	vld [tilespmem:s16+$0x9610]  }
0x238: {  	v14 =	vld [tilespmem:s16+$0xF610]  }
0x239: {  	[tilespmem:s16+$0x15250] =	vst v7;
	v7 =	vmul.f32 $5.000000000e-01, v8;
	v8 =	vadd.f32 v13, v10;
	v13 =	vld [tilespmem:s16+$0x9620]  }
0x23a: {  	v15 =	vld [tilespmem:s16+$0xF620]  }
0x23b: {  	[tilespmem:s16+$0x15260] =	vst v7;
	v7 =	vmul.f32 $5.000000000e-01, v8;
	v8 =	vadd.f32 v12, v11;
	v11 =	vld [tilespmem:s16+$0x9630]  }
0x23c: {  	v12 =	vld [tilespmem:s16+$0xF630]  }
0x23d: {  	[tilespmem:s16+$0x15270] =	vst v7;
	v8 =	vmul.f32 $5.000000000e-01, v8;
	v9 =	vadd.f32 v14, v9;
	v7 =	vld [tilespmem:s16+$0x9640]  }
.Ltmp13:
0x23e: {  	v10 =	vld [tilespmem:s16+$0xF640];
	(pc) =	sbr.rel @p2 .LBB2_15-.Ltmp13, $4  }
0x23f: {  	[tilespmem:s16+$0x15600] =	vst v8;
	v14 =	vmul.f32 $5.000000000e-01, v9;
	v13 =	vadd.f32 v15, v13;
	v8 =	vld [tilespmem:s16+$0x9650]  }
0x240: {  	s6 =	sadd.s32 $0x80, s6;
	v9 =	vld [tilespmem:s16+$0xF650]  }
0x241: {  	s9 =	sand.u32 $0x1800, s15;
	s17 =	sand.u32 $0x380, s6;
	[tilespmem:s16+$0x15610] =	vst v14;
	v13 =	vmul.f32 $5.000000000e-01, v13;
	v14 =	vadd.f32 v12, v11;
	v11 =	vld [tilespmem:s16+$0x9660]  }
0x242: {  	s15 =	sadd.s32 $0x100, s15;
	s17 =	sor.u32 s17, s9;
	v12 =	vld [tilespmem:s16+$0xF660]  }
0x243: {  	v15 =	vld [tilespmem:s17+$0x9670];
	[tilespmem:s16+$0x15620] =	vst v13;
	v36 =	vmul.f32 $5.000000000e-01, v14;
	v7 =	vadd.f32 v10, v7  }
0x244: {  	v37 =	vld [tilespmem:s17+$0xF670]  }
0x245: {  	v38 =	vld [tilespmem:s17+$0x9200];
	[tilespmem:s16+$0x15630] =	vst v36;
	v7 =	vmul.f32 $5.000000000e-01, v7;
	v8 =	vadd.f32 v9, v8  }
0x246: {  	v13 =	vld [tilespmem:s17+$0xF200]  }
0x247: {  	v39 =	vld [tilespmem:s17+$0x9210];
	[tilespmem:s16+$0x15640] =	vst v7;
	v7 =	vmul.f32 $5.000000000e-01, v8;
	v11 =	vadd.f32 v12, v11  }
0x248: {  	v8 =	vld [tilespmem:s17+$0xF210]  }
0x249: {  	v40 =	vld [tilespmem:s17+$0x9220];
	[tilespmem:s16+$0x15650] =	vst v7;
	v7 =	vmul.f32 $5.000000000e-01, v11  }
0x24a: {  	v41 =	vld [tilespmem:s17+$0xF220]  }
0x24b: {  	v42 =	vld [tilespmem:s17+$0x9230];
	[tilespmem:s16+$0x15660] =	vst v7  }
0x24c: {  	v7 =	vadd.f32 v13, v38;
	v44 =	vld [tilespmem:s17+$0xF230]  }
0x24d: {  	v45 =	vld [tilespmem:s17+$0x9240]  }
0x24e: {  	v46 =	vld [tilespmem:s17+$0xF240];
	v7 =	vmul.f32 $5.000000000e-01, v7;
	v8 =	vadd.f32 v8, v39  }
0x24f: {  	v48 =	vld [tilespmem:s17+$0xF250]  }
0x250: {  	v49 =	vld [tilespmem:s17+$0x9260];
	[tilespmem:s17+$0x15200] =	vst v7;
	v7 =	vmul.f32 $5.000000000e-01, v8;
	v47 =	vadd.f32 v41, v40  }
0x251: {  	v8 =	vld [tilespmem:s17+$0x9250]  }
0x252: {  	v51 =	vld [tilespmem:s17+$0xF260];
	[tilespmem:s17+$0x15210] =	vst v7;
	v7 =	vmul.f32 $5.000000000e-01, v47;
	v50 =	vadd.f32 v44, v42  }
0x253: {  	v52 =	vld [tilespmem:s17+$0x9270]  }
0x254: {  	v53 =	vld [tilespmem:s17+$0xF270];
	v9 =	vadd.f32 v46, v45;
	[tilespmem:s17+$0x15220] =	vst v7;
	v7 =	vmul.f32 $5.000000000e-01, v50  }
0x255: {  	v54 =	vld [tilespmem:s17+$0x9600]  }
0x256: {  	v55 =	vld [tilespmem:s17+$0xF600];
	v8 =	vadd.f32 v48, v8;
	[tilespmem:s17+$0x15230] =	vst v7;
	v7 =	vmul.f32 $5.000000000e-01, v9  }
0x257: {  	v56 =	vld [tilespmem:s17+$0xF610]  }
0x258: {  	v57 =	vld [tilespmem:s17+$0x9620];
	v10 =	vadd.f32 v51, v49;
	[tilespmem:s17+$0x15240] =	vst v7;
	v7 =	vmul.f32 $5.000000000e-01, v8  }
0x259: {  	v8 =	vld [tilespmem:s17+$0x9610]  }
0x25a: {  	v58 =	vld [tilespmem:s17+$0xF620];
	v12 =	vadd.f32 v53, v52;
	[tilespmem:s17+$0x15250] =	vst v7;
	v7 =	vmul.f32 $5.000000000e-01, v10  }
0x25b: {  	v59 =	vld [tilespmem:s17+$0x9630]  }
0x25c: {  	v60 =	vld [tilespmem:s17+$0xF630];
	v9 =	vadd.f32 v55, v54;
	[tilespmem:s17+$0x15260] =	vst v7;
	v7 =	vmul.f32 $5.000000000e-01, v12  }
0x25d: {  	v61 =	vld [tilespmem:s17+$0x9640]  }
0x25e: {  	v62 =	vld [tilespmem:s17+$0xF640];
	v8 =	vadd.f32 v56, v8;
	[tilespmem:s17+$0x15270] =	vst v7;
	v7 =	vmul.f32 $5.000000000e-01, v9  }
0x25f: {  	v63 =	vld [tilespmem:s17+$0xF650]  }
0x260: {  	v16 =	vld [tilespmem:s17+$0xF660];
	[tilespmem:s17+$0x15600] =	vst v7;
	v7 =	vmul.f32 $5.000000000e-01, v8  }
0x261: {  	v8 =	vld [tilespmem:s17+$0x9650]  }
0x262: {  	v14 =	vadd.f32 v37, v15;
	[tilespmem:s17+$0x15610] =	vst v7;
	v7 =	vld [tilespmem:s17+$0x9660]  }
0x263: {  	v11 =	vadd.f32 v60, v59  }
0x264: {  	v43 =	vmul.f32 $5.000000000e-01, v14;
	v10 =	vadd.f32 v58, v57  }
0x265: {  	v11 =	vmul.f32 $5.000000000e-01, v11;
	v9 =	vadd.f32 v62, v61  }
0x266: {  	[tilespmem:s17+$0x15670] =	vst v43;
	v10 =	vmul.f32 $5.000000000e-01, v10;
	v8 =	vadd.f32 v63, v8  }
0x267: {  	[tilespmem:s17+$0x15630] =	vst v11;
	v9 =	vmul.f32 $5.000000000e-01, v9;
	v7 =	vadd.f32 v16, v7  }
0x268: {  	[tilespmem:s17+$0x15620] =	vst v10;
	v8 =	vmul.f32 $5.000000000e-01, v8  }
0x269: {  	s6 =	smul.u32 $0x180, s21;
	[tilespmem:s17+$0x15640] =	vst v9;
	v7 =	vmul.f32 $5.000000000e-01, v7  }
0x26a: {  	[tilespmem:s17+$0x15650] =	vst v8  }
0x26b: {  	s6 =	sshra.s32 s6, $0x2;
	[tilespmem:s17+$0x15660] =	vst v7  }
0x26c: {  	v7 =	vld [tilespmem:s6+$0x5B00];
	_ =	sdelay $0x4  }
0x26d: {  	v8 =	vshll.u32 v7, $0x1  }
0x26e: {  	v7 =	vand.u32 $0x7, v7;
	v8 =	vand.u32 $0xFFFFFFF0, v8  }
0x26f: {  	v7 =	vor.u32 v7, v8  }
0x270: {  	v8 =	vperm.xlane v7, v4;
	_ =	sdelay $0x1  }
0x271: {  	v7 =	vperm.xlane v7, v6;
	v8 =	vadd.s32 v5, v8;
	_ =	sdelay $0x1  }
0x272: {  	v7 =	vadd.s32 v5, v7;
	_ =	sdelay $0x1  }
0x273: {  	s9 =	simm.s32 $0x15200  }
0x274: {  	[hbm4b:s5+s8] =	stream.indirect_vreg.scatter [tilespmem:s9], [sflag:$0x4], $0x80, v8, vm0, $0xb8;
	[tilespmem:$0x1B200] =	vst v63  }
0x275: {  	_ = 	snop  }
0x276: {  	[hbm4b:s5+s8] =	stream.indirect_vreg.scatter [tilespmem:s3], [sflag:$0x4], $0x80, v7, vm0, $0xb8;
	[tilespmem:$0x1B200] =	vst v63  }
0x277: {  	v7 =	vld [tilespmem:s6+$0x5B10];
	_ =	sdelay $0x4  }
0x278: {  	v8 =	vshll.u32 v7, $0x1  }
0x279: {  	v7 =	vand.u32 $0x7, v7;
	v8 =	vand.u32 $0xFFFFFFF0, v8  }
0x27a: {  	v7 =	vor.u32 v7, v8  }
0x27b: {  	v8 =	vperm.xlane v7, v4;
	_ =	sdelay $0x1  }
0x27c: {  	v7 =	vperm.xlane v7, v6;
	v8 =	vadd.s32 v5, v8;
	_ =	sdelay $0x1  }
0x27d: {  	v7 =	vadd.s32 v5, v7  }
0x27e: {  	s6 =	sadd.s32 $0x3, s4  }
0x27f: {  	p2 =	sge.u32 s6, s19  }
0x280: {  	[hbm4b:s5+s8] =	stream.indirect_vreg.scatter [tilespmem:s0], [sflag:$0x4], $0x80, v8, vm0, $0xb8;
	[tilespmem:$0x1B200] =	vst v63  }
0x281: {  	s6 =	sshll.u32 @!p2 s6, $0x5  }
0x282: {  	[hbm4b:s5+s8] =	stream.indirect_vreg.scatter [tilespmem:s22], [sflag:$0x4], $0x80, v7, vm0, $0xb8;
	[tilespmem:$0x1B200] =	vst v63  }
0x283: {  	v7 =	vld @!p2 [tilespmem:s6+$0x7680];
	_ =	sdelay $0x3  }
0x284: {  	v8 =	vld @!p2 [tilespmem:s6+$0x5B00]  }
0x285: {  	v9 =	vshll.u32 @!p2 v7, $0x1  }
0x286: {  	v10 =	vlaneseq.u32 @!p2;
	v7 =	vand.u32 @!p2 $0x7, v7;
	v9 =	vand.u32 @!p2 $0xFFFFFFF0, v9  }
0x287: {  	v11 =	vshrl.u32 @!p2 v10, $0x3;
	v7 =	vor.u32 @!p2 v7, v9;
	v9 =	vand.u32 @!p2 $0x7, v10  }
0x288: {  	v11 =	vmul.u32 @!p2 $0x8, v11;
	v12 =	vperm.xlane @!p2 v7, v9  }
0x289: {  	v13 =	vshll.u32 @!p2 v8, $0x1;
	v8 =	vand.u32 @!p2 $0x7, v8;
	v10 =	vor.u32 @!p2 $0x8, v10  }
0x28a: {  	v13 =	vand.u32 @!p2 $0xFFFFFFF0, v13;
	v7 =	vperm.xlane @!p2 v7, v10;
	v12 =	vadd.s32 @!p2 v11, v12  }
0x28b: {  	v8 =	vor.u32 @!p2 v8, v13  }
0x28c: {  	v13 =	vperm.xlane @!p2 v8, v9;
	v7 =	vadd.s32 @!p2 v11, v7;
	_ =	sdelay $0x1  }
0x28d: {  	vm1 =	vmmov @!p2 $0xffff;
	s9 =	simm.s32 @!p2 $0x0;
	s15 =	simm.s32 @!p2 $0x9200;
	v8 =	vperm.xlane @!p2 v8, v10;
	v13 =	vadd.s32 @!p2 v11, v13  }
0x28e: {  	[tilespmem:s15], [sflag:$0x1] =	stream.indirect_vreg.gather @!p2 [hbm4b:s2+s9], $0x80, v12, vm1, $0xb8;
	[tilespmem:$0x1B200] =	vst v63  }
0x28f: {  	v8 =	vadd.s32 @!p2 v11, v8;
	s15 =	simm.s32 @!p2 $0x9A00  }
0x290: {  	[tilespmem:s15], [sflag:$0x1] =	stream.indirect_vreg.gather @!p2 [hbm4b:s2+s9], $0x80, v7, vm1, $0xb8;
	[tilespmem:$0x1B200] =	vst v63  }
0x291: {  	s15 =	simm.s32 @!p2 $0xF200  }
0x292: {  	[tilespmem:s15], [sflag:$0x1] =	stream.indirect_vreg.gather @!p2 [hbm4b:s1+s9], $0x80, v13, vm1, $0xb8;
	[tilespmem:$0x1B200] =	vst v63  }
0x293: {  	s15 =	simm.s32 @!p2 $0xFA00  }
0x294: {  	[tilespmem:s15], [sflag:$0x1] =	stream.indirect_vreg.gather @!p2 [hbm4b:s1+s9], $0x80, v8, vm1, $0xb8;
	[tilespmem:$0x1B200] =	vst v63  }
0x295: {  	v7 =	vld @!p2 [tilespmem:s6+$0x7690];
	_ =	sdelay $0x3  }
0x296: {  	v8 =	vld @!p2 [tilespmem:s6+$0x5B10]  }
0x297: {  	v12 =	vshll.u32 @!p2 v7, $0x1  }
0x298: {  	v7 =	vand.u32 @!p2 $0x7, v7;
	v12 =	vand.u32 @!p2 $0xFFFFFFF0, v12  }
0x299: {  	v7 =	vor.u32 @!p2 v7, v12  }
0x29a: {  	v12 =	vperm.xlane @!p2 v7, v9  }
0x29b: {  	v13 =	vshll.u32 @!p2 v8, $0x1;
	v8 =	vand.u32 @!p2 $0x7, v8  }
0x29c: {  	v13 =	vand.u32 @!p2 $0xFFFFFFF0, v13;
	v7 =	vperm.xlane @!p2 v7, v10;
	v12 =	vadd.s32 @!p2 v11, v12  }
0x29d: {  	v8 =	vor.u32 @!p2 v8, v13  }
0x29e: {  	v9 =	vperm.xlane @!p2 v8, v9;
	v7 =	vadd.s32 @!p2 v11, v7;
	_ =	sdelay $0x1  }
0x29f: {  	s6 =	simm.s32 @!p2 $0xA200;
	v8 =	vperm.xlane @!p2 v8, v10;
	v9 =	vadd.s32 @!p2 v11, v9  }
0x2a0: {  	[tilespmem:s6], [sflag:$0x1] =	stream.indirect_vreg.gather @!p2 [hbm4b:s2+s9], $0x80, v12, vm1, $0xb8;
	[tilespmem:$0x1B200] =	vst v63  }
0x2a1: {  	v8 =	vadd.s32 @!p2 v11, v8;
	s6 =	simm.s32 @!p2 $0xAA00  }
0x2a2: {  	[tilespmem:s6], [sflag:$0x1] =	stream.indirect_vreg.gather @!p2 [hbm4b:s2+s9], $0x80, v7, vm1, $0xb8;
	[tilespmem:$0x1B200] =	vst v63  }
0x2a3: {  	s6 =	simm.s32 @!p2 $0x10200  }
0x2a4: {  	[tilespmem:s6], [sflag:$0x1] =	stream.indirect_vreg.gather @!p2 [hbm4b:s1+s9], $0x80, v9, vm1, $0xb8;
	[tilespmem:$0x1B200] =	vst v63  }
0x2a5: {  	s6 =	simm.s32 @!p2 $0x10A00  }
0x2a6: {  	[tilespmem:s6], [sflag:$0x1] =	stream.indirect_vreg.gather @!p2 [hbm4b:s1+s9], $0x80, v8, vm1, $0xb8;
	[tilespmem:$0x1B200] =	vst v63  }
.LBB2_17:
0x2a7: {  	s16 =	sadd.s32 $0x1, s4  }
0x2a8: {  	p2 =	sge.s32 s16, s19  }
.Ltmp14:
0x2a9: {  	_ = 	snop;
	(pc) =	sbr.rel @p2 .LBB2_21-.Ltmp14, $1  }
0x2aa: {  	_ =	sdelay $0x3  }
0x2ab: {  	_ =	swait.ge [sflag:s23], $0x1000  }
0x2ac: {  	[sflag:s23] =	ssyncset.done $0x0  }
0x2ad: {  	[sflag:s23] =	ssyncadd.s32 $0xFFFFF000  }
0x2ae: {  	_ =	swait.ge [sflag:s23], $0x1000  }
0x2af: {  	[sflag:s23] =	ssyncset.done $0x0  }
0x2b0: {  	[sflag:s23] =	ssyncadd.s32 $0xFFFFF000  }
0x2b1: {  	_ =	swait.ge [sflag:s23], $0x1000  }
0x2b2: {  	[sflag:s23] =	ssyncset.done $0x0  }
0x2b3: {  	[sflag:s23] =	ssyncadd.s32 $0xFFFFF000  }
0x2b4: {  	_ =	swait.ge [sflag:s23], $0x1000  }
0x2b5: {  	p2 =	seq.s32 s21, $0x0;
	[sflag:s23] =	ssyncset.done $0x0  }
0x2b6: {  	s6 =	simm.s32 @!p2 $0x5;
	[sflag:s23] =	ssyncadd.s32 $0xFFFFF000  }
0x2b7: {  	_ =	swait.ge @!p2 [sflag:s6], $0x1000  }
0x2b8: {  	[sflag:s6] =	ssyncset.done @!p2 $0x0  }
0x2b9: {  	[sflag:s6] =	ssyncadd.s32 @!p2 $0xFFFFF000  }
0x2ba: {  	s9 =	simm.s32 $0x0;
	_ =	swait.ge @!p2 [sflag:s6], $0x1000  }
0x2bb: {  	s15 =	sand.u32 $0x1800, s9;
	s9 =	sand.u32 $0x380, s9;
	[sflag:s6] =	ssyncset.done @!p2 $0x0  }
0x2bc: {  	s17 =	sor.u32 s9, s15;
	[sflag:s6] =	ssyncadd.s32 @!p2 $0xFFFFF000  }
0x2bd: {  	v7 =	vld [tilespmem:s17+$0xB670]  }
0x2be: {  	v8 =	vld [tilespmem:s17+$0x11670]  }
0x2bf: {  	v9 =	vld [tilespmem:s17+$0xB200]  }
0x2c0: {  	v10 =	vld [tilespmem:s17+$0x11200]  }
0x2c1: {  	v11 =	vld [tilespmem:s17+$0xB210]  }
0x2c2: {  	v12 =	vld [tilespmem:s17+$0x11210]  }
0x2c3: {  	v13 =	vld [tilespmem:s17+$0xB220]  }
0x2c4: {  	v14 =	vld [tilespmem:s17+$0xB230];
	v7 =	vadd.f32 v8, v7  }
0x2c5: {  	v15 =	vld [tilespmem:s17+$0xB240];
	v9 =	vadd.f32 v10, v9  }
0x2c6: {  	v8 =	vld [tilespmem:s17+$0x11220];
	v7 =	vmul.f32 $5.000000000e-01, v7  }
0x2c7: {  	v10 =	vld [tilespmem:s17+$0x11230];
	v9 =	vmul.f32 $5.000000000e-01, v9  }
0x2c8: {  	[tilespmem:s17+$0x17670] =	vst v7;
	v7 =	vadd.f32 v12, v11;
	v11 =	vld [tilespmem:s17+$0x11240]  }
0x2c9: {  	[tilespmem:s17+$0x17200] =	vst v9;
	v9 =	vld [tilespmem:s17+$0xB250]  }
0x2ca: {  	v12 =	vld [tilespmem:s17+$0x11250]  }
0x2cb: {  	v8 =	vadd.f32 v8, v13;
	v7 =	vmul.f32 $5.000000000e-01, v7  }
0x2cc: {  	v13 =	vld [tilespmem:s17+$0x11260]  }
0x2cd: {  	v10 =	vadd.f32 v10, v14;
	[tilespmem:s17+$0x17210] =	vst v7;
	v7 =	vmul.f32 $5.000000000e-01, v8;
	v8 =	vld [tilespmem:s17+$0xB260]  }
0x2ce: {  	v14 =	vld [tilespmem:s17+$0x11270]  }
0x2cf: {  	v11 =	vadd.f32 v11, v15;
	v9 =	vadd.f32 v12, v9;
	v12 =	vld [tilespmem:s17+$0x11600];
	[tilespmem:s17+$0x17220] =	vst v7;
	v7 =	vmul.f32 $5.000000000e-01, v10  }
0x2d0: {  	v10 =	vld [tilespmem:s17+$0xB270]  }
0x2d1: {  	[tilespmem:s17+$0x17230] =	vst v7;
	v7 =	vmul.f32 $5.000000000e-01, v11;
	v11 =	vld [tilespmem:s17+$0xB600]  }
0x2d2: {  	v8 =	vadd.f32 v13, v8;
	v13 =	vld [tilespmem:s17+$0x11610]  }
0x2d3: {  	[tilespmem:s17+$0x17240] =	vst v7;
	v7 =	vmul.f32 $5.000000000e-01, v9;
	v9 =	vld [tilespmem:s17+$0xB610]  }
0x2d4: {  	v15 =	vld [tilespmem:s17+$0xB620]  }
0x2d5: {  	[tilespmem:s17+$0x17250] =	vst v7;
	v7 =	vmul.f32 $5.000000000e-01, v8;
	v8 =	vadd.f32 v14, v10;
	v14 =	vld [tilespmem:s17+$0x11620]  }
0x2d6: {  	v16 =	vld [tilespmem:s17+$0xB630]  }
0x2d7: {  	[tilespmem:s17+$0x17260] =	vst v7;
	v7 =	vmul.f32 $5.000000000e-01, v8;
	v8 =	vadd.f32 v12, v11;
	v12 =	vld [tilespmem:s17+$0x11630]  }
0x2d8: {  	v10 =	vld [tilespmem:s17+$0x11640];
	v9 =	vadd.f32 v13, v9  }
0x2d9: {  	[tilespmem:s17+$0x17270] =	vst v7;
	v8 =	vmul.f32 $5.000000000e-01, v8;
	v7 =	vld [tilespmem:s17+$0xB640]  }
0x2da: {  	v11 =	vmul.f32 $5.000000000e-01, v9;
	v9 =	vld [tilespmem:s17+$0x11650];
	v13 =	vadd.f32 v14, v15  }
0x2db: {  	s9 =	simm.s32 $0x100;
	s15 =	simm.s32 $0x80;
	[tilespmem:s17+$0x17600] =	vst v8;
	v8 =	vld [tilespmem:s17+$0xB650]  }
0x2dc: {  	s31 =	sand.u32 $0x380, s15;
	s6 =	sand.u32 $0x1800, s9;
	[tilespmem:s17+$0x17610] =	vst v11;
	v11 =	vld [tilespmem:s17+$0xB660];
	v13 =	vmul.f32 $5.000000000e-01, v13;
	v14 =	vadd.f32 v12, v16  }
0x2dd: {  	s9 =	simm.s32 $0x200;
	s6 =	sor.u32 s31, s6;
	v12 =	vld [tilespmem:s17+$0x11660]  }
.LBB2_19:
0x2de: {  	p2 =	sne.s32 s9, $0x1F00;
	v15 =	vld [tilespmem:s6+$0xB670];
	[tilespmem:s17+$0x17620] =	vst v13;
	v13 =	vmul.f32 $5.000000000e-01, v14;
	v7 =	vadd.f32 v10, v7  }
0x2df: {  	v10 =	vld [tilespmem:s6+$0x11670]  }
0x2e0: {  	v14 =	vld [tilespmem:s6+$0xB200];
	[tilespmem:s17+$0x17630] =	vst v13;
	v7 =	vmul.f32 $5.000000000e-01, v7;
	v8 =	vadd.f32 v9, v8  }
0x2e1: {  	v9 =	vld [tilespmem:s6+$0x11200]  }
0x2e2: {  	v13 =	vld [tilespmem:s6+$0xB210];
	[tilespmem:s17+$0x17640] =	vst v7;
	v7 =	vmul.f32 $5.000000000e-01, v8;
	v8 =	vadd.f32 v12, v11  }
0x2e3: {  	v11 =	vld [tilespmem:s6+$0x11210]  }
0x2e4: {  	v12 =	vld [tilespmem:s6+$0xB220];
	v10 =	vadd.f32 v10, v15;
	[tilespmem:s17+$0x17650] =	vst v7;
	v7 =	vmul.f32 $5.000000000e-01, v8  }
0x2e5: {  	v8 =	vld [tilespmem:s6+$0x11220]  }
0x2e6: {  	v9 =	vadd.f32 v9, v14;
	v14 =	vld [tilespmem:s6+$0xB230];
	v10 =	vmul.f32 $5.000000000e-01, v10;
	[tilespmem:s17+$0x17660] =	vst v7;
	s17 =	smov.u32 s6  }
0x2e7: {  	v7 =	vld [tilespmem:s17+$0x11230]  }
0x2e8: {  	v9 =	vmul.f32 $5.000000000e-01, v9;
	v11 =	vadd.f32 v11, v13;
	v13 =	vld [tilespmem:s17+$0xB240];
	[tilespmem:s17+$0x17670] =	vst v10  }
0x2e9: {  	v10 =	vld [tilespmem:s17+$0x11240]  }
0x2ea: {  	[tilespmem:s17+$0x17200] =	vst v9;
	v9 =	vmul.f32 $5.000000000e-01, v11;
	v8 =	vadd.f32 v8, v12;
	v11 =	vld [tilespmem:s17+$0xB250]  }
0x2eb: {  	v12 =	vld [tilespmem:s17+$0x11250]  }
0x2ec: {  	[tilespmem:s17+$0x17210] =	vst v9;
	v8 =	vmul.f32 $5.000000000e-01, v8;
	v7 =	vadd.f32 v7, v14;
	v9 =	vld [tilespmem:s17+$0xB260]  }
0x2ed: {  	v14 =	vld [tilespmem:s17+$0x11260]  }
0x2ee: {  	[tilespmem:s17+$0x17220] =	vst v8;
	v7 =	vmul.f32 $5.000000000e-01, v7;
	v8 =	vadd.f32 v10, v13;
	v10 =	vld [tilespmem:s17+$0xB270]  }
0x2ef: {  	v13 =	vld [tilespmem:s17+$0x11270]  }
0x2f0: {  	[tilespmem:s17+$0x17230] =	vst v7;
	v7 =	vmul.f32 $5.000000000e-01, v8;
	v8 =	vadd.f32 v12, v11;
	v11 =	vld [tilespmem:s17+$0xB600]  }
0x2f1: {  	v12 =	vld [tilespmem:s17+$0x11600]  }
0x2f2: {  	[tilespmem:s17+$0x17240] =	vst v7;
	v7 =	vmul.f32 $5.000000000e-01, v8;
	v8 =	vadd.f32 v14, v9;
	v9 =	vld [tilespmem:s17+$0xB610]  }
0x2f3: {  	v14 =	vld [tilespmem:s17+$0x11610]  }
0x2f4: {  	[tilespmem:s17+$0x17250] =	vst v7;
	v7 =	vmul.f32 $5.000000000e-01, v8;
	v8 =	vadd.f32 v13, v10;
	v13 =	vld [tilespmem:s17+$0xB620]  }
0x2f5: {  	v15 =	vld [tilespmem:s17+$0x11620]  }
0x2f6: {  	[tilespmem:s17+$0x17260] =	vst v7;
	v7 =	vmul.f32 $5.000000000e-01, v8;
	v8 =	vadd.f32 v12, v11;
	v11 =	vld [tilespmem:s17+$0xB630]  }
0x2f7: {  	v12 =	vld [tilespmem:s17+$0x11630]  }
0x2f8: {  	[tilespmem:s17+$0x17270] =	vst v7;
	v8 =	vmul.f32 $5.000000000e-01, v8;
	v9 =	vadd.f32 v14, v9;
	v7 =	vld [tilespmem:s17+$0xB640]  }
.Ltmp15:
0x2f9: {  	v10 =	vld [tilespmem:s17+$0x11640];
	(pc) =	sbr.rel @p2 .LBB2_19-.Ltmp15, $4  }
0x2fa: {  	[tilespmem:s17+$0x17600] =	vst v8;
	v14 =	vmul.f32 $5.000000000e-01, v9;
	v13 =	vadd.f32 v15, v13;
	v8 =	vld [tilespmem:s17+$0xB650]  }
0x2fb: {  	s15 =	sadd.s32 $0x80, s15;
	v9 =	vld [tilespmem:s17+$0x11650]  }
0x2fc: {  	s31 =	sand.u32 $0x380, s15;
	s6 =	sand.u32 $0x1800, s9;
	[tilespmem:s17+$0x17610] =	vst v14;
	v13 =	vmul.f32 $5.000000000e-01, v13;
	v14 =	vadd.f32 v12, v11;
	v11 =	vld [tilespmem:s17+$0xB660]  }
0x2fd: {  	s9 =	sadd.s32 $0x100, s9;
	s6 =	sor.u32 s31, s6;
	v12 =	vld [tilespmem:s17+$0x11660]  }
0x2fe: {  	v15 =	vld [tilespmem:s6+$0xB670];
	[tilespmem:s17+$0x17620] =	vst v13;
	v36 =	vmul.f32 $5.000000000e-01, v14;
	v7 =	vadd.f32 v10, v7  }
0x2ff: {  	v37 =	vld [tilespmem:s6+$0x11670]  }
0x300: {  	v38 =	vld [tilespmem:s6+$0xB200];
	[tilespmem:s17+$0x17630] =	vst v36;
	v7 =	vmul.f32 $5.000000000e-01, v7;
	v8 =	vadd.f32 v9, v8  }
0x301: {  	v13 =	vld [tilespmem:s6+$0x11200]  }
0x302: {  	v39 =	vld [tilespmem:s6+$0xB210];
	[tilespmem:s17+$0x17640] =	vst v7;
	v7 =	vmul.f32 $5.000000000e-01, v8;
	v11 =	vadd.f32 v12, v11  }
0x303: {  	v8 =	vld [tilespmem:s6+$0x11210]  }
0x304: {  	v40 =	vld [tilespmem:s6+$0xB220];
	[tilespmem:s17+$0x17650] =	vst v7;
	v7 =	vmul.f32 $5.000000000e-01, v11  }
0x305: {  	v41 =	vld [tilespmem:s6+$0x11220]  }
0x306: {  	v42 =	vld [tilespmem:s6+$0xB230];
	[tilespmem:s17+$0x17660] =	vst v7  }
0x307: {  	v7 =	vadd.f32 v13, v38;
	v44 =	vld [tilespmem:s6+$0x11230]  }
0x308: {  	v45 =	vld [tilespmem:s6+$0xB240]  }
0x309: {  	v46 =	vld [tilespmem:s6+$0x11240];
	v7 =	vmul.f32 $5.000000000e-01, v7;
	v8 =	vadd.f32 v8, v39  }
0x30a: {  	v48 =	vld [tilespmem:s6+$0x11250]  }
0x30b: {  	v49 =	vld [tilespmem:s6+$0xB260];
	[tilespmem:s6+$0x17200] =	vst v7;
	v7 =	vmul.f32 $5.000000000e-01, v8;
	v47 =	vadd.f32 v41, v40  }
0x30c: {  	v8 =	vld [tilespmem:s6+$0xB250]  }
0x30d: {  	v51 =	vld [tilespmem:s6+$0x11260];
	[tilespmem:s6+$0x17210] =	vst v7;
	v7 =	vmul.f32 $5.000000000e-01, v47;
	v50 =	vadd.f32 v44, v42  }
0x30e: {  	v52 =	vld [tilespmem:s6+$0xB270]  }
0x30f: {  	v53 =	vld [tilespmem:s6+$0x11270];
	v9 =	vadd.f32 v46, v45;
	[tilespmem:s6+$0x17220] =	vst v7;
	v7 =	vmul.f32 $5.000000000e-01, v50  }
0x310: {  	v54 =	vld [tilespmem:s6+$0xB600]  }
0x311: {  	v55 =	vld [tilespmem:s6+$0x11600];
	v8 =	vadd.f32 v48, v8;
	[tilespmem:s6+$0x17230] =	vst v7;
	v7 =	vmul.f32 $5.000000000e-01, v9  }
0x312: {  	v56 =	vld [tilespmem:s6+$0x11610]  }
0x313: {  	v57 =	vld [tilespmem:s6+$0xB620];
	v10 =	vadd.f32 v51, v49;
	[tilespmem:s6+$0x17240] =	vst v7;
	v7 =	vmul.f32 $5.000000000e-01, v8  }
0x314: {  	v8 =	vld [tilespmem:s6+$0xB610]  }
0x315: {  	v58 =	vld [tilespmem:s6+$0x11620];
	v12 =	vadd.f32 v53, v52;
	[tilespmem:s6+$0x17250] =	vst v7;
	v7 =	vmul.f32 $5.000000000e-01, v10  }
0x316: {  	v59 =	vld [tilespmem:s6+$0xB630]  }
0x317: {  	v60 =	vld [tilespmem:s6+$0x11630];
	v9 =	vadd.f32 v55, v54;
	[tilespmem:s6+$0x17260] =	vst v7;
	v7 =	vmul.f32 $5.000000000e-01, v12  }
0x318: {  	v61 =	vld [tilespmem:s6+$0xB640]  }
0x319: {  	v62 =	vld [tilespmem:s6+$0x11640];
	v8 =	vadd.f32 v56, v8;
	[tilespmem:s6+$0x17270] =	vst v7;
	v7 =	vmul.f32 $5.000000000e-01, v9  }
0x31a: {  	v63 =	vld [tilespmem:s6+$0x11650]  }
0x31b: {  	v16 =	vld [tilespmem:s6+$0x11660];
	[tilespmem:s6+$0x17600] =	vst v7;
	v7 =	vmul.f32 $5.000000000e-01, v8  }
0x31c: {  	v8 =	vld [tilespmem:s6+$0xB650]  }
0x31d: {  	v14 =	vadd.f32 v37, v15;
	[tilespmem:s6+$0x17610] =	vst v7;
	v7 =	vld [tilespmem:s6+$0xB660]  }
0x31e: {  	v11 =	vadd.f32 v60, v59  }
0x31f: {  	v43 =	vmul.f32 $5.000000000e-01, v14;
	v10 =	vadd.f32 v58, v57  }
0x320: {  	v11 =	vmul.f32 $5.000000000e-01, v11;
	v9 =	vadd.f32 v62, v61  }
0x321: {  	[tilespmem:s6+$0x17670] =	vst v43;
	v10 =	vmul.f32 $5.000000000e-01, v10;
	v8 =	vadd.f32 v63, v8  }
0x322: {  	[tilespmem:s6+$0x17630] =	vst v11;
	v9 =	vmul.f32 $5.000000000e-01, v9;
	v7 =	vadd.f32 v16, v7  }
0x323: {  	[tilespmem:s6+$0x17620] =	vst v10;
	v8 =	vmul.f32 $5.000000000e-01, v8  }
0x324: {  	[tilespmem:s6+$0x17640] =	vst v9;
	v7 =	vmul.f32 $5.000000000e-01, v7  }
0x325: {  	s9 =	sshll.u32 s16, $0x7;
	[tilespmem:s6+$0x17650] =	vst v8  }
0x326: {  	s31 =	sshra.s32 s9, $0x2;
	[tilespmem:s6+$0x17660] =	vst v7  }
0x327: {  	v7 =	vld [tilespmem:s31+$0x5B00];
	_ =	sdelay $0x4  }
0x328: {  	v8 =	vshll.u32 v7, $0x1  }
0x329: {  	v7 =	vand.u32 $0x7, v7;
	v8 =	vand.u32 $0xFFFFFFF0, v8  }
0x32a: {  	v7 =	vor.u32 v7, v8  }
0x32b: {  	v8 =	vperm.xlane v7, v4;
	_ =	sdelay $0x1  }
0x32c: {  	v7 =	vperm.xlane v7, v6;
	v8 =	vadd.s32 v5, v8;
	_ =	sdelay $0x1  }
0x32d: {  	v7 =	vadd.s32 v5, v7;
	_ =	sdelay $0x2  }
0x32e: {  	[hbm4b:s5+s8] =	stream.indirect_vreg.scatter [tilespmem:s24], [sflag:$0x5], $0x80, v8, vm0, $0xb8;
	[tilespmem:$0x1B200] =	vst v63  }
0x32f: {  	_ = 	snop  }
0x330: {  	[hbm4b:s5+s8] =	stream.indirect_vreg.scatter [tilespmem:s25], [sflag:$0x5], $0x80, v7, vm0, $0xb8;
	[tilespmem:$0x1B200] =	vst v63  }
0x331: {  	v7 =	vld [tilespmem:s31+$0x5B10];
	_ =	sdelay $0x4  }
0x332: {  	v8 =	vshll.u32 v7, $0x1  }
0x333: {  	v7 =	vand.u32 $0x7, v7;
	v8 =	vand.u32 $0xFFFFFFF0, v8  }
0x334: {  	v7 =	vor.u32 v7, v8  }
0x335: {  	v8 =	vperm.xlane v7, v4;
	_ =	sdelay $0x1  }
0x336: {  	v7 =	vperm.xlane v7, v6;
	v8 =	vadd.s32 v5, v8;
	_ =	sdelay $0x1  }
0x337: {  	v7 =	vadd.s32 v5, v7  }
0x338: {  	s6 =	sadd.s32 $0x4, s4  }
0x339: {  	p2 =	sge.u32 s6, s19  }
0x33a: {  	[hbm4b:s5+s8] =	stream.indirect_vreg.scatter [tilespmem:s26], [sflag:$0x5], $0x80, v8, vm0, $0xb8;
	[tilespmem:$0x1B200] =	vst v63  }
0x33b: {  	s6 =	sshll.u32 @!p2 s6, $0x5  }
0x33c: {  	[hbm4b:s5+s8] =	stream.indirect_vreg.scatter [tilespmem:s28], [sflag:$0x5], $0x80, v7, vm0, $0xb8;
	[tilespmem:$0x1B200] =	vst v63  }
0x33d: {  	v7 =	vld @!p2 [tilespmem:s6+$0x7680];
	_ =	sdelay $0x3  }
0x33e: {  	v8 =	vld @!p2 [tilespmem:s6+$0x5B00]  }
0x33f: {  	v9 =	vshll.u32 @!p2 v7, $0x1  }
0x340: {  	v10 =	vlaneseq.u32 @!p2;
	v7 =	vand.u32 @!p2 $0x7, v7;
	v9 =	vand.u32 @!p2 $0xFFFFFFF0, v9  }
0x341: {  	v11 =	vshrl.u32 @!p2 v10, $0x3;
	v7 =	vor.u32 @!p2 v7, v9;
	v9 =	vand.u32 @!p2 $0x7, v10  }
0x342: {  	v11 =	vmul.u32 @!p2 $0x8, v11;
	v12 =	vperm.xlane @!p2 v7, v9  }
0x343: {  	v13 =	vshll.u32 @!p2 v8, $0x1;
	v8 =	vand.u32 @!p2 $0x7, v8;
	v10 =	vor.u32 @!p2 $0x8, v10  }
0x344: {  	v13 =	vand.u32 @!p2 $0xFFFFFFF0, v13;
	v7 =	vperm.xlane @!p2 v7, v10;
	v12 =	vadd.s32 @!p2 v11, v12  }
0x345: {  	v8 =	vor.u32 @!p2 v8, v13  }
0x346: {  	v13 =	vperm.xlane @!p2 v8, v9;
	v7 =	vadd.s32 @!p2 v11, v7;
	_ =	sdelay $0x1  }
0x347: {  	vm1 =	vmmov @!p2 $0xffff;
	s9 =	simm.s32 @!p2 $0x0;
	s15 =	simm.s32 @!p2 $0xB200;
	v8 =	vperm.xlane @!p2 v8, v10;
	v13 =	vadd.s32 @!p2 v11, v13  }
0x348: {  	[tilespmem:s15], [sflag:$0x2] =	stream.indirect_vreg.gather @!p2 [hbm4b:s2+s9], $0x80, v12, vm1, $0xb8;
	[tilespmem:$0x1B200] =	vst v63  }
0x349: {  	v8 =	vadd.s32 @!p2 v11, v8;
	s15 =	simm.s32 @!p2 $0xBA00  }
0x34a: {  	[tilespmem:s15], [sflag:$0x2] =	stream.indirect_vreg.gather @!p2 [hbm4b:s2+s9], $0x80, v7, vm1, $0xb8;
	[tilespmem:$0x1B200] =	vst v63  }
0x34b: {  	s15 =	simm.s32 @!p2 $0x11200  }
0x34c: {  	[tilespmem:s15], [sflag:$0x2] =	stream.indirect_vreg.gather @!p2 [hbm4b:s1+s9], $0x80, v13, vm1, $0xb8;
	[tilespmem:$0x1B200] =	vst v63  }
0x34d: {  	s15 =	simm.s32 @!p2 $0x11A00  }
0x34e: {  	[tilespmem:s15], [sflag:$0x2] =	stream.indirect_vreg.gather @!p2 [hbm4b:s1+s9], $0x80, v8, vm1, $0xb8;
	[tilespmem:$0x1B200] =	vst v63  }
0x34f: {  	v7 =	vld @!p2 [tilespmem:s6+$0x7690];
	_ =	sdelay $0x3  }
0x350: {  	v8 =	vld @!p2 [tilespmem:s6+$0x5B10]  }
0x351: {  	v12 =	vshll.u32 @!p2 v7, $0x1  }
0x352: {  	v7 =	vand.u32 @!p2 $0x7, v7;
	v12 =	vand.u32 @!p2 $0xFFFFFFF0, v12  }
0x353: {  	v7 =	vor.u32 @!p2 v7, v12  }
0x354: {  	v12 =	vperm.xlane @!p2 v7, v9  }
0x355: {  	v13 =	vshll.u32 @!p2 v8, $0x1;
	v8 =	vand.u32 @!p2 $0x7, v8  }
0x356: {  	v13 =	vand.u32 @!p2 $0xFFFFFFF0, v13;
	v7 =	vperm.xlane @!p2 v7, v10;
	v12 =	vadd.s32 @!p2 v11, v12  }
0x357: {  	v8 =	vor.u32 @!p2 v8, v13  }
0x358: {  	v9 =	vperm.xlane @!p2 v8, v9;
	v7 =	vadd.s32 @!p2 v11, v7;
	_ =	sdelay $0x1  }
0x359: {  	s6 =	simm.s32 @!p2 $0xC200;
	v8 =	vperm.xlane @!p2 v8, v10;
	v9 =	vadd.s32 @!p2 v11, v9  }
0x35a: {  	[tilespmem:s6], [sflag:$0x2] =	stream.indirect_vreg.gather @!p2 [hbm4b:s2+s9], $0x80, v12, vm1, $0xb8;
	[tilespmem:$0x1B200] =	vst v63  }
0x35b: {  	v8 =	vadd.s32 @!p2 v11, v8;
	s6 =	simm.s32 @!p2 $0xCA00  }
0x35c: {  	[tilespmem:s6], [sflag:$0x2] =	stream.indirect_vreg.gather @!p2 [hbm4b:s2+s9], $0x80, v7, vm1, $0xb8;
	[tilespmem:$0x1B200] =	vst v63  }
0x35d: {  	s6 =	simm.s32 @!p2 $0x12200  }
0x35e: {  	[tilespmem:s6], [sflag:$0x2] =	stream.indirect_vreg.gather @!p2 [hbm4b:s1+s9], $0x80, v9, vm1, $0xb8;
	[tilespmem:$0x1B200] =	vst v63  }
0x35f: {  	s6 =	simm.s32 @!p2 $0x12A00  }
0x360: {  	[tilespmem:s6], [sflag:$0x2] =	stream.indirect_vreg.gather @!p2 [hbm4b:s1+s9], $0x80, v8, vm1, $0xb8;
	[tilespmem:$0x1B200] =	vst v63  }
.LBB2_21:
0x361: {  	s16 =	sadd.s32 $0x2, s4  }
0x362: {  	p2 =	sge.s32 s16, s19  }
.Ltmp16:
0x363: {  	_ = 	snop;
	(pc) =	sbr.rel @p2 .LBB2_25-.Ltmp16, $1  }
0x364: {  	_ =	sdelay $0x3  }
0x365: {  	_ =	swait.ge [sflag:s29], $0x1000  }
0x366: {  	[sflag:s29] =	ssyncset.done $0x0  }
0x367: {  	[sflag:s29] =	ssyncadd.s32 $0xFFFFF000  }
0x368: {  	_ =	swait.ge [sflag:s29], $0x1000  }
0x369: {  	[sflag:s29] =	ssyncset.done $0x0  }
0x36a: {  	[sflag:s29] =	ssyncadd.s32 $0xFFFFF000  }
0x36b: {  	_ =	swait.ge [sflag:s29], $0x1000  }
0x36c: {  	[sflag:s29] =	ssyncset.done $0x0  }
0x36d: {  	[sflag:s29] =	ssyncadd.s32 $0xFFFFF000  }
0x36e: {  	_ =	swait.ge [sflag:s29], $0x1000  }
0x36f: {  	p2 =	seq.s32 s21, $0x0;
	[sflag:s29] =	ssyncset.done $0x0  }
0x370: {  	s6 =	simm.s32 @!p2 $0x6;
	[sflag:s29] =	ssyncadd.s32 $0xFFFFF000  }
0x371: {  	_ =	swait.ge @!p2 [sflag:s6], $0x1000  }
0x372: {  	[sflag:s6] =	ssyncset.done @!p2 $0x0  }
0x373: {  	[sflag:s6] =	ssyncadd.s32 @!p2 $0xFFFFF000  }
0x374: {  	s9 =	simm.s32 $0x0;
	_ =	swait.ge @!p2 [sflag:s6], $0x1000  }
0x375: {  	s15 =	sand.u32 $0x1800, s9;
	s9 =	sand.u32 $0x380, s9;
	[sflag:s6] =	ssyncset.done @!p2 $0x0  }
0x376: {  	s17 =	sor.u32 s9, s15;
	[sflag:s6] =	ssyncadd.s32 @!p2 $0xFFFFF000  }
0x377: {  	v7 =	vld [tilespmem:s17+$0xD670]  }
0x378: {  	v8 =	vld [tilespmem:s17+$0x13670]  }
0x379: {  	v9 =	vld [tilespmem:s17+$0xD200]  }
0x37a: {  	v10 =	vld [tilespmem:s17+$0x13200]  }
0x37b: {  	v11 =	vld [tilespmem:s17+$0xD210]  }
0x37c: {  	v12 =	vld [tilespmem:s17+$0x13210]  }
0x37d: {  	v13 =	vld [tilespmem:s17+$0xD220]  }
0x37e: {  	v14 =	vld [tilespmem:s17+$0xD230];
	v7 =	vadd.f32 v8, v7  }
0x37f: {  	v15 =	vld [tilespmem:s17+$0xD240];
	v9 =	vadd.f32 v10, v9  }
0x380: {  	v8 =	vld [tilespmem:s17+$0x13220];
	v7 =	vmul.f32 $5.000000000e-01, v7  }
0x381: {  	v10 =	vld [tilespmem:s17+$0x13230];
	v9 =	vmul.f32 $5.000000000e-01, v9  }
0x382: {  	[tilespmem:s17+$0x19670] =	vst v7;
	v7 =	vadd.f32 v12, v11;
	v11 =	vld [tilespmem:s17+$0x13240]  }
0x383: {  	[tilespmem:s17+$0x19200] =	vst v9;
	v9 =	vld [tilespmem:s17+$0xD250]  }
0x384: {  	v12 =	vld [tilespmem:s17+$0x13250]  }
0x385: {  	v8 =	vadd.f32 v8, v13;
	v7 =	vmul.f32 $5.000000000e-01, v7  }
0x386: {  	v13 =	vld [tilespmem:s17+$0x13260]  }
0x387: {  	v10 =	vadd.f32 v10, v14;
	[tilespmem:s17+$0x19210] =	vst v7;
	v7 =	vmul.f32 $5.000000000e-01, v8;
	v8 =	vld [tilespmem:s17+$0xD260]  }
0x388: {  	v14 =	vld [tilespmem:s17+$0x13270]  }
0x389: {  	v11 =	vadd.f32 v11, v15;
	v9 =	vadd.f32 v12, v9;
	v12 =	vld [tilespmem:s17+$0x13600];
	[tilespmem:s17+$0x19220] =	vst v7;
	v7 =	vmul.f32 $5.000000000e-01, v10  }
0x38a: {  	v10 =	vld [tilespmem:s17+$0xD270]  }
0x38b: {  	[tilespmem:s17+$0x19230] =	vst v7;
	v7 =	vmul.f32 $5.000000000e-01, v11;
	v11 =	vld [tilespmem:s17+$0xD600]  }
0x38c: {  	v8 =	vadd.f32 v13, v8;
	v13 =	vld [tilespmem:s17+$0x13610]  }
0x38d: {  	[tilespmem:s17+$0x19240] =	vst v7;
	v7 =	vmul.f32 $5.000000000e-01, v9;
	v9 =	vld [tilespmem:s17+$0xD610]  }
0x38e: {  	v15 =	vld [tilespmem:s17+$0xD620]  }
0x38f: {  	[tilespmem:s17+$0x19250] =	vst v7;
	v7 =	vmul.f32 $5.000000000e-01, v8;
	v8 =	vadd.f32 v14, v10;
	v14 =	vld [tilespmem:s17+$0x13620]  }
0x390: {  	v16 =	vld [tilespmem:s17+$0xD630]  }
0x391: {  	[tilespmem:s17+$0x19260] =	vst v7;
	v7 =	vmul.f32 $5.000000000e-01, v8;
	v8 =	vadd.f32 v12, v11;
	v12 =	vld [tilespmem:s17+$0x13630]  }
0x392: {  	v10 =	vld [tilespmem:s17+$0x13640];
	v9 =	vadd.f32 v13, v9  }
0x393: {  	[tilespmem:s17+$0x19270] =	vst v7;
	v8 =	vmul.f32 $5.000000000e-01, v8;
	v7 =	vld [tilespmem:s17+$0xD640]  }
0x394: {  	v11 =	vmul.f32 $5.000000000e-01, v9;
	v9 =	vld [tilespmem:s17+$0x13650];
	v13 =	vadd.f32 v14, v15  }
0x395: {  	s9 =	simm.s32 $0x100;
	s15 =	simm.s32 $0x80;
	[tilespmem:s17+$0x19600] =	vst v8;
	v8 =	vld [tilespmem:s17+$0xD650]  }
0x396: {  	s31 =	sand.u32 $0x380, s15;
	s6 =	sand.u32 $0x1800, s9;
	[tilespmem:s17+$0x19610] =	vst v11;
	v11 =	vld [tilespmem:s17+$0xD660];
	v13 =	vmul.f32 $5.000000000e-01, v13;
	v14 =	vadd.f32 v12, v16  }
0x397: {  	s9 =	simm.s32 $0x200;
	s6 =	sor.u32 s31, s6;
	v12 =	vld [tilespmem:s17+$0x13660]  }
.LBB2_23:
0x398: {  	p2 =	sne.s32 s9, $0x1F00;
	v15 =	vld [tilespmem:s6+$0xD670];
	[tilespmem:s17+$0x19620] =	vst v13;
	v13 =	vmul.f32 $5.000000000e-01, v14;
	v7 =	vadd.f32 v10, v7  }
0x399: {  	v10 =	vld [tilespmem:s6+$0x13670]  }
0x39a: {  	v14 =	vld [tilespmem:s6+$0xD200];
	[tilespmem:s17+$0x19630] =	vst v13;
	v7 =	vmul.f32 $5.000000000e-01, v7;
	v8 =	vadd.f32 v9, v8  }
0x39b: {  	v9 =	vld [tilespmem:s6+$0x13200]  }
0x39c: {  	v13 =	vld [tilespmem:s6+$0xD210];
	[tilespmem:s17+$0x19640] =	vst v7;
	v7 =	vmul.f32 $5.000000000e-01, v8;
	v8 =	vadd.f32 v12, v11  }
0x39d: {  	v11 =	vld [tilespmem:s6+$0x13210]  }
0x39e: {  	v12 =	vld [tilespmem:s6+$0xD220];
	v10 =	vadd.f32 v10, v15;
	[tilespmem:s17+$0x19650] =	vst v7;
	v7 =	vmul.f32 $5.000000000e-01, v8  }
0x39f: {  	v8 =	vld [tilespmem:s6+$0x13220]  }
0x3a0: {  	v9 =	vadd.f32 v9, v14;
	v14 =	vld [tilespmem:s6+$0xD230];
	v10 =	vmul.f32 $5.000000000e-01, v10;
	[tilespmem:s17+$0x19660] =	vst v7;
	s17 =	smov.u32 s6  }
0x3a1: {  	v7 =	vld [tilespmem:s17+$0x13230]  }
0x3a2: {  	v9 =	vmul.f32 $5.000000000e-01, v9;
	v11 =	vadd.f32 v11, v13;
	v13 =	vld [tilespmem:s17+$0xD240];
	[tilespmem:s17+$0x19670] =	vst v10  }
0x3a3: {  	v10 =	vld [tilespmem:s17+$0x13240]  }
0x3a4: {  	[tilespmem:s17+$0x19200] =	vst v9;
	v9 =	vmul.f32 $5.000000000e-01, v11;
	v8 =	vadd.f32 v8, v12;
	v11 =	vld [tilespmem:s17+$0xD250]  }
0x3a5: {  	v12 =	vld [tilespmem:s17+$0x13250]  }
0x3a6: {  	[tilespmem:s17+$0x19210] =	vst v9;
	v8 =	vmul.f32 $5.000000000e-01, v8;
	v7 =	vadd.f32 v7, v14;
	v9 =	vld [tilespmem:s17+$0xD260]  }
0x3a7: {  	v14 =	vld [tilespmem:s17+$0x13260]  }
0x3a8: {  	[tilespmem:s17+$0x19220] =	vst v8;
	v7 =	vmul.f32 $5.000000000e-01, v7;
	v8 =	vadd.f32 v10, v13;
	v10 =	vld [tilespmem:s17+$0xD270]  }
0x3a9: {  	v13 =	vld [tilespmem:s17+$0x13270]  }
0x3aa: {  	[tilespmem:s17+$0x19230] =	vst v7;
	v7 =	vmul.f32 $5.000000000e-01, v8;
	v8 =	vadd.f32 v12, v11;
	v11 =	vld [tilespmem:s17+$0xD600]  }
0x3ab: {  	v12 =	vld [tilespmem:s17+$0x13600]  }
0x3ac: {  	[tilespmem:s17+$0x19240] =	vst v7;
	v7 =	vmul.f32 $5.000000000e-01, v8;
	v8 =	vadd.f32 v14, v9;
	v9 =	vld [tilespmem:s17+$0xD610]  }
0x3ad: {  	v14 =	vld [tilespmem:s17+$0x13610]  }
0x3ae: {  	[tilespmem:s17+$0x19250] =	vst v7;
	v7 =	vmul.f32 $5.000000000e-01, v8;
	v8 =	vadd.f32 v13, v10;
	v13 =	vld [tilespmem:s17+$0xD620]  }
0x3af: {  	v15 =	vld [tilespmem:s17+$0x13620]  }
0x3b0: {  	[tilespmem:s17+$0x19260] =	vst v7;
	v7 =	vmul.f32 $5.000000000e-01, v8;
	v8 =	vadd.f32 v12, v11;
	v11 =	vld [tilespmem:s17+$0xD630]  }
0x3b1: {  	v12 =	vld [tilespmem:s17+$0x13630]  }
0x3b2: {  	[tilespmem:s17+$0x19270] =	vst v7;
	v8 =	vmul.f32 $5.000000000e-01, v8;
	v9 =	vadd.f32 v14, v9;
	v7 =	vld [tilespmem:s17+$0xD640]  }
.Ltmp17:
0x3b3: {  	v10 =	vld [tilespmem:s17+$0x13640];
	(pc) =	sbr.rel @p2 .LBB2_23-.Ltmp17, $4  }
0x3b4: {  	[tilespmem:s17+$0x19600] =	vst v8;
	v14 =	vmul.f32 $5.000000000e-01, v9;
	v13 =	vadd.f32 v15, v13;
	v8 =	vld [tilespmem:s17+$0xD650]  }
0x3b5: {  	s15 =	sadd.s32 $0x80, s15;
	v9 =	vld [tilespmem:s17+$0x13650]  }
0x3b6: {  	s31 =	sand.u32 $0x380, s15;
	s6 =	sand.u32 $0x1800, s9;
	[tilespmem:s17+$0x19610] =	vst v14;
	v13 =	vmul.f32 $5.000000000e-01, v13;
	v14 =	vadd.f32 v12, v11;
	v11 =	vld [tilespmem:s17+$0xD660]  }
0x3b7: {  	s9 =	sadd.s32 $0x100, s9;
	s6 =	sor.u32 s31, s6;
	v12 =	vld [tilespmem:s17+$0x13660]  }
0x3b8: {  	v15 =	vld [tilespmem:s6+$0xD670];
	[tilespmem:s17+$0x19620] =	vst v13;
	v36 =	vmul.f32 $5.000000000e-01, v14;
	v7 =	vadd.f32 v10, v7  }
0x3b9: {  	v37 =	vld [tilespmem:s6+$0x13670]  }
0x3ba: {  	v38 =	vld [tilespmem:s6+$0xD200];
	[tilespmem:s17+$0x19630] =	vst v36;
	v7 =	vmul.f32 $5.000000000e-01, v7;
	v8 =	vadd.f32 v9, v8  }
0x3bb: {  	v13 =	vld [tilespmem:s6+$0x13200]  }
0x3bc: {  	v39 =	vld [tilespmem:s6+$0xD210];
	[tilespmem:s17+$0x19640] =	vst v7;
	v7 =	vmul.f32 $5.000000000e-01, v8;
	v11 =	vadd.f32 v12, v11  }
0x3bd: {  	v8 =	vld [tilespmem:s6+$0x13210]  }
0x3be: {  	v40 =	vld [tilespmem:s6+$0xD220];
	[tilespmem:s17+$0x19650] =	vst v7;
	v7 =	vmul.f32 $5.000000000e-01, v11  }
0x3bf: {  	v41 =	vld [tilespmem:s6+$0x13220]  }
0x3c0: {  	v42 =	vld [tilespmem:s6+$0xD230];
	[tilespmem:s17+$0x19660] =	vst v7  }
0x3c1: {  	v7 =	vadd.f32 v13, v38;
	v44 =	vld [tilespmem:s6+$0x13230]  }
0x3c2: {  	v45 =	vld [tilespmem:s6+$0xD240]  }
0x3c3: {  	v46 =	vld [tilespmem:s6+$0x13240];
	v7 =	vmul.f32 $5.000000000e-01, v7;
	v8 =	vadd.f32 v8, v39  }
0x3c4: {  	v48 =	vld [tilespmem:s6+$0x13250]  }
0x3c5: {  	v49 =	vld [tilespmem:s6+$0xD260];
	[tilespmem:s6+$0x19200] =	vst v7;
	v7 =	vmul.f32 $5.000000000e-01, v8;
	v47 =	vadd.f32 v41, v40  }
0x3c6: {  	v8 =	vld [tilespmem:s6+$0xD250]  }
0x3c7: {  	v51 =	vld [tilespmem:s6+$0x13260];
	[tilespmem:s6+$0x19210] =	vst v7;
	v7 =	vmul.f32 $5.000000000e-01, v47;
	v50 =	vadd.f32 v44, v42  }
0x3c8: {  	v52 =	vld [tilespmem:s6+$0xD270]  }
0x3c9: {  	v53 =	vld [tilespmem:s6+$0x13270];
	v9 =	vadd.f32 v46, v45;
	[tilespmem:s6+$0x19220] =	vst v7;
	v7 =	vmul.f32 $5.000000000e-01, v50  }
0x3ca: {  	v54 =	vld [tilespmem:s6+$0xD600]  }
0x3cb: {  	v55 =	vld [tilespmem:s6+$0x13600];
	v8 =	vadd.f32 v48, v8;
	[tilespmem:s6+$0x19230] =	vst v7;
	v7 =	vmul.f32 $5.000000000e-01, v9  }
0x3cc: {  	v56 =	vld [tilespmem:s6+$0x13610]  }
0x3cd: {  	v57 =	vld [tilespmem:s6+$0xD620];
	v10 =	vadd.f32 v51, v49;
	[tilespmem:s6+$0x19240] =	vst v7;
	v7 =	vmul.f32 $5.000000000e-01, v8  }
0x3ce: {  	v8 =	vld [tilespmem:s6+$0xD610]  }
0x3cf: {  	v58 =	vld [tilespmem:s6+$0x13620];
	v12 =	vadd.f32 v53, v52;
	[tilespmem:s6+$0x19250] =	vst v7;
	v7 =	vmul.f32 $5.000000000e-01, v10  }
0x3d0: {  	v59 =	vld [tilespmem:s6+$0xD630]  }
0x3d1: {  	v60 =	vld [tilespmem:s6+$0x13630];
	v9 =	vadd.f32 v55, v54;
	[tilespmem:s6+$0x19260] =	vst v7;
	v7 =	vmul.f32 $5.000000000e-01, v12  }
0x3d2: {  	v61 =	vld [tilespmem:s6+$0xD640]  }
0x3d3: {  	v62 =	vld [tilespmem:s6+$0x13640];
	v8 =	vadd.f32 v56, v8;
	[tilespmem:s6+$0x19270] =	vst v7;
	v7 =	vmul.f32 $5.000000000e-01, v9  }
0x3d4: {  	v63 =	vld [tilespmem:s6+$0x13650]  }
0x3d5: {  	v16 =	vld [tilespmem:s6+$0x13660];
	[tilespmem:s6+$0x19600] =	vst v7;
	v7 =	vmul.f32 $5.000000000e-01, v8  }
0x3d6: {  	v8 =	vld [tilespmem:s6+$0xD650]  }
0x3d7: {  	v14 =	vadd.f32 v37, v15;
	[tilespmem:s6+$0x19610] =	vst v7;
	v7 =	vld [tilespmem:s6+$0xD660]  }
0x3d8: {  	v11 =	vadd.f32 v60, v59  }
0x3d9: {  	v43 =	vmul.f32 $5.000000000e-01, v14;
	v10 =	vadd.f32 v58, v57  }
0x3da: {  	v11 =	vmul.f32 $5.000000000e-01, v11;
	v9 =	vadd.f32 v62, v61  }
0x3db: {  	[tilespmem:s6+$0x19670] =	vst v43;
	v10 =	vmul.f32 $5.000000000e-01, v10;
	v8 =	vadd.f32 v63, v8  }
0x3dc: {  	[tilespmem:s6+$0x19630] =	vst v11;
	v9 =	vmul.f32 $5.000000000e-01, v9;
	v7 =	vadd.f32 v16, v7  }
0x3dd: {  	[tilespmem:s6+$0x19620] =	vst v10;
	v8 =	vmul.f32 $5.000000000e-01, v8  }
0x3de: {  	[tilespmem:s6+$0x19640] =	vst v9;
	v7 =	vmul.f32 $5.000000000e-01, v7  }
0x3df: {  	s9 =	sshll.u32 s16, $0x7;
	[tilespmem:s6+$0x19650] =	vst v8  }
0x3e0: {  	s31 =	sshra.s32 s9, $0x2;
	[tilespmem:s6+$0x19660] =	vst v7  }
0x3e1: {  	v7 =	vld [tilespmem:s31+$0x5B00];
	_ =	sdelay $0x4  }
0x3e2: {  	v8 =	vshll.u32 v7, $0x1  }
0x3e3: {  	v7 =	vand.u32 $0x7, v7;
	v8 =	vand.u32 $0xFFFFFFF0, v8  }
0x3e4: {  	v7 =	vor.u32 v7, v8  }
0x3e5: {  	v8 =	vperm.xlane v7, v4;
	_ =	sdelay $0x1  }
0x3e6: {  	v7 =	vperm.xlane v7, v6;
	v8 =	vadd.s32 v5, v8;
	_ =	sdelay $0x1  }
0x3e7: {  	v7 =	vadd.s32 v5, v7;
	_ =	sdelay $0x2  }
0x3e8: {  	[hbm4b:s5+s8] =	stream.indirect_vreg.scatter [tilespmem:s30], [sflag:$0x6], $0x80, v8, vm0, $0xb8;
	[tilespmem:$0x1B200] =	vst v63  }
0x3e9: {  	_ = 	snop  }
0x3ea: {  	[hbm4b:s5+s8] =	stream.indirect_vreg.scatter [tilespmem:s11], [sflag:$0x6], $0x80, v7, vm0, $0xb8;
	[tilespmem:$0x1B200] =	vst v63  }
0x3eb: {  	v7 =	vld [tilespmem:s31+$0x5B10];
	_ =	sdelay $0x4  }
0x3ec: {  	v8 =	vshll.u32 v7, $0x1  }
0x3ed: {  	v7 =	vand.u32 $0x7, v7;
	v8 =	vand.u32 $0xFFFFFFF0, v8  }
0x3ee: {  	v7 =	vor.u32 v7, v8  }
0x3ef: {  	v8 =	vperm.xlane v7, v4;
	_ =	sdelay $0x1  }
0x3f0: {  	v7 =	vperm.xlane v7, v6;
	v8 =	vadd.s32 v5, v8;
	_ =	sdelay $0x1  }
0x3f1: {  	v7 =	vadd.s32 v5, v7  }
0x3f2: {  	s4 =	sadd.s32 $0x5, s4  }
0x3f3: {  	p2 =	sge.u32 s4, s19  }
0x3f4: {  	[hbm4b:s5+s8] =	stream.indirect_vreg.scatter [tilespmem:s12], [sflag:$0x6], $0x80, v8, vm0, $0xb8;
	[tilespmem:$0x1B200] =	vst v63  }
0x3f5: {  	s4 =	sshll.u32 @!p2 s4, $0x5  }
0x3f6: {  	[hbm4b:s5+s8] =	stream.indirect_vreg.scatter [tilespmem:s14], [sflag:$0x6], $0x80, v7, vm0, $0xb8;
	[tilespmem:$0x1B200] =	vst v63  }
0x3f7: {  	v7 =	vld @!p2 [tilespmem:s4+$0x7680];
	_ =	sdelay $0x3  }
0x3f8: {  	v8 =	vld @!p2 [tilespmem:s4+$0x5B00]  }
0x3f9: {  	v9 =	vshll.u32 @!p2 v7, $0x1  }
0x3fa: {  	v10 =	vlaneseq.u32 @!p2;
	v7 =	vand.u32 @!p2 $0x7, v7;
	v9 =	vand.u32 @!p2 $0xFFFFFFF0, v9  }
0x3fb: {  	v11 =	vshrl.u32 @!p2 v10, $0x3;
	v7 =	vor.u32 @!p2 v7, v9;
	v9 =	vand.u32 @!p2 $0x7, v10  }
0x3fc: {  	v11 =	vmul.u32 @!p2 $0x8, v11;
	v12 =	vperm.xlane @!p2 v7, v9  }
0x3fd: {  	v13 =	vshll.u32 @!p2 v8, $0x1;
	v8 =	vand.u32 @!p2 $0x7, v8;
	v10 =	vor.u32 @!p2 $0x8, v10  }
0x3fe: {  	v13 =	vand.u32 @!p2 $0xFFFFFFF0, v13;
	v7 =	vperm.xlane @!p2 v7, v10;
	v12 =	vadd.s32 @!p2 v11, v12  }
0x3ff: {  	v8 =	vor.u32 @!p2 v8, v13  }
0x400: {  	v13 =	vperm.xlane @!p2 v8, v9;
	v7 =	vadd.s32 @!p2 v11, v7;
	_ =	sdelay $0x1  }
0x401: {  	vm1 =	vmmov @!p2 $0xffff;
	s9 =	simm.s32 @!p2 $0xD200;
	s6 =	simm.s32 @!p2 $0x0;
	v8 =	vperm.xlane @!p2 v8, v10;
	v13 =	vadd.s32 @!p2 v11, v13  }
0x402: {  	[tilespmem:s9], [sflag:$0x3] =	stream.indirect_vreg.gather @!p2 [hbm4b:s2+s6], $0x80, v12, vm1, $0xb8;
	[tilespmem:$0x1B200] =	vst v63  }
0x403: {  	v8 =	vadd.s32 @!p2 v11, v8;
	s9 =	simm.s32 @!p2 $0xDA00  }
0x404: {  	[tilespmem:s9], [sflag:$0x3] =	stream.indirect_vreg.gather @!p2 [hbm4b:s2+s6], $0x80, v7, vm1, $0xb8;
	[tilespmem:$0x1B200] =	vst v63  }
0x405: {  	s9 =	simm.s32 @!p2 $0x13200  }
0x406: {  	[tilespmem:s9], [sflag:$0x3] =	stream.indirect_vreg.gather @!p2 [hbm4b:s1+s6], $0x80, v13, vm1, $0xb8;
	[tilespmem:$0x1B200] =	vst v63  }
0x407: {  	s9 =	simm.s32 @!p2 $0x13A00  }
0x408: {  	[tilespmem:s9], [sflag:$0x3] =	stream.indirect_vreg.gather @!p2 [hbm4b:s1+s6], $0x80, v8, vm1, $0xb8;
	[tilespmem:$0x1B200] =	vst v63  }
0x409: {  	v7 =	vld @!p2 [tilespmem:s4+$0x7690];
	_ =	sdelay $0x4  }
0x40a: {  	v8 =	vld @!p2 [tilespmem:s4+$0x5B10];
	v12 =	vshll.u32 @!p2 v7, $0x1  }
0x40b: {  	v7 =	vand.u32 @!p2 $0x7, v7;
	v12 =	vand.u32 @!p2 $0xFFFFFFF0, v12  }
0x40c: {  	v7 =	vor.u32 @!p2 v7, v12  }
0x40d: {  	v12 =	vperm.xlane @!p2 v7, v9;
	_ =	sdelay $0x1  }
0x40e: {  	v13 =	vshll.u32 @!p2 v8, $0x1;
	v7 =	vperm.xlane @!p2 v7, v10;
	v12 =	vadd.s32 @!p2 v11, v12  }
0x40f: {  	v8 =	vand.u32 @!p2 $0x7, v8;
	v13 =	vand.u32 @!p2 $0xFFFFFFF0, v13  }
0x410: {  	v8 =	vor.u32 @!p2 v8, v13;
	v7 =	vadd.s32 @!p2 v11, v7  }
0x411: {  	v9 =	vperm.xlane @!p2 v8, v9  }
0x412: {  	s4 =	simm.s32 @!p2 $0xE200  }
0x413: {  	v8 =	vperm.xlane @!p2 v8, v10;
	v9 =	vadd.s32 @!p2 v11, v9;
	[tilespmem:s4], [sflag:$0x3] =	stream.indirect_vreg.gather @!p2 [hbm4b:s2+s6], $0x80, v12, vm1, $0xb8;
	[tilespmem:$0x1B200] =	vst v63  }
0x414: {  	s4 =	simm.s32 @!p2 $0xEA00  }
0x415: {  	v8 =	vadd.s32 @!p2 v11, v8;
	[tilespmem:s4], [sflag:$0x3] =	stream.indirect_vreg.gather @!p2 [hbm4b:s2+s6], $0x80, v7, vm1, $0xb8;
	[tilespmem:$0x1B200] =	vst v63  }
.Ltmp18:
0x416: {  	_ = 	snop;
	(pc) =	sbr.rel .LBB2_25-.Ltmp18, $4  }
0x417: {  	s4 =	simm.s32 @!p2 $0x14200  }
0x418: {  	[tilespmem:s4], [sflag:$0x3] =	stream.indirect_vreg.gather @!p2 [hbm4b:s1+s6], $0x80, v9, vm1, $0xb8;
	[tilespmem:$0x1B200] =	vst v63  }
0x419: {  	s4 =	simm.s32 @!p2 $0x14A00  }
0x41a: {  	[tilespmem:s4], [sflag:$0x3] =	stream.indirect_vreg.gather @!p2 [hbm4b:s1+s6], $0x80, v8, vm1, $0xb8;
	[tilespmem:$0x1B200] =	vst v63  }
.LBB2_26:
0x41b: {  	s4 =	simm.s32 $0x4  }
0x41c: {  	_ =	swait.ge [sflag:s4], $0x1000  }
.Ltmp19:
0x41d: {  	[sflag:s4] =	ssyncset.done $0x0;
	(pc) =	sbr.rel @p0 .LBB2_28-.Ltmp19, $4  }
0x41e: {  	[sflag:s4] =	ssyncadd.s32 $0xFFFFF000  }
0x41f: {  	_ =	swait.ge [sflag:s4], $0x1000  }
0x420: {  	[sflag:s4] =	ssyncset.done $0x0  }
0x421: {  	[sflag:s4] =	ssyncadd.s32 $0xFFFFF000  }
0x422: {  	s4 =	simm.s32 $0x5  }
0x423: {  	_ =	swait.ge [sflag:s4], $0x1000  }
0x424: {  	[sflag:s4] =	ssyncset.done $0x0  }
.Ltmp20:
0x425: {  	[sflag:s4] =	ssyncadd.s32 $0xFFFFF000;
	(pc) =	sbr.rel @p1 .LBB2_29-.Ltmp20, $4  }
.Ltmp21:
0x426: {  	_ =	swait.ge [sflag:s4], $0x1000;
	(pc) =	sbr.rel @!p1 .LBB2_30-.Ltmp21, $4  }
0x427: {  	[sflag:s4] =	ssyncset.done $0x0  }
0x428: {  	s21 =	rddreg [dreg:$0x5];
	[sflag:s4] =	ssyncadd.s32 $0xFFFFF000  }
0x429: {  	s20 =	rddreg [dreg:$0x2]  }
0x42a: {  	_ = 	snop  }
.LBB2_28:
.Ltmp22:
0x42b: {  	(pc) =	sbr.rel @!p1 .LBB2_30-.Ltmp22, $4  }
.Ltmp23:
0x42c: {  	(pc) =	sbr.rel @p1 .LBB2_29-.Ltmp23, $4  }
0x42d: {  	_ = 	snop  }
0x42e: {  	s20 =	rddreg [dreg:$0x2]  }
0x42f: {  	s21 =	rddreg [dreg:$0x5]  }
0x430: {  	_ = 	snop  }
.LBB2_31:
0x431: {  	_ =	sfence.sel $0x180000  }
0x432: {  	[bflag:$0x0] =	sbarrier.arrive $0xFFFF  }
0x433: {  	_ =	strace $0x90000047  }
0x434: {  	s0 =	stileid.u32;
	[bflag:$0x2] =	sbarrier.arrive $0xFFFF  }
0x435: {  	p0 =	sne.s32 s0, $0x0;
	s0 =	rddreg [dreg:$0x4]  }
0x436: {  	s0 =	sadd.s32 @!p0 $0x100000, s0  }
0x437: {  	[sflag:s0] =	ssyncadd.tile.s32 @!p0 $0x1;
	_ =	shalt  }
.Lfunc_end2:
_tile_overlayer_lowered:
.L_overlay_start_2:
0x438: {  	(tag) =	ssettag $0x2  }
0x439: {  	s0 =	rddreg [dreg:$0x0];
	s2 =	stileid.u32  }
0x43a: {  	s1 =	rddreg [dreg:$0x1];
	p0 =	sne.s32 s2, $0x0  }
0x43b: {  	s3 =	rddreg [dreg:$0x2];
	[bflag:$0x3] =	sbarrier.arrive $0xFFFF;
	s2 =	simm.s32 @!p0 $0x1C07  }
0x43c: {  	[timem:s3], [sflag:s2] =	dma.local @!p0 [hbm:s0], s1  }
0x43d: {  	s0 =	simm.s32 @!p0 $0x7  }
0x43e: {  	_ =	swait.ge @!p0 [sflag:s0], s1  }
0x43f: {  	s1 =	ssub.s32 @!p0 $0x0, s1;
	[sflag:s0] =	ssyncset.done @!p0 $0x0  }
0x440: {  	[sflag:s0] =	ssyncadd.s32 @!p0 s1  }
0x441: {  	[bflag:$0x3] =	sbarrier.arrive $0xFFFF  }
0x442: {  	_ =	shalt  }

</sc_bundles>
